<compile_context>
chip_gen: v7x
topology: tpu7x:2x2x1
jax: 0.10.2.dev20260603
libtpu: 0.0.44.dev20260713+nightly
codegen_flags: <defaults>
</compile_context>

<pallas_src>
import functools

import jax
import jax.numpy as jnp
from jax import lax
from jax.experimental import pallas as pl
from jax.experimental.pallas import tpu as pltpu
from jax.experimental.pallas import tpu_sc as plsc

N = 10000
E = 320000
D = 128

NC = 2
NS = 16
NW = NC * NS
CH = 128
EPAD = 327680
NRTOT = EPAD // CH // NS
NR0 = 144
NR1 = NRTOT - NR0
HSMAX = 16
NSP = 10240
RPT = NSP // NS



def _pre_body(h_ref, w_ref, b_ref, o_ref):
    o_ref[...] = jnp.dot(h_ref[...], w_ref[...],
                         preferred_element_type=jnp.float32,
                         precision=lax.Precision.DEFAULT) + b_ref[...]


def _tc_pre(h, w_t, b):
    blk = 1000
    return pl.pallas_call(
        _pre_body,
        grid=(N // blk,),
        in_specs=[pl.BlockSpec((blk, D), lambda i: (i, 0)),
                  pl.BlockSpec((D, D), lambda i: (0, 0)),
                  pl.BlockSpec((1, D), lambda i: (0, 0))],
        out_specs=pl.BlockSpec((blk, D), lambda i: (i, 0)),
        out_shape=jax.ShapeDtypeStruct((N, D), jnp.float32),
    )(h, w_t, b)


def _mlp_body(hp_ref, p0_ref, p1_ref, w1_ref, b1_ref, w2_ref, b2_ref,
              g_ref, be_ref, o_ref):
    agg = p0_ref[...] + p1_ref[...]
    x = jnp.dot(agg, w1_ref[...], preferred_element_type=jnp.float32,
                precision=lax.Precision.DEFAULT) + b1_ref[...]
    x = jnp.maximum(x, 0.0)
    x = jnp.dot(x, w2_ref[...], preferred_element_type=jnp.float32,
                precision=lax.Precision.DEFAULT) + b2_ref[...]
    x = jnp.maximum(x, 0.0)
    hh = hp_ref[...] + x
    mean = jnp.mean(hh, axis=-1, keepdims=True)
    ctr = hh - mean
    var = jnp.mean(ctr * ctr, axis=-1, keepdims=True)
    o_ref[...] = ctr * lax.rsqrt(var + 1e-5) * g_ref[...] + be_ref[...]


def _tc_mlp(hpre, p0, p1, w1_t, b1, w2_t, b2, gamma, beta):
    blk = 1000
    row_spec = pl.BlockSpec((blk, D), lambda i: (i, 0))
    full_spec = pl.BlockSpec((D, D), lambda i: (0, 0))
    vec_spec = pl.BlockSpec((1, D), lambda i: (0, 0))
    return pl.pallas_call(
        _mlp_body,
        grid=(N // blk,),
        in_specs=[row_spec, row_spec, row_spec,
                  full_spec, vec_spec, full_spec, vec_spec,
                  vec_spec, vec_spec],
        out_specs=row_spec,
        out_shape=jax.ShapeDtypeStruct((N, D), jnp.float32),
    )(hpre, p0, p1, w1_t, b1, w2_t, b2, gamma, beta)



def _sc_body(h_hbm, src_hbm, dst_hbm, out_hbm,
             sidx, didx, rows, acc, gsem, ssem):
    cid = lax.axis_index("c")
    sid = lax.axis_index("s")
    zero = jnp.zeros((16,), jnp.float32)

    @pl.loop(0, CH)
    def _(r):
        for l in range(D // 16):
            rows[0, r, pl.ds(l * 16, 16)] = zero

    for t in range(RPT // CH):
        pltpu.sync_copy(rows.at[0], acc.at[pl.ds(sid * RPT + t * CH, CH)])

    plsc.subcore_barrier()

    def edge_loop(row0, nrow):
        hs = HSMAX
        for hf in range(nrow // HSMAX):
            base = row0 + hf * hs
            pltpu.sync_copy(src_hbm.at[pl.ds(base, hs)], sidx)
            pltpu.sync_copy(dst_hbm.at[pl.ds(base, hs)], didx)

            @pl.loop(0, hs // 2)
            def _(t):
                s0 = 2 * t
                pltpu.async_copy(h_hbm.at[sidx.at[s0]], rows.at[0], gsem)
                pltpu.async_copy(h_hbm.at[sidx.at[s0 + 1]], rows.at[1],
                                 gsem)
                pltpu.make_async_copy(h_hbm.at[sidx.at[s0]], rows.at[0],
                                      gsem).wait()
                pltpu.async_copy(rows.at[0], acc.at[didx.at[s0]], ssem,
                                 add=True)
                pltpu.make_async_copy(h_hbm.at[sidx.at[s0 + 1]],
                                      rows.at[1], gsem).wait()
                pltpu.async_copy(rows.at[1], acc.at[didx.at[s0 + 1]],
                                 ssem, add=True)
                pltpu.make_async_copy(rows.at[0], acc.at[didx.at[s0]],
                                      ssem).wait()
                pltpu.make_async_copy(rows.at[1], acc.at[didx.at[s0 + 1]],
                                      ssem).wait()


    @pl.when(cid == 0)
    def _():
        edge_loop(sid * NR0, NR0)

    if NR1 > 0:
        @pl.when(cid == 1)
        def _():
            edge_loop(NS * NR0 + sid * NR1, NR1)

    plsc.subcore_barrier()

    for t in range(RPT // CH):
        r0 = sid * RPT + t * CH
        pltpu.sync_copy(acc.at[pl.ds(r0, CH)], rows.at[0])
        pltpu.sync_copy(rows.at[0], out_hbm.at[cid, pl.ds(r0, CH)])


def _sc_segsum(hpre, src2d, dst2d):
    mesh = plsc.VectorSubcoreMesh(core_axis_name="c", subcore_axis_name="s")
    kern = functools.partial(
        pl.kernel,
        out_type=jax.ShapeDtypeStruct((NC, NSP, D), jnp.float32),
        mesh=mesh,
        scratch_types=[
            pltpu.VMEM((HSMAX, CH), jnp.int32),
            pltpu.VMEM((HSMAX, CH), jnp.int32),
            pltpu.VMEM((2, CH, D), jnp.float32),
            pltpu.VMEM_SHARED((NSP, D), jnp.float32),
            pltpu.SemaphoreType.DMA,
            pltpu.SemaphoreType.DMA,
        ],
    )(_sc_body)
    return kern(hpre, src2d, dst2d)



def kernel(h, edge_index, W_pre, b_pre, W1, b1, W2, b2, gamma, beta):
    h = h.astype(jnp.float32)
    src = edge_index[0].astype(jnp.int32)
    dst = edge_index[1].astype(jnp.int32)
    pad = EPAD - E
    src_p = jnp.concatenate([src, jnp.zeros((pad,), jnp.int32)])
    dst_pad = N + jnp.arange(pad, dtype=jnp.int32) % (NSP - N)
    dst_p = jnp.concatenate([dst, dst_pad])
    src2d = src_p.reshape(EPAD // CH, CH)
    dst2d = dst_p.reshape(EPAD // CH, CH)

    hpre = _tc_pre(h, W_pre.T, b_pre.reshape(1, D))
    partials = _sc_segsum(hpre, src2d, dst2d)
    return _tc_mlp(hpre, partials[0, :N], partials[1, :N],
                   W1.T, b1.reshape(1, D), W2.T, b2.reshape(1, D),
                   gamma.reshape(1, D), beta.reshape(1, D))

# --- scband reference (transcript-rebuilt; emitter-appended) ---
"""Pipeline reference for scband-mol-mpnn-3547642987145 (READ-ONLY COPY).

The authoritative reference and input builder live on the scoring server;
editing this copy changes nothing except your own understanding.
"""

import jax, jax.numpy as jnp
import numpy as np

N_NODES = 10000
N_EDGES = 320000
D = 128

def setup_inputs(seed: int = 0) -> dict:
    key = jax.random.key(seed)
    ks = jax.random.split(key, 12)
    h = jax.random.normal(ks[0], (N_NODES, D), dtype=jnp.float32)
    edge_index = jax.random.randint(ks[1], (2, N_EDGES), 0, N_NODES, dtype=jnp.int64)
    s = 1.0 / np.sqrt(D)
    W_pre = jax.random.uniform(ks[2], (D, D), minval=-s, maxval=s, dtype=jnp.float32)
    b_pre = jax.random.uniform(ks[3], (D,), minval=-s, maxval=s, dtype=jnp.float32)
    W1 = jax.random.uniform(ks[4], (D, D), minval=-s, maxval=s, dtype=jnp.float32)
    b1 = jax.random.uniform(ks[5], (D,), minval=-s, maxval=s, dtype=jnp.float32)
    W2 = jax.random.uniform(ks[6], (D, D), minval=-s, maxval=s, dtype=jnp.float32)
    b2 = jax.random.uniform(ks[7], (D,), minval=-s, maxval=s, dtype=jnp.float32)
    gamma = jnp.ones((D,), dtype=jnp.float32)
    beta = jnp.zeros((D,), dtype=jnp.float32)
    return {"h": h, "edge_index": edge_index, "W_pre": W_pre, "b_pre": b_pre,
            "W1": W1, "b1": b1, "W2": W2, "b2": b2, "gamma": gamma, "beta": beta}

def reference(h, edge_index, W_pre, b_pre, W1, b1, W2, b2, gamma, beta):
    # pre linear
    h = h @ W_pre.T + b_pre
    # message passing: copy_u -> sum at destination (scatter-add)
    src = edge_index[0]
    dst = edge_index[1]
    msgs = jnp.take(h, src, axis=0)
    agg = jax.ops.segment_sum(msgs, dst, num_segments=N_NODES)
    # MLP with ReLU after each linear
    x = jax.nn.relu(agg @ W1.T + b1)
    x = jax.nn.relu(x @ W2.T + b2)
    # dropout is identity in eval mode; residual
    h = h + x
    # LayerNorm
    mean = jnp.mean(h, axis=-1, keepdims=True)
    var = jnp.var(h, axis=-1, keepdims=True)
    h_norm = (h - mean) / jnp.sqrt(var + 1e-5)
    return h_norm * gamma + beta

if __name__ == "__main__":
    import jax
    _d = setup_inputs()
    print(jax.jit(kernel)(*tuple(_d.values())))

</pallas_src>

<mosaic_0001>
#map = affine_map<(d0, d1) -> (0, 0)>
#map1 = affine_map<(d0, d1) -> (0, 0, 0)>
module attributes {stable_mosaic.version = 14 : i64} {
  func.func @_sc_body(%arg0: i32, %arg1: i32, %arg2: memref<10000x128xf32, #tpu.memory_space<hbm>>, %arg3: memref<2560x128xi32, #tpu.memory_space<hbm>>, %arg4: memref<2560x128xi32, #tpu.memory_space<hbm>>, %arg5: memref<2x10240x128xf32, #tpu.memory_space<hbm>>, %arg6: memref<16x128xi32, #tpu.memory_space<vmem>>, %arg7: memref<16x128xi32, #tpu.memory_space<vmem>>, %arg8: memref<2x128x128xf32, #tpu.memory_space<vmem>>, %arg9: memref<10240x128xf32, #tpu.memory_space<vmem_shared>>, %arg10: memref<!tpu.dma_semaphore, #tpu.memory_space<semaphore_mem>>, %arg11: memref<!tpu.dma_semaphore, #tpu.memory_space<semaphore_mem>>) attributes {dimension_semantics = [#tpu.dimension_semantics<core_parallel>, #tpu.dimension_semantics<subcore_parallel>], iteration_bounds = array<i64: 2, 16>, scalar_prefetch = 0 : i64, scratch_operands = 6 : i64, tpu.core_type = #tpu.core_type<sc_vector_subcore>, window_params = [{transform_indices = #map}, {transform_indices = #map}, {transform_indices = #map}, {transform_indices = #map1}]} {
    %broadcast_in_dim3A = arith.constant 0.000000e+00 : f32
    %broadcast_in_dim3A_0 = vector.broadcast %broadcast_in_dim3A : f32 to vector<16xf32>
    %scan3A = arith.constant 0 : i32
    %scan3A_1 = arith.constant 128 : i32
    %scan3A_2 = arith.addi %scan3A, %scan3A_1 : i32
    %scan3A_3 = arith.constant 1 : i32
    scf.for %scan3A_65 = %scan3A to %scan3A_2 step %scan3A_3  : i32 {
      %mul3A_66 = arith.constant 1 : i32
      %mul3A_67 = arith.muli %scan3A_65, %mul3A_66 : i32
      %add3A_68 = arith.constant 0 : i32
      %add3A_69 = arith.addi %add3A_68, %mul3A_67 : i32
      %swap3A = arith.constant 0 : i32
      %swap3A_70 = arith.index_cast %swap3A : i32 to index
      %swap3A_71 = arith.index_cast %add3A_69 : i32 to index
      %swap3A_72 = arith.constant 0 : index
      %swap3A_73 = tpu.vector_load %arg8[%swap3A_70, %swap3A_71, %swap3A_72] {strides = array<i32>} : memref<2x128x128xf32, #tpu.memory_space<vmem>>, vector<1x1x16xf32>,
      %swap3A_74 = vector.shape_cast %swap3A_73 : vector<1x1x16xf32> to vector<16xf32>
      %swap3A_75 = vector.shape_cast %broadcast_in_dim3A_0 : vector<16xf32> to vector<1x1x16xf32>
      tpu.vector_store %arg8[%swap3A_70, %swap3A_71, %swap3A_72], %swap3A_75 {strides = array<i32>} : memref<2x128x128xf32, #tpu.memory_space<vmem>>, vector<1x1x16xf32>,
      %swap3A_76 = arith.constant 0 : i32
      %swap3A_77 = arith.index_cast %swap3A_76 : i32 to index
      %swap3A_78 = arith.index_cast %add3A_69 : i32 to index
      %swap3A_79 = arith.constant 16 : index
      %swap3A_80 = tpu.vector_load %arg8[%swap3A_77, %swap3A_78, %swap3A_79] {strides = array<i32>} : memref<2x128x128xf32, #tpu.memory_space<vmem>>, vector<1x1x16xf32>,
      %swap3A_81 = vector.shape_cast %swap3A_80 : vector<1x1x16xf32> to vector<16xf32>
      %swap3A_82 = vector.shape_cast %broadcast_in_dim3A_0 : vector<16xf32> to vector<1x1x16xf32>
      tpu.vector_store %arg8[%swap3A_77, %swap3A_78, %swap3A_79], %swap3A_82 {strides = array<i32>} : memref<2x128x128xf32, #tpu.memory_space<vmem>>, vector<1x1x16xf32>,
      %swap3A_83 = arith.constant 0 : i32
      %swap3A_84 = arith.index_cast %swap3A_83 : i32 to index
      %swap3A_85 = arith.index_cast %add3A_69 : i32 to index
      %swap3A_86 = arith.constant 32 : index
      %swap3A_87 = tpu.vector_load %arg8[%swap3A_84, %swap3A_85, %swap3A_86] {strides = array<i32>} : memref<2x128x128xf32, #tpu.memory_space<vmem>>, vector<1x1x16xf32>,
      %swap3A_88 = vector.shape_cast %swap3A_87 : vector<1x1x16xf32> to vector<16xf32>
      %swap3A_89 = vector.shape_cast %broadcast_in_dim3A_0 : vector<16xf32> to vector<1x1x16xf32>
      tpu.vector_store %arg8[%swap3A_84, %swap3A_85, %swap3A_86], %swap3A_89 {strides = array<i32>} : memref<2x128x128xf32, #tpu.memory_space<vmem>>, vector<1x1x16xf32>,
      %swap3A_90 = arith.constant 0 : i32
      %swap3A_91 = arith.index_cast %swap3A_90 : i32 to index
      %swap3A_92 = arith.index_cast %add3A_69 : i32 to index
      %swap3A_93 = arith.constant 48 : index
      %swap3A_94 = tpu.vector_load %arg8[%swap3A_91, %swap3A_92, %swap3A_93] {strides = array<i32>} : memref<2x128x128xf32, #tpu.memory_space<vmem>>, vector<1x1x16xf32>,
      %swap3A_95 = vector.shape_cast %swap3A_94 : vector<1x1x16xf32> to vector<16xf32>
      %swap3A_96 = vector.shape_cast %broadcast_in_dim3A_0 : vector<16xf32> to vector<1x1x16xf32>
      tpu.vector_store %arg8[%swap3A_91, %swap3A_92, %swap3A_93], %swap3A_96 {strides = array<i32>} : memref<2x128x128xf32, #tpu.memory_space<vmem>>, vector<1x1x16xf32>,
      %swap3A_97 = arith.constant 0 : i32
      %swap3A_98 = arith.index_cast %swap3A_97 : i32 to index
      %swap3A_99 = arith.index_cast %add3A_69 : i32 to index
      %swap3A_100 = arith.constant 64 : index
      %swap3A_101 = tpu.vector_load %arg8[%swap3A_98, %swap3A_99, %swap3A_100] {strides = array<i32>} : memref<2x128x128xf32, #tpu.memory_space<vmem>>, vector<1x1x16xf32>,
      %swap3A_102 = vector.shape_cast %swap3A_101 : vector<1x1x16xf32> to vector<16xf32>
      %swap3A_103 = vector.shape_cast %broadcast_in_dim3A_0 : vector<16xf32> to vector<1x1x16xf32>
      tpu.vector_store %arg8[%swap3A_98, %swap3A_99, %swap3A_100], %swap3A_103 {strides = array<i32>} : memref<2x128x128xf32, #tpu.memory_space<vmem>>, vector<1x1x16xf32>,
      %swap3A_104 = arith.constant 0 : i32
      %swap3A_105 = arith.index_cast %swap3A_104 : i32 to index
      %swap3A_106 = arith.index_cast %add3A_69 : i32 to index
      %swap3A_107 = arith.constant 80 : index
      %swap3A_108 = tpu.vector_load %arg8[%swap3A_105, %swap3A_106, %swap3A_107] {strides = array<i32>} : memref<2x128x128xf32, #tpu.memory_space<vmem>>, vector<1x1x16xf32>,
      %swap3A_109 = vector.shape_cast %swap3A_108 : vector<1x1x16xf32> to vector<16xf32>
      %swap3A_110 = vector.shape_cast %broadcast_in_dim3A_0 : vector<16xf32> to vector<1x1x16xf32>
      tpu.vector_store %arg8[%swap3A_105, %swap3A_106, %swap3A_107], %swap3A_110 {strides = array<i32>} : memref<2x128x128xf32, #tpu.memory_space<vmem>>, vector<1x1x16xf32>,
      %swap3A_111 = arith.constant 0 : i32
      %swap3A_112 = arith.index_cast %swap3A_111 : i32 to index
      %swap3A_113 = arith.index_cast %add3A_69 : i32 to index
      %swap3A_114 = arith.constant 96 : index
      %swap3A_115 = tpu.vector_load %arg8[%swap3A_112, %swap3A_113, %swap3A_114] {strides = array<i32>} : memref<2x128x128xf32, #tpu.memory_space<vmem>>, vector<1x1x16xf32>,
      %swap3A_116 = vector.shape_cast %swap3A_115 : vector<1x1x16xf32> to vector<16xf32>
      %swap3A_117 = vector.shape_cast %broadcast_in_dim3A_0 : vector<16xf32> to vector<1x1x16xf32>
      tpu.vector_store %arg8[%swap3A_112, %swap3A_113, %swap3A_114], %swap3A_117 {strides = array<i32>} : memref<2x128x128xf32, #tpu.memory_space<vmem>>, vector<1x1x16xf32>,
      %swap3A_118 = arith.constant 0 : i32
      %swap3A_119 = arith.index_cast %swap3A_118 : i32 to index
      %swap3A_120 = arith.index_cast %add3A_69 : i32 to index
      %swap3A_121 = arith.constant 112 : index
      %swap3A_122 = tpu.vector_load %arg8[%swap3A_119, %swap3A_120, %swap3A_121] {strides = array<i32>} : memref<2x128x128xf32, #tpu.memory_space<vmem>>, vector<1x1x16xf32>,
      %swap3A_123 = vector.shape_cast %swap3A_122 : vector<1x1x16xf32> to vector<16xf32>
      %swap3A_124 = vector.shape_cast %broadcast_in_dim3A_0 : vector<16xf32> to vector<1x1x16xf32>
      tpu.vector_store %arg8[%swap3A_119, %swap3A_120, %swap3A_121], %swap3A_124 {strides = array<i32>} : memref<2x128x128xf32, #tpu.memory_space<vmem>>, vector<1x1x16xf32>,
    }
    %scan3A_4 = arith.constant 128 : i32
    %mul3A = arith.constant 640 : i32
    %mul3A_5 = arith.muli %arg1, %mul3A : i32
    %add3A = arith.constant 0 : i32
    %add3A_6 = arith.addi %mul3A_5, %add3A : i32
    %run_scoped3A = arith.constant 0 : i32
    "tpu.region"() ({
      %run_scoped3A_65 = tpu.sem_alloc : memref<!tpu.dma_semaphore, #tpu.memory_space<semaphore_mem>>
      %dma_start3A = arith.constant 0 : i32
      %dma_start3A_66 = arith.constant 0 : i32
      %dma_start3A_67 = tpu.memref_slice %arg8[%run_scoped3A, %dma_start3A, %dma_start3A_66] : memref<2x128x128xf32, #tpu.memory_space<vmem>> -> memref<1x128x128xf32, #tpu.memory_space<vmem>>
      %dma_start3A_68 = tpu.memref_squeeze %dma_start3A_67 : memref<1x128x128xf32, #tpu.memory_space<vmem>> -> memref<128x128xf32, #tpu.memory_space<vmem>>
      %dma_start3A_69 = arith.constant 0 : i32
      %dma_start3A_70 = tpu.memref_slice %arg9[%add3A_6, %dma_start3A_69] : memref<10240x128xf32, #tpu.memory_space<vmem_shared>> -> memref<128x128xf32, #tpu.memory_space<vmem_shared>>
      %dma_start3A_71 = arith.constant 0 : i32
      %dma_start3A_72 = tpu.memref_slice %arg9[%add3A_6, %dma_start3A_71] : memref<10240x128xf32, #tpu.memory_space<vmem_shared>> -> memref<128x128xf32, #tpu.memory_space<vmem_shared>>
      %dma_start3A_73 = arith.constant 0 : i32
      %dma_start3A_74 = arith.constant 0 : i32
      %dma_start3A_75 = tpu.memref_slice %arg8[%run_scoped3A, %dma_start3A_73, %dma_start3A_74] : memref<2x128x128xf32, #tpu.memory_space<vmem>> -> memref<1x128x128xf32, #tpu.memory_space<vmem>>
      %dma_start3A_76 = tpu.memref_squeeze %dma_start3A_75 : memref<1x128x128xf32, #tpu.memory_space<vmem>> -> memref<128x128xf32, #tpu.memory_space<vmem>>
      tpu.enqueue_dma source(%dma_start3A_76 : memref<128x128xf32, #tpu.memory_space<vmem>>) target(%dma_start3A_72 : memref<128x128xf32, #tpu.memory_space<vmem_shared>>) target_semaphore(%run_scoped3A_65 : memref<!tpu.dma_semaphore, #tpu.memory_space<semaphore_mem>>)
      %dma_wait3A = arith.constant 0 : i32
      %dma_wait3A_77 = arith.constant 0 : i32
      %dma_wait3A_78 = tpu.memref_slice %arg8[%run_scoped3A, %dma_wait3A, %dma_wait3A_77] : memref<2x128x128xf32, #tpu.memory_space<vmem>> -> memref<1x128x128xf32, #tpu.memory_space<vmem>>
      %dma_wait3A_79 = tpu.memref_squeeze %dma_wait3A_78 : memref<1x128x128xf32, #tpu.memory_space<vmem>> -> memref<128x128xf32, #tpu.memory_space<vmem>>
      %dma_wait3A_80 = arith.constant 0 : i32
      %dma_wait3A_81 = tpu.memref_slice %arg9[%add3A_6, %dma_wait3A_80] : memref<10240x128xf32, #tpu.memory_space<vmem_shared>> -> memref<128x128xf32, #tpu.memory_space<vmem_shared>>
      %dma_wait3A_82 = arith.constant 0 : i32
      %dma_wait3A_83 = tpu.memref_slice %arg9[%add3A_6, %dma_wait3A_82] : memref<10240x128xf32, #tpu.memory_space<vmem_shared>> -> memref<128x128xf32, #tpu.memory_space<vmem_shared>>
      %dma_wait3A_84 = arith.constant 0 : i32
      %dma_wait3A_85 = arith.constant 0 : i32
      %dma_wait3A_86 = tpu.memref_slice %arg8[%run_scoped3A, %dma_wait3A_84, %dma_wait3A_85] : memref<2x128x128xf32, #tpu.memory_space<vmem>> -> memref<1x128x128xf32, #tpu.memory_space<vmem>>
      %dma_wait3A_87 = tpu.memref_squeeze %dma_wait3A_86 : memref<1x128x128xf32, #tpu.memory_space<vmem>> -> memref<128x128xf32, #tpu.memory_space<vmem>>
      tpu.wait_dma2 semaphore(%run_scoped3A_65 : memref<!tpu.dma_semaphore, #tpu.memory_space<semaphore_mem>>) src(%dma_wait3A_87 : memref<128x128xf32, #tpu.memory_space<vmem>>) dst(%dma_wait3A_83 : memref<128x128xf32, #tpu.memory_space<vmem_shared>>)
      tpu.yield
    }) : () -> ()
    %mul3A_7 = arith.constant 640 : i32
    %mul3A_8 = arith.muli %arg1, %mul3A_7 : i32
    %add3A_9 = arith.constant 128 : i32
    %add3A_10 = arith.addi %mul3A_8, %add3A_9 : i32
    %run_scoped3A_11 = arith.constant 0 : i32
    "tpu.region"() ({
      %run_scoped3A_65 = tpu.sem_alloc : memref<!tpu.dma_semaphore, #tpu.memory_space<semaphore_mem>>
      %dma_start3A = arith.constant 0 : i32
      %dma_start3A_66 = arith.constant 0 : i32
      %dma_start3A_67 = tpu.memref_slice %arg8[%run_scoped3A_11, %dma_start3A, %dma_start3A_66] : memref<2x128x128xf32, #tpu.memory_space<vmem>> -> memref<1x128x128xf32, #tpu.memory_space<vmem>>
      %dma_start3A_68 = tpu.memref_squeeze %dma_start3A_67 : memref<1x128x128xf32, #tpu.memory_space<vmem>> -> memref<128x128xf32, #tpu.memory_space<vmem>>
      %dma_start3A_69 = arith.constant 0 : i32
      %dma_start3A_70 = tpu.memref_slice %arg9[%add3A_10, %dma_start3A_69] : memref<10240x128xf32, #tpu.memory_space<vmem_shared>> -> memref<128x128xf32, #tpu.memory_space<vmem_shared>>
      %dma_start3A_71 = arith.constant 0 : i32
      %dma_start3A_72 = tpu.memref_slice %arg9[%add3A_10, %dma_start3A_71] : memref<10240x128xf32, #tpu.memory_space<vmem_shared>> -> memref<128x128xf32, #tpu.memory_space<vmem_shared>>
      %dma_start3A_73 = arith.constant 0 : i32
      %dma_start3A_74 = arith.constant 0 : i32
      %dma_start3A_75 = tpu.memref_slice %arg8[%run_scoped3A_11, %dma_start3A_73, %dma_start3A_74] : memref<2x128x128xf32, #tpu.memory_space<vmem>> -> memref<1x128x128xf32, #tpu.memory_space<vmem>>
      %dma_start3A_76 = tpu.memref_squeeze %dma_start3A_75 : memref<1x128x128xf32, #tpu.memory_space<vmem>> -> memref<128x128xf32, #tpu.memory_space<vmem>>
      tpu.enqueue_dma source(%dma_start3A_76 : memref<128x128xf32, #tpu.memory_space<vmem>>) target(%dma_start3A_72 : memref<128x128xf32, #tpu.memory_space<vmem_shared>>) target_semaphore(%run_scoped3A_65 : memref<!tpu.dma_semaphore, #tpu.memory_space<semaphore_mem>>)
      %dma_wait3A = arith.constant 0 : i32
      %dma_wait3A_77 = arith.constant 0 : i32
      %dma_wait3A_78 = tpu.memref_slice %arg8[%run_scoped3A_11, %dma_wait3A, %dma_wait3A_77] : memref<2x128x128xf32, #tpu.memory_space<vmem>> -> memref<1x128x128xf32, #tpu.memory_space<vmem>>
      %dma_wait3A_79 = tpu.memref_squeeze %dma_wait3A_78 : memref<1x128x128xf32, #tpu.memory_space<vmem>> -> memref<128x128xf32, #tpu.memory_space<vmem>>
      %dma_wait3A_80 = arith.constant 0 : i32
      %dma_wait3A_81 = tpu.memref_slice %arg9[%add3A_10, %dma_wait3A_80] : memref<10240x128xf32, #tpu.memory_space<vmem_shared>> -> memref<128x128xf32, #tpu.memory_space<vmem_shared>>
      %dma_wait3A_82 = arith.constant 0 : i32
      %dma_wait3A_83 = tpu.memref_slice %arg9[%add3A_10, %dma_wait3A_82] : memref<10240x128xf32, #tpu.memory_space<vmem_shared>> -> memref<128x128xf32, #tpu.memory_space<vmem_shared>>
      %dma_wait3A_84 = arith.constant 0 : i32
      %dma_wait3A_85 = arith.constant 0 : i32
      %dma_wait3A_86 = tpu.memref_slice %arg8[%run_scoped3A_11, %dma_wait3A_84, %dma_wait3A_85] : memref<2x128x128xf32, #tpu.memory_space<vmem>> -> memref<1x128x128xf32, #tpu.memory_space<vmem>>
      %dma_wait3A_87 = tpu.memref_squeeze %dma_wait3A_86 : memref<1x128x128xf32, #tpu.memory_space<vmem>> -> memref<128x128xf32, #tpu.memory_space<vmem>>
      tpu.wait_dma2 semaphore(%run_scoped3A_65 : memref<!tpu.dma_semaphore, #tpu.memory_space<semaphore_mem>>) src(%dma_wait3A_87 : memref<128x128xf32, #tpu.memory_space<vmem>>) dst(%dma_wait3A_83 : memref<128x128xf32, #tpu.memory_space<vmem_shared>>)
      tpu.yield
    }) : () -> ()
    %mul3A_12 = arith.constant 640 : i32
    %mul3A_13 = arith.muli %arg1, %mul3A_12 : i32
    %add3A_14 = arith.constant 256 : i32
    %add3A_15 = arith.addi %mul3A_13, %add3A_14 : i32
    %run_scoped3A_16 = arith.constant 0 : i32
    "tpu.region"() ({
      %run_scoped3A_65 = tpu.sem_alloc : memref<!tpu.dma_semaphore, #tpu.memory_space<semaphore_mem>>
      %dma_start3A = arith.constant 0 : i32
      %dma_start3A_66 = arith.constant 0 : i32
      %dma_start3A_67 = tpu.memref_slice %arg8[%run_scoped3A_16, %dma_start3A, %dma_start3A_66] : memref<2x128x128xf32, #tpu.memory_space<vmem>> -> memref<1x128x128xf32, #tpu.memory_space<vmem>>
      %dma_start3A_68 = tpu.memref_squeeze %dma_start3A_67 : memref<1x128x128xf32, #tpu.memory_space<vmem>> -> memref<128x128xf32, #tpu.memory_space<vmem>>
      %dma_start3A_69 = arith.constant 0 : i32
      %dma_start3A_70 = tpu.memref_slice %arg9[%add3A_15, %dma_start3A_69] : memref<10240x128xf32, #tpu.memory_space<vmem_shared>> -> memref<128x128xf32, #tpu.memory_space<vmem_shared>>
      %dma_start3A_71 = arith.constant 0 : i32
      %dma_start3A_72 = tpu.memref_slice %arg9[%add3A_15, %dma_start3A_71] : memref<10240x128xf32, #tpu.memory_space<vmem_shared>> -> memref<128x128xf32, #tpu.memory_space<vmem_shared>>
      %dma_start3A_73 = arith.constant 0 : i32
      %dma_start3A_74 = arith.constant 0 : i32
      %dma_start3A_75 = tpu.memref_slice %arg8[%run_scoped3A_16, %dma_start3A_73, %dma_start3A_74] : memref<2x128x128xf32, #tpu.memory_space<vmem>> -> memref<1x128x128xf32, #tpu.memory_space<vmem>>
      %dma_start3A_76 = tpu.memref_squeeze %dma_start3A_75 : memref<1x128x128xf32, #tpu.memory_space<vmem>> -> memref<128x128xf32, #tpu.memory_space<vmem>>
      tpu.enqueue_dma source(%dma_start3A_76 : memref<128x128xf32, #tpu.memory_space<vmem>>) target(%dma_start3A_72 : memref<128x128xf32, #tpu.memory_space<vmem_shared>>) target_semaphore(%run_scoped3A_65 : memref<!tpu.dma_semaphore, #tpu.memory_space<semaphore_mem>>)
      %dma_wait3A = arith.constant 0 : i32
      %dma_wait3A_77 = arith.constant 0 : i32
      %dma_wait3A_78 = tpu.memref_slice %arg8[%run_scoped3A_16, %dma_wait3A, %dma_wait3A_77] : memref<2x128x128xf32, #tpu.memory_space<vmem>> -> memref<1x128x128xf32, #tpu.memory_space<vmem>>
      %dma_wait3A_79 = tpu.memref_squeeze %dma_wait3A_78 : memref<1x128x128xf32, #tpu.memory_space<vmem>> -> memref<128x128xf32, #tpu.memory_space<vmem>>
      %dma_wait3A_80 = arith.constant 0 : i32
      %dma_wait3A_81 = tpu.memref_slice %arg9[%add3A_15, %dma_wait3A_80] : memref<10240x128xf32, #tpu.memory_space<vmem_shared>> -> memref<128x128xf32, #tpu.memory_space<vmem_shared>>
      %dma_wait3A_82 = arith.constant 0 : i32
      %dma_wait3A_83 = tpu.memref_slice %arg9[%add3A_15, %dma_wait3A_82] : memref<10240x128xf32, #tpu.memory_space<vmem_shared>> -> memref<128x128xf32, #tpu.memory_space<vmem_shared>>
      %dma_wait3A_84 = arith.constant 0 : i32
      %dma_wait3A_85 = arith.constant 0 : i32
      %dma_wait3A_86 = tpu.memref_slice %arg8[%run_scoped3A_16, %dma_wait3A_84, %dma_wait3A_85] : memref<2x128x128xf32, #tpu.memory_space<vmem>> -> memref<1x128x128xf32, #tpu.memory_space<vmem>>
      %dma_wait3A_87 = tpu.memref_squeeze %dma_wait3A_86 : memref<1x128x128xf32, #tpu.memory_space<vmem>> -> memref<128x128xf32, #tpu.memory_space<vmem>>
      tpu.wait_dma2 semaphore(%run_scoped3A_65 : memref<!tpu.dma_semaphore, #tpu.memory_space<semaphore_mem>>) src(%dma_wait3A_87 : memref<128x128xf32, #tpu.memory_space<vmem>>) dst(%dma_wait3A_83 : memref<128x128xf32, #tpu.memory_space<vmem_shared>>)
      tpu.yield
    }) : () -> ()
    %mul3A_17 = arith.constant 640 : i32
    %mul3A_18 = arith.muli %arg1, %mul3A_17 : i32
    %add3A_19 = arith.constant 384 : i32
    %add3A_20 = arith.addi %mul3A_18, %add3A_19 : i32
    %run_scoped3A_21 = arith.constant 0 : i32
    "tpu.region"() ({
      %run_scoped3A_65 = tpu.sem_alloc : memref<!tpu.dma_semaphore, #tpu.memory_space<semaphore_mem>>
      %dma_start3A = arith.constant 0 : i32
      %dma_start3A_66 = arith.constant 0 : i32
      %dma_start3A_67 = tpu.memref_slice %arg8[%run_scoped3A_21, %dma_start3A, %dma_start3A_66] : memref<2x128x128xf32, #tpu.memory_space<vmem>> -> memref<1x128x128xf32, #tpu.memory_space<vmem>>
      %dma_start3A_68 = tpu.memref_squeeze %dma_start3A_67 : memref<1x128x128xf32, #tpu.memory_space<vmem>> -> memref<128x128xf32, #tpu.memory_space<vmem>>
      %dma_start3A_69 = arith.constant 0 : i32
      %dma_start3A_70 = tpu.memref_slice %arg9[%add3A_20, %dma_start3A_69] : memref<10240x128xf32, #tpu.memory_space<vmem_shared>> -> memref<128x128xf32, #tpu.memory_space<vmem_shared>>
      %dma_start3A_71 = arith.constant 0 : i32
      %dma_start3A_72 = tpu.memref_slice %arg9[%add3A_20, %dma_start3A_71] : memref<10240x128xf32, #tpu.memory_space<vmem_shared>> -> memref<128x128xf32, #tpu.memory_space<vmem_shared>>
      %dma_start3A_73 = arith.constant 0 : i32
      %dma_start3A_74 = arith.constant 0 : i32
      %dma_start3A_75 = tpu.memref_slice %arg8[%run_scoped3A_21, %dma_start3A_73, %dma_start3A_74] : memref<2x128x128xf32, #tpu.memory_space<vmem>> -> memref<1x128x128xf32, #tpu.memory_space<vmem>>
      %dma_start3A_76 = tpu.memref_squeeze %dma_start3A_75 : memref<1x128x128xf32, #tpu.memory_space<vmem>> -> memref<128x128xf32, #tpu.memory_space<vmem>>
      tpu.enqueue_dma source(%dma_start3A_76 : memref<128x128xf32, #tpu.memory_space<vmem>>) target(%dma_start3A_72 : memref<128x128xf32, #tpu.memory_space<vmem_shared>>) target_semaphore(%run_scoped3A_65 : memref<!tpu.dma_semaphore, #tpu.memory_space<semaphore_mem>>)
      %dma_wait3A = arith.constant 0 : i32
      %dma_wait3A_77 = arith.constant 0 : i32
      %dma_wait3A_78 = tpu.memref_slice %arg8[%run_scoped3A_21, %dma_wait3A, %dma_wait3A_77] : memref<2x128x128xf32, #tpu.memory_space<vmem>> -> memref<1x128x128xf32, #tpu.memory_space<vmem>>
      %dma_wait3A_79 = tpu.memref_squeeze %dma_wait3A_78 : memref<1x128x128xf32, #tpu.memory_space<vmem>> -> memref<128x128xf32, #tpu.memory_space<vmem>>
      %dma_wait3A_80 = arith.constant 0 : i32
      %dma_wait3A_81 = tpu.memref_slice %arg9[%add3A_20, %dma_wait3A_80] : memref<10240x128xf32, #tpu.memory_space<vmem_shared>> -> memref<128x128xf32, #tpu.memory_space<vmem_shared>>
      %dma_wait3A_82 = arith.constant 0 : i32
      %dma_wait3A_83 = tpu.memref_slice %arg9[%add3A_20, %dma_wait3A_82] : memref<10240x128xf32, #tpu.memory_space<vmem_shared>> -> memref<128x128xf32, #tpu.memory_space<vmem_shared>>
      %dma_wait3A_84 = arith.constant 0 : i32
      %dma_wait3A_85 = arith.constant 0 : i32
      %dma_wait3A_86 = tpu.memref_slice %arg8[%run_scoped3A_21, %dma_wait3A_84, %dma_wait3A_85] : memref<2x128x128xf32, #tpu.memory_space<vmem>> -> memref<1x128x128xf32, #tpu.memory_space<vmem>>
      %dma_wait3A_87 = tpu.memref_squeeze %dma_wait3A_86 : memref<1x128x128xf32, #tpu.memory_space<vmem>> -> memref<128x128xf32, #tpu.memory_space<vmem>>
      tpu.wait_dma2 semaphore(%run_scoped3A_65 : memref<!tpu.dma_semaphore, #tpu.memory_space<semaphore_mem>>) src(%dma_wait3A_87 : memref<128x128xf32, #tpu.memory_space<vmem>>) dst(%dma_wait3A_83 : memref<128x128xf32, #tpu.memory_space<vmem_shared>>)
      tpu.yield
    }) : () -> ()
    %mul3A_22 = arith.constant 640 : i32
    %mul3A_23 = arith.muli %arg1, %mul3A_22 : i32
    %add3A_24 = arith.constant 512 : i32
    %add3A_25 = arith.addi %mul3A_23, %add3A_24 : i32
    %run_scoped3A_26 = arith.constant 0 : i32
    "tpu.region"() ({
      %run_scoped3A_65 = tpu.sem_alloc : memref<!tpu.dma_semaphore, #tpu.memory_space<semaphore_mem>>
      %dma_start3A = arith.constant 0 : i32
      %dma_start3A_66 = arith.constant 0 : i32
      %dma_start3A_67 = tpu.memref_slice %arg8[%run_scoped3A_26, %dma_start3A, %dma_start3A_66] : memref<2x128x128xf32, #tpu.memory_space<vmem>> -> memref<1x128x128xf32, #tpu.memory_space<vmem>>
      %dma_start3A_68 = tpu.memref_squeeze %dma_start3A_67 : memref<1x128x128xf32, #tpu.memory_space<vmem>> -> memref<128x128xf32, #tpu.memory_space<vmem>>
      %dma_start3A_69 = arith.constant 0 : i32
      %dma_start3A_70 = tpu.memref_slice %arg9[%add3A_25, %dma_start3A_69] : memref<10240x128xf32, #tpu.memory_space<vmem_shared>> -> memref<128x128xf32, #tpu.memory_space<vmem_shared>>
      %dma_start3A_71 = arith.constant 0 : i32
      %dma_start3A_72 = tpu.memref_slice %arg9[%add3A_25, %dma_start3A_71] : memref<10240x128xf32, #tpu.memory_space<vmem_shared>> -> memref<128x128xf32, #tpu.memory_space<vmem_shared>>
      %dma_start3A_73 = arith.constant 0 : i32
      %dma_start3A_74 = arith.constant 0 : i32
      %dma_start3A_75 = tpu.memref_slice %arg8[%run_scoped3A_26, %dma_start3A_73, %dma_start3A_74] : memref<2x128x128xf32, #tpu.memory_space<vmem>> -> memref<1x128x128xf32, #tpu.memory_space<vmem>>
      %dma_start3A_76 = tpu.memref_squeeze %dma_start3A_75 : memref<1x128x128xf32, #tpu.memory_space<vmem>> -> memref<128x128xf32, #tpu.memory_space<vmem>>
      tpu.enqueue_dma source(%dma_start3A_76 : memref<128x128xf32, #tpu.memory_space<vmem>>) target(%dma_start3A_72 : memref<128x128xf32, #tpu.memory_space<vmem_shared>>) target_semaphore(%run_scoped3A_65 : memref<!tpu.dma_semaphore, #tpu.memory_space<semaphore_mem>>)
      %dma_wait3A = arith.constant 0 : i32
      %dma_wait3A_77 = arith.constant 0 : i32
      %dma_wait3A_78 = tpu.memref_slice %arg8[%run_scoped3A_26, %dma_wait3A, %dma_wait3A_77] : memref<2x128x128xf32, #tpu.memory_space<vmem>> -> memref<1x128x128xf32, #tpu.memory_space<vmem>>
      %dma_wait3A_79 = tpu.memref_squeeze %dma_wait3A_78 : memref<1x128x128xf32, #tpu.memory_space<vmem>> -> memref<128x128xf32, #tpu.memory_space<vmem>>
      %dma_wait3A_80 = arith.constant 0 : i32
      %dma_wait3A_81 = tpu.memref_slice %arg9[%add3A_25, %dma_wait3A_80] : memref<10240x128xf32, #tpu.memory_space<vmem_shared>> -> memref<128x128xf32, #tpu.memory_space<vmem_shared>>
      %dma_wait3A_82 = arith.constant 0 : i32
      %dma_wait3A_83 = tpu.memref_slice %arg9[%add3A_25, %dma_wait3A_82] : memref<10240x128xf32, #tpu.memory_space<vmem_shared>> -> memref<128x128xf32, #tpu.memory_space<vmem_shared>>
      %dma_wait3A_84 = arith.constant 0 : i32
      %dma_wait3A_85 = arith.constant 0 : i32
      %dma_wait3A_86 = tpu.memref_slice %arg8[%run_scoped3A_26, %dma_wait3A_84, %dma_wait3A_85] : memref<2x128x128xf32, #tpu.memory_space<vmem>> -> memref<1x128x128xf32, #tpu.memory_space<vmem>>
      %dma_wait3A_87 = tpu.memref_squeeze %dma_wait3A_86 : memref<1x128x128xf32, #tpu.memory_space<vmem>> -> memref<128x128xf32, #tpu.memory_space<vmem>>
      tpu.wait_dma2 semaphore(%run_scoped3A_65 : memref<!tpu.dma_semaphore, #tpu.memory_space<semaphore_mem>>) src(%dma_wait3A_87 : memref<128x128xf32, #tpu.memory_space<vmem>>) dst(%dma_wait3A_83 : memref<128x128xf32, #tpu.memory_space<vmem_shared>>)
      tpu.yield
    }) : () -> ()
    %barrier3A = arith.constant 0 : index
    tpu.barrier barrier_id(%barrier3A)
    %eq3A = arith.constant 0 : i32
    %eq3A_27 = arith.cmpi eq, %arg0, %eq3A : i32
    %convert_element_type3A = arith.extui %eq3A_27 : i1 to i32
    %cond3A = arith.constant 0 : i32
    %cond3A_28 = arith.cmpi ne, %convert_element_type3A, %cond3A : i32
    scf.if %cond3A_28 {
      %mul3A_65 = arith.constant 144 : i32
      %mul3A_66 = arith.muli %arg1, %mul3A_65 : i32
      %add3A_67 = arith.constant 0 : i32
      %add3A_68 = arith.addi %mul3A_66, %add3A_67 : i32
      "tpu.region"() ({
        %run_scoped3A_130 = tpu.sem_alloc : memref<!tpu.dma_semaphore, #tpu.memory_space<semaphore_mem>>
        %dma_start3A = arith.constant 0 : i32
        %dma_start3A_131 = tpu.memref_slice %arg3[%add3A_68, %dma_start3A] : memref<2560x128xi32, #tpu.memory_space<hbm>> -> memref<16x128xi32, #tpu.memory_space<hbm>>
        %dma_start3A_132 = arith.constant 0 : i32
        %dma_start3A_133 = tpu.memref_slice %arg3[%add3A_68, %dma_start3A_132] : memref<2560x128xi32, #tpu.memory_space<hbm>> -> memref<16x128xi32, #tpu.memory_space<hbm>>
        tpu.enqueue_dma source(%dma_start3A_133 : memref<16x128xi32, #tpu.memory_space<hbm>>) target(%arg6 : memref<16x128xi32, #tpu.memory_space<vmem>>) target_semaphore(%run_scoped3A_130 : memref<!tpu.dma_semaphore, #tpu.memory_space<semaphore_mem>>)
        %dma_wait3A = arith.constant 0 : i32
        %dma_wait3A_134 = tpu.memref_slice %arg3[%add3A_68, %dma_wait3A] : memref<2560x128xi32, #tpu.memory_space<hbm>> -> memref<16x128xi32, #tpu.memory_space<hbm>>
        %dma_wait3A_135 = arith.constant 0 : i32
        %dma_wait3A_136 = tpu.memref_slice %arg3[%add3A_68, %dma_wait3A_135] : memref<2560x128xi32, #tpu.memory_space<hbm>> -> memref<16x128xi32, #tpu.memory_space<hbm>>
        tpu.wait_dma2 semaphore(%run_scoped3A_130 : memref<!tpu.dma_semaphore, #tpu.memory_space<semaphore_mem>>) src(%dma_wait3A_136 : memref<16x128xi32, #tpu.memory_space<hbm>>) dst(%arg6 : memref<16x128xi32, #tpu.memory_space<vmem>>)
        tpu.yield
      }) : () -> ()
      "tpu.region"() ({
        %run_scoped3A_130 = tpu.sem_alloc : memref<!tpu.dma_semaphore, #tpu.memory_space<semaphore_mem>>
        %dma_start3A = arith.constant 0 : i32
        %dma_start3A_131 = tpu.memref_slice %arg4[%add3A_68, %dma_start3A] : memref<2560x128xi32, #tpu.memory_space<hbm>> -> memref<16x128xi32, #tpu.memory_space<hbm>>
        %dma_start3A_132 = arith.constant 0 : i32
        %dma_start3A_133 = tpu.memref_slice %arg4[%add3A_68, %dma_start3A_132] : memref<2560x128xi32, #tpu.memory_space<hbm>> -> memref<16x128xi32, #tpu.memory_space<hbm>>
        tpu.enqueue_dma source(%dma_start3A_133 : memref<16x128xi32, #tpu.memory_space<hbm>>) target(%arg7 : memref<16x128xi32, #tpu.memory_space<vmem>>) target_semaphore(%run_scoped3A_130 : memref<!tpu.dma_semaphore, #tpu.memory_space<semaphore_mem>>)
        %dma_wait3A = arith.constant 0 : i32
        %dma_wait3A_134 = tpu.memref_slice %arg4[%add3A_68, %dma_wait3A] : memref<2560x128xi32, #tpu.memory_space<hbm>> -> memref<16x128xi32, #tpu.memory_space<hbm>>
        %dma_wait3A_135 = arith.constant 0 : i32
        %dma_wait3A_136 = tpu.memref_slice %arg4[%add3A_68, %dma_wait3A_135] : memref<2560x128xi32, #tpu.memory_space<hbm>> -> memref<16x128xi32, #tpu.memory_space<hbm>>
        tpu.wait_dma2 semaphore(%run_scoped3A_130 : memref<!tpu.dma_semaphore, #tpu.memory_space<semaphore_mem>>) src(%dma_wait3A_136 : memref<16x128xi32, #tpu.memory_space<hbm>>) dst(%arg7 : memref<16x128xi32, #tpu.memory_space<vmem>>)
        tpu.yield
      }) : () -> ()
      %scan3A_69 = arith.constant 0 : i32
      %scan3A_70 = arith.constant 8 : i32
      %scan3A_71 = arith.addi %scan3A_69, %scan3A_70 : i32
      %scan3A_72 = arith.constant 1 : i32
      scf.for %scan3A_130 = %scan3A_69 to %scan3A_71 step %scan3A_72  : i32 {
        %mul3A_131 = arith.constant 1 : i32
        %mul3A_132 = arith.muli %scan3A_130, %mul3A_131 : i32
        %add3A_133 = arith.constant 0 : i32
        %add3A_134 = arith.addi %add3A_133, %mul3A_132 : i32
        %mul3A_135 = arith.constant 2 : i32
        %mul3A_136 = arith.muli %mul3A_135, %add3A_134 : i32
        %dma_start3A = arith.constant 0 : i32
        %dma_start3A_137 = arith.constant 0 : i32
        %dma_start3A_138 = arith.constant 0 : i32
        %dma_start3A_139 = tpu.memref_slice %arg8[%dma_start3A, %dma_start3A_137, %dma_start3A_138] : memref<2x128x128xf32, #tpu.memory_space<vmem>> -> memref<1x128x128xf32, #tpu.memory_space<vmem>>
        %dma_start3A_140 = tpu.memref_squeeze %dma_start3A_139 : memref<1x128x128xf32, #tpu.memory_space<vmem>> -> memref<128x128xf32, #tpu.memory_space<vmem>>
        %dma_start3A_141 = arith.constant 0 : i32
        %dma_start3A_142 = tpu.memref_slice %arg6[%mul3A_136, %dma_start3A_141] : memref<16x128xi32, #tpu.memory_space<vmem>> -> memref<1x128xi32, #tpu.memory_space<vmem>>
        %dma_start3A_143 = tpu.memref_squeeze %dma_start3A_142 : memref<1x128xi32, #tpu.memory_space<vmem>> -> memref<128xi32, #tpu.memory_space<vmem>>
        %dma_start3A_144 = arith.constant 0 : i32
        %dma_start3A_145 = arith.constant 0 : i32
        %dma_start3A_146 = tpu.memref_slice %arg2[%dma_start3A_144, %dma_start3A_145] : memref<10000x128xf32, #tpu.memory_space<hbm>> -> memref<10000x128xf32, #tpu.memory_space<hbm>>
        tpu.enqueue_indirect_dma source(%dma_start3A_146 : memref<10000x128xf32, #tpu.memory_space<hbm>>) target(%dma_start3A_140 : memref<128x128xf32, #tpu.memory_space<vmem>>) offsets(%dma_start3A_143 : memref<128xi32, #tpu.memory_space<vmem>>) semaphore(%arg10 : memref<!tpu.dma_semaphore, #tpu.memory_space<semaphore_mem>>)
        %add3A_147 = arith.constant 1 : i32
        %add3A_148 = arith.addi %mul3A_136, %add3A_147 : i32
        %dma_start3A_149 = arith.constant 1 : i32
        %dma_start3A_150 = arith.constant 0 : i32
        %dma_start3A_151 = arith.constant 0 : i32
        %dma_start3A_152 = tpu.memref_slice %arg8[%dma_start3A_149, %dma_start3A_150, %dma_start3A_151] : memref<2x128x128xf32, #tpu.memory_space<vmem>> -> memref<1x128x128xf32, #tpu.memory_space<vmem>>
        %dma_start3A_153 = tpu.memref_squeeze %dma_start3A_152 : memref<1x128x128xf32, #tpu.memory_space<vmem>> -> memref<128x128xf32, #tpu.memory_space<vmem>>
        %dma_start3A_154 = arith.constant 0 : i32
        %dma_start3A_155 = tpu.memref_slice %arg6[%add3A_148, %dma_start3A_154] : memref<16x128xi32, #tpu.memory_space<vmem>> -> memref<1x128xi32, #tpu.memory_space<vmem>>
        %dma_start3A_156 = tpu.memref_squeeze %dma_start3A_155 : memref<1x128xi32, #tpu.memory_space<vmem>> -> memref<128xi32, #tpu.memory_space<vmem>>
        %dma_start3A_157 = arith.constant 0 : i32
        %dma_start3A_158 = arith.constant 0 : i32
        %dma_start3A_159 = tpu.memref_slice %arg2[%dma_start3A_157, %dma_start3A_158] : memref<10000x128xf32, #tpu.memory_space<hbm>> -> memref<10000x128xf32, #tpu.memory_space<hbm>>
        tpu.enqueue_indirect_dma source(%dma_start3A_159 : memref<10000x128xf32, #tpu.memory_space<hbm>>) target(%dma_start3A_153 : memref<128x128xf32, #tpu.memory_space<vmem>>) offsets(%dma_start3A_156 : memref<128xi32, #tpu.memory_space<vmem>>) semaphore(%arg10 : memref<!tpu.dma_semaphore, #tpu.memory_space<semaphore_mem>>)
        %dma_wait3A = arith.constant 0 : i32
        %dma_wait3A_160 = arith.constant 0 : i32
        %dma_wait3A_161 = arith.constant 0 : i32
        %dma_wait3A_162 = tpu.memref_slice %arg8[%dma_wait3A, %dma_wait3A_160, %dma_wait3A_161] : memref<2x128x128xf32, #tpu.memory_space<vmem>> -> memref<1x128x128xf32, #tpu.memory_space<vmem>>
        %dma_wait3A_163 = tpu.memref_squeeze %dma_wait3A_162 : memref<1x128x128xf32, #tpu.memory_space<vmem>> -> memref<128x128xf32, #tpu.memory_space<vmem>>
        %dma_wait3A_164 = arith.constant 0 : i32
        %dma_wait3A_165 = tpu.memref_slice %arg6[%mul3A_136, %dma_wait3A_164] : memref<16x128xi32, #tpu.memory_space<vmem>> -> memref<1x128xi32, #tpu.memory_space<vmem>>
        %dma_wait3A_166 = tpu.memref_squeeze %dma_wait3A_165 : memref<1x128xi32, #tpu.memory_space<vmem>> -> memref<128xi32, #tpu.memory_space<vmem>>
        %dma_wait3A_167 = arith.constant 0 : i32
        %dma_wait3A_168 = arith.constant 0 : i32
        %dma_wait3A_169 = tpu.memref_slice %arg2[%dma_wait3A_167, %dma_wait3A_168] : memref<10000x128xf32, #tpu.memory_space<hbm>> -> memref<10000x128xf32, #tpu.memory_space<hbm>>
        tpu.wait_indirect_dma semaphore(%arg10 : memref<!tpu.dma_semaphore, #tpu.memory_space<semaphore_mem>>) src(%dma_wait3A_169 : memref<10000x128xf32, #tpu.memory_space<hbm>>) dst(%dma_wait3A_163 : memref<128x128xf32, #tpu.memory_space<vmem>>)
        %dma_start3A_170 = arith.constant 0 : i32
        %dma_start3A_171 = arith.constant 0 : i32
        %dma_start3A_172 = arith.constant 0 : i32
        %dma_start3A_173 = tpu.memref_slice %arg8[%dma_start3A_170, %dma_start3A_171, %dma_start3A_172] : memref<2x128x128xf32, #tpu.memory_space<vmem>> -> memref<1x128x128xf32, #tpu.memory_space<vmem>>
        %dma_start3A_174 = tpu.memref_squeeze %dma_start3A_173 : memref<1x128x128xf32, #tpu.memory_space<vmem>> -> memref<128x128xf32, #tpu.memory_space<vmem>>
        %dma_start3A_175 = arith.constant 0 : i32
        %dma_start3A_176 = tpu.memref_slice %arg7[%mul3A_136, %dma_start3A_175] : memref<16x128xi32, #tpu.memory_space<vmem>> -> memref<1x128xi32, #tpu.memory_space<vmem>>
        %dma_start3A_177 = tpu.memref_squeeze %dma_start3A_176 : memref<1x128xi32, #tpu.memory_space<vmem>> -> memref<128xi32, #tpu.memory_space<vmem>>
        %dma_start3A_178 = arith.constant 0 : i32
        %dma_start3A_179 = arith.constant 0 : i32
        %dma_start3A_180 = tpu.memref_slice %arg9[%dma_start3A_178, %dma_start3A_179] : memref<10240x128xf32, #tpu.memory_space<vmem_shared>> -> memref<10240x128xf32, #tpu.memory_space<vmem_shared>>
        tpu.enqueue_indirect_dma source(%dma_start3A_174 : memref<128x128xf32, #tpu.memory_space<vmem>>) target(%dma_start3A_180 : memref<10240x128xf32, #tpu.memory_space<vmem_shared>>) offsets(%dma_start3A_177 : memref<128xi32, #tpu.memory_space<vmem>>) semaphore(%arg11 : memref<!tpu.dma_semaphore, #tpu.memory_space<semaphore_mem>>) {add = true}
        %add3A_181 = arith.constant 1 : i32
        %add3A_182 = arith.addi %mul3A_136, %add3A_181 : i32
        %dma_wait3A_183 = arith.constant 1 : i32
        %dma_wait3A_184 = arith.constant 0 : i32
        %dma_wait3A_185 = arith.constant 0 : i32
        %dma_wait3A_186 = tpu.memref_slice %arg8[%dma_wait3A_183, %dma_wait3A_184, %dma_wait3A_185] : memref<2x128x128xf32, #tpu.memory_space<vmem>> -> memref<1x128x128xf32, #tpu.memory_space<vmem>>
        %dma_wait3A_187 = tpu.memref_squeeze %dma_wait3A_186 : memref<1x128x128xf32, #tpu.memory_space<vmem>> -> memref<128x128xf32, #tpu.memory_space<vmem>>
        %dma_wait3A_188 = arith.constant 0 : i32
        %dma_wait3A_189 = tpu.memref_slice %arg6[%add3A_182, %dma_wait3A_188] : memref<16x128xi32, #tpu.memory_space<vmem>> -> memref<1x128xi32, #tpu.memory_space<vmem>>
        %dma_wait3A_190 = tpu.memref_squeeze %dma_wait3A_189 : memref<1x128xi32, #tpu.memory_space<vmem>> -> memref<128xi32, #tpu.memory_space<vmem>>
        %dma_wait3A_191 = arith.constant 0 : i32
        %dma_wait3A_192 = arith.constant 0 : i32
        %dma_wait3A_193 = tpu.memref_slice %arg2[%dma_wait3A_191, %dma_wait3A_192] : memref<10000x128xf32, #tpu.memory_space<hbm>> -> memref<10000x128xf32, #tpu.memory_space<hbm>>
        tpu.wait_indirect_dma semaphore(%arg10 : memref<!tpu.dma_semaphore, #tpu.memory_space<semaphore_mem>>) src(%dma_wait3A_193 : memref<10000x128xf32, #tpu.memory_space<hbm>>) dst(%dma_wait3A_187 : memref<128x128xf32, #tpu.memory_space<vmem>>)
        %add3A_194 = arith.constant 1 : i32
        %add3A_195 = arith.addi %mul3A_136, %add3A_194 : i32
        %dma_start3A_196 = arith.constant 1 : i32
        %dma_start3A_197 = arith.constant 0 : i32
        %dma_start3A_198 = arith.constant 0 : i32
        %dma_start3A_199 = tpu.memref_slice %arg8[%dma_start3A_196, %dma_start3A_197, %dma_start3A_198] : memref<2x128x128xf32, #tpu.memory_space<vmem>> -> memref<1x128x128xf32, #tpu.memory_space<vmem>>
        %dma_start3A_200 = tpu.memref_squeeze %dma_start3A_199 : memref<1x128x128xf32, #tpu.memory_space<vmem>> -> memref<128x128xf32, #tpu.memory_space<vmem>>
        %dma_start3A_201 = arith.constant 0 : i32
        %dma_start3A_202 = tpu.memref_slice %arg7[%add3A_195, %dma_start3A_201] : memref<16x128xi32, #tpu.memory_space<vmem>> -> memref<1x128xi32, #tpu.memory_space<vmem>>
        %dma_start3A_203 = tpu.memref_squeeze %dma_start3A_202 : memref<1x128xi32, #tpu.memory_space<vmem>> -> memref<128xi32, #tpu.memory_space<vmem>>
        %dma_start3A_204 = arith.constant 0 : i32
        %dma_start3A_205 = arith.constant 0 : i32
        %dma_start3A_206 = tpu.memref_slice %arg9[%dma_start3A_204, %dma_start3A_205] : memref<10240x128xf32, #tpu.memory_space<vmem_shared>> -> memref<10240x128xf32, #tpu.memory_space<vmem_shared>>
        tpu.enqueue_indirect_dma source(%dma_start3A_200 : memref<128x128xf32, #tpu.memory_space<vmem>>) target(%dma_start3A_206 : memref<10240x128xf32, #tpu.memory_space<vmem_shared>>) offsets(%dma_start3A_203 : memref<128xi32, #tpu.memory_space<vmem>>) semaphore(%arg11 : memref<!tpu.dma_semaphore, #tpu.memory_space<semaphore_mem>>) {add = true}
        %dma_wait3A_207 = arith.constant 0 : i32
        %dma_wait3A_208 = arith.constant 0 : i32
        %dma_wait3A_209 = arith.constant 0 : i32
        %dma_wait3A_210 = tpu.memref_slice %arg8[%dma_wait3A_207, %dma_wait3A_208, %dma_wait3A_209] : memref<2x128x128xf32, #tpu.memory_space<vmem>> -> memref<1x128x128xf32, #tpu.memory_space<vmem>>
        %dma_wait3A_211 = tpu.memref_squeeze %dma_wait3A_210 : memref<1x128x128xf32, #tpu.memory_space<vmem>> -> memref<128x128xf32, #tpu.memory_space<vmem>>
        %dma_wait3A_212 = arith.constant 0 : i32
        %dma_wait3A_213 = tpu.memref_slice %arg7[%mul3A_136, %dma_wait3A_212] : memref<16x128xi32, #tpu.memory_space<vmem>> -> memref<1x128xi32, #tpu.memory_space<vmem>>
        %dma_wait3A_214 = tpu.memref_squeeze %dma_wait3A_213 : memref<1x128xi32, #tpu.memory_space<vmem>> -> memref<128xi32, #tpu.memory_space<vmem>>
        %dma_wait3A_215 = arith.constant 0 : i32
        %dma_wait3A_216 = arith.constant 0 : i32
        %dma_wait3A_217 = tpu.memref_slice %arg9[%dma_wait3A_215, %dma_wait3A_216] : memref<10240x128xf32, #tpu.memory_space<vmem_shared>> -> memref<10240x128xf32, #tpu.memory_space<vmem_shared>>
        tpu.wait_indirect_dma semaphore(%arg11 : memref<!tpu.dma_semaphore, #tpu.memory_space<semaphore_mem>>) src(%dma_wait3A_211 : memref<128x128xf32, #tpu.memory_space<vmem>>) dst(%dma_wait3A_217 : memref<10240x128xf32, #tpu.memory_space<vmem_shared>>)
        %add3A_218 = arith.constant 1 : i32
        %add3A_219 = arith.addi %mul3A_136, %add3A_218 : i32
        %dma_wait3A_220 = arith.constant 1 : i32
        %dma_wait3A_221 = arith.constant 0 : i32
        %dma_wait3A_222 = arith.constant 0 : i32
        %dma_wait3A_223 = tpu.memref_slice %arg8[%dma_wait3A_220, %dma_wait3A_221, %dma_wait3A_222] : memref<2x128x128xf32, #tpu.memory_space<vmem>> -> memref<1x128x128xf32, #tpu.memory_space<vmem>>
        %dma_wait3A_224 = tpu.memref_squeeze %dma_wait3A_223 : memref<1x128x128xf32, #tpu.memory_space<vmem>> -> memref<128x128xf32, #tpu.memory_space<vmem>>
        %dma_wait3A_225 = arith.constant 0 : i32
        %dma_wait3A_226 = tpu.memref_slice %arg7[%add3A_219, %dma_wait3A_225] : memref<16x128xi32, #tpu.memory_space<vmem>> -> memref<1x128xi32, #tpu.memory_space<vmem>>
        %dma_wait3A_227 = tpu.memref_squeeze %dma_wait3A_226 : memref<1x128xi32, #tpu.memory_space<vmem>> -> memref<128xi32, #tpu.memory_space<vmem>>
        %dma_wait3A_228 = arith.constant 0 : i32
        %dma_wait3A_229 = arith.constant 0 : i32
        %dma_wait3A_230 = tpu.memref_slice %arg9[%dma_wait3A_228, %dma_wait3A_229] : memref<10240x128xf32, #tpu.memory_space<vmem_shared>> -> memref<10240x128xf32, #tpu.memory_space<vmem_shared>>
        tpu.wait_indirect_dma semaphore(%arg11 : memref<!tpu.dma_semaphore, #tpu.memory_space<semaphore_mem>>) src(%dma_wait3A_224 : memref<128x128xf32, #tpu.memory_space<vmem>>) dst(%dma_wait3A_230 : memref<10240x128xf32, #tpu.memory_space<vmem_shared>>)
      }
      %scan3A_73 = arith.constant 8 : i32
      %add3A_74 = arith.constant 16 : i32
      %add3A_75 = arith.addi %mul3A_66, %add3A_74 : i32
      "tpu.region"() ({
        %run_scoped3A_130 = tpu.sem_alloc : memref<!tpu.dma_semaphore, #tpu.memory_space<semaphore_mem>>
        %dma_start3A = arith.constant 0 : i32
        %dma_start3A_131 = tpu.memref_slice %arg3[%add3A_75, %dma_start3A] : memref<2560x128xi32, #tpu.memory_space<hbm>> -> memref<16x128xi32, #tpu.memory_space<hbm>>
        %dma_start3A_132 = arith.constant 0 : i32
        %dma_start3A_133 = tpu.memref_slice %arg3[%add3A_75, %dma_start3A_132] : memref<2560x128xi32, #tpu.memory_space<hbm>> -> memref<16x128xi32, #tpu.memory_space<hbm>>
        tpu.enqueue_dma source(%dma_start3A_133 : memref<16x128xi32, #tpu.memory_space<hbm>>) target(%arg6 : memref<16x128xi32, #tpu.memory_space<vmem>>) target_semaphore(%run_scoped3A_130 : memref<!tpu.dma_semaphore, #tpu.memory_space<semaphore_mem>>)
        %dma_wait3A = arith.constant 0 : i32
        %dma_wait3A_134 = tpu.memref_slice %arg3[%add3A_75, %dma_wait3A] : memref<2560x128xi32, #tpu.memory_space<hbm>> -> memref<16x128xi32, #tpu.memory_space<hbm>>
        %dma_wait3A_135 = arith.constant 0 : i32
        %dma_wait3A_136 = tpu.memref_slice %arg3[%add3A_75, %dma_wait3A_135] : memref<2560x128xi32, #tpu.memory_space<hbm>> -> memref<16x128xi32, #tpu.memory_space<hbm>>
        tpu.wait_dma2 semaphore(%run_scoped3A_130 : memref<!tpu.dma_semaphore, #tpu.memory_space<semaphore_mem>>) src(%dma_wait3A_136 : memref<16x128xi32, #tpu.memory_space<hbm>>) dst(%arg6 : memref<16x128xi32, #tpu.memory_space<vmem>>)
        tpu.yield
      }) : () -> ()
      "tpu.region"() ({
        %run_scoped3A_130 = tpu.sem_alloc : memref<!tpu.dma_semaphore, #tpu.memory_space<semaphore_mem>>
        %dma_start3A = arith.constant 0 : i32
        %dma_start3A_131 = tpu.memref_slice %arg4[%add3A_75, %dma_start3A] : memref<2560x128xi32, #tpu.memory_space<hbm>> -> memref<16x128xi32, #tpu.memory_space<hbm>>
        %dma_start3A_132 = arith.constant 0 : i32
        %dma_start3A_133 = tpu.memref_slice %arg4[%add3A_75, %dma_start3A_132] : memref<2560x128xi32, #tpu.memory_space<hbm>> -> memref<16x128xi32, #tpu.memory_space<hbm>>
        tpu.enqueue_dma source(%dma_start3A_133 : memref<16x128xi32, #tpu.memory_space<hbm>>) target(%arg7 : memref<16x128xi32, #tpu.memory_space<vmem>>) target_semaphore(%run_scoped3A_130 : memref<!tpu.dma_semaphore, #tpu.memory_space<semaphore_mem>>)
        %dma_wait3A = arith.constant 0 : i32
        %dma_wait3A_134 = tpu.memref_slice %arg4[%add3A_75, %dma_wait3A] : memref<2560x128xi32, #tpu.memory_space<hbm>> -> memref<16x128xi32, #tpu.memory_space<hbm>>
        %dma_wait3A_135 = arith.constant 0 : i32
        %dma_wait3A_136 = tpu.memref_slice %arg4[%add3A_75, %dma_wait3A_135] : memref<2560x128xi32, #tpu.memory_space<hbm>> -> memref<16x128xi32, #tpu.memory_space<hbm>>
        tpu.wait_dma2 semaphore(%run_scoped3A_130 : memref<!tpu.dma_semaphore, #tpu.memory_space<semaphore_mem>>) src(%dma_wait3A_136 : memref<16x128xi32, #tpu.memory_space<hbm>>) dst(%arg7 : memref<16x128xi32, #tpu.memory_space<vmem>>)
        tpu.yield
      }) : () -> ()
      %scan3A_76 = arith.constant 0 : i32
      %scan3A_77 = arith.constant 8 : i32
      %scan3A_78 = arith.addi %scan3A_76, %scan3A_77 : i32
      %scan3A_79 = arith.constant 1 : i32
      scf.for %scan3A_130 = %scan3A_76 to %scan3A_78 step %scan3A_79  : i32 {
        %mul3A_131 = arith.constant 1 : i32
        %mul3A_132 = arith.muli %scan3A_130, %mul3A_131 : i32
        %add3A_133 = arith.constant 0 : i32
        %add3A_134 = arith.addi %add3A_133, %mul3A_132 : i32
        %mul3A_135 = arith.constant 2 : i32
        %mul3A_136 = arith.muli %mul3A_135, %add3A_134 : i32
        %dma_start3A = arith.constant 0 : i32
        %dma_start3A_137 = arith.constant 0 : i32
        %dma_start3A_138 = arith.constant 0 : i32
        %dma_start3A_139 = tpu.memref_slice %arg8[%dma_start3A, %dma_start3A_137, %dma_start3A_138] : memref<2x128x128xf32, #tpu.memory_space<vmem>> -> memref<1x128x128xf32, #tpu.memory_space<vmem>>
        %dma_start3A_140 = tpu.memref_squeeze %dma_start3A_139 : memref<1x128x128xf32, #tpu.memory_space<vmem>> -> memref<128x128xf32, #tpu.memory_space<vmem>>
        %dma_start3A_141 = arith.constant 0 : i32
        %dma_start3A_142 = tpu.memref_slice %arg6[%mul3A_136, %dma_start3A_141] : memref<16x128xi32, #tpu.memory_space<vmem>> -> memref<1x128xi32, #tpu.memory_space<vmem>>
        %dma_start3A_143 = tpu.memref_squeeze %dma_start3A_142 : memref<1x128xi32, #tpu.memory_space<vmem>> -> memref<128xi32, #tpu.memory_space<vmem>>
        %dma_start3A_144 = arith.constant 0 : i32
        %dma_start3A_145 = arith.constant 0 : i32
        %dma_start3A_146 = tpu.memref_slice %arg2[%dma_start3A_144, %dma_start3A_145] : memref<10000x128xf32, #tpu.memory_space<hbm>> -> memref<10000x128xf32, #tpu.memory_space<hbm>>
        tpu.enqueue_indirect_dma source(%dma_start3A_146 : memref<10000x128xf32, #tpu.memory_space<hbm>>) target(%dma_start3A_140 : memref<128x128xf32, #tpu.memory_space<vmem>>) offsets(%dma_start3A_143 : memref<128xi32, #tpu.memory_space<vmem>>) semaphore(%arg10 : memref<!tpu.dma_semaphore, #tpu.memory_space<semaphore_mem>>)
        %add3A_147 = arith.constant 1 : i32
        %add3A_148 = arith.addi %mul3A_136, %add3A_147 : i32
        %dma_start3A_149 = arith.constant 1 : i32
        %dma_start3A_150 = arith.constant 0 : i32
        %dma_start3A_151 = arith.constant 0 : i32
        %dma_start3A_152 = tpu.memref_slice %arg8[%dma_start3A_149, %dma_start3A_150, %dma_start3A_151] : memref<2x128x128xf32, #tpu.memory_space<vmem>> -> memref<1x128x128xf32, #tpu.memory_space<vmem>>
        %dma_start3A_153 = tpu.memref_squeeze %dma_start3A_152 : memref<1x128x128xf32, #tpu.memory_space<vmem>> -> memref<128x128xf32, #tpu.memory_space<vmem>>
        %dma_start3A_154 = arith.constant 0 : i32
        %dma_start3A_155 = tpu.memref_slice %arg6[%add3A_148, %dma_start3A_154] : memref<16x128xi32, #tpu.memory_space<vmem>> -> memref<1x128xi32, #tpu.memory_space<vmem>>
        %dma_start3A_156 = tpu.memref_squeeze %dma_start3A_155 : memref<1x128xi32, #tpu.memory_space<vmem>> -> memref<128xi32, #tpu.memory_space<vmem>>
        %dma_start3A_157 = arith.constant 0 : i32
        %dma_start3A_158 = arith.constant 0 : i32
        %dma_start3A_159 = tpu.memref_slice %arg2[%dma_start3A_157, %dma_start3A_158] : memref<10000x128xf32, #tpu.memory_space<hbm>> -> memref<10000x128xf32, #tpu.memory_space<hbm>>
        tpu.enqueue_indirect_dma source(%dma_start3A_159 : memref<10000x128xf32, #tpu.memory_space<hbm>>) target(%dma_start3A_153 : memref<128x128xf32, #tpu.memory_space<vmem>>) offsets(%dma_start3A_156 : memref<128xi32, #tpu.memory_space<vmem>>) semaphore(%arg10 : memref<!tpu.dma_semaphore, #tpu.memory_space<semaphore_mem>>)
        %dma_wait3A = arith.constant 0 : i32
        %dma_wait3A_160 = arith.constant 0 : i32
        %dma_wait3A_161 = arith.constant 0 : i32
        %dma_wait3A_162 = tpu.memref_slice %arg8[%dma_wait3A, %dma_wait3A_160, %dma_wait3A_161] : memref<2x128x128xf32, #tpu.memory_space<vmem>> -> memref<1x128x128xf32, #tpu.memory_space<vmem>>
        %dma_wait3A_163 = tpu.memref_squeeze %dma_wait3A_162 : memref<1x128x128xf32, #tpu.memory_space<vmem>> -> memref<128x128xf32, #tpu.memory_space<vmem>>
        %dma_wait3A_164 = arith.constant 0 : i32
        %dma_wait3A_165 = tpu.memref_slice %arg6[%mul3A_136, %dma_wait3A_164] : memref<16x128xi32, #tpu.memory_space<vmem>> -> memref<1x128xi32, #tpu.memory_space<vmem>>
        %dma_wait3A_166 = tpu.memref_squeeze %dma_wait3A_165 : memref<1x128xi32, #tpu.memory_space<vmem>> -> memref<128xi32, #tpu.memory_space<vmem>>
        %dma_wait3A_167 = arith.constant 0 : i32
        %dma_wait3A_168 = arith.constant 0 : i32
        %dma_wait3A_169 = tpu.memref_slice %arg2[%dma_wait3A_167, %dma_wait3A_168] : memref<10000x128xf32, #tpu.memory_space<hbm>> -> memref<10000x128xf32, #tpu.memory_space<hbm>>
        tpu.wait_indirect_dma semaphore(%arg10 : memref<!tpu.dma_semaphore, #tpu.memory_space<semaphore_mem>>) src(%dma_wait3A_169 : memref<10000x128xf32, #tpu.memory_space<hbm>>) dst(%dma_wait3A_163 : memref<128x128xf32, #tpu.memory_space<vmem>>)
        %dma_start3A_170 = arith.constant 0 : i32
        %dma_start3A_171 = arith.constant 0 : i32
        %dma_start3A_172 = arith.constant 0 : i32
        %dma_start3A_173 = tpu.memref_slice %arg8[%dma_start3A_170, %dma_start3A_171, %dma_start3A_172] : memref<2x128x128xf32, #tpu.memory_space<vmem>> -> memref<1x128x128xf32, #tpu.memory_space<vmem>>
        %dma_start3A_174 = tpu.memref_squeeze %dma_start3A_173 : memref<1x128x128xf32, #tpu.memory_space<vmem>> -> memref<128x128xf32, #tpu.memory_space<vmem>>
        %dma_start3A_175 = arith.constant 0 : i32
        %dma_start3A_176 = tpu.memref_slice %arg7[%mul3A_136, %dma_start3A_175] : memref<16x128xi32, #tpu.memory_space<vmem>> -> memref<1x128xi32, #tpu.memory_space<vmem>>
        %dma_start3A_177 = tpu.memref_squeeze %dma_start3A_176 : memref<1x128xi32, #tpu.memory_space<vmem>> -> memref<128xi32, #tpu.memory_space<vmem>>
        %dma_start3A_178 = arith.constant 0 : i32
        %dma_start3A_179 = arith.constant 0 : i32
        %dma_start3A_180 = tpu.memref_slice %arg9[%dma_start3A_178, %dma_start3A_179] : memref<10240x128xf32, #tpu.memory_space<vmem_shared>> -> memref<10240x128xf32, #tpu.memory_space<vmem_shared>>
        tpu.enqueue_indirect_dma source(%dma_start3A_174 : memref<128x128xf32, #tpu.memory_space<vmem>>) target(%dma_start3A_180 : memref<10240x128xf32, #tpu.memory_space<vmem_shared>>) offsets(%dma_start3A_177 : memref<128xi32, #tpu.memory_space<vmem>>) semaphore(%arg11 : memref<!tpu.dma_semaphore, #tpu.memory_space<semaphore_mem>>) {add = true}
        %add3A_181 = arith.constant 1 : i32
        %add3A_182 = arith.addi %mul3A_136, %add3A_181 : i32
        %dma_wait3A_183 = arith.constant 1 : i32
        %dma_wait3A_184 = arith.constant 0 : i32
        %dma_wait3A_185 = arith.constant 0 : i32
        %dma_wait3A_186 = tpu.memref_slice %arg8[%dma_wait3A_183, %dma_wait3A_184, %dma_wait3A_185] : memref<2x128x128xf32, #tpu.memory_space<vmem>> -> memref<1x128x128xf32, #tpu.memory_space<vmem>>
        %dma_wait3A_187 = tpu.memref_squeeze %dma_wait3A_186 : memref<1x128x128xf32, #tpu.memory_space<vmem>> -> memref<128x128xf32, #tpu.memory_space<vmem>>
        %dma_wait3A_188 = arith.constant 0 : i32
        %dma_wait3A_189 = tpu.memref_slice %arg6[%add3A_182, %dma_wait3A_188] : memref<16x128xi32, #tpu.memory_space<vmem>> -> memref<1x128xi32, #tpu.memory_space<vmem>>
        %dma_wait3A_190 = tpu.memref_squeeze %dma_wait3A_189 : memref<1x128xi32, #tpu.memory_space<vmem>> -> memref<128xi32, #tpu.memory_space<vmem>>
        %dma_wait3A_191 = arith.constant 0 : i32
        %dma_wait3A_192 = arith.constant 0 : i32
        %dma_wait3A_193 = tpu.memref_slice %arg2[%dma_wait3A_191, %dma_wait3A_192] : memref<10000x128xf32, #tpu.memory_space<hbm>> -> memref<10000x128xf32, #tpu.memory_space<hbm>>
        tpu.wait_indirect_dma semaphore(%arg10 : memref<!tpu.dma_semaphore, #tpu.memory_space<semaphore_mem>>) src(%dma_wait3A_193 : memref<10000x128xf32, #tpu.memory_space<hbm>>) dst(%dma_wait3A_187 : memref<128x128xf32, #tpu.memory_space<vmem>>)
        %add3A_194 = arith.constant 1 : i32
        %add3A_195 = arith.addi %mul3A_136, %add3A_194 : i32
        %dma_start3A_196 = arith.constant 1 : i32
        %dma_start3A_197 = arith.constant 0 : i32
        %dma_start3A_198 = arith.constant 0 : i32
        %dma_start3A_199 = tpu.memref_slice %arg8[%dma_start3A_196, %dma_start3A_197, %dma_start3A_198] : memref<2x128x128xf32, #tpu.memory_space<vmem>> -> memref<1x128x128xf32, #tpu.memory_space<vmem>>
        %dma_start3A_200 = tpu.memref_squeeze %dma_start3A_199 : memref<1x128x128xf32, #tpu.memory_space<vmem>> -> memref<128x128xf32, #tpu.memory_space<vmem>>
        %dma_start3A_201 = arith.constant 0 : i32
        %dma_start3A_202 = tpu.memref_slice %arg7[%add3A_195, %dma_start3A_201] : memref<16x128xi32, #tpu.memory_space<vmem>> -> memref<1x128xi32, #tpu.memory_space<vmem>>
        %dma_start3A_203 = tpu.memref_squeeze %dma_start3A_202 : memref<1x128xi32, #tpu.memory_space<vmem>> -> memref<128xi32, #tpu.memory_space<vmem>>
        %dma_start3A_204 = arith.constant 0 : i32
        %dma_start3A_205 = arith.constant 0 : i32
        %dma_start3A_206 = tpu.memref_slice %arg9[%dma_start3A_204, %dma_start3A_205] : memref<10240x128xf32, #tpu.memory_space<vmem_shared>> -> memref<10240x128xf32, #tpu.memory_space<vmem_shared>>
        tpu.enqueue_indirect_dma source(%dma_start3A_200 : memref<128x128xf32, #tpu.memory_space<vmem>>) target(%dma_start3A_206 : memref<10240x128xf32, #tpu.memory_space<vmem_shared>>) offsets(%dma_start3A_203 : memref<128xi32, #tpu.memory_space<vmem>>) semaphore(%arg11 : memref<!tpu.dma_semaphore, #tpu.memory_space<semaphore_mem>>) {add = true}
        %dma_wait3A_207 = arith.constant 0 : i32
        %dma_wait3A_208 = arith.constant 0 : i32
        %dma_wait3A_209 = arith.constant 0 : i32
        %dma_wait3A_210 = tpu.memref_slice %arg8[%dma_wait3A_207, %dma_wait3A_208, %dma_wait3A_209] : memref<2x128x128xf32, #tpu.memory_space<vmem>> -> memref<1x128x128xf32, #tpu.memory_space<vmem>>
        %dma_wait3A_211 = tpu.memref_squeeze %dma_wait3A_210 : memref<1x128x128xf32, #tpu.memory_space<vmem>> -> memref<128x128xf32, #tpu.memory_space<vmem>>
        %dma_wait3A_212 = arith.constant 0 : i32
        %dma_wait3A_213 = tpu.memref_slice %arg7[%mul3A_136, %dma_wait3A_212] : memref<16x128xi32, #tpu.memory_space<vmem>> -> memref<1x128xi32, #tpu.memory_space<vmem>>
        %dma_wait3A_214 = tpu.memref_squeeze %dma_wait3A_213 : memref<1x128xi32, #tpu.memory_space<vmem>> -> memref<128xi32, #tpu.memory_space<vmem>>
        %dma_wait3A_215 = arith.constant 0 : i32
        %dma_wait3A_216 = arith.constant 0 : i32
        %dma_wait3A_217 = tpu.memref_slice %arg9[%dma_wait3A_215, %dma_wait3A_216] : memref<10240x128xf32, #tpu.memory_space<vmem_shared>> -> memref<10240x128xf32, #tpu.memory_space<vmem_shared>>
        tpu.wait_indirect_dma semaphore(%arg11 : memref<!tpu.dma_semaphore, #tpu.memory_space<semaphore_mem>>) src(%dma_wait3A_211 : memref<128x128xf32, #tpu.memory_space<vmem>>) dst(%dma_wait3A_217 : memref<10240x128xf32, #tpu.memory_space<vmem_shared>>)
        %add3A_218 = arith.constant 1 : i32
        %add3A_219 = arith.addi %mul3A_136, %add3A_218 : i32
        %dma_wait3A_220 = arith.constant 1 : i32
        %dma_wait3A_221 = arith.constant 0 : i32
        %dma_wait3A_222 = arith.constant 0 : i32
        %dma_wait3A_223 = tpu.memref_slice %arg8[%dma_wait3A_220, %dma_wait3A_221, %dma_wait3A_222] : memref<2x128x128xf32, #tpu.memory_space<vmem>> -> memref<1x128x128xf32, #tpu.memory_space<vmem>>
        %dma_wait3A_224 = tpu.memref_squeeze %dma_wait3A_223 : memref<1x128x128xf32, #tpu.memory_space<vmem>> -> memref<128x128xf32, #tpu.memory_space<vmem>>
        %dma_wait3A_225 = arith.constant 0 : i32
        %dma_wait3A_226 = tpu.memref_slice %arg7[%add3A_219, %dma_wait3A_225] : memref<16x128xi32, #tpu.memory_space<vmem>> -> memref<1x128xi32, #tpu.memory_space<vmem>>
        %dma_wait3A_227 = tpu.memref_squeeze %dma_wait3A_226 : memref<1x128xi32, #tpu.memory_space<vmem>> -> memref<128xi32, #tpu.memory_space<vmem>>
        %dma_wait3A_228 = arith.constant 0 : i32
        %dma_wait3A_229 = arith.constant 0 : i32
        %dma_wait3A_230 = tpu.memref_slice %arg9[%dma_wait3A_228, %dma_wait3A_229] : memref<10240x128xf32, #tpu.memory_space<vmem_shared>> -> memref<10240x128xf32, #tpu.memory_space<vmem_shared>>
        tpu.wait_indirect_dma semaphore(%arg11 : memref<!tpu.dma_semaphore, #tpu.memory_space<semaphore_mem>>) src(%dma_wait3A_224 : memref<128x128xf32, #tpu.memory_space<vmem>>) dst(%dma_wait3A_230 : memref<10240x128xf32, #tpu.memory_space<vmem_shared>>)
      }
      %scan3A_80 = arith.constant 8 : i32
      %add3A_81 = arith.constant 32 : i32
      %add3A_82 = arith.addi %mul3A_66, %add3A_81 : i32
      "tpu.region"() ({
        %run_scoped3A_130 = tpu.sem_alloc : memref<!tpu.dma_semaphore, #tpu.memory_space<semaphore_mem>>
        %dma_start3A = arith.constant 0 : i32
        %dma_start3A_131 = tpu.memref_slice %arg3[%add3A_82, %dma_start3A] : memref<2560x128xi32, #tpu.memory_space<hbm>> -> memref<16x128xi32, #tpu.memory_space<hbm>>
        %dma_start3A_132 = arith.constant 0 : i32
        %dma_start3A_133 = tpu.memref_slice %arg3[%add3A_82, %dma_start3A_132] : memref<2560x128xi32, #tpu.memory_space<hbm>> -> memref<16x128xi32, #tpu.memory_space<hbm>>
        tpu.enqueue_dma source(%dma_start3A_133 : memref<16x128xi32, #tpu.memory_space<hbm>>) target(%arg6 : memref<16x128xi32, #tpu.memory_space<vmem>>) target_semaphore(%run_scoped3A_130 : memref<!tpu.dma_semaphore, #tpu.memory_space<semaphore_mem>>)
        %dma_wait3A = arith.constant 0 : i32
        %dma_wait3A_134 = tpu.memref_slice %arg3[%add3A_82, %dma_wait3A] : memref<2560x128xi32, #tpu.memory_space<hbm>> -> memref<16x128xi32, #tpu.memory_space<hbm>>
        %dma_wait3A_135 = arith.constant 0 : i32
        %dma_wait3A_136 = tpu.memref_slice %arg3[%add3A_82, %dma_wait3A_135] : memref<2560x128xi32, #tpu.memory_space<hbm>> -> memref<16x128xi32, #tpu.memory_space<hbm>>
        tpu.wait_dma2 semaphore(%run_scoped3A_130 : memref<!tpu.dma_semaphore, #tpu.memory_space<semaphore_mem>>) src(%dma_wait3A_136 : memref<16x128xi32, #tpu.memory_space<hbm>>) dst(%arg6 : memref<16x128xi32, #tpu.memory_space<vmem>>)
        tpu.yield
      }) : () -> ()
      "tpu.region"() ({
        %run_scoped3A_130 = tpu.sem_alloc : memref<!tpu.dma_semaphore, #tpu.memory_space<semaphore_mem>>
        %dma_start3A = arith.constant 0 : i32
        %dma_start3A_131 = tpu.memref_slice %arg4[%add3A_82, %dma_start3A] : memref<2560x128xi32, #tpu.memory_space<hbm>> -> memref<16x128xi32, #tpu.memory_space<hbm>>
        %dma_start3A_132 = arith.constant 0 : i32
        %dma_start3A_133 = tpu.memref_slice %arg4[%add3A_82, %dma_start3A_132] : memref<2560x128xi32, #tpu.memory_space<hbm>> -> memref<16x128xi32, #tpu.memory_space<hbm>>
        tpu.enqueue_dma source(%dma_start3A_133 : memref<16x128xi32, #tpu.memory_space<hbm>>) target(%arg7 : memref<16x128xi32, #tpu.memory_space<vmem>>) target_semaphore(%run_scoped3A_130 : memref<!tpu.dma_semaphore, #tpu.memory_space<semaphore_mem>>)
        %dma_wait3A = arith.constant 0 : i32
        %dma_wait3A_134 = tpu.memref_slice %arg4[%add3A_82, %dma_wait3A] : memref<2560x128xi32, #tpu.memory_space<hbm>> -> memref<16x128xi32, #tpu.memory_space<hbm>>
        %dma_wait3A_135 = arith.constant 0 : i32
        %dma_wait3A_136 = tpu.memref_slice %arg4[%add3A_82, %dma_wait3A_135] : memref<2560x128xi32, #tpu.memory_space<hbm>> -> memref<16x128xi32, #tpu.memory_space<hbm>>
        tpu.wait_dma2 semaphore(%run_scoped3A_130 : memref<!tpu.dma_semaphore, #tpu.memory_space<semaphore_mem>>) src(%dma_wait3A_136 : memref<16x128xi32, #tpu.memory_space<hbm>>) dst(%arg7 : memref<16x128xi32, #tpu.memory_space<vmem>>)
        tpu.yield
      }) : () -> ()
      %scan3A_83 = arith.constant 0 : i32
      %scan3A_84 = arith.constant 8 : i32
      %scan3A_85 = arith.addi %scan3A_83, %scan3A_84 : i32
      %scan3A_86 = arith.constant 1 : i32
      scf.for %scan3A_130 = %scan3A_83 to %scan3A_85 step %scan3A_86  : i32 {
        %mul3A_131 = arith.constant 1 : i32
        %mul3A_132 = arith.muli %scan3A_130, %mul3A_131 : i32
        %add3A_133 = arith.constant 0 : i32
        %add3A_134 = arith.addi %add3A_133, %mul3A_132 : i32
        %mul3A_135 = arith.constant 2 : i32
        %mul3A_136 = arith.muli %mul3A_135, %add3A_134 : i32
        %dma_start3A = arith.constant 0 : i32
        %dma_start3A_137 = arith.constant 0 : i32
        %dma_start3A_138 = arith.constant 0 : i32
        %dma_start3A_139 = tpu.memref_slice %arg8[%dma_start3A, %dma_start3A_137, %dma_start3A_138] : memref<2x128x128xf32, #tpu.memory_space<vmem>> -> memref<1x128x128xf32, #tpu.memory_space<vmem>>
        %dma_start3A_140 = tpu.memref_squeeze %dma_start3A_139 : memref<1x128x128xf32, #tpu.memory_space<vmem>> -> memref<128x128xf32, #tpu.memory_space<vmem>>
        %dma_start3A_141 = arith.constant 0 : i32
        %dma_start3A_142 = tpu.memref_slice %arg6[%mul3A_136, %dma_start3A_141] : memref<16x128xi32, #tpu.memory_space<vmem>> -> memref<1x128xi32, #tpu.memory_space<vmem>>
        %dma_start3A_143 = tpu.memref_squeeze %dma_start3A_142 : memref<1x128xi32, #tpu.memory_space<vmem>> -> memref<128xi32, #tpu.memory_space<vmem>>
        %dma_start3A_144 = arith.constant 0 : i32
        %dma_start3A_145 = arith.constant 0 : i32
        %dma_start3A_146 = tpu.memref_slice %arg2[%dma_start3A_144, %dma_start3A_145] : memref<10000x128xf32, #tpu.memory_space<hbm>> -> memref<10000x128xf32, #tpu.memory_space<hbm>>
        tpu.enqueue_indirect_dma source(%dma_start3A_146 : memref<10000x128xf32, #tpu.memory_space<hbm>>) target(%dma_start3A_140 : memref<128x128xf32, #tpu.memory_space<vmem>>) offsets(%dma_start3A_143 : memref<128xi32, #tpu.memory_space<vmem>>) semaphore(%arg10 : memref<!tpu.dma_semaphore, #tpu.memory_space<semaphore_mem>>)
        %add3A_147 = arith.constant 1 : i32
        %add3A_148 = arith.addi %mul3A_136, %add3A_147 : i32
        %dma_start3A_149 = arith.constant 1 : i32
        %dma_start3A_150 = arith.constant 0 : i32
        %dma_start3A_151 = arith.constant 0 : i32
        %dma_start3A_152 = tpu.memref_slice %arg8[%dma_start3A_149, %dma_start3A_150, %dma_start3A_151] : memref<2x128x128xf32, #tpu.memory_space<vmem>> -> memref<1x128x128xf32, #tpu.memory_space<vmem>>
        %dma_start3A_153 = tpu.memref_squeeze %dma_start3A_152 : memref<1x128x128xf32, #tpu.memory_space<vmem>> -> memref<128x128xf32, #tpu.memory_space<vmem>>
        %dma_start3A_154 = arith.constant 0 : i32
        %dma_start3A_155 = tpu.memref_slice %arg6[%add3A_148, %dma_start3A_154] : memref<16x128xi32, #tpu.memory_space<vmem>> -> memref<1x128xi32, #tpu.memory_space<vmem>>
        %dma_start3A_156 = tpu.memref_squeeze %dma_start3A_155 : memref<1x128xi32, #tpu.memory_space<vmem>> -> memref<128xi32, #tpu.memory_space<vmem>>
        %dma_start3A_157 = arith.constant 0 : i32
        %dma_start3A_158 = arith.constant 0 : i32
        %dma_start3A_159 = tpu.memref_slice %arg2[%dma_start3A_157, %dma_start3A_158] : memref<10000x128xf32, #tpu.memory_space<hbm>> -> memref<10000x128xf32, #tpu.memory_space<hbm>>
        tpu.enqueue_indirect_dma source(%dma_start3A_159 : memref<10000x128xf32, #tpu.memory_space<hbm>>) target(%dma_start3A_153 : memref<128x128xf32, #tpu.memory_space<vmem>>) offsets(%dma_start3A_156 : memref<128xi32, #tpu.memory_space<vmem>>) semaphore(%arg10 : memref<!tpu.dma_semaphore, #tpu.memory_space<semaphore_mem>>)
        %dma_wait3A = arith.constant 0 : i32
        %dma_wait3A_160 = arith.constant 0 : i32
        %dma_wait3A_161 = arith.constant 0 : i32
        %dma_wait3A_162 = tpu.memref_slice %arg8[%dma_wait3A, %dma_wait3A_160, %dma_wait3A_161] : memref<2x128x128xf32, #tpu.memory_space<vmem>> -> memref<1x128x128xf32, #tpu.memory_space<vmem>>
        %dma_wait3A_163 = tpu.memref_squeeze %dma_wait3A_162 : memref<1x128x128xf32, #tpu.memory_space<vmem>> -> memref<128x128xf32, #tpu.memory_space<vmem>>
        %dma_wait3A_164 = arith.constant 0 : i32
        %dma_wait3A_165 = tpu.memref_slice %arg6[%mul3A_136, %dma_wait3A_164] : memref<16x128xi32, #tpu.memory_space<vmem>> -> memref<1x128xi32, #tpu.memory_space<vmem>>
        %dma_wait3A_166 = tpu.memref_squeeze %dma_wait3A_165 : memref<1x128xi32, #tpu.memory_space<vmem>> -> memref<128xi32, #tpu.memory_space<vmem>>
        %dma_wait3A_167 = arith.constant 0 : i32
        %dma_wait3A_168 = arith.constant 0 : i32
        %dma_wait3A_169 = tpu.memref_slice %arg2[%dma_wait3A_167, %dma_wait3A_168] : memref<10000x128xf32, #tpu.memory_space<hbm>> -> memref<10000x128xf32, #tpu.memory_space<hbm>>
        tpu.wait_indirect_dma semaphore(%arg10 : memref<!tpu.dma_semaphore, #tpu.memory_space<semaphore_mem>>) src(%dma_wait3A_169 : memref<10000x128xf32, #tpu.memory_space<hbm>>) dst(%dma_wait3A_163 : memref<128x128xf32, #tpu.memory_space<vmem>>)
        %dma_start3A_170 = arith.constant 0 : i32
        %dma_start3A_171 = arith.constant 0 : i32
        %dma_start3A_172 = arith.constant 0 : i32
        %dma_start3A_173 = tpu.memref_slice %arg8[%dma_start3A_170, %dma_start3A_171, %dma_start3A_172] : memref<2x128x128xf32, #tpu.memory_space<vmem>> -> memref<1x128x128xf32, #tpu.memory_space<vmem>>
        %dma_start3A_174 = tpu.memref_squeeze %dma_start3A_173 : memref<1x128x128xf32, #tpu.memory_space<vmem>> -> memref<128x128xf32, #tpu.memory_space<vmem>>
        %dma_start3A_175 = arith.constant 0 : i32
        %dma_start3A_176 = tpu.memref_slice %arg7[%mul3A_136, %dma_start3A_175] : memref<16x128xi32, #tpu.memory_space<vmem>> -> memref<1x128xi32, #tpu.memory_space<vmem>>
        %dma_start3A_177 = tpu.memref_squeeze %dma_start3A_176 : memref<1x128xi32, #tpu.memory_space<vmem>> -> memref<128xi32, #tpu.memory_space<vmem>>
        %dma_start3A_178 = arith.constant 0 : i32
        %dma_start3A_179 = arith.constant 0 : i32
        %dma_start3A_180 = tpu.memref_slice %arg9[%dma_start3A_178, %dma_start3A_179] : memref<10240x128xf32, #tpu.memory_space<vmem_shared>> -> memref<10240x128xf32, #tpu.memory_space<vmem_shared>>
        tpu.enqueue_indirect_dma source(%dma_start3A_174 : memref<128x128xf32, #tpu.memory_space<vmem>>) target(%dma_start3A_180 : memref<10240x128xf32, #tpu.memory_space<vmem_shared>>) offsets(%dma_start3A_177 : memref<128xi32, #tpu.memory_space<vmem>>) semaphore(%arg11 : memref<!tpu.dma_semaphore, #tpu.memory_space<semaphore_mem>>) {add = true}
        %add3A_181 = arith.constant 1 : i32
        %add3A_182 = arith.addi %mul3A_136, %add3A_181 : i32
        %dma_wait3A_183 = arith.constant 1 : i32
        %dma_wait3A_184 = arith.constant 0 : i32
        %dma_wait3A_185 = arith.constant 0 : i32
        %dma_wait3A_186 = tpu.memref_slice %arg8[%dma_wait3A_183, %dma_wait3A_184, %dma_wait3A_185] : memref<2x128x128xf32, #tpu.memory_space<vmem>> -> memref<1x128x128xf32, #tpu.memory_space<vmem>>
        %dma_wait3A_187 = tpu.memref_squeeze %dma_wait3A_186 : memref<1x128x128xf32, #tpu.memory_space<vmem>> -> memref<128x128xf32, #tpu.memory_space<vmem>>
        %dma_wait3A_188 = arith.constant 0 : i32
        %dma_wait3A_189 = tpu.memref_slice %arg6[%add3A_182, %dma_wait3A_188] : memref<16x128xi32, #tpu.memory_space<vmem>> -> memref<1x128xi32, #tpu.memory_space<vmem>>
        %dma_wait3A_190 = tpu.memref_squeeze %dma_wait3A_189 : memref<1x128xi32, #tpu.memory_space<vmem>> -> memref<128xi32, #tpu.memory_space<vmem>>
        %dma_wait3A_191 = arith.constant 0 : i32
        %dma_wait3A_192 = arith.constant 0 : i32
        %dma_wait3A_193 = tpu.memref_slice %arg2[%dma_wait3A_191, %dma_wait3A_192] : memref<10000x128xf32, #tpu.memory_space<hbm>> -> memref<10000x128xf32, #tpu.memory_space<hbm>>
        tpu.wait_indirect_dma semaphore(%arg10 : memref<!tpu.dma_semaphore, #tpu.memory_space<semaphore_mem>>) src(%dma_wait3A_193 : memref<10000x128xf32, #tpu.memory_space<hbm>>) dst(%dma_wait3A_187 : memref<128x128xf32, #tpu.memory_space<vmem>>)
        %add3A_194 = arith.constant 1 : i32
        %add3A_195 = arith.addi %mul3A_136, %add3A_194 : i32
        %dma_start3A_196 = arith.constant 1 : i32
        %dma_start3A_197 = arith.constant 0 : i32
        %dma_start3A_198 = arith.constant 0 : i32
        %dma_start3A_199 = tpu.memref_slice %arg8[%dma_start3A_196, %dma_start3A_197, %dma_start3A_198] : memref<2x128x128xf32, #tpu.memory_space<vmem>> -> memref<1x128x128xf32, #tpu.memory_space<vmem>>
        %dma_start3A_200 = tpu.memref_squeeze %dma_start3A_199 : memref<1x128x128xf32, #tpu.memory_space<vmem>> -> memref<128x128xf32, #tpu.memory_space<vmem>>
        %dma_start3A_201 = arith.constant 0 : i32
        %dma_start3A_202 = tpu.memref_slice %arg7[%add3A_195, %dma_start3A_201] : memref<16x128xi32, #tpu.memory_space<vmem>> -> memref<1x128xi32, #tpu.memory_space<vmem>>
        %dma_start3A_203 = tpu.memref_squeeze %dma_start3A_202 : memref<1x128xi32, #tpu.memory_space<vmem>> -> memref<128xi32, #tpu.memory_space<vmem>>
        %dma_start3A_204 = arith.constant 0 : i32
        %dma_start3A_205 = arith.constant 0 : i32
        %dma_start3A_206 = tpu.memref_slice %arg9[%dma_start3A_204, %dma_start3A_205] : memref<10240x128xf32, #tpu.memory_space<vmem_shared>> -> memref<10240x128xf32, #tpu.memory_space<vmem_shared>>
        tpu.enqueue_indirect_dma source(%dma_start3A_200 : memref<128x128xf32, #tpu.memory_space<vmem>>) target(%dma_start3A_206 : memref<10240x128xf32, #tpu.memory_space<vmem_shared>>) offsets(%dma_start3A_203 : memref<128xi32, #tpu.memory_space<vmem>>) semaphore(%arg11 : memref<!tpu.dma_semaphore, #tpu.memory_space<semaphore_mem>>) {add = true}
        %dma_wait3A_207 = arith.constant 0 : i32
        %dma_wait3A_208 = arith.constant 0 : i32
        %dma_wait3A_209 = arith.constant 0 : i32
        %dma_wait3A_210 = tpu.memref_slice %arg8[%dma_wait3A_207, %dma_wait3A_208, %dma_wait3A_209] : memref<2x128x128xf32, #tpu.memory_space<vmem>> -> memref<1x128x128xf32, #tpu.memory_space<vmem>>
        %dma_wait3A_211 = tpu.memref_squeeze %dma_wait3A_210 : memref<1x128x128xf32, #tpu.memory_space<vmem>> -> memref<128x128xf32, #tpu.memory_space<vmem>>
        %dma_wait3A_212 = arith.constant 0 : i32
        %dma_wait3A_213 = tpu.memref_slice %arg7[%mul3A_136, %dma_wait3A_212] : memref<16x128xi32, #tpu.memory_space<vmem>> -> memref<1x128xi32, #tpu.memory_space<vmem>>
        %dma_wait3A_214 = tpu.memref_squeeze %dma_wait3A_213 : memref<1x128xi32, #tpu.memory_space<vmem>> -> memref<128xi32, #tpu.memory_space<vmem>>
        %dma_wait3A_215 = arith.constant 0 : i32
        %dma_wait3A_216 = arith.constant 0 : i32
        %dma_wait3A_217 = tpu.memref_slice %arg9[%dma_wait3A_215, %dma_wait3A_216] : memref<10240x128xf32, #tpu.memory_space<vmem_shared>> -> memref<10240x128xf32, #tpu.memory_space<vmem_shared>>
        tpu.wait_indirect_dma semaphore(%arg11 : memref<!tpu.dma_semaphore, #tpu.memory_space<semaphore_mem>>) src(%dma_wait3A_211 : memref<128x128xf32, #tpu.memory_space<vmem>>) dst(%dma_wait3A_217 : memref<10240x128xf32, #tpu.memory_space<vmem_shared>>)
        %add3A_218 = arith.constant 1 : i32
        %add3A_219 = arith.addi %mul3A_136, %add3A_218 : i32
        %dma_wait3A_220 = arith.constant 1 : i32
        %dma_wait3A_221 = arith.constant 0 : i32
        %dma_wait3A_222 = arith.constant 0 : i32
        %dma_wait3A_223 = tpu.memref_slice %arg8[%dma_wait3A_220, %dma_wait3A_221, %dma_wait3A_222] : memref<2x128x128xf32, #tpu.memory_space<vmem>> -> memref<1x128x128xf32, #tpu.memory_space<vmem>>
        %dma_wait3A_224 = tpu.memref_squeeze %dma_wait3A_223 : memref<1x128x128xf32, #tpu.memory_space<vmem>> -> memref<128x128xf32, #tpu.memory_space<vmem>>
        %dma_wait3A_225 = arith.constant 0 : i32
        %dma_wait3A_226 = tpu.memref_slice %arg7[%add3A_219, %dma_wait3A_225] : memref<16x128xi32, #tpu.memory_space<vmem>> -> memref<1x128xi32, #tpu.memory_space<vmem>>
        %dma_wait3A_227 = tpu.memref_squeeze %dma_wait3A_226 : memref<1x128xi32, #tpu.memory_space<vmem>> -> memref<128xi32, #tpu.memory_space<vmem>>
        %dma_wait3A_228 = arith.constant 0 : i32
        %dma_wait3A_229 = arith.constant 0 : i32
        %dma_wait3A_230 = tpu.memref_slice %arg9[%dma_wait3A_228, %dma_wait3A_229] : memref<10240x128xf32, #tpu.memory_space<vmem_shared>> -> memref<10240x128xf32, #tpu.memory_space<vmem_shared>>
        tpu.wait_indirect_dma semaphore(%arg11 : memref<!tpu.dma_semaphore, #tpu.memory_space<semaphore_mem>>) src(%dma_wait3A_224 : memref<128x128xf32, #tpu.memory_space<vmem>>) dst(%dma_wait3A_230 : memref<10240x128xf32, #tpu.memory_space<vmem_shared>>)
      }
      %scan3A_87 = arith.constant 8 : i32
      %add3A_88 = arith.constant 48 : i32
      %add3A_89 = arith.addi %mul3A_66, %add3A_88 : i32
      "tpu.region"() ({
        %run_scoped3A_130 = tpu.sem_alloc : memref<!tpu.dma_semaphore, #tpu.memory_space<semaphore_mem>>
        %dma_start3A = arith.constant 0 : i32
        %dma_start3A_131 = tpu.memref_slice %arg3[%add3A_89, %dma_start3A] : memref<2560x128xi32, #tpu.memory_space<hbm>> -> memref<16x128xi32, #tpu.memory_space<hbm>>
        %dma_start3A_132 = arith.constant 0 : i32
        %dma_start3A_133 = tpu.memref_slice %arg3[%add3A_89, %dma_start3A_132] : memref<2560x128xi32, #tpu.memory_space<hbm>> -> memref<16x128xi32, #tpu.memory_space<hbm>>
        tpu.enqueue_dma source(%dma_start3A_133 : memref<16x128xi32, #tpu.memory_space<hbm>>) target(%arg6 : memref<16x128xi32, #tpu.memory_space<vmem>>) target_semaphore(%run_scoped3A_130 : memref<!tpu.dma_semaphore, #tpu.memory_space<semaphore_mem>>)
        %dma_wait3A = arith.constant 0 : i32
        %dma_wait3A_134 = tpu.memref_slice %arg3[%add3A_89, %dma_wait3A] : memref<2560x128xi32, #tpu.memory_space<hbm>> -> memref<16x128xi32, #tpu.memory_space<hbm>>
        %dma_wait3A_135 = arith.constant 0 : i32
        %dma_wait3A_136 = tpu.memref_slice %arg3[%add3A_89, %dma_wait3A_135] : memref<2560x128xi32, #tpu.memory_space<hbm>> -> memref<16x128xi32, #tpu.memory_space<hbm>>
        tpu.wait_dma2 semaphore(%run_scoped3A_130 : memref<!tpu.dma_semaphore, #tpu.memory_space<semaphore_mem>>) src(%dma_wait3A_136 : memref<16x128xi32, #tpu.memory_space<hbm>>) dst(%arg6 : memref<16x128xi32, #tpu.memory_space<vmem>>)
        tpu.yield
      }) : () -> ()
      "tpu.region"() ({
        %run_scoped3A_130 = tpu.sem_alloc : memref<!tpu.dma_semaphore, #tpu.memory_space<semaphore_mem>>
        %dma_start3A = arith.constant 0 : i32
        %dma_start3A_131 = tpu.memref_slice %arg4[%add3A_89, %dma_start3A] : memref<2560x128xi32, #tpu.memory_space<hbm>> -> memref<16x128xi32, #tpu.memory_space<hbm>>
        %dma_start3A_132 = arith.constant 0 : i32
        %dma_start3A_133 = tpu.memref_slice %arg4[%add3A_89, %dma_start3A_132] : memref<2560x128xi32, #tpu.memory_space<hbm>> -> memref<16x128xi32, #tpu.memory_space<hbm>>
        tpu.enqueue_dma source(%dma_start3A_133 : memref<16x128xi32, #tpu.memory_space<hbm>>) target(%arg7 : memref<16x128xi32, #tpu.memory_space<vmem>>) target_semaphore(%run_scoped3A_130 : memref<!tpu.dma_semaphore, #tpu.memory_space<semaphore_mem>>)
        %dma_wait3A = arith.constant 0 : i32
        %dma_wait3A_134 = tpu.memref_slice %arg4[%add3A_89, %dma_wait3A] : memref<2560x128xi32, #tpu.memory_space<hbm>> -> memref<16x128xi32, #tpu.memory_space<hbm>>
        %dma_wait3A_135 = arith.constant 0 : i32
        %dma_wait3A_136 = tpu.memref_slice %arg4[%add3A_89, %dma_wait3A_135] : memref<2560x128xi32, #tpu.memory_space<hbm>> -> memref<16x128xi32, #tpu.memory_space<hbm>>
        tpu.wait_dma2 semaphore(%run_scoped3A_130 : memref<!tpu.dma_semaphore, #tpu.memory_space<semaphore_mem>>) src(%dma_wait3A_136 : memref<16x128xi32, #tpu.memory_space<hbm>>) dst(%arg7 : memref<16x128xi32, #tpu.memory_space<vmem>>)
        tpu.yield
      }) : () -> ()
      %scan3A_90 = arith.constant 0 : i32
      %scan3A_91 = arith.constant 8 : i32
      %scan3A_92 = arith.addi %scan3A_90, %scan3A_91 : i32
      %scan3A_93 = arith.constant 1 : i32
      scf.for %scan3A_130 = %scan3A_90 to %scan3A_92 step %scan3A_93  : i32 {
        %mul3A_131 = arith.constant 1 : i32
        %mul3A_132 = arith.muli %scan3A_130, %mul3A_131 : i32
        %add3A_133 = arith.constant 0 : i32
        %add3A_134 = arith.addi %add3A_133, %mul3A_132 : i32
        %mul3A_135 = arith.constant 2 : i32
        %mul3A_136 = arith.muli %mul3A_135, %add3A_134 : i32
        %dma_start3A = arith.constant 0 : i32
        %dma_start3A_137 = arith.constant 0 : i32
        %dma_start3A_138 = arith.constant 0 : i32
        %dma_start3A_139 = tpu.memref_slice %arg8[%dma_start3A, %dma_start3A_137, %dma_start3A_138] : memref<2x128x128xf32, #tpu.memory_space<vmem>> -> memref<1x128x128xf32, #tpu.memory_space<vmem>>
        %dma_start3A_140 = tpu.memref_squeeze %dma_start3A_139 : memref<1x128x128xf32, #tpu.memory_space<vmem>> -> memref<128x128xf32, #tpu.memory_space<vmem>>
        %dma_start3A_141 = arith.constant 0 : i32
        %dma_start3A_142 = tpu.memref_slice %arg6[%mul3A_136, %dma_start3A_141] : memref<16x128xi32, #tpu.memory_space<vmem>> -> memref<1x128xi32, #tpu.memory_space<vmem>>
        %dma_start3A_143 = tpu.memref_squeeze %dma_start3A_142 : memref<1x128xi32, #tpu.memory_space<vmem>> -> memref<128xi32, #tpu.memory_space<vmem>>
        %dma_start3A_144 = arith.constant 0 : i32
        %dma_start3A_145 = arith.constant 0 : i32
        %dma_start3A_146 = tpu.memref_slice %arg2[%dma_start3A_144, %dma_start3A_145] : memref<10000x128xf32, #tpu.memory_space<hbm>> -> memref<10000x128xf32, #tpu.memory_space<hbm>>
        tpu.enqueue_indirect_dma source(%dma_start3A_146 : memref<10000x128xf32, #tpu.memory_space<hbm>>) target(%dma_start3A_140 : memref<128x128xf32, #tpu.memory_space<vmem>>) offsets(%dma_start3A_143 : memref<128xi32, #tpu.memory_space<vmem>>) semaphore(%arg10 : memref<!tpu.dma_semaphore, #tpu.memory_space<semaphore_mem>>)
        %add3A_147 = arith.constant 1 : i32
        %add3A_148 = arith.addi %mul3A_136, %add3A_147 : i32
        %dma_start3A_149 = arith.constant 1 : i32
        %dma_start3A_150 = arith.constant 0 : i32
        %dma_start3A_151 = arith.constant 0 : i32
        %dma_start3A_152 = tpu.memref_slice %arg8[%dma_start3A_149, %dma_start3A_150, %dma_start3A_151] : memref<2x128x128xf32, #tpu.memory_space<vmem>> -> memref<1x128x128xf32, #tpu.memory_space<vmem>>
        %dma_start3A_153 = tpu.memref_squeeze %dma_start3A_152 : memref<1x128x128xf32, #tpu.memory_space<vmem>> -> memref<128x128xf32, #tpu.memory_space<vmem>>
        %dma_start3A_154 = arith.constant 0 : i32
        %dma_start3A_155 = tpu.memref_slice %arg6[%add3A_148, %dma_start3A_154] : memref<16x128xi32, #tpu.memory_space<vmem>> -> memref<1x128xi32, #tpu.memory_space<vmem>>
        %dma_start3A_156 = tpu.memref_squeeze %dma_start3A_155 : memref<1x128xi32, #tpu.memory_space<vmem>> -> memref<128xi32, #tpu.memory_space<vmem>>
        %dma_start3A_157 = arith.constant 0 : i32
        %dma_start3A_158 = arith.constant 0 : i32
        %dma_start3A_159 = tpu.memref_slice %arg2[%dma_start3A_157, %dma_start3A_158] : memref<10000x128xf32, #tpu.memory_space<hbm>> -> memref<10000x128xf32, #tpu.memory_space<hbm>>
        tpu.enqueue_indirect_dma source(%dma_start3A_159 : memref<10000x128xf32, #tpu.memory_space<hbm>>) target(%dma_start3A_153 : memref<128x128xf32, #tpu.memory_space<vmem>>) offsets(%dma_start3A_156 : memref<128xi32, #tpu.memory_space<vmem>>) semaphore(%arg10 : memref<!tpu.dma_semaphore, #tpu.memory_space<semaphore_mem>>)
        %dma_wait3A = arith.constant 0 : i32
        %dma_wait3A_160 = arith.constant 0 : i32
        %dma_wait3A_161 = arith.constant 0 : i32
        %dma_wait3A_162 = tpu.memref_slice %arg8[%dma_wait3A, %dma_wait3A_160, %dma_wait3A_161] : memref<2x128x128xf32, #tpu.memory_space<vmem>> -> memref<1x128x128xf32, #tpu.memory_space<vmem>>
        %dma_wait3A_163 = tpu.memref_squeeze %dma_wait3A_162 : memref<1x128x128xf32, #tpu.memory_space<vmem>> -> memref<128x128xf32, #tpu.memory_space<vmem>>
        %dma_wait3A_164 = arith.constant 0 : i32
        %dma_wait3A_165 = tpu.memref_slice %arg6[%mul3A_136, %dma_wait3A_164] : memref<16x128xi32, #tpu.memory_space<vmem>> -> memref<1x128xi32, #tpu.memory_space<vmem>>
        %dma_wait3A_166 = tpu.memref_squeeze %dma_wait3A_165 : memref<1x128xi32, #tpu.memory_space<vmem>> -> memref<128xi32, #tpu.memory_space<vmem>>
        %dma_wait3A_167 = arith.constant 0 : i32
        %dma_wait3A_168 = arith.constant 0 : i32
        %dma_wait3A_169 = tpu.memref_slice %arg2[%dma_wait3A_167, %dma_wait3A_168] : memref<10000x128xf32, #tpu.memory_space<hbm>> -> memref<10000x128xf32, #tpu.memory_space<hbm>>
        tpu.wait_indirect_dma semaphore(%arg10 : memref<!tpu.dma_semaphore, #tpu.memory_space<semaphore_mem>>) src(%dma_wait3A_169 : memref<10000x128xf32, #tpu.memory_space<hbm>>) dst(%dma_wait3A_163 : memref<128x128xf32, #tpu.memory_space<vmem>>)
        %dma_start3A_170 = arith.constant 0 : i32
        %dma_start3A_171 = arith.constant 0 : i32
        %dma_start3A_172 = arith.constant 0 : i32
        %dma_start3A_173 = tpu.memref_slice %arg8[%dma_start3A_170, %dma_start3A_171, %dma_start3A_172] : memref<2x128x128xf32, #tpu.memory_space<vmem>> -> memref<1x128x128xf32, #tpu.memory_space<vmem>>
        %dma_start3A_174 = tpu.memref_squeeze %dma_start3A_173 : memref<1x128x128xf32, #tpu.memory_space<vmem>> -> memref<128x128xf32, #tpu.memory_space<vmem>>
        %dma_start3A_175 = arith.constant 0 : i32
        %dma_start3A_176 = tpu.memref_slice %arg7[%mul3A_136, %dma_start3A_175] : memref<16x128xi32, #tpu.memory_space<vmem>> -> memref<1x128xi32, #tpu.memory_space<vmem>>
        %dma_start3A_177 = tpu.memref_squeeze %dma_start3A_176 : memref<1x128xi32, #tpu.memory_space<vmem>> -> memref<128xi32, #tpu.memory_space<vmem>>
        %dma_start3A_178 = arith.constant 0 : i32
        %dma_start3A_179 = arith.constant 0 : i32
        %dma_start3A_180 = tpu.memref_slice %arg9[%dma_start3A_178, %dma_start3A_179] : memref<10240x128xf32, #tpu.memory_space<vmem_shared>> -> memref<10240x128xf32, #tpu.memory_space<vmem_shared>>
        tpu.enqueue_indirect_dma source(%dma_start3A_174 : memref<128x128xf32, #tpu.memory_space<vmem>>) target(%dma_start3A_180 : memref<10240x128xf32, #tpu.memory_space<vmem_shared>>) offsets(%dma_start3A_177 : memref<128xi32, #tpu.memory_space<vmem>>) semaphore(%arg11 : memref<!tpu.dma_semaphore, #tpu.memory_space<semaphore_mem>>) {add = true}
        %add3A_181 = arith.constant 1 : i32
        %add3A_182 = arith.addi %mul3A_136, %add3A_181 : i32
        %dma_wait3A_183 = arith.constant 1 : i32
        %dma_wait3A_184 = arith.constant 0 : i32
        %dma_wait3A_185 = arith.constant 0 : i32
        %dma_wait3A_186 = tpu.memref_slice %arg8[%dma_wait3A_183, %dma_wait3A_184, %dma_wait3A_185] : memref<2x128x128xf32, #tpu.memory_space<vmem>> -> memref<1x128x128xf32, #tpu.memory_space<vmem>>
        %dma_wait3A_187 = tpu.memref_squeeze %dma_wait3A_186 : memref<1x128x128xf32, #tpu.memory_space<vmem>> -> memref<128x128xf32, #tpu.memory_space<vmem>>
        %dma_wait3A_188 = arith.constant 0 : i32
        %dma_wait3A_189 = tpu.memref_slice %arg6[%add3A_182, %dma_wait3A_188] : memref<16x128xi32, #tpu.memory_space<vmem>> -> memref<1x128xi32, #tpu.memory_space<vmem>>
        %dma_wait3A_190 = tpu.memref_squeeze %dma_wait3A_189 : memref<1x128xi32, #tpu.memory_space<vmem>> -> memref<128xi32, #tpu.memory_space<vmem>>
        %dma_wait3A_191 = arith.constant 0 : i32
        %dma_wait3A_192 = arith.constant 0 : i32
        %dma_wait3A_193 = tpu.memref_slice %arg2[%dma_wait3A_191, %dma_wait3A_192] : memref<10000x128xf32, #tpu.memory_space<hbm>> -> memref<10000x128xf32, #tpu.memory_space<hbm>>
        tpu.wait_indirect_dma semaphore(%arg10 : memref<!tpu.dma_semaphore, #tpu.memory_space<semaphore_mem>>) src(%dma_wait3A_193 : memref<10000x128xf32, #tpu.memory_space<hbm>>) dst(%dma_wait3A_187 : memref<128x128xf32, #tpu.memory_space<vmem>>)
        %add3A_194 = arith.constant 1 : i32
        %add3A_195 = arith.addi %mul3A_136, %add3A_194 : i32
        %dma_start3A_196 = arith.constant 1 : i32
        %dma_start3A_197 = arith.constant 0 : i32
        %dma_start3A_198 = arith.constant 0 : i32
        %dma_start3A_199 = tpu.memref_slice %arg8[%dma_start3A_196, %dma_start3A_197, %dma_start3A_198] : memref<2x128x128xf32, #tpu.memory_space<vmem>> -> memref<1x128x128xf32, #tpu.memory_space<vmem>>
        %dma_start3A_200 = tpu.memref_squeeze %dma_start3A_199 : memref<1x128x128xf32, #tpu.memory_space<vmem>> -> memref<128x128xf32, #tpu.memory_space<vmem>>
        %dma_start3A_201 = arith.constant 0 : i32
        %dma_start3A_202 = tpu.memref_slice %arg7[%add3A_195, %dma_start3A_201] : memref<16x128xi32, #tpu.memory_space<vmem>> -> memref<1x128xi32, #tpu.memory_space<vmem>>
        %dma_start3A_203 = tpu.memref_squeeze %dma_start3A_202 : memref<1x128xi32, #tpu.memory_space<vmem>> -> memref<128xi32, #tpu.memory_space<vmem>>
        %dma_start3A_204 = arith.constant 0 : i32
        %dma_start3A_205 = arith.constant 0 : i32
        %dma_start3A_206 = tpu.memref_slice %arg9[%dma_start3A_204, %dma_start3A_205] : memref<10240x128xf32, #tpu.memory_space<vmem_shared>> -> memref<10240x128xf32, #tpu.memory_space<vmem_shared>>
        tpu.enqueue_indirect_dma source(%dma_start3A_200 : memref<128x128xf32, #tpu.memory_space<vmem>>) target(%dma_start3A_206 : memref<10240x128xf32, #tpu.memory_space<vmem_shared>>) offsets(%dma_start3A_203 : memref<128xi32, #tpu.memory_space<vmem>>) semaphore(%arg11 : memref<!tpu.dma_semaphore, #tpu.memory_space<semaphore_mem>>) {add = true}
        %dma_wait3A_207 = arith.constant 0 : i32
        %dma_wait3A_208 = arith.constant 0 : i32
        %dma_wait3A_209 = arith.constant 0 : i32
        %dma_wait3A_210 = tpu.memref_slice %arg8[%dma_wait3A_207, %dma_wait3A_208, %dma_wait3A_209] : memref<2x128x128xf32, #tpu.memory_space<vmem>> -> memref<1x128x128xf32, #tpu.memory_space<vmem>>
        %dma_wait3A_211 = tpu.memref_squeeze %dma_wait3A_210 : memref<1x128x128xf32, #tpu.memory_space<vmem>> -> memref<128x128xf32, #tpu.memory_space<vmem>>
        %dma_wait3A_212 = arith.constant 0 : i32
        %dma_wait3A_213 = tpu.memref_slice %arg7[%mul3A_136, %dma_wait3A_212] : memref<16x128xi32, #tpu.memory_space<vmem>> -> memref<1x128xi32, #tpu.memory_space<vmem>>
        %dma_wait3A_214 = tpu.memref_squeeze %dma_wait3A_213 : memref<1x128xi32, #tpu.memory_space<vmem>> -> memref<128xi32, #tpu.memory_space<vmem>>
        %dma_wait3A_215 = arith.constant 0 : i32
        %dma_wait3A_216 = arith.constant 0 : i32
        %dma_wait3A_217 = tpu.memref_slice %arg9[%dma_wait3A_215, %dma_wait3A_216] : memref<10240x128xf32, #tpu.memory_space<vmem_shared>> -> memref<10240x128xf32, #tpu.memory_space<vmem_shared>>
        tpu.wait_indirect_dma semaphore(%arg11 : memref<!tpu.dma_semaphore, #tpu.memory_space<semaphore_mem>>) src(%dma_wait3A_211 : memref<128x128xf32, #tpu.memory_space<vmem>>) dst(%dma_wait3A_217 : memref<10240x128xf32, #tpu.memory_space<vmem_shared>>)
        %add3A_218 = arith.constant 1 : i32
        %add3A_219 = arith.addi %mul3A_136, %add3A_218 : i32
        %dma_wait3A_220 = arith.constant 1 : i32
        %dma_wait3A_221 = arith.constant 0 : i32
        %dma_wait3A_222 = arith.constant 0 : i32
        %dma_wait3A_223 = tpu.memref_slice %arg8[%dma_wait3A_220, %dma_wait3A_221, %dma_wait3A_222] : memref<2x128x128xf32, #tpu.memory_space<vmem>> -> memref<1x128x128xf32, #tpu.memory_space<vmem>>
        %dma_wait3A_224 = tpu.memref_squeeze %dma_wait3A_223 : memref<1x128x128xf32, #tpu.memory_space<vmem>> -> memref<128x128xf32, #tpu.memory_space<vmem>>
        %dma_wait3A_225 = arith.constant 0 : i32
        %dma_wait3A_226 = tpu.memref_slice %arg7[%add3A_219, %dma_wait3A_225] : memref<16x128xi32, #tpu.memory_space<vmem>> -> memref<1x128xi32, #tpu.memory_space<vmem>>
        %dma_wait3A_227 = tpu.memref_squeeze %dma_wait3A_226 : memref<1x128xi32, #tpu.memory_space<vmem>> -> memref<128xi32, #tpu.memory_space<vmem>>
        %dma_wait3A_228 = arith.constant 0 : i32
        %dma_wait3A_229 = arith.constant 0 : i32
        %dma_wait3A_230 = tpu.memref_slice %arg9[%dma_wait3A_228, %dma_wait3A_229] : memref<10240x128xf32, #tpu.memory_space<vmem_shared>> -> memref<10240x128xf32, #tpu.memory_space<vmem_shared>>
        tpu.wait_indirect_dma semaphore(%arg11 : memref<!tpu.dma_semaphore, #tpu.memory_space<semaphore_mem>>) src(%dma_wait3A_224 : memref<128x128xf32, #tpu.memory_space<vmem>>) dst(%dma_wait3A_230 : memref<10240x128xf32, #tpu.memory_space<vmem_shared>>)
      }
      %scan3A_94 = arith.constant 8 : i32
      %add3A_95 = arith.constant 64 : i32
      %add3A_96 = arith.addi %mul3A_66, %add3A_95 : i32
      "tpu.region"() ({
        %run_scoped3A_130 = tpu.sem_alloc : memref<!tpu.dma_semaphore, #tpu.memory_space<semaphore_mem>>
        %dma_start3A = arith.constant 0 : i32
        %dma_start3A_131 = tpu.memref_slice %arg3[%add3A_96, %dma_start3A] : memref<2560x128xi32, #tpu.memory_space<hbm>> -> memref<16x128xi32, #tpu.memory_space<hbm>>
        %dma_start3A_132 = arith.constant 0 : i32
        %dma_start3A_133 = tpu.memref_slice %arg3[%add3A_96, %dma_start3A_132] : memref<2560x128xi32, #tpu.memory_space<hbm>> -> memref<16x128xi32, #tpu.memory_space<hbm>>
        tpu.enqueue_dma source(%dma_start3A_133 : memref<16x128xi32, #tpu.memory_space<hbm>>) target(%arg6 : memref<16x128xi32, #tpu.memory_space<vmem>>) target_semaphore(%run_scoped3A_130 : memref<!tpu.dma_semaphore, #tpu.memory_space<semaphore_mem>>)
        %dma_wait3A = arith.constant 0 : i32
        %dma_wait3A_134 = tpu.memref_slice %arg3[%add3A_96, %dma_wait3A] : memref<2560x128xi32, #tpu.memory_space<hbm>> -> memref<16x128xi32, #tpu.memory_space<hbm>>
        %dma_wait3A_135 = arith.constant 0 : i32
        %dma_wait3A_136 = tpu.memref_slice %arg3[%add3A_96, %dma_wait3A_135] : memref<2560x128xi32, #tpu.memory_space<hbm>> -> memref<16x128xi32, #tpu.memory_space<hbm>>
        tpu.wait_dma2 semaphore(%run_scoped3A_130 : memref<!tpu.dma_semaphore, #tpu.memory_space<semaphore_mem>>) src(%dma_wait3A_136 : memref<16x128xi32, #tpu.memory_space<hbm>>) dst(%arg6 : memref<16x128xi32, #tpu.memory_space<vmem>>)
        tpu.yield
      }) : () -> ()
      "tpu.region"() ({
        %run_scoped3A_130 = tpu.sem_alloc : memref<!tpu.dma_semaphore, #tpu.memory_space<semaphore_mem>>
        %dma_start3A = arith.constant 0 : i32
        %dma_start3A_131 = tpu.memref_slice %arg4[%add3A_96, %dma_start3A] : memref<2560x128xi32, #tpu.memory_space<hbm>> -> memref<16x128xi32, #tpu.memory_space<hbm>>
        %dma_start3A_132 = arith.constant 0 : i32
        %dma_start3A_133 = tpu.memref_slice %arg4[%add3A_96, %dma_start3A_132] : memref<2560x128xi32, #tpu.memory_space<hbm>> -> memref<16x128xi32, #tpu.memory_space<hbm>>
        tpu.enqueue_dma source(%dma_start3A_133 : memref<16x128xi32, #tpu.memory_space<hbm>>) target(%arg7 : memref<16x128xi32, #tpu.memory_space<vmem>>) target_semaphore(%run_scoped3A_130 : memref<!tpu.dma_semaphore, #tpu.memory_space<semaphore_mem>>)
        %dma_wait3A = arith.constant 0 : i32
        %dma_wait3A_134 = tpu.memref_slice %arg4[%add3A_96, %dma_wait3A] : memref<2560x128xi32, #tpu.memory_space<hbm>> -> memref<16x128xi32, #tpu.memory_space<hbm>>
        %dma_wait3A_135 = arith.constant 0 : i32
        %dma_wait3A_136 = tpu.memref_slice %arg4[%add3A_96, %dma_wait3A_135] : memref<2560x128xi32, #tpu.memory_space<hbm>> -> memref<16x128xi32, #tpu.memory_space<hbm>>
        tpu.wait_dma2 semaphore(%run_scoped3A_130 : memref<!tpu.dma_semaphore, #tpu.memory_space<semaphore_mem>>) src(%dma_wait3A_136 : memref<16x128xi32, #tpu.memory_space<hbm>>) dst(%arg7 : memref<16x128xi32, #tpu.memory_space<vmem>>)
        tpu.yield
      }) : () -> ()
      %scan3A_97 = arith.constant 0 : i32
      %scan3A_98 = arith.constant 8 : i32
      %scan3A_99 = arith.addi %scan3A_97, %scan3A_98 : i32
      %scan3A_100 = arith.constant 1 : i32
      scf.for %scan3A_130 = %scan3A_97 to %scan3A_99 step %scan3A_100  : i32 {
        %mul3A_131 = arith.constant 1 : i32
        %mul3A_132 = arith.muli %scan3A_130, %mul3A_131 : i32
        %add3A_133 = arith.constant 0 : i32
        %add3A_134 = arith.addi %add3A_133, %mul3A_132 : i32
        %mul3A_135 = arith.constant 2 : i32
        %mul3A_136 = arith.muli %mul3A_135, %add3A_134 : i32
        %dma_start3A = arith.constant 0 : i32
        %dma_start3A_137 = arith.constant 0 : i32
        %dma_start3A_138 = arith.constant 0 : i32
        %dma_start3A_139 = tpu.memref_slice %arg8[%dma_start3A, %dma_start3A_137, %dma_start3A_138] : memref<2x128x128xf32, #tpu.memory_space<vmem>> -> memref<1x128x128xf32, #tpu.memory_space<vmem>>
        %dma_start3A_140 = tpu.memref_squeeze %dma_start3A_139 : memref<1x128x128xf32, #tpu.memory_space<vmem>> -> memref<128x128xf32, #tpu.memory_space<vmem>>
        %dma_start3A_141 = arith.constant 0 : i32
        %dma_start3A_142 = tpu.memref_slice %arg6[%mul3A_136, %dma_start3A_141] : memref<16x128xi32, #tpu.memory_space<vmem>> -> memref<1x128xi32, #tpu.memory_space<vmem>>
        %dma_start3A_143 = tpu.memref_squeeze %dma_start3A_142 : memref<1x128xi32, #tpu.memory_space<vmem>> -> memref<128xi32, #tpu.memory_space<vmem>>
        %dma_start3A_144 = arith.constant 0 : i32
        %dma_start3A_145 = arith.constant 0 : i32
        %dma_start3A_146 = tpu.memref_slice %arg2[%dma_start3A_144, %dma_start3A_145] : memref<10000x128xf32, #tpu.memory_space<hbm>> -> memref<10000x128xf32, #tpu.memory_space<hbm>>
        tpu.enqueue_indirect_dma source(%dma_start3A_146 : memref<10000x128xf32, #tpu.memory_space<hbm>>) target(%dma_start3A_140 : memref<128x128xf32, #tpu.memory_space<vmem>>) offsets(%dma_start3A_143 : memref<128xi32, #tpu.memory_space<vmem>>) semaphore(%arg10 : memref<!tpu.dma_semaphore, #tpu.memory_space<semaphore_mem>>)
        %add3A_147 = arith.constant 1 : i32
        %add3A_148 = arith.addi %mul3A_136, %add3A_147 : i32
        %dma_start3A_149 = arith.constant 1 : i32
        %dma_start3A_150 = arith.constant 0 : i32
        %dma_start3A_151 = arith.constant 0 : i32
        %dma_start3A_152 = tpu.memref_slice %arg8[%dma_start3A_149, %dma_start3A_150, %dma_start3A_151] : memref<2x128x128xf32, #tpu.memory_space<vmem>> -> memref<1x128x128xf32, #tpu.memory_space<vmem>>
        %dma_start3A_153 = tpu.memref_squeeze %dma_start3A_152 : memref<1x128x128xf32, #tpu.memory_space<vmem>> -> memref<128x128xf32, #tpu.memory_space<vmem>>
        %dma_start3A_154 = arith.constant 0 : i32
        %dma_start3A_155 = tpu.memref_slice %arg6[%add3A_148, %dma_start3A_154] : memref<16x128xi32, #tpu.memory_space<vmem>> -> memref<1x128xi32, #tpu.memory_space<vmem>>
        %dma_start3A_156 = tpu.memref_squeeze %dma_start3A_155 : memref<1x128xi32, #tpu.memory_space<vmem>> -> memref<128xi32, #tpu.memory_space<vmem>>
        %dma_start3A_157 = arith.constant 0 : i32
        %dma_start3A_158 = arith.constant 0 : i32
        %dma_start3A_159 = tpu.memref_slice %arg2[%dma_start3A_157, %dma_start3A_158] : memref<10000x128xf32, #tpu.memory_space<hbm>> -> memref<10000x128xf32, #tpu.memory_space<hbm>>
        tpu.enqueue_indirect_dma source(%dma_start3A_159 : memref<10000x128xf32, #tpu.memory_space<hbm>>) target(%dma_start3A_153 : memref<128x128xf32, #tpu.memory_space<vmem>>) offsets(%dma_start3A_156 : memref<128xi32, #tpu.memory_space<vmem>>) semaphore(%arg10 : memref<!tpu.dma_semaphore, #tpu.memory_space<semaphore_mem>>)
        %dma_wait3A = arith.constant 0 : i32
        %dma_wait3A_160 = arith.constant 0 : i32
        %dma_wait3A_161 = arith.constant 0 : i32
        %dma_wait3A_162 = tpu.memref_slice %arg8[%dma_wait3A, %dma_wait3A_160, %dma_wait3A_161] : memref<2x128x128xf32, #tpu.memory_space<vmem>> -> memref<1x128x128xf32, #tpu.memory_space<vmem>>
        %dma_wait3A_163 = tpu.memref_squeeze %dma_wait3A_162 : memref<1x128x128xf32, #tpu.memory_space<vmem>> -> memref<128x128xf32, #tpu.memory_space<vmem>>
        %dma_wait3A_164 = arith.constant 0 : i32
        %dma_wait3A_165 = tpu.memref_slice %arg6[%mul3A_136, %dma_wait3A_164] : memref<16x128xi32, #tpu.memory_space<vmem>> -> memref<1x128xi32, #tpu.memory_space<vmem>>
        %dma_wait3A_166 = tpu.memref_squeeze %dma_wait3A_165 : memref<1x128xi32, #tpu.memory_space<vmem>> -> memref<128xi32, #tpu.memory_space<vmem>>
        %dma_wait3A_167 = arith.constant 0 : i32
        %dma_wait3A_168 = arith.constant 0 : i32
        %dma_wait3A_169 = tpu.memref_slice %arg2[%dma_wait3A_167, %dma_wait3A_168] : memref<10000x128xf32, #tpu.memory_space<hbm>> -> memref<10000x128xf32, #tpu.memory_space<hbm>>
        tpu.wait_indirect_dma semaphore(%arg10 : memref<!tpu.dma_semaphore, #tpu.memory_space<semaphore_mem>>) src(%dma_wait3A_169 : memref<10000x128xf32, #tpu.memory_space<hbm>>) dst(%dma_wait3A_163 : memref<128x128xf32, #tpu.memory_space<vmem>>)
        %dma_start3A_170 = arith.constant 0 : i32
        %dma_start3A_171 = arith.constant 0 : i32
        %dma_start3A_172 = arith.constant 0 : i32
        %dma_start3A_173 = tpu.memref_slice %arg8[%dma_start3A_170, %dma_start3A_171, %dma_start3A_172] : memref<2x128x128xf32, #tpu.memory_space<vmem>> -> memref<1x128x128xf32, #tpu.memory_space<vmem>>
        %dma_start3A_174 = tpu.memref_squeeze %dma_start3A_173 : memref<1x128x128xf32, #tpu.memory_space<vmem>> -> memref<128x128xf32, #tpu.memory_space<vmem>>
        %dma_start3A_175 = arith.constant 0 : i32
        %dma_start3A_176 = tpu.memref_slice %arg7[%mul3A_136, %dma_start3A_175] : memref<16x128xi32, #tpu.memory_space<vmem>> -> memref<1x128xi32, #tpu.memory_space<vmem>>
        %dma_start3A_177 = tpu.memref_squeeze %dma_start3A_176 : memref<1x128xi32, #tpu.memory_space<vmem>> -> memref<128xi32, #tpu.memory_space<vmem>>
        %dma_start3A_178 = arith.constant 0 : i32
        %dma_start3A_179 = arith.constant 0 : i32
        %dma_start3A_180 = tpu.memref_slice %arg9[%dma_start3A_178, %dma_start3A_179] : memref<10240x128xf32, #tpu.memory_space<vmem_shared>> -> memref<10240x128xf32, #tpu.memory_space<vmem_shared>>
        tpu.enqueue_indirect_dma source(%dma_start3A_174 : memref<128x128xf32, #tpu.memory_space<vmem>>) target(%dma_start3A_180 : memref<10240x128xf32, #tpu.memory_space<vmem_shared>>) offsets(%dma_start3A_177 : memref<128xi32, #tpu.memory_space<vmem>>) semaphore(%arg11 : memref<!tpu.dma_semaphore, #tpu.memory_space<semaphore_mem>>) {add = true}
        %add3A_181 = arith.constant 1 : i32
        %add3A_182 = arith.addi %mul3A_136, %add3A_181 : i32
        %dma_wait3A_183 = arith.constant 1 : i32
        %dma_wait3A_184 = arith.constant 0 : i32
        %dma_wait3A_185 = arith.constant 0 : i32
        %dma_wait3A_186 = tpu.memref_slice %arg8[%dma_wait3A_183, %dma_wait3A_184, %dma_wait3A_185] : memref<2x128x128xf32, #tpu.memory_space<vmem>> -> memref<1x128x128xf32, #tpu.memory_space<vmem>>
        %dma_wait3A_187 = tpu.memref_squeeze %dma_wait3A_186 : memref<1x128x128xf32, #tpu.memory_space<vmem>> -> memref<128x128xf32, #tpu.memory_space<vmem>>
        %dma_wait3A_188 = arith.constant 0 : i32
        %dma_wait3A_189 = tpu.memref_slice %arg6[%add3A_182, %dma_wait3A_188] : memref<16x128xi32, #tpu.memory_space<vmem>> -> memref<1x128xi32, #tpu.memory_space<vmem>>
        %dma_wait3A_190 = tpu.memref_squeeze %dma_wait3A_189 : memref<1x128xi32, #tpu.memory_space<vmem>> -> memref<128xi32, #tpu.memory_space<vmem>>
        %dma_wait3A_191 = arith.constant 0 : i32
        %dma_wait3A_192 = arith.constant 0 : i32
        %dma_wait3A_193 = tpu.memref_slice %arg2[%dma_wait3A_191, %dma_wait3A_192] : memref<10000x128xf32, #tpu.memory_space<hbm>> -> memref<10000x128xf32, #tpu.memory_space<hbm>>
        tpu.wait_indirect_dma semaphore(%arg10 : memref<!tpu.dma_semaphore, #tpu.memory_space<semaphore_mem>>) src(%dma_wait3A_193 : memref<10000x128xf32, #tpu.memory_space<hbm>>) dst(%dma_wait3A_187 : memref<128x128xf32, #tpu.memory_space<vmem>>)
        %add3A_194 = arith.constant 1 : i32
        %add3A_195 = arith.addi %mul3A_136, %add3A_194 : i32
        %dma_start3A_196 = arith.constant 1 : i32
        %dma_start3A_197 = arith.constant 0 : i32
        %dma_start3A_198 = arith.constant 0 : i32
        %dma_start3A_199 = tpu.memref_slice %arg8[%dma_start3A_196, %dma_start3A_197, %dma_start3A_198] : memref<2x128x128xf32, #tpu.memory_space<vmem>> -> memref<1x128x128xf32, #tpu.memory_space<vmem>>
        %dma_start3A_200 = tpu.memref_squeeze %dma_start3A_199 : memref<1x128x128xf32, #tpu.memory_space<vmem>> -> memref<128x128xf32, #tpu.memory_space<vmem>>
        %dma_start3A_201 = arith.constant 0 : i32
        %dma_start3A_202 = tpu.memref_slice %arg7[%add3A_195, %dma_start3A_201] : memref<16x128xi32, #tpu.memory_space<vmem>> -> memref<1x128xi32, #tpu.memory_space<vmem>>
        %dma_start3A_203 = tpu.memref_squeeze %dma_start3A_202 : memref<1x128xi32, #tpu.memory_space<vmem>> -> memref<128xi32, #tpu.memory_space<vmem>>
        %dma_start3A_204 = arith.constant 0 : i32
        %dma_start3A_205 = arith.constant 0 : i32
        %dma_start3A_206 = tpu.memref_slice %arg9[%dma_start3A_204, %dma_start3A_205] : memref<10240x128xf32, #tpu.memory_space<vmem_shared>> -> memref<10240x128xf32, #tpu.memory_space<vmem_shared>>
        tpu.enqueue_indirect_dma source(%dma_start3A_200 : memref<128x128xf32, #tpu.memory_space<vmem>>) target(%dma_start3A_206 : memref<10240x128xf32, #tpu.memory_space<vmem_shared>>) offsets(%dma_start3A_203 : memref<128xi32, #tpu.memory_space<vmem>>) semaphore(%arg11 : memref<!tpu.dma_semaphore, #tpu.memory_space<semaphore_mem>>) {add = true}
        %dma_wait3A_207 = arith.constant 0 : i32
        %dma_wait3A_208 = arith.constant 0 : i32
        %dma_wait3A_209 = arith.constant 0 : i32
        %dma_wait3A_210 = tpu.memref_slice %arg8[%dma_wait3A_207, %dma_wait3A_208, %dma_wait3A_209] : memref<2x128x128xf32, #tpu.memory_space<vmem>> -> memref<1x128x128xf32, #tpu.memory_space<vmem>>
        %dma_wait3A_211 = tpu.memref_squeeze %dma_wait3A_210 : memref<1x128x128xf32, #tpu.memory_space<vmem>> -> memref<128x128xf32, #tpu.memory_space<vmem>>
        %dma_wait3A_212 = arith.constant 0 : i32
        %dma_wait3A_213 = tpu.memref_slice %arg7[%mul3A_136, %dma_wait3A_212] : memref<16x128xi32, #tpu.memory_space<vmem>> -> memref<1x128xi32, #tpu.memory_space<vmem>>
        %dma_wait3A_214 = tpu.memref_squeeze %dma_wait3A_213 : memref<1x128xi32, #tpu.memory_space<vmem>> -> memref<128xi32, #tpu.memory_space<vmem>>
        %dma_wait3A_215 = arith.constant 0 : i32
        %dma_wait3A_216 = arith.constant 0 : i32
        %dma_wait3A_217 = tpu.memref_slice %arg9[%dma_wait3A_215, %dma_wait3A_216] : memref<10240x128xf32, #tpu.memory_space<vmem_shared>> -> memref<10240x128xf32, #tpu.memory_space<vmem_shared>>
        tpu.wait_indirect_dma semaphore(%arg11 : memref<!tpu.dma_semaphore, #tpu.memory_space<semaphore_mem>>) src(%dma_wait3A_211 : memref<128x128xf32, #tpu.memory_space<vmem>>) dst(%dma_wait3A_217 : memref<10240x128xf32, #tpu.memory_space<vmem_shared>>)
        %add3A_218 = arith.constant 1 : i32
        %add3A_219 = arith.addi %mul3A_136, %add3A_218 : i32
        %dma_wait3A_220 = arith.constant 1 : i32
        %dma_wait3A_221 = arith.constant 0 : i32
        %dma_wait3A_222 = arith.constant 0 : i32
        %dma_wait3A_223 = tpu.memref_slice %arg8[%dma_wait3A_220, %dma_wait3A_221, %dma_wait3A_222] : memref<2x128x128xf32, #tpu.memory_space<vmem>> -> memref<1x128x128xf32, #tpu.memory_space<vmem>>
        %dma_wait3A_224 = tpu.memref_squeeze %dma_wait3A_223 : memref<1x128x128xf32, #tpu.memory_space<vmem>> -> memref<128x128xf32, #tpu.memory_space<vmem>>
        %dma_wait3A_225 = arith.constant 0 : i32
        %dma_wait3A_226 = tpu.memref_slice %arg7[%add3A_219, %dma_wait3A_225] : memref<16x128xi32, #tpu.memory_space<vmem>> -> memref<1x128xi32, #tpu.memory_space<vmem>>
        %dma_wait3A_227 = tpu.memref_squeeze %dma_wait3A_226 : memref<1x128xi32, #tpu.memory_space<vmem>> -> memref<128xi32, #tpu.memory_space<vmem>>
        %dma_wait3A_228 = arith.constant 0 : i32
        %dma_wait3A_229 = arith.constant 0 : i32
        %dma_wait3A_230 = tpu.memref_slice %arg9[%dma_wait3A_228, %dma_wait3A_229] : memref<10240x128xf32, #tpu.memory_space<vmem_shared>> -> memref<10240x128xf32, #tpu.memory_space<vmem_shared>>
        tpu.wait_indirect_dma semaphore(%arg11 : memref<!tpu.dma_semaphore, #tpu.memory_space<semaphore_mem>>) src(%dma_wait3A_224 : memref<128x128xf32, #tpu.memory_space<vmem>>) dst(%dma_wait3A_230 : memref<10240x128xf32, #tpu.memory_space<vmem_shared>>)
      }
      %scan3A_101 = arith.constant 8 : i32
      %add3A_102 = arith.constant 80 : i32
      %add3A_103 = arith.addi %mul3A_66, %add3A_102 : i32
      "tpu.region"() ({
        %run_scoped3A_130 = tpu.sem_alloc : memref<!tpu.dma_semaphore, #tpu.memory_space<semaphore_mem>>
        %dma_start3A = arith.constant 0 : i32
        %dma_start3A_131 = tpu.memref_slice %arg3[%add3A_103, %dma_start3A] : memref<2560x128xi32, #tpu.memory_space<hbm>> -> memref<16x128xi32, #tpu.memory_space<hbm>>
        %dma_start3A_132 = arith.constant 0 : i32
        %dma_start3A_133 = tpu.memref_slice %arg3[%add3A_103, %dma_start3A_132] : memref<2560x128xi32, #tpu.memory_space<hbm>> -> memref<16x128xi32, #tpu.memory_space<hbm>>
        tpu.enqueue_dma source(%dma_start3A_133 : memref<16x128xi32, #tpu.memory_space<hbm>>) target(%arg6 : memref<16x128xi32, #tpu.memory_space<vmem>>) target_semaphore(%run_scoped3A_130 : memref<!tpu.dma_semaphore, #tpu.memory_space<semaphore_mem>>)
        %dma_wait3A = arith.constant 0 : i32
        %dma_wait3A_134 = tpu.memref_slice %arg3[%add3A_103, %dma_wait3A] : memref<2560x128xi32, #tpu.memory_space<hbm>> -> memref<16x128xi32, #tpu.memory_space<hbm>>
        %dma_wait3A_135 = arith.constant 0 : i32
        %dma_wait3A_136 = tpu.memref_slice %arg3[%add3A_103, %dma_wait3A_135] : memref<2560x128xi32, #tpu.memory_space<hbm>> -> memref<16x128xi32, #tpu.memory_space<hbm>>
        tpu.wait_dma2 semaphore(%run_scoped3A_130 : memref<!tpu.dma_semaphore, #tpu.memory_space<semaphore_mem>>) src(%dma_wait3A_136 : memref<16x128xi32, #tpu.memory_space<hbm>>) dst(%arg6 : memref<16x128xi32, #tpu.memory_space<vmem>>)
        tpu.yield
      }) : () -> ()
      "tpu.region"() ({
        %run_scoped3A_130 = tpu.sem_alloc : memref<!tpu.dma_semaphore, #tpu.memory_space<semaphore_mem>>
        %dma_start3A = arith.constant 0 : i32
        %dma_start3A_131 = tpu.memref_slice %arg4[%add3A_103, %dma_start3A] : memref<2560x128xi32, #tpu.memory_space<hbm>> -> memref<16x128xi32, #tpu.memory_space<hbm>>
        %dma_start3A_132 = arith.constant 0 : i32
        %dma_start3A_133 = tpu.memref_slice %arg4[%add3A_103, %dma_start3A_132] : memref<2560x128xi32, #tpu.memory_space<hbm>> -> memref<16x128xi32, #tpu.memory_space<hbm>>
        tpu.enqueue_dma source(%dma_start3A_133 : memref<16x128xi32, #tpu.memory_space<hbm>>) target(%arg7 : memref<16x128xi32, #tpu.memory_space<vmem>>) target_semaphore(%run_scoped3A_130 : memref<!tpu.dma_semaphore, #tpu.memory_space<semaphore_mem>>)
        %dma_wait3A = arith.constant 0 : i32
        %dma_wait3A_134 = tpu.memref_slice %arg4[%add3A_103, %dma_wait3A] : memref<2560x128xi32, #tpu.memory_space<hbm>> -> memref<16x128xi32, #tpu.memory_space<hbm>>
        %dma_wait3A_135 = arith.constant 0 : i32
        %dma_wait3A_136 = tpu.memref_slice %arg4[%add3A_103, %dma_wait3A_135] : memref<2560x128xi32, #tpu.memory_space<hbm>> -> memref<16x128xi32, #tpu.memory_space<hbm>>
        tpu.wait_dma2 semaphore(%run_scoped3A_130 : memref<!tpu.dma_semaphore, #tpu.memory_space<semaphore_mem>>) src(%dma_wait3A_136 : memref<16x128xi32, #tpu.memory_space<hbm>>) dst(%arg7 : memref<16x128xi32, #tpu.memory_space<vmem>>)
        tpu.yield
      }) : () -> ()
      %scan3A_104 = arith.constant 0 : i32
      %scan3A_105 = arith.constant 8 : i32
      %scan3A_106 = arith.addi %scan3A_104, %scan3A_105 : i32
      %scan3A_107 = arith.constant 1 : i32
      scf.for %scan3A_130 = %scan3A_104 to %scan3A_106 step %scan3A_107  : i32 {
        %mul3A_131 = arith.constant 1 : i32
        %mul3A_132 = arith.muli %scan3A_130, %mul3A_131 : i32
        %add3A_133 = arith.constant 0 : i32
        %add3A_134 = arith.addi %add3A_133, %mul3A_132 : i32
        %mul3A_135 = arith.constant 2 : i32
        %mul3A_136 = arith.muli %mul3A_135, %add3A_134 : i32
        %dma_start3A = arith.constant 0 : i32
        %dma_start3A_137 = arith.constant 0 : i32
        %dma_start3A_138 = arith.constant 0 : i32
        %dma_start3A_139 = tpu.memref_slice %arg8[%dma_start3A, %dma_start3A_137, %dma_start3A_138] : memref<2x128x128xf32, #tpu.memory_space<vmem>> -> memref<1x128x128xf32, #tpu.memory_space<vmem>>
        %dma_start3A_140 = tpu.memref_squeeze %dma_start3A_139 : memref<1x128x128xf32, #tpu.memory_space<vmem>> -> memref<128x128xf32, #tpu.memory_space<vmem>>
        %dma_start3A_141 = arith.constant 0 : i32
        %dma_start3A_142 = tpu.memref_slice %arg6[%mul3A_136, %dma_start3A_141] : memref<16x128xi32, #tpu.memory_space<vmem>> -> memref<1x128xi32, #tpu.memory_space<vmem>>
        %dma_start3A_143 = tpu.memref_squeeze %dma_start3A_142 : memref<1x128xi32, #tpu.memory_space<vmem>> -> memref<128xi32, #tpu.memory_space<vmem>>
        %dma_start3A_144 = arith.constant 0 : i32
        %dma_start3A_145 = arith.constant 0 : i32
        %dma_start3A_146 = tpu.memref_slice %arg2[%dma_start3A_144, %dma_start3A_145] : memref<10000x128xf32, #tpu.memory_space<hbm>> -> memref<10000x128xf32, #tpu.memory_space<hbm>>
        tpu.enqueue_indirect_dma source(%dma_start3A_146 : memref<10000x128xf32, #tpu.memory_space<hbm>>) target(%dma_start3A_140 : memref<128x128xf32, #tpu.memory_space<vmem>>) offsets(%dma_start3A_143 : memref<128xi32, #tpu.memory_space<vmem>>) semaphore(%arg10 : memref<!tpu.dma_semaphore, #tpu.memory_space<semaphore_mem>>)
        %add3A_147 = arith.constant 1 : i32
        %add3A_148 = arith.addi %mul3A_136, %add3A_147 : i32
        %dma_start3A_149 = arith.constant 1 : i32
        %dma_start3A_150 = arith.constant 0 : i32
        %dma_start3A_151 = arith.constant 0 : i32
        %dma_start3A_152 = tpu.memref_slice %arg8[%dma_start3A_149, %dma_start3A_150, %dma_start3A_151] : memref<2x128x128xf32, #tpu.memory_space<vmem>> -> memref<1x128x128xf32, #tpu.memory_space<vmem>>
        %dma_start3A_153 = tpu.memref_squeeze %dma_start3A_152 : memref<1x128x128xf32, #tpu.memory_space<vmem>> -> memref<128x128xf32, #tpu.memory_space<vmem>>
        %dma_start3A_154 = arith.constant 0 : i32
        %dma_start3A_155 = tpu.memref_slice %arg6[%add3A_148, %dma_start3A_154] : memref<16x128xi32, #tpu.memory_space<vmem>> -> memref<1x128xi32, #tpu.memory_space<vmem>>
        %dma_start3A_156 = tpu.memref_squeeze %dma_start3A_155 : memref<1x128xi32, #tpu.memory_space<vmem>> -> memref<128xi32, #tpu.memory_space<vmem>>
        %dma_start3A_157 = arith.constant 0 : i32
        %dma_start3A_158 = arith.constant 0 : i32
        %dma_start3A_159 = tpu.memref_slice %arg2[%dma_start3A_157, %dma_start3A_158] : memref<10000x128xf32, #tpu.memory_space<hbm>> -> memref<10000x128xf32, #tpu.memory_space<hbm>>
        tpu.enqueue_indirect_dma source(%dma_start3A_159 : memref<10000x128xf32, #tpu.memory_space<hbm>>) target(%dma_start3A_153 : memref<128x128xf32, #tpu.memory_space<vmem>>) offsets(%dma_start3A_156 : memref<128xi32, #tpu.memory_space<vmem>>) semaphore(%arg10 : memref<!tpu.dma_semaphore, #tpu.memory_space<semaphore_mem>>)
        %dma_wait3A = arith.constant 0 : i32
        %dma_wait3A_160 = arith.constant 0 : i32
        %dma_wait3A_161 = arith.constant 0 : i32
        %dma_wait3A_162 = tpu.memref_slice %arg8[%dma_wait3A, %dma_wait3A_160, %dma_wait3A_161] : memref<2x128x128xf32, #tpu.memory_space<vmem>> -> memref<1x128x128xf32, #tpu.memory_space<vmem>>
        %dma_wait3A_163 = tpu.memref_squeeze %dma_wait3A_162 : memref<1x128x128xf32, #tpu.memory_space<vmem>> -> memref<128x128xf32, #tpu.memory_space<vmem>>
        %dma_wait3A_164 = arith.constant 0 : i32
        %dma_wait3A_165 = tpu.memref_slice %arg6[%mul3A_136, %dma_wait3A_164] : memref<16x128xi32, #tpu.memory_space<vmem>> -> memref<1x128xi32, #tpu.memory_space<vmem>>
        %dma_wait3A_166 = tpu.memref_squeeze %dma_wait3A_165 : memref<1x128xi32, #tpu.memory_space<vmem>> -> memref<128xi32, #tpu.memory_space<vmem>>
        %dma_wait3A_167 = arith.constant 0 : i32
        %dma_wait3A_168 = arith.constant 0 : i32
        %dma_wait3A_169 = tpu.memref_slice %arg2[%dma_wait3A_167, %dma_wait3A_168] : memref<10000x128xf32, #tpu.memory_space<hbm>> -> memref<10000x128xf32, #tpu.memory_space<hbm>>
        tpu.wait_indirect_dma semaphore(%arg10 : memref<!tpu.dma_semaphore, #tpu.memory_space<semaphore_mem>>) src(%dma_wait3A_169 : memref<10000x128xf32, #tpu.memory_space<hbm>>) dst(%dma_wait3A_163 : memref<128x128xf32, #tpu.memory_space<vmem>>)
        %dma_start3A_170 = arith.constant 0 : i32
        %dma_start3A_171 = arith.constant 0 : i32
        %dma_start3A_172 = arith.constant 0 : i32
        %dma_start3A_173 = tpu.memref_slice %arg8[%dma_start3A_170, %dma_start3A_171, %dma_start3A_172] : memref<2x128x128xf32, #tpu.memory_space<vmem>> -> memref<1x128x128xf32, #tpu.memory_space<vmem>>
        %dma_start3A_174 = tpu.memref_squeeze %dma_start3A_173 : memref<1x128x128xf32, #tpu.memory_space<vmem>> -> memref<128x128xf32, #tpu.memory_space<vmem>>
        %dma_start3A_175 = arith.constant 0 : i32
        %dma_start3A_176 = tpu.memref_slice %arg7[%mul3A_136, %dma_start3A_175] : memref<16x128xi32, #tpu.memory_space<vmem>> -> memref<1x128xi32, #tpu.memory_space<vmem>>
        %dma_start3A_177 = tpu.memref_squeeze %dma_start3A_176 : memref<1x128xi32, #tpu.memory_space<vmem>> -> memref<128xi32, #tpu.memory_space<vmem>>
        %dma_start3A_178 = arith.constant 0 : i32
        %dma_start3A_179 = arith.constant 0 : i32
        %dma_start3A_180 = tpu.memref_slice %arg9[%dma_start3A_178, %dma_start3A_179] : memref<10240x128xf32, #tpu.memory_space<vmem_shared>> -> memref<10240x128xf32, #tpu.memory_space<vmem_shared>>
        tpu.enqueue_indirect_dma source(%dma_start3A_174 : memref<128x128xf32, #tpu.memory_space<vmem>>) target(%dma_start3A_180 : memref<10240x128xf32, #tpu.memory_space<vmem_shared>>) offsets(%dma_start3A_177 : memref<128xi32, #tpu.memory_space<vmem>>) semaphore(%arg11 : memref<!tpu.dma_semaphore, #tpu.memory_space<semaphore_mem>>) {add = true}
        %add3A_181 = arith.constant 1 : i32
        %add3A_182 = arith.addi %mul3A_136, %add3A_181 : i32
        %dma_wait3A_183 = arith.constant 1 : i32
        %dma_wait3A_184 = arith.constant 0 : i32
        %dma_wait3A_185 = arith.constant 0 : i32
        %dma_wait3A_186 = tpu.memref_slice %arg8[%dma_wait3A_183, %dma_wait3A_184, %dma_wait3A_185] : memref<2x128x128xf32, #tpu.memory_space<vmem>> -> memref<1x128x128xf32, #tpu.memory_space<vmem>>
        %dma_wait3A_187 = tpu.memref_squeeze %dma_wait3A_186 : memref<1x128x128xf32, #tpu.memory_space<vmem>> -> memref<128x128xf32, #tpu.memory_space<vmem>>
        %dma_wait3A_188 = arith.constant 0 : i32
        %dma_wait3A_189 = tpu.memref_slice %arg6[%add3A_182, %dma_wait3A_188] : memref<16x128xi32, #tpu.memory_space<vmem>> -> memref<1x128xi32, #tpu.memory_space<vmem>>
        %dma_wait3A_190 = tpu.memref_squeeze %dma_wait3A_189 : memref<1x128xi32, #tpu.memory_space<vmem>> -> memref<128xi32, #tpu.memory_space<vmem>>
        %dma_wait3A_191 = arith.constant 0 : i32
        %dma_wait3A_192 = arith.constant 0 : i32
        %dma_wait3A_193 = tpu.memref_slice %arg2[%dma_wait3A_191, %dma_wait3A_192] : memref<10000x128xf32, #tpu.memory_space<hbm>> -> memref<10000x128xf32, #tpu.memory_space<hbm>>
        tpu.wait_indirect_dma semaphore(%arg10 : memref<!tpu.dma_semaphore, #tpu.memory_space<semaphore_mem>>) src(%dma_wait3A_193 : memref<10000x128xf32, #tpu.memory_space<hbm>>) dst(%dma_wait3A_187 : memref<128x128xf32, #tpu.memory_space<vmem>>)
        %add3A_194 = arith.constant 1 : i32
        %add3A_195 = arith.addi %mul3A_136, %add3A_194 : i32
        %dma_start3A_196 = arith.constant 1 : i32
        %dma_start3A_197 = arith.constant 0 : i32
        %dma_start3A_198 = arith.constant 0 : i32
        %dma_start3A_199 = tpu.memref_slice %arg8[%dma_start3A_196, %dma_start3A_197, %dma_start3A_198] : memref<2x128x128xf32, #tpu.memory_space<vmem>> -> memref<1x128x128xf32, #tpu.memory_space<vmem>>
        %dma_start3A_200 = tpu.memref_squeeze %dma_start3A_199 : memref<1x128x128xf32, #tpu.memory_space<vmem>> -> memref<128x128xf32, #tpu.memory_space<vmem>>
        %dma_start3A_201 = arith.constant 0 : i32
        %dma_start3A_202 = tpu.memref_slice %arg7[%add3A_195, %dma_start3A_201] : memref<16x128xi32, #tpu.memory_space<vmem>> -> memref<1x128xi32, #tpu.memory_space<vmem>>
        %dma_start3A_203 = tpu.memref_squeeze %dma_start3A_202 : memref<1x128xi32, #tpu.memory_space<vmem>> -> memref<128xi32, #tpu.memory_space<vmem>>
        %dma_start3A_204 = arith.constant 0 : i32
        %dma_start3A_205 = arith.constant 0 : i32
        %dma_start3A_206 = tpu.memref_slice %arg9[%dma_start3A_204, %dma_start3A_205] : memref<10240x128xf32, #tpu.memory_space<vmem_shared>> -> memref<10240x128xf32, #tpu.memory_space<vmem_shared>>
        tpu.enqueue_indirect_dma source(%dma_start3A_200 : memref<128x128xf32, #tpu.memory_space<vmem>>) target(%dma_start3A_206 : memref<10240x128xf32, #tpu.memory_space<vmem_shared>>) offsets(%dma_start3A_203 : memref<128xi32, #tpu.memory_space<vmem>>) semaphore(%arg11 : memref<!tpu.dma_semaphore, #tpu.memory_space<semaphore_mem>>) {add = true}
        %dma_wait3A_207 = arith.constant 0 : i32
        %dma_wait3A_208 = arith.constant 0 : i32
        %dma_wait3A_209 = arith.constant 0 : i32
        %dma_wait3A_210 = tpu.memref_slice %arg8[%dma_wait3A_207, %dma_wait3A_208, %dma_wait3A_209] : memref<2x128x128xf32, #tpu.memory_space<vmem>> -> memref<1x128x128xf32, #tpu.memory_space<vmem>>
        %dma_wait3A_211 = tpu.memref_squeeze %dma_wait3A_210 : memref<1x128x128xf32, #tpu.memory_space<vmem>> -> memref<128x128xf32, #tpu.memory_space<vmem>>
        %dma_wait3A_212 = arith.constant 0 : i32
        %dma_wait3A_213 = tpu.memref_slice %arg7[%mul3A_136, %dma_wait3A_212] : memref<16x128xi32, #tpu.memory_space<vmem>> -> memref<1x128xi32, #tpu.memory_space<vmem>>
        %dma_wait3A_214 = tpu.memref_squeeze %dma_wait3A_213 : memref<1x128xi32, #tpu.memory_space<vmem>> -> memref<128xi32, #tpu.memory_space<vmem>>
        %dma_wait3A_215 = arith.constant 0 : i32
        %dma_wait3A_216 = arith.constant 0 : i32
        %dma_wait3A_217 = tpu.memref_slice %arg9[%dma_wait3A_215, %dma_wait3A_216] : memref<10240x128xf32, #tpu.memory_space<vmem_shared>> -> memref<10240x128xf32, #tpu.memory_space<vmem_shared>>
        tpu.wait_indirect_dma semaphore(%arg11 : memref<!tpu.dma_semaphore, #tpu.memory_space<semaphore_mem>>) src(%dma_wait3A_211 : memref<128x128xf32, #tpu.memory_space<vmem>>) dst(%dma_wait3A_217 : memref<10240x128xf32, #tpu.memory_space<vmem_shared>>)
        %add3A_218 = arith.constant 1 : i32
        %add3A_219 = arith.addi %mul3A_136, %add3A_218 : i32
        %dma_wait3A_220 = arith.constant 1 : i32
        %dma_wait3A_221 = arith.constant 0 : i32
        %dma_wait3A_222 = arith.constant 0 : i32
        %dma_wait3A_223 = tpu.memref_slice %arg8[%dma_wait3A_220, %dma_wait3A_221, %dma_wait3A_222] : memref<2x128x128xf32, #tpu.memory_space<vmem>> -> memref<1x128x128xf32, #tpu.memory_space<vmem>>
        %dma_wait3A_224 = tpu.memref_squeeze %dma_wait3A_223 : memref<1x128x128xf32, #tpu.memory_space<vmem>> -> memref<128x128xf32, #tpu.memory_space<vmem>>
        %dma_wait3A_225 = arith.constant 0 : i32
        %dma_wait3A_226 = tpu.memref_slice %arg7[%add3A_219, %dma_wait3A_225] : memref<16x128xi32, #tpu.memory_space<vmem>> -> memref<1x128xi32, #tpu.memory_space<vmem>>
        %dma_wait3A_227 = tpu.memref_squeeze %dma_wait3A_226 : memref<1x128xi32, #tpu.memory_space<vmem>> -> memref<128xi32, #tpu.memory_space<vmem>>
        %dma_wait3A_228 = arith.constant 0 : i32
        %dma_wait3A_229 = arith.constant 0 : i32
        %dma_wait3A_230 = tpu.memref_slice %arg9[%dma_wait3A_228, %dma_wait3A_229] : memref<10240x128xf32, #tpu.memory_space<vmem_shared>> -> memref<10240x128xf32, #tpu.memory_space<vmem_shared>>
        tpu.wait_indirect_dma semaphore(%arg11 : memref<!tpu.dma_semaphore, #tpu.memory_space<semaphore_mem>>) src(%dma_wait3A_224 : memref<128x128xf32, #tpu.memory_space<vmem>>) dst(%dma_wait3A_230 : memref<10240x128xf32, #tpu.memory_space<vmem_shared>>)
      }
      %scan3A_108 = arith.constant 8 : i32
      %add3A_109 = arith.constant 96 : i32
      %add3A_110 = arith.addi %mul3A_66, %add3A_109 : i32
      "tpu.region"() ({
        %run_scoped3A_130 = tpu.sem_alloc : memref<!tpu.dma_semaphore, #tpu.memory_space<semaphore_mem>>
        %dma_start3A = arith.constant 0 : i32
        %dma_start3A_131 = tpu.memref_slice %arg3[%add3A_110, %dma_start3A] : memref<2560x128xi32, #tpu.memory_space<hbm>> -> memref<16x128xi32, #tpu.memory_space<hbm>>
        %dma_start3A_132 = arith.constant 0 : i32
        %dma_start3A_133 = tpu.memref_slice %arg3[%add3A_110, %dma_start3A_132] : memref<2560x128xi32, #tpu.memory_space<hbm>> -> memref<16x128xi32, #tpu.memory_space<hbm>>
        tpu.enqueue_dma source(%dma_start3A_133 : memref<16x128xi32, #tpu.memory_space<hbm>>) target(%arg6 : memref<16x128xi32, #tpu.memory_space<vmem>>) target_semaphore(%run_scoped3A_130 : memref<!tpu.dma_semaphore, #tpu.memory_space<semaphore_mem>>)
        %dma_wait3A = arith.constant 0 : i32
        %dma_wait3A_134 = tpu.memref_slice %arg3[%add3A_110, %dma_wait3A] : memref<2560x128xi32, #tpu.memory_space<hbm>> -> memref<16x128xi32, #tpu.memory_space<hbm>>
        %dma_wait3A_135 = arith.constant 0 : i32
        %dma_wait3A_136 = tpu.memref_slice %arg3[%add3A_110, %dma_wait3A_135] : memref<2560x128xi32, #tpu.memory_space<hbm>> -> memref<16x128xi32, #tpu.memory_space<hbm>>
        tpu.wait_dma2 semaphore(%run_scoped3A_130 : memref<!tpu.dma_semaphore, #tpu.memory_space<semaphore_mem>>) src(%dma_wait3A_136 : memref<16x128xi32, #tpu.memory_space<hbm>>) dst(%arg6 : memref<16x128xi32, #tpu.memory_space<vmem>>)
        tpu.yield
      }) : () -> ()
      "tpu.region"() ({
        %run_scoped3A_130 = tpu.sem_alloc : memref<!tpu.dma_semaphore, #tpu.memory_space<semaphore_mem>>
        %dma_start3A = arith.constant 0 : i32
        %dma_start3A_131 = tpu.memref_slice %arg4[%add3A_110, %dma_start3A] : memref<2560x128xi32, #tpu.memory_space<hbm>> -> memref<16x128xi32, #tpu.memory_space<hbm>>
        %dma_start3A_132 = arith.constant 0 : i32
        %dma_start3A_133 = tpu.memref_slice %arg4[%add3A_110, %dma_start3A_132] : memref<2560x128xi32, #tpu.memory_space<hbm>> -> memref<16x128xi32, #tpu.memory_space<hbm>>
        tpu.enqueue_dma source(%dma_start3A_133 : memref<16x128xi32, #tpu.memory_space<hbm>>) target(%arg7 : memref<16x128xi32, #tpu.memory_space<vmem>>) target_semaphore(%run_scoped3A_130 : memref<!tpu.dma_semaphore, #tpu.memory_space<semaphore_mem>>)
        %dma_wait3A = arith.constant 0 : i32
        %dma_wait3A_134 = tpu.memref_slice %arg4[%add3A_110, %dma_wait3A] : memref<2560x128xi32, #tpu.memory_space<hbm>> -> memref<16x128xi32, #tpu.memory_space<hbm>>
        %dma_wait3A_135 = arith.constant 0 : i32
        %dma_wait3A_136 = tpu.memref_slice %arg4[%add3A_110, %dma_wait3A_135] : memref<2560x128xi32, #tpu.memory_space<hbm>> -> memref<16x128xi32, #tpu.memory_space<hbm>>
        tpu.wait_dma2 semaphore(%run_scoped3A_130 : memref<!tpu.dma_semaphore, #tpu.memory_space<semaphore_mem>>) src(%dma_wait3A_136 : memref<16x128xi32, #tpu.memory_space<hbm>>) dst(%arg7 : memref<16x128xi32, #tpu.memory_space<vmem>>)
        tpu.yield
      }) : () -> ()
      %scan3A_111 = arith.constant 0 : i32
      %scan3A_112 = arith.constant 8 : i32
      %scan3A_113 = arith.addi %scan3A_111, %scan3A_112 : i32
      %scan3A_114 = arith.constant 1 : i32
      scf.for %scan3A_130 = %scan3A_111 to %scan3A_113 step %scan3A_114  : i32 {
        %mul3A_131 = arith.constant 1 : i32
        %mul3A_132 = arith.muli %scan3A_130, %mul3A_131 : i32
        %add3A_133 = arith.constant 0 : i32
        %add3A_134 = arith.addi %add3A_133, %mul3A_132 : i32
        %mul3A_135 = arith.constant 2 : i32
        %mul3A_136 = arith.muli %mul3A_135, %add3A_134 : i32
        %dma_start3A = arith.constant 0 : i32
        %dma_start3A_137 = arith.constant 0 : i32
        %dma_start3A_138 = arith.constant 0 : i32
        %dma_start3A_139 = tpu.memref_slice %arg8[%dma_start3A, %dma_start3A_137, %dma_start3A_138] : memref<2x128x128xf32, #tpu.memory_space<vmem>> -> memref<1x128x128xf32, #tpu.memory_space<vmem>>
        %dma_start3A_140 = tpu.memref_squeeze %dma_start3A_139 : memref<1x128x128xf32, #tpu.memory_space<vmem>> -> memref<128x128xf32, #tpu.memory_space<vmem>>
        %dma_start3A_141 = arith.constant 0 : i32
        %dma_start3A_142 = tpu.memref_slice %arg6[%mul3A_136, %dma_start3A_141] : memref<16x128xi32, #tpu.memory_space<vmem>> -> memref<1x128xi32, #tpu.memory_space<vmem>>
        %dma_start3A_143 = tpu.memref_squeeze %dma_start3A_142 : memref<1x128xi32, #tpu.memory_space<vmem>> -> memref<128xi32, #tpu.memory_space<vmem>>
        %dma_start3A_144 = arith.constant 0 : i32
        %dma_start3A_145 = arith.constant 0 : i32
        %dma_start3A_146 = tpu.memref_slice %arg2[%dma_start3A_144, %dma_start3A_145] : memref<10000x128xf32, #tpu.memory_space<hbm>> -> memref<10000x128xf32, #tpu.memory_space<hbm>>
        tpu.enqueue_indirect_dma source(%dma_start3A_146 : memref<10000x128xf32, #tpu.memory_space<hbm>>) target(%dma_start3A_140 : memref<128x128xf32, #tpu.memory_space<vmem>>) offsets(%dma_start3A_143 : memref<128xi32, #tpu.memory_space<vmem>>) semaphore(%arg10 : memref<!tpu.dma_semaphore, #tpu.memory_space<semaphore_mem>>)
        %add3A_147 = arith.constant 1 : i32
        %add3A_148 = arith.addi %mul3A_136, %add3A_147 : i32
        %dma_start3A_149 = arith.constant 1 : i32
        %dma_start3A_150 = arith.constant 0 : i32
        %dma_start3A_151 = arith.constant 0 : i32
        %dma_start3A_152 = tpu.memref_slice %arg8[%dma_start3A_149, %dma_start3A_150, %dma_start3A_151] : memref<2x128x128xf32, #tpu.memory_space<vmem>> -> memref<1x128x128xf32, #tpu.memory_space<vmem>>
        %dma_start3A_153 = tpu.memref_squeeze %dma_start3A_152 : memref<1x128x128xf32, #tpu.memory_space<vmem>> -> memref<128x128xf32, #tpu.memory_space<vmem>>
        %dma_start3A_154 = arith.constant 0 : i32
        %dma_start3A_155 = tpu.memref_slice %arg6[%add3A_148, %dma_start3A_154] : memref<16x128xi32, #tpu.memory_space<vmem>> -> memref<1x128xi32, #tpu.memory_space<vmem>>
        %dma_start3A_156 = tpu.memref_squeeze %dma_start3A_155 : memref<1x128xi32, #tpu.memory_space<vmem>> -> memref<128xi32, #tpu.memory_space<vmem>>
        %dma_start3A_157 = arith.constant 0 : i32
        %dma_start3A_158 = arith.constant 0 : i32
        %dma_start3A_159 = tpu.memref_slice %arg2[%dma_start3A_157, %dma_start3A_158] : memref<10000x128xf32, #tpu.memory_space<hbm>> -> memref<10000x128xf32, #tpu.memory_space<hbm>>
        tpu.enqueue_indirect_dma source(%dma_start3A_159 : memref<10000x128xf32, #tpu.memory_space<hbm>>) target(%dma_start3A_153 : memref<128x128xf32, #tpu.memory_space<vmem>>) offsets(%dma_start3A_156 : memref<128xi32, #tpu.memory_space<vmem>>) semaphore(%arg10 : memref<!tpu.dma_semaphore, #tpu.memory_space<semaphore_mem>>)
        %dma_wait3A = arith.constant 0 : i32
        %dma_wait3A_160 = arith.constant 0 : i32
        %dma_wait3A_161 = arith.constant 0 : i32
        %dma_wait3A_162 = tpu.memref_slice %arg8[%dma_wait3A, %dma_wait3A_160, %dma_wait3A_161] : memref<2x128x128xf32, #tpu.memory_space<vmem>> -> memref<1x128x128xf32, #tpu.memory_space<vmem>>
        %dma_wait3A_163 = tpu.memref_squeeze %dma_wait3A_162 : memref<1x128x128xf32, #tpu.memory_space<vmem>> -> memref<128x128xf32, #tpu.memory_space<vmem>>
        %dma_wait3A_164 = arith.constant 0 : i32
        %dma_wait3A_165 = tpu.memref_slice %arg6[%mul3A_136, %dma_wait3A_164] : memref<16x128xi32, #tpu.memory_space<vmem>> -> memref<1x128xi32, #tpu.memory_space<vmem>>
        %dma_wait3A_166 = tpu.memref_squeeze %dma_wait3A_165 : memref<1x128xi32, #tpu.memory_space<vmem>> -> memref<128xi32, #tpu.memory_space<vmem>>
        %dma_wait3A_167 = arith.constant 0 : i32
        %dma_wait3A_168 = arith.constant 0 : i32
        %dma_wait3A_169 = tpu.memref_slice %arg2[%dma_wait3A_167, %dma_wait3A_168] : memref<10000x128xf32, #tpu.memory_space<hbm>> -> memref<10000x128xf32, #tpu.memory_space<hbm>>
        tpu.wait_indirect_dma semaphore(%arg10 : memref<!tpu.dma_semaphore, #tpu.memory_space<semaphore_mem>>) src(%dma_wait3A_169 : memref<10000x128xf32, #tpu.memory_space<hbm>>) dst(%dma_wait3A_163 : memref<128x128xf32, #tpu.memory_space<vmem>>)
        %dma_start3A_170 = arith.constant 0 : i32
        %dma_start3A_171 = arith.constant 0 : i32
        %dma_start3A_172 = arith.constant 0 : i32
        %dma_start3A_173 = tpu.memref_slice %arg8[%dma_start3A_170, %dma_start3A_171, %dma_start3A_172] : memref<2x128x128xf32, #tpu.memory_space<vmem>> -> memref<1x128x128xf32, #tpu.memory_space<vmem>>
        %dma_start3A_174 = tpu.memref_squeeze %dma_start3A_173 : memref<1x128x128xf32, #tpu.memory_space<vmem>> -> memref<128x128xf32, #tpu.memory_space<vmem>>
        %dma_start3A_175 = arith.constant 0 : i32
        %dma_start3A_176 = tpu.memref_slice %arg7[%mul3A_136, %dma_start3A_175] : memref<16x128xi32, #tpu.memory_space<vmem>> -> memref<1x128xi32, #tpu.memory_space<vmem>>
        %dma_start3A_177 = tpu.memref_squeeze %dma_start3A_176 : memref<1x128xi32, #tpu.memory_space<vmem>> -> memref<128xi32, #tpu.memory_space<vmem>>
        %dma_start3A_178 = arith.constant 0 : i32
        %dma_start3A_179 = arith.constant 0 : i32
        %dma_start3A_180 = tpu.memref_slice %arg9[%dma_start3A_178, %dma_start3A_179] : memref<10240x128xf32, #tpu.memory_space<vmem_shared>> -> memref<10240x128xf32, #tpu.memory_space<vmem_shared>>
        tpu.enqueue_indirect_dma source(%dma_start3A_174 : memref<128x128xf32, #tpu.memory_space<vmem>>) target(%dma_start3A_180 : memref<10240x128xf32, #tpu.memory_space<vmem_shared>>) offsets(%dma_start3A_177 : memref<128xi32, #tpu.memory_space<vmem>>) semaphore(%arg11 : memref<!tpu.dma_semaphore, #tpu.memory_space<semaphore_mem>>) {add = true}
        %add3A_181 = arith.constant 1 : i32
        %add3A_182 = arith.addi %mul3A_136, %add3A_181 : i32
        %dma_wait3A_183 = arith.constant 1 : i32
        %dma_wait3A_184 = arith.constant 0 : i32
        %dma_wait3A_185 = arith.constant 0 : i32
        %dma_wait3A_186 = tpu.memref_slice %arg8[%dma_wait3A_183, %dma_wait3A_184, %dma_wait3A_185] : memref<2x128x128xf32, #tpu.memory_space<vmem>> -> memref<1x128x128xf32, #tpu.memory_space<vmem>>
        %dma_wait3A_187 = tpu.memref_squeeze %dma_wait3A_186 : memref<1x128x128xf32, #tpu.memory_space<vmem>> -> memref<128x128xf32, #tpu.memory_space<vmem>>
        %dma_wait3A_188 = arith.constant 0 : i32
        %dma_wait3A_189 = tpu.memref_slice %arg6[%add3A_182, %dma_wait3A_188] : memref<16x128xi32, #tpu.memory_space<vmem>> -> memref<1x128xi32, #tpu.memory_space<vmem>>
        %dma_wait3A_190 = tpu.memref_squeeze %dma_wait3A_189 : memref<1x128xi32, #tpu.memory_space<vmem>> -> memref<128xi32, #tpu.memory_space<vmem>>
        %dma_wait3A_191 = arith.constant 0 : i32
        %dma_wait3A_192 = arith.constant 0 : i32
        %dma_wait3A_193 = tpu.memref_slice %arg2[%dma_wait3A_191, %dma_wait3A_192] : memref<10000x128xf32, #tpu.memory_space<hbm>> -> memref<10000x128xf32, #tpu.memory_space<hbm>>
        tpu.wait_indirect_dma semaphore(%arg10 : memref<!tpu.dma_semaphore, #tpu.memory_space<semaphore_mem>>) src(%dma_wait3A_193 : memref<10000x128xf32, #tpu.memory_space<hbm>>) dst(%dma_wait3A_187 : memref<128x128xf32, #tpu.memory_space<vmem>>)
        %add3A_194 = arith.constant 1 : i32
        %add3A_195 = arith.addi %mul3A_136, %add3A_194 : i32
        %dma_start3A_196 = arith.constant 1 : i32
        %dma_start3A_197 = arith.constant 0 : i32
        %dma_start3A_198 = arith.constant 0 : i32
        %dma_start3A_199 = tpu.memref_slice %arg8[%dma_start3A_196, %dma_start3A_197, %dma_start3A_198] : memref<2x128x128xf32, #tpu.memory_space<vmem>> -> memref<1x128x128xf32, #tpu.memory_space<vmem>>
        %dma_start3A_200 = tpu.memref_squeeze %dma_start3A_199 : memref<1x128x128xf32, #tpu.memory_space<vmem>> -> memref<128x128xf32, #tpu.memory_space<vmem>>
        %dma_start3A_201 = arith.constant 0 : i32
        %dma_start3A_202 = tpu.memref_slice %arg7[%add3A_195, %dma_start3A_201] : memref<16x128xi32, #tpu.memory_space<vmem>> -> memref<1x128xi32, #tpu.memory_space<vmem>>
        %dma_start3A_203 = tpu.memref_squeeze %dma_start3A_202 : memref<1x128xi32, #tpu.memory_space<vmem>> -> memref<128xi32, #tpu.memory_space<vmem>>
        %dma_start3A_204 = arith.constant 0 : i32
        %dma_start3A_205 = arith.constant 0 : i32
        %dma_start3A_206 = tpu.memref_slice %arg9[%dma_start3A_204, %dma_start3A_205] : memref<10240x128xf32, #tpu.memory_space<vmem_shared>> -> memref<10240x128xf32, #tpu.memory_space<vmem_shared>>
        tpu.enqueue_indirect_dma source(%dma_start3A_200 : memref<128x128xf32, #tpu.memory_space<vmem>>) target(%dma_start3A_206 : memref<10240x128xf32, #tpu.memory_space<vmem_shared>>) offsets(%dma_start3A_203 : memref<128xi32, #tpu.memory_space<vmem>>) semaphore(%arg11 : memref<!tpu.dma_semaphore, #tpu.memory_space<semaphore_mem>>) {add = true}
        %dma_wait3A_207 = arith.constant 0 : i32
        %dma_wait3A_208 = arith.constant 0 : i32
        %dma_wait3A_209 = arith.constant 0 : i32
        %dma_wait3A_210 = tpu.memref_slice %arg8[%dma_wait3A_207, %dma_wait3A_208, %dma_wait3A_209] : memref<2x128x128xf32, #tpu.memory_space<vmem>> -> memref<1x128x128xf32, #tpu.memory_space<vmem>>
        %dma_wait3A_211 = tpu.memref_squeeze %dma_wait3A_210 : memref<1x128x128xf32, #tpu.memory_space<vmem>> -> memref<128x128xf32, #tpu.memory_space<vmem>>
        %dma_wait3A_212 = arith.constant 0 : i32
        %dma_wait3A_213 = tpu.memref_slice %arg7[%mul3A_136, %dma_wait3A_212] : memref<16x128xi32, #tpu.memory_space<vmem>> -> memref<1x128xi32, #tpu.memory_space<vmem>>
        %dma_wait3A_214 = tpu.memref_squeeze %dma_wait3A_213 : memref<1x128xi32, #tpu.memory_space<vmem>> -> memref<128xi32, #tpu.memory_space<vmem>>
        %dma_wait3A_215 = arith.constant 0 : i32
        %dma_wait3A_216 = arith.constant 0 : i32
        %dma_wait3A_217 = tpu.memref_slice %arg9[%dma_wait3A_215, %dma_wait3A_216] : memref<10240x128xf32, #tpu.memory_space<vmem_shared>> -> memref<10240x128xf32, #tpu.memory_space<vmem_shared>>
        tpu.wait_indirect_dma semaphore(%arg11 : memref<!tpu.dma_semaphore, #tpu.memory_space<semaphore_mem>>) src(%dma_wait3A_211 : memref<128x128xf32, #tpu.memory_space<vmem>>) dst(%dma_wait3A_217 : memref<10240x128xf32, #tpu.memory_space<vmem_shared>>)
        %add3A_218 = arith.constant 1 : i32
        %add3A_219 = arith.addi %mul3A_136, %add3A_218 : i32
        %dma_wait3A_220 = arith.constant 1 : i32
        %dma_wait3A_221 = arith.constant 0 : i32
        %dma_wait3A_222 = arith.constant 0 : i32
        %dma_wait3A_223 = tpu.memref_slice %arg8[%dma_wait3A_220, %dma_wait3A_221, %dma_wait3A_222] : memref<2x128x128xf32, #tpu.memory_space<vmem>> -> memref<1x128x128xf32, #tpu.memory_space<vmem>>
        %dma_wait3A_224 = tpu.memref_squeeze %dma_wait3A_223 : memref<1x128x128xf32, #tpu.memory_space<vmem>> -> memref<128x128xf32, #tpu.memory_space<vmem>>
        %dma_wait3A_225 = arith.constant 0 : i32
        %dma_wait3A_226 = tpu.memref_slice %arg7[%add3A_219, %dma_wait3A_225] : memref<16x128xi32, #tpu.memory_space<vmem>> -> memref<1x128xi32, #tpu.memory_space<vmem>>
        %dma_wait3A_227 = tpu.memref_squeeze %dma_wait3A_226 : memref<1x128xi32, #tpu.memory_space<vmem>> -> memref<128xi32, #tpu.memory_space<vmem>>
        %dma_wait3A_228 = arith.constant 0 : i32
        %dma_wait3A_229 = arith.constant 0 : i32
        %dma_wait3A_230 = tpu.memref_slice %arg9[%dma_wait3A_228, %dma_wait3A_229] : memref<10240x128xf32, #tpu.memory_space<vmem_shared>> -> memref<10240x128xf32, #tpu.memory_space<vmem_shared>>
        tpu.wait_indirect_dma semaphore(%arg11 : memref<!tpu.dma_semaphore, #tpu.memory_space<semaphore_mem>>) src(%dma_wait3A_224 : memref<128x128xf32, #tpu.memory_space<vmem>>) dst(%dma_wait3A_230 : memref<10240x128xf32, #tpu.memory_space<vmem_shared>>)
      }
      %scan3A_115 = arith.constant 8 : i32
      %add3A_116 = arith.constant 112 : i32
      %add3A_117 = arith.addi %mul3A_66, %add3A_116 : i32
      "tpu.region"() ({
        %run_scoped3A_130 = tpu.sem_alloc : memref<!tpu.dma_semaphore, #tpu.memory_space<semaphore_mem>>
        %dma_start3A = arith.constant 0 : i32
        %dma_start3A_131 = tpu.memref_slice %arg3[%add3A_117, %dma_start3A] : memref<2560x128xi32, #tpu.memory_space<hbm>> -> memref<16x128xi32, #tpu.memory_space<hbm>>
        %dma_start3A_132 = arith.constant 0 : i32
        %dma_start3A_133 = tpu.memref_slice %arg3[%add3A_117, %dma_start3A_132] : memref<2560x128xi32, #tpu.memory_space<hbm>> -> memref<16x128xi32, #tpu.memory_space<hbm>>
        tpu.enqueue_dma source(%dma_start3A_133 : memref<16x128xi32, #tpu.memory_space<hbm>>) target(%arg6 : memref<16x128xi32, #tpu.memory_space<vmem>>) target_semaphore(%run_scoped3A_130 : memref<!tpu.dma_semaphore, #tpu.memory_space<semaphore_mem>>)
        %dma_wait3A = arith.constant 0 : i32
        %dma_wait3A_134 = tpu.memref_slice %arg3[%add3A_117, %dma_wait3A] : memref<2560x128xi32, #tpu.memory_space<hbm>> -> memref<16x128xi32, #tpu.memory_space<hbm>>
        %dma_wait3A_135 = arith.constant 0 : i32
        %dma_wait3A_136 = tpu.memref_slice %arg3[%add3A_117, %dma_wait3A_135] : memref<2560x128xi32, #tpu.memory_space<hbm>> -> memref<16x128xi32, #tpu.memory_space<hbm>>
        tpu.wait_dma2 semaphore(%run_scoped3A_130 : memref<!tpu.dma_semaphore, #tpu.memory_space<semaphore_mem>>) src(%dma_wait3A_136 : memref<16x128xi32, #tpu.memory_space<hbm>>) dst(%arg6 : memref<16x128xi32, #tpu.memory_space<vmem>>)
        tpu.yield
      }) : () -> ()
      "tpu.region"() ({
        %run_scoped3A_130 = tpu.sem_alloc : memref<!tpu.dma_semaphore, #tpu.memory_space<semaphore_mem>>
        %dma_start3A = arith.constant 0 : i32
        %dma_start3A_131 = tpu.memref_slice %arg4[%add3A_117, %dma_start3A] : memref<2560x128xi32, #tpu.memory_space<hbm>> -> memref<16x128xi32, #tpu.memory_space<hbm>>
        %dma_start3A_132 = arith.constant 0 : i32
        %dma_start3A_133 = tpu.memref_slice %arg4[%add3A_117, %dma_start3A_132] : memref<2560x128xi32, #tpu.memory_space<hbm>> -> memref<16x128xi32, #tpu.memory_space<hbm>>
        tpu.enqueue_dma source(%dma_start3A_133 : memref<16x128xi32, #tpu.memory_space<hbm>>) target(%arg7 : memref<16x128xi32, #tpu.memory_space<vmem>>) target_semaphore(%run_scoped3A_130 : memref<!tpu.dma_semaphore, #tpu.memory_space<semaphore_mem>>)
        %dma_wait3A = arith.constant 0 : i32
        %dma_wait3A_134 = tpu.memref_slice %arg4[%add3A_117, %dma_wait3A] : memref<2560x128xi32, #tpu.memory_space<hbm>> -> memref<16x128xi32, #tpu.memory_space<hbm>>
        %dma_wait3A_135 = arith.constant 0 : i32
        %dma_wait3A_136 = tpu.memref_slice %arg4[%add3A_117, %dma_wait3A_135] : memref<2560x128xi32, #tpu.memory_space<hbm>> -> memref<16x128xi32, #tpu.memory_space<hbm>>
        tpu.wait_dma2 semaphore(%run_scoped3A_130 : memref<!tpu.dma_semaphore, #tpu.memory_space<semaphore_mem>>) src(%dma_wait3A_136 : memref<16x128xi32, #tpu.memory_space<hbm>>) dst(%arg7 : memref<16x128xi32, #tpu.memory_space<vmem>>)
        tpu.yield
      }) : () -> ()
      %scan3A_118 = arith.constant 0 : i32
      %scan3A_119 = arith.constant 8 : i32
      %scan3A_120 = arith.addi %scan3A_118, %scan3A_119 : i32
      %scan3A_121 = arith.constant 1 : i32
      scf.for %scan3A_130 = %scan3A_118 to %scan3A_120 step %scan3A_121  : i32 {
        %mul3A_131 = arith.constant 1 : i32
        %mul3A_132 = arith.muli %scan3A_130, %mul3A_131 : i32
        %add3A_133 = arith.constant 0 : i32
        %add3A_134 = arith.addi %add3A_133, %mul3A_132 : i32
        %mul3A_135 = arith.constant 2 : i32
        %mul3A_136 = arith.muli %mul3A_135, %add3A_134 : i32
        %dma_start3A = arith.constant 0 : i32
        %dma_start3A_137 = arith.constant 0 : i32
        %dma_start3A_138 = arith.constant 0 : i32
        %dma_start3A_139 = tpu.memref_slice %arg8[%dma_start3A, %dma_start3A_137, %dma_start3A_138] : memref<2x128x128xf32, #tpu.memory_space<vmem>> -> memref<1x128x128xf32, #tpu.memory_space<vmem>>
        %dma_start3A_140 = tpu.memref_squeeze %dma_start3A_139 : memref<1x128x128xf32, #tpu.memory_space<vmem>> -> memref<128x128xf32, #tpu.memory_space<vmem>>
        %dma_start3A_141 = arith.constant 0 : i32
        %dma_start3A_142 = tpu.memref_slice %arg6[%mul3A_136, %dma_start3A_141] : memref<16x128xi32, #tpu.memory_space<vmem>> -> memref<1x128xi32, #tpu.memory_space<vmem>>
        %dma_start3A_143 = tpu.memref_squeeze %dma_start3A_142 : memref<1x128xi32, #tpu.memory_space<vmem>> -> memref<128xi32, #tpu.memory_space<vmem>>
        %dma_start3A_144 = arith.constant 0 : i32
        %dma_start3A_145 = arith.constant 0 : i32
        %dma_start3A_146 = tpu.memref_slice %arg2[%dma_start3A_144, %dma_start3A_145] : memref<10000x128xf32, #tpu.memory_space<hbm>> -> memref<10000x128xf32, #tpu.memory_space<hbm>>
        tpu.enqueue_indirect_dma source(%dma_start3A_146 : memref<10000x128xf32, #tpu.memory_space<hbm>>) target(%dma_start3A_140 : memref<128x128xf32, #tpu.memory_space<vmem>>) offsets(%dma_start3A_143 : memref<128xi32, #tpu.memory_space<vmem>>) semaphore(%arg10 : memref<!tpu.dma_semaphore, #tpu.memory_space<semaphore_mem>>)
        %add3A_147 = arith.constant 1 : i32
        %add3A_148 = arith.addi %mul3A_136, %add3A_147 : i32
        %dma_start3A_149 = arith.constant 1 : i32
        %dma_start3A_150 = arith.constant 0 : i32
        %dma_start3A_151 = arith.constant 0 : i32
        %dma_start3A_152 = tpu.memref_slice %arg8[%dma_start3A_149, %dma_start3A_150, %dma_start3A_151] : memref<2x128x128xf32, #tpu.memory_space<vmem>> -> memref<1x128x128xf32, #tpu.memory_space<vmem>>
        %dma_start3A_153 = tpu.memref_squeeze %dma_start3A_152 : memref<1x128x128xf32, #tpu.memory_space<vmem>> -> memref<128x128xf32, #tpu.memory_space<vmem>>
        %dma_start3A_154 = arith.constant 0 : i32
        %dma_start3A_155 = tpu.memref_slice %arg6[%add3A_148, %dma_start3A_154] : memref<16x128xi32, #tpu.memory_space<vmem>> -> memref<1x128xi32, #tpu.memory_space<vmem>>
        %dma_start3A_156 = tpu.memref_squeeze %dma_start3A_155 : memref<1x128xi32, #tpu.memory_space<vmem>> -> memref<128xi32, #tpu.memory_space<vmem>>
        %dma_start3A_157 = arith.constant 0 : i32
        %dma_start3A_158 = arith.constant 0 : i32
        %dma_start3A_159 = tpu.memref_slice %arg2[%dma_start3A_157, %dma_start3A_158] : memref<10000x128xf32, #tpu.memory_space<hbm>> -> memref<10000x128xf32, #tpu.memory_space<hbm>>
        tpu.enqueue_indirect_dma source(%dma_start3A_159 : memref<10000x128xf32, #tpu.memory_space<hbm>>) target(%dma_start3A_153 : memref<128x128xf32, #tpu.memory_space<vmem>>) offsets(%dma_start3A_156 : memref<128xi32, #tpu.memory_space<vmem>>) semaphore(%arg10 : memref<!tpu.dma_semaphore, #tpu.memory_space<semaphore_mem>>)
        %dma_wait3A = arith.constant 0 : i32
        %dma_wait3A_160 = arith.constant 0 : i32
        %dma_wait3A_161 = arith.constant 0 : i32
        %dma_wait3A_162 = tpu.memref_slice %arg8[%dma_wait3A, %dma_wait3A_160, %dma_wait3A_161] : memref<2x128x128xf32, #tpu.memory_space<vmem>> -> memref<1x128x128xf32, #tpu.memory_space<vmem>>
        %dma_wait3A_163 = tpu.memref_squeeze %dma_wait3A_162 : memref<1x128x128xf32, #tpu.memory_space<vmem>> -> memref<128x128xf32, #tpu.memory_space<vmem>>
        %dma_wait3A_164 = arith.constant 0 : i32
        %dma_wait3A_165 = tpu.memref_slice %arg6[%mul3A_136, %dma_wait3A_164] : memref<16x128xi32, #tpu.memory_space<vmem>> -> memref<1x128xi32, #tpu.memory_space<vmem>>
        %dma_wait3A_166 = tpu.memref_squeeze %dma_wait3A_165 : memref<1x128xi32, #tpu.memory_space<vmem>> -> memref<128xi32, #tpu.memory_space<vmem>>
        %dma_wait3A_167 = arith.constant 0 : i32
        %dma_wait3A_168 = arith.constant 0 : i32
        %dma_wait3A_169 = tpu.memref_slice %arg2[%dma_wait3A_167, %dma_wait3A_168] : memref<10000x128xf32, #tpu.memory_space<hbm>> -> memref<10000x128xf32, #tpu.memory_space<hbm>>
        tpu.wait_indirect_dma semaphore(%arg10 : memref<!tpu.dma_semaphore, #tpu.memory_space<semaphore_mem>>) src(%dma_wait3A_169 : memref<10000x128xf32, #tpu.memory_space<hbm>>) dst(%dma_wait3A_163 : memref<128x128xf32, #tpu.memory_space<vmem>>)
        %dma_start3A_170 = arith.constant 0 : i32
        %dma_start3A_171 = arith.constant 0 : i32
        %dma_start3A_172 = arith.constant 0 : i32
        %dma_start3A_173 = tpu.memref_slice %arg8[%dma_start3A_170, %dma_start3A_171, %dma_start3A_172] : memref<2x128x128xf32, #tpu.memory_space<vmem>> -> memref<1x128x128xf32, #tpu.memory_space<vmem>>
        %dma_start3A_174 = tpu.memref_squeeze %dma_start3A_173 : memref<1x128x128xf32, #tpu.memory_space<vmem>> -> memref<128x128xf32, #tpu.memory_space<vmem>>
        %dma_start3A_175 = arith.constant 0 : i32
        %dma_start3A_176 = tpu.memref_slice %arg7[%mul3A_136, %dma_start3A_175] : memref<16x128xi32, #tpu.memory_space<vmem>> -> memref<1x128xi32, #tpu.memory_space<vmem>>
        %dma_start3A_177 = tpu.memref_squeeze %dma_start3A_176 : memref<1x128xi32, #tpu.memory_space<vmem>> -> memref<128xi32, #tpu.memory_space<vmem>>
        %dma_start3A_178 = arith.constant 0 : i32
        %dma_start3A_179 = arith.constant 0 : i32
        %dma_start3A_180 = tpu.memref_slice %arg9[%dma_start3A_178, %dma_start3A_179] : memref<10240x128xf32, #tpu.memory_space<vmem_shared>> -> memref<10240x128xf32, #tpu.memory_space<vmem_shared>>
        tpu.enqueue_indirect_dma source(%dma_start3A_174 : memref<128x128xf32, #tpu.memory_space<vmem>>) target(%dma_start3A_180 : memref<10240x128xf32, #tpu.memory_space<vmem_shared>>) offsets(%dma_start3A_177 : memref<128xi32, #tpu.memory_space<vmem>>) semaphore(%arg11 : memref<!tpu.dma_semaphore, #tpu.memory_space<semaphore_mem>>) {add = true}
        %add3A_181 = arith.constant 1 : i32
        %add3A_182 = arith.addi %mul3A_136, %add3A_181 : i32
        %dma_wait3A_183 = arith.constant 1 : i32
        %dma_wait3A_184 = arith.constant 0 : i32
        %dma_wait3A_185 = arith.constant 0 : i32
        %dma_wait3A_186 = tpu.memref_slice %arg8[%dma_wait3A_183, %dma_wait3A_184, %dma_wait3A_185] : memref<2x128x128xf32, #tpu.memory_space<vmem>> -> memref<1x128x128xf32, #tpu.memory_space<vmem>>
        %dma_wait3A_187 = tpu.memref_squeeze %dma_wait3A_186 : memref<1x128x128xf32, #tpu.memory_space<vmem>> -> memref<128x128xf32, #tpu.memory_space<vmem>>
        %dma_wait3A_188 = arith.constant 0 : i32
        %dma_wait3A_189 = tpu.memref_slice %arg6[%add3A_182, %dma_wait3A_188] : memref<16x128xi32, #tpu.memory_space<vmem>> -> memref<1x128xi32, #tpu.memory_space<vmem>>
        %dma_wait3A_190 = tpu.memref_squeeze %dma_wait3A_189 : memref<1x128xi32, #tpu.memory_space<vmem>> -> memref<128xi32, #tpu.memory_space<vmem>>
        %dma_wait3A_191 = arith.constant 0 : i32
        %dma_wait3A_192 = arith.constant 0 : i32
        %dma_wait3A_193 = tpu.memref_slice %arg2[%dma_wait3A_191, %dma_wait3A_192] : memref<10000x128xf32, #tpu.memory_space<hbm>> -> memref<10000x128xf32, #tpu.memory_space<hbm>>
        tpu.wait_indirect_dma semaphore(%arg10 : memref<!tpu.dma_semaphore, #tpu.memory_space<semaphore_mem>>) src(%dma_wait3A_193 : memref<10000x128xf32, #tpu.memory_space<hbm>>) dst(%dma_wait3A_187 : memref<128x128xf32, #tpu.memory_space<vmem>>)
        %add3A_194 = arith.constant 1 : i32
        %add3A_195 = arith.addi %mul3A_136, %add3A_194 : i32
        %dma_start3A_196 = arith.constant 1 : i32
        %dma_start3A_197 = arith.constant 0 : i32
        %dma_start3A_198 = arith.constant 0 : i32
        %dma_start3A_199 = tpu.memref_slice %arg8[%dma_start3A_196, %dma_start3A_197, %dma_start3A_198] : memref<2x128x128xf32, #tpu.memory_space<vmem>> -> memref<1x128x128xf32, #tpu.memory_space<vmem>>
        %dma_start3A_200 = tpu.memref_squeeze %dma_start3A_199 : memref<1x128x128xf32, #tpu.memory_space<vmem>> -> memref<128x128xf32, #tpu.memory_space<vmem>>
        %dma_start3A_201 = arith.constant 0 : i32
        %dma_start3A_202 = tpu.memref_slice %arg7[%add3A_195, %dma_start3A_201] : memref<16x128xi32, #tpu.memory_space<vmem>> -> memref<1x128xi32, #tpu.memory_space<vmem>>
        %dma_start3A_203 = tpu.memref_squeeze %dma_start3A_202 : memref<1x128xi32, #tpu.memory_space<vmem>> -> memref<128xi32, #tpu.memory_space<vmem>>
        %dma_start3A_204 = arith.constant 0 : i32
        %dma_start3A_205 = arith.constant 0 : i32
        %dma_start3A_206 = tpu.memref_slice %arg9[%dma_start3A_204, %dma_start3A_205] : memref<10240x128xf32, #tpu.memory_space<vmem_shared>> -> memref<10240x128xf32, #tpu.memory_space<vmem_shared>>
        tpu.enqueue_indirect_dma source(%dma_start3A_200 : memref<128x128xf32, #tpu.memory_space<vmem>>) target(%dma_start3A_206 : memref<10240x128xf32, #tpu.memory_space<vmem_shared>>) offsets(%dma_start3A_203 : memref<128xi32, #tpu.memory_space<vmem>>) semaphore(%arg11 : memref<!tpu.dma_semaphore, #tpu.memory_space<semaphore_mem>>) {add = true}
        %dma_wait3A_207 = arith.constant 0 : i32
        %dma_wait3A_208 = arith.constant 0 : i32
        %dma_wait3A_209 = arith.constant 0 : i32
        %dma_wait3A_210 = tpu.memref_slice %arg8[%dma_wait3A_207, %dma_wait3A_208, %dma_wait3A_209] : memref<2x128x128xf32, #tpu.memory_space<vmem>> -> memref<1x128x128xf32, #tpu.memory_space<vmem>>
        %dma_wait3A_211 = tpu.memref_squeeze %dma_wait3A_210 : memref<1x128x128xf32, #tpu.memory_space<vmem>> -> memref<128x128xf32, #tpu.memory_space<vmem>>
        %dma_wait3A_212 = arith.constant 0 : i32
        %dma_wait3A_213 = tpu.memref_slice %arg7[%mul3A_136, %dma_wait3A_212] : memref<16x128xi32, #tpu.memory_space<vmem>> -> memref<1x128xi32, #tpu.memory_space<vmem>>
        %dma_wait3A_214 = tpu.memref_squeeze %dma_wait3A_213 : memref<1x128xi32, #tpu.memory_space<vmem>> -> memref<128xi32, #tpu.memory_space<vmem>>
        %dma_wait3A_215 = arith.constant 0 : i32
        %dma_wait3A_216 = arith.constant 0 : i32
        %dma_wait3A_217 = tpu.memref_slice %arg9[%dma_wait3A_215, %dma_wait3A_216] : memref<10240x128xf32, #tpu.memory_space<vmem_shared>> -> memref<10240x128xf32, #tpu.memory_space<vmem_shared>>
        tpu.wait_indirect_dma semaphore(%arg11 : memref<!tpu.dma_semaphore, #tpu.memory_space<semaphore_mem>>) src(%dma_wait3A_211 : memref<128x128xf32, #tpu.memory_space<vmem>>) dst(%dma_wait3A_217 : memref<10240x128xf32, #tpu.memory_space<vmem_shared>>)
        %add3A_218 = arith.constant 1 : i32
        %add3A_219 = arith.addi %mul3A_136, %add3A_218 : i32
        %dma_wait3A_220 = arith.constant 1 : i32
        %dma_wait3A_221 = arith.constant 0 : i32
        %dma_wait3A_222 = arith.constant 0 : i32
        %dma_wait3A_223 = tpu.memref_slice %arg8[%dma_wait3A_220, %dma_wait3A_221, %dma_wait3A_222] : memref<2x128x128xf32, #tpu.memory_space<vmem>> -> memref<1x128x128xf32, #tpu.memory_space<vmem>>
        %dma_wait3A_224 = tpu.memref_squeeze %dma_wait3A_223 : memref<1x128x128xf32, #tpu.memory_space<vmem>> -> memref<128x128xf32, #tpu.memory_space<vmem>>
        %dma_wait3A_225 = arith.constant 0 : i32
        %dma_wait3A_226 = tpu.memref_slice %arg7[%add3A_219, %dma_wait3A_225] : memref<16x128xi32, #tpu.memory_space<vmem>> -> memref<1x128xi32, #tpu.memory_space<vmem>>
        %dma_wait3A_227 = tpu.memref_squeeze %dma_wait3A_226 : memref<1x128xi32, #tpu.memory_space<vmem>> -> memref<128xi32, #tpu.memory_space<vmem>>
        %dma_wait3A_228 = arith.constant 0 : i32
        %dma_wait3A_229 = arith.constant 0 : i32
        %dma_wait3A_230 = tpu.memref_slice %arg9[%dma_wait3A_228, %dma_wait3A_229] : memref<10240x128xf32, #tpu.memory_space<vmem_shared>> -> memref<10240x128xf32, #tpu.memory_space<vmem_shared>>
        tpu.wait_indirect_dma semaphore(%arg11 : memref<!tpu.dma_semaphore, #tpu.memory_space<semaphore_mem>>) src(%dma_wait3A_224 : memref<128x128xf32, #tpu.memory_space<vmem>>) dst(%dma_wait3A_230 : memref<10240x128xf32, #tpu.memory_space<vmem_shared>>)
      }
      %scan3A_122 = arith.constant 8 : i32
      %add3A_123 = arith.constant 128 : i32
      %add3A_124 = arith.addi %mul3A_66, %add3A_123 : i32
      "tpu.region"() ({
        %run_scoped3A_130 = tpu.sem_alloc : memref<!tpu.dma_semaphore, #tpu.memory_space<semaphore_mem>>
        %dma_start3A = arith.constant 0 : i32
        %dma_start3A_131 = tpu.memref_slice %arg3[%add3A_124, %dma_start3A] : memref<2560x128xi32, #tpu.memory_space<hbm>> -> memref<16x128xi32, #tpu.memory_space<hbm>>
        %dma_start3A_132 = arith.constant 0 : i32
        %dma_start3A_133 = tpu.memref_slice %arg3[%add3A_124, %dma_start3A_132] : memref<2560x128xi32, #tpu.memory_space<hbm>> -> memref<16x128xi32, #tpu.memory_space<hbm>>
        tpu.enqueue_dma source(%dma_start3A_133 : memref<16x128xi32, #tpu.memory_space<hbm>>) target(%arg6 : memref<16x128xi32, #tpu.memory_space<vmem>>) target_semaphore(%run_scoped3A_130 : memref<!tpu.dma_semaphore, #tpu.memory_space<semaphore_mem>>)
        %dma_wait3A = arith.constant 0 : i32
        %dma_wait3A_134 = tpu.memref_slice %arg3[%add3A_124, %dma_wait3A] : memref<2560x128xi32, #tpu.memory_space<hbm>> -> memref<16x128xi32, #tpu.memory_space<hbm>>
        %dma_wait3A_135 = arith.constant 0 : i32
        %dma_wait3A_136 = tpu.memref_slice %arg3[%add3A_124, %dma_wait3A_135] : memref<2560x128xi32, #tpu.memory_space<hbm>> -> memref<16x128xi32, #tpu.memory_space<hbm>>
        tpu.wait_dma2 semaphore(%run_scoped3A_130 : memref<!tpu.dma_semaphore, #tpu.memory_space<semaphore_mem>>) src(%dma_wait3A_136 : memref<16x128xi32, #tpu.memory_space<hbm>>) dst(%arg6 : memref<16x128xi32, #tpu.memory_space<vmem>>)
        tpu.yield
      }) : () -> ()
      "tpu.region"() ({
        %run_scoped3A_130 = tpu.sem_alloc : memref<!tpu.dma_semaphore, #tpu.memory_space<semaphore_mem>>
        %dma_start3A = arith.constant 0 : i32
        %dma_start3A_131 = tpu.memref_slice %arg4[%add3A_124, %dma_start3A] : memref<2560x128xi32, #tpu.memory_space<hbm>> -> memref<16x128xi32, #tpu.memory_space<hbm>>
        %dma_start3A_132 = arith.constant 0 : i32
        %dma_start3A_133 = tpu.memref_slice %arg4[%add3A_124, %dma_start3A_132] : memref<2560x128xi32, #tpu.memory_space<hbm>> -> memref<16x128xi32, #tpu.memory_space<hbm>>
        tpu.enqueue_dma source(%dma_start3A_133 : memref<16x128xi32, #tpu.memory_space<hbm>>) target(%arg7 : memref<16x128xi32, #tpu.memory_space<vmem>>) target_semaphore(%run_scoped3A_130 : memref<!tpu.dma_semaphore, #tpu.memory_space<semaphore_mem>>)
        %dma_wait3A = arith.constant 0 : i32
        %dma_wait3A_134 = tpu.memref_slice %arg4[%add3A_124, %dma_wait3A] : memref<2560x128xi32, #tpu.memory_space<hbm>> -> memref<16x128xi32, #tpu.memory_space<hbm>>
        %dma_wait3A_135 = arith.constant 0 : i32
        %dma_wait3A_136 = tpu.memref_slice %arg4[%add3A_124, %dma_wait3A_135] : memref<2560x128xi32, #tpu.memory_space<hbm>> -> memref<16x128xi32, #tpu.memory_space<hbm>>
        tpu.wait_dma2 semaphore(%run_scoped3A_130 : memref<!tpu.dma_semaphore, #tpu.memory_space<semaphore_mem>>) src(%dma_wait3A_136 : memref<16x128xi32, #tpu.memory_space<hbm>>) dst(%arg7 : memref<16x128xi32, #tpu.memory_space<vmem>>)
        tpu.yield
      }) : () -> ()
      %scan3A_125 = arith.constant 0 : i32
      %scan3A_126 = arith.constant 8 : i32
      %scan3A_127 = arith.addi %scan3A_125, %scan3A_126 : i32
      %scan3A_128 = arith.constant 1 : i32
      scf.for %scan3A_130 = %scan3A_125 to %scan3A_127 step %scan3A_128  : i32 {
        %mul3A_131 = arith.constant 1 : i32
        %mul3A_132 = arith.muli %scan3A_130, %mul3A_131 : i32
        %add3A_133 = arith.constant 0 : i32
        %add3A_134 = arith.addi %add3A_133, %mul3A_132 : i32
        %mul3A_135 = arith.constant 2 : i32
        %mul3A_136 = arith.muli %mul3A_135, %add3A_134 : i32
        %dma_start3A = arith.constant 0 : i32
        %dma_start3A_137 = arith.constant 0 : i32
        %dma_start3A_138 = arith.constant 0 : i32
        %dma_start3A_139 = tpu.memref_slice %arg8[%dma_start3A, %dma_start3A_137, %dma_start3A_138] : memref<2x128x128xf32, #tpu.memory_space<vmem>> -> memref<1x128x128xf32, #tpu.memory_space<vmem>>
        %dma_start3A_140 = tpu.memref_squeeze %dma_start3A_139 : memref<1x128x128xf32, #tpu.memory_space<vmem>> -> memref<128x128xf32, #tpu.memory_space<vmem>>
        %dma_start3A_141 = arith.constant 0 : i32
        %dma_start3A_142 = tpu.memref_slice %arg6[%mul3A_136, %dma_start3A_141] : memref<16x128xi32, #tpu.memory_space<vmem>> -> memref<1x128xi32, #tpu.memory_space<vmem>>
        %dma_start3A_143 = tpu.memref_squeeze %dma_start3A_142 : memref<1x128xi32, #tpu.memory_space<vmem>> -> memref<128xi32, #tpu.memory_space<vmem>>
        %dma_start3A_144 = arith.constant 0 : i32
        %dma_start3A_145 = arith.constant 0 : i32
        %dma_start3A_146 = tpu.memref_slice %arg2[%dma_start3A_144, %dma_start3A_145] : memref<10000x128xf32, #tpu.memory_space<hbm>> -> memref<10000x128xf32, #tpu.memory_space<hbm>>
        tpu.enqueue_indirect_dma source(%dma_start3A_146 : memref<10000x128xf32, #tpu.memory_space<hbm>>) target(%dma_start3A_140 : memref<128x128xf32, #tpu.memory_space<vmem>>) offsets(%dma_start3A_143 : memref<128xi32, #tpu.memory_space<vmem>>) semaphore(%arg10 : memref<!tpu.dma_semaphore, #tpu.memory_space<semaphore_mem>>)
        %add3A_147 = arith.constant 1 : i32
        %add3A_148 = arith.addi %mul3A_136, %add3A_147 : i32
        %dma_start3A_149 = arith.constant 1 : i32
        %dma_start3A_150 = arith.constant 0 : i32
        %dma_start3A_151 = arith.constant 0 : i32
        %dma_start3A_152 = tpu.memref_slice %arg8[%dma_start3A_149, %dma_start3A_150, %dma_start3A_151] : memref<2x128x128xf32, #tpu.memory_space<vmem>> -> memref<1x128x128xf32, #tpu.memory_space<vmem>>
        %dma_start3A_153 = tpu.memref_squeeze %dma_start3A_152 : memref<1x128x128xf32, #tpu.memory_space<vmem>> -> memref<128x128xf32, #tpu.memory_space<vmem>>
        %dma_start3A_154 = arith.constant 0 : i32
        %dma_start3A_155 = tpu.memref_slice %arg6[%add3A_148, %dma_start3A_154] : memref<16x128xi32, #tpu.memory_space<vmem>> -> memref<1x128xi32, #tpu.memory_space<vmem>>
        %dma_start3A_156 = tpu.memref_squeeze %dma_start3A_155 : memref<1x128xi32, #tpu.memory_space<vmem>> -> memref<128xi32, #tpu.memory_space<vmem>>
        %dma_start3A_157 = arith.constant 0 : i32
        %dma_start3A_158 = arith.constant 0 : i32
        %dma_start3A_159 = tpu.memref_slice %arg2[%dma_start3A_157, %dma_start3A_158] : memref<10000x128xf32, #tpu.memory_space<hbm>> -> memref<10000x128xf32, #tpu.memory_space<hbm>>
        tpu.enqueue_indirect_dma source(%dma_start3A_159 : memref<10000x128xf32, #tpu.memory_space<hbm>>) target(%dma_start3A_153 : memref<128x128xf32, #tpu.memory_space<vmem>>) offsets(%dma_start3A_156 : memref<128xi32, #tpu.memory_space<vmem>>) semaphore(%arg10 : memref<!tpu.dma_semaphore, #tpu.memory_space<semaphore_mem>>)
        %dma_wait3A = arith.constant 0 : i32
        %dma_wait3A_160 = arith.constant 0 : i32
        %dma_wait3A_161 = arith.constant 0 : i32
        %dma_wait3A_162 = tpu.memref_slice %arg8[%dma_wait3A, %dma_wait3A_160, %dma_wait3A_161] : memref<2x128x128xf32, #tpu.memory_space<vmem>> -> memref<1x128x128xf32, #tpu.memory_space<vmem>>
        %dma_wait3A_163 = tpu.memref_squeeze %dma_wait3A_162 : memref<1x128x128xf32, #tpu.memory_space<vmem>> -> memref<128x128xf32, #tpu.memory_space<vmem>>
        %dma_wait3A_164 = arith.constant 0 : i32
        %dma_wait3A_165 = tpu.memref_slice %arg6[%mul3A_136, %dma_wait3A_164] : memref<16x128xi32, #tpu.memory_space<vmem>> -> memref<1x128xi32, #tpu.memory_space<vmem>>
        %dma_wait3A_166 = tpu.memref_squeeze %dma_wait3A_165 : memref<1x128xi32, #tpu.memory_space<vmem>> -> memref<128xi32, #tpu.memory_space<vmem>>
        %dma_wait3A_167 = arith.constant 0 : i32
        %dma_wait3A_168 = arith.constant 0 : i32
        %dma_wait3A_169 = tpu.memref_slice %arg2[%dma_wait3A_167, %dma_wait3A_168] : memref<10000x128xf32, #tpu.memory_space<hbm>> -> memref<10000x128xf32, #tpu.memory_space<hbm>>
        tpu.wait_indirect_dma semaphore(%arg10 : memref<!tpu.dma_semaphore, #tpu.memory_space<semaphore_mem>>) src(%dma_wait3A_169 : memref<10000x128xf32, #tpu.memory_space<hbm>>) dst(%dma_wait3A_163 : memref<128x128xf32, #tpu.memory_space<vmem>>)
        %dma_start3A_170 = arith.constant 0 : i32
        %dma_start3A_171 = arith.constant 0 : i32
        %dma_start3A_172 = arith.constant 0 : i32
        %dma_start3A_173 = tpu.memref_slice %arg8[%dma_start3A_170, %dma_start3A_171, %dma_start3A_172] : memref<2x128x128xf32, #tpu.memory_space<vmem>> -> memref<1x128x128xf32, #tpu.memory_space<vmem>>
        %dma_start3A_174 = tpu.memref_squeeze %dma_start3A_173 : memref<1x128x128xf32, #tpu.memory_space<vmem>> -> memref<128x128xf32, #tpu.memory_space<vmem>>
        %dma_start3A_175 = arith.constant 0 : i32
        %dma_start3A_176 = tpu.memref_slice %arg7[%mul3A_136, %dma_start3A_175] : memref<16x128xi32, #tpu.memory_space<vmem>> -> memref<1x128xi32, #tpu.memory_space<vmem>>
        %dma_start3A_177 = tpu.memref_squeeze %dma_start3A_176 : memref<1x128xi32, #tpu.memory_space<vmem>> -> memref<128xi32, #tpu.memory_space<vmem>>
        %dma_start3A_178 = arith.constant 0 : i32
        %dma_start3A_179 = arith.constant 0 : i32
        %dma_start3A_180 = tpu.memref_slice %arg9[%dma_start3A_178, %dma_start3A_179] : memref<10240x128xf32, #tpu.memory_space<vmem_shared>> -> memref<10240x128xf32, #tpu.memory_space<vmem_shared>>
        tpu.enqueue_indirect_dma source(%dma_start3A_174 : memref<128x128xf32, #tpu.memory_space<vmem>>) target(%dma_start3A_180 : memref<10240x128xf32, #tpu.memory_space<vmem_shared>>) offsets(%dma_start3A_177 : memref<128xi32, #tpu.memory_space<vmem>>) semaphore(%arg11 : memref<!tpu.dma_semaphore, #tpu.memory_space<semaphore_mem>>) {add = true}
        %add3A_181 = arith.constant 1 : i32
        %add3A_182 = arith.addi %mul3A_136, %add3A_181 : i32
        %dma_wait3A_183 = arith.constant 1 : i32
        %dma_wait3A_184 = arith.constant 0 : i32
        %dma_wait3A_185 = arith.constant 0 : i32
        %dma_wait3A_186 = tpu.memref_slice %arg8[%dma_wait3A_183, %dma_wait3A_184, %dma_wait3A_185] : memref<2x128x128xf32, #tpu.memory_space<vmem>> -> memref<1x128x128xf32, #tpu.memory_space<vmem>>
        %dma_wait3A_187 = tpu.memref_squeeze %dma_wait3A_186 : memref<1x128x128xf32, #tpu.memory_space<vmem>> -> memref<128x128xf32, #tpu.memory_space<vmem>>
        %dma_wait3A_188 = arith.constant 0 : i32
        %dma_wait3A_189 = tpu.memref_slice %arg6[%add3A_182, %dma_wait3A_188] : memref<16x128xi32, #tpu.memory_space<vmem>> -> memref<1x128xi32, #tpu.memory_space<vmem>>
        %dma_wait3A_190 = tpu.memref_squeeze %dma_wait3A_189 : memref<1x128xi32, #tpu.memory_space<vmem>> -> memref<128xi32, #tpu.memory_space<vmem>>
        %dma_wait3A_191 = arith.constant 0 : i32
        %dma_wait3A_192 = arith.constant 0 : i32
        %dma_wait3A_193 = tpu.memref_slice %arg2[%dma_wait3A_191, %dma_wait3A_192] : memref<10000x128xf32, #tpu.memory_space<hbm>> -> memref<10000x128xf32, #tpu.memory_space<hbm>>
        tpu.wait_indirect_dma semaphore(%arg10 : memref<!tpu.dma_semaphore, #tpu.memory_space<semaphore_mem>>) src(%dma_wait3A_193 : memref<10000x128xf32, #tpu.memory_space<hbm>>) dst(%dma_wait3A_187 : memref<128x128xf32, #tpu.memory_space<vmem>>)
        %add3A_194 = arith.constant 1 : i32
        %add3A_195 = arith.addi %mul3A_136, %add3A_194 : i32
        %dma_start3A_196 = arith.constant 1 : i32
        %dma_start3A_197 = arith.constant 0 : i32
        %dma_start3A_198 = arith.constant 0 : i32
        %dma_start3A_199 = tpu.memref_slice %arg8[%dma_start3A_196, %dma_start3A_197, %dma_start3A_198] : memref<2x128x128xf32, #tpu.memory_space<vmem>> -> memref<1x128x128xf32, #tpu.memory_space<vmem>>
        %dma_start3A_200 = tpu.memref_squeeze %dma_start3A_199 : memref<1x128x128xf32, #tpu.memory_space<vmem>> -> memref<128x128xf32, #tpu.memory_space<vmem>>
        %dma_start3A_201 = arith.constant 0 : i32
        %dma_start3A_202 = tpu.memref_slice %arg7[%add3A_195, %dma_start3A_201] : memref<16x128xi32, #tpu.memory_space<vmem>> -> memref<1x128xi32, #tpu.memory_space<vmem>>
        %dma_start3A_203 = tpu.memref_squeeze %dma_start3A_202 : memref<1x128xi32, #tpu.memory_space<vmem>> -> memref<128xi32, #tpu.memory_space<vmem>>
        %dma_start3A_204 = arith.constant 0 : i32
        %dma_start3A_205 = arith.constant 0 : i32
        %dma_start3A_206 = tpu.memref_slice %arg9[%dma_start3A_204, %dma_start3A_205] : memref<10240x128xf32, #tpu.memory_space<vmem_shared>> -> memref<10240x128xf32, #tpu.memory_space<vmem_shared>>
        tpu.enqueue_indirect_dma source(%dma_start3A_200 : memref<128x128xf32, #tpu.memory_space<vmem>>) target(%dma_start3A_206 : memref<10240x128xf32, #tpu.memory_space<vmem_shared>>) offsets(%dma_start3A_203 : memref<128xi32, #tpu.memory_space<vmem>>) semaphore(%arg11 : memref<!tpu.dma_semaphore, #tpu.memory_space<semaphore_mem>>) {add = true}
        %dma_wait3A_207 = arith.constant 0 : i32
        %dma_wait3A_208 = arith.constant 0 : i32
        %dma_wait3A_209 = arith.constant 0 : i32
        %dma_wait3A_210 = tpu.memref_slice %arg8[%dma_wait3A_207, %dma_wait3A_208, %dma_wait3A_209] : memref<2x128x128xf32, #tpu.memory_space<vmem>> -> memref<1x128x128xf32, #tpu.memory_space<vmem>>
        %dma_wait3A_211 = tpu.memref_squeeze %dma_wait3A_210 : memref<1x128x128xf32, #tpu.memory_space<vmem>> -> memref<128x128xf32, #tpu.memory_space<vmem>>
        %dma_wait3A_212 = arith.constant 0 : i32
        %dma_wait3A_213 = tpu.memref_slice %arg7[%mul3A_136, %dma_wait3A_212] : memref<16x128xi32, #tpu.memory_space<vmem>> -> memref<1x128xi32, #tpu.memory_space<vmem>>
        %dma_wait3A_214 = tpu.memref_squeeze %dma_wait3A_213 : memref<1x128xi32, #tpu.memory_space<vmem>> -> memref<128xi32, #tpu.memory_space<vmem>>
        %dma_wait3A_215 = arith.constant 0 : i32
        %dma_wait3A_216 = arith.constant 0 : i32
        %dma_wait3A_217 = tpu.memref_slice %arg9[%dma_wait3A_215, %dma_wait3A_216] : memref<10240x128xf32, #tpu.memory_space<vmem_shared>> -> memref<10240x128xf32, #tpu.memory_space<vmem_shared>>
        tpu.wait_indirect_dma semaphore(%arg11 : memref<!tpu.dma_semaphore, #tpu.memory_space<semaphore_mem>>) src(%dma_wait3A_211 : memref<128x128xf32, #tpu.memory_space<vmem>>) dst(%dma_wait3A_217 : memref<10240x128xf32, #tpu.memory_space<vmem_shared>>)
        %add3A_218 = arith.constant 1 : i32
        %add3A_219 = arith.addi %mul3A_136, %add3A_218 : i32
        %dma_wait3A_220 = arith.constant 1 : i32
        %dma_wait3A_221 = arith.constant 0 : i32
        %dma_wait3A_222 = arith.constant 0 : i32
        %dma_wait3A_223 = tpu.memref_slice %arg8[%dma_wait3A_220, %dma_wait3A_221, %dma_wait3A_222] : memref<2x128x128xf32, #tpu.memory_space<vmem>> -> memref<1x128x128xf32, #tpu.memory_space<vmem>>
        %dma_wait3A_224 = tpu.memref_squeeze %dma_wait3A_223 : memref<1x128x128xf32, #tpu.memory_space<vmem>> -> memref<128x128xf32, #tpu.memory_space<vmem>>
        %dma_wait3A_225 = arith.constant 0 : i32
        %dma_wait3A_226 = tpu.memref_slice %arg7[%add3A_219, %dma_wait3A_225] : memref<16x128xi32, #tpu.memory_space<vmem>> -> memref<1x128xi32, #tpu.memory_space<vmem>>
        %dma_wait3A_227 = tpu.memref_squeeze %dma_wait3A_226 : memref<1x128xi32, #tpu.memory_space<vmem>> -> memref<128xi32, #tpu.memory_space<vmem>>
        %dma_wait3A_228 = arith.constant 0 : i32
        %dma_wait3A_229 = arith.constant 0 : i32
        %dma_wait3A_230 = tpu.memref_slice %arg9[%dma_wait3A_228, %dma_wait3A_229] : memref<10240x128xf32, #tpu.memory_space<vmem_shared>> -> memref<10240x128xf32, #tpu.memory_space<vmem_shared>>
        tpu.wait_indirect_dma semaphore(%arg11 : memref<!tpu.dma_semaphore, #tpu.memory_space<semaphore_mem>>) src(%dma_wait3A_224 : memref<128x128xf32, #tpu.memory_space<vmem>>) dst(%dma_wait3A_230 : memref<10240x128xf32, #tpu.memory_space<vmem_shared>>)
      }
      %scan3A_129 = arith.constant 8 : i32
    } else {
    }
    %eq3A_29 = arith.constant 1 : i32
    %eq3A_30 = arith.cmpi eq, %arg0, %eq3A_29 : i32
    %convert_element_type3A_31 = arith.extui %eq3A_30 : i1 to i32
    %cond3A_32 = arith.constant 0 : i32
    %cond3A_33 = arith.cmpi ne, %convert_element_type3A_31, %cond3A_32 : i32
    scf.if %cond3A_33 {
      %mul3A_65 = arith.constant 16 : i32
      %mul3A_66 = arith.muli %arg1, %mul3A_65 : i32
      %add3A_67 = arith.constant 2304 : i32
      %add3A_68 = arith.addi %add3A_67, %mul3A_66 : i32
      %add3A_69 = arith.constant 0 : i32
      %add3A_70 = arith.addi %add3A_68, %add3A_69 : i32
      "tpu.region"() ({
        %run_scoped3A_76 = tpu.sem_alloc : memref<!tpu.dma_semaphore, #tpu.memory_space<semaphore_mem>>
        %dma_start3A = arith.constant 0 : i32
        %dma_start3A_77 = tpu.memref_slice %arg3[%add3A_70, %dma_start3A] : memref<2560x128xi32, #tpu.memory_space<hbm>> -> memref<16x128xi32, #tpu.memory_space<hbm>>
        %dma_start3A_78 = arith.constant 0 : i32
        %dma_start3A_79 = tpu.memref_slice %arg3[%add3A_70, %dma_start3A_78] : memref<2560x128xi32, #tpu.memory_space<hbm>> -> memref<16x128xi32, #tpu.memory_space<hbm>>
        tpu.enqueue_dma source(%dma_start3A_79 : memref<16x128xi32, #tpu.memory_space<hbm>>) target(%arg6 : memref<16x128xi32, #tpu.memory_space<vmem>>) target_semaphore(%run_scoped3A_76 : memref<!tpu.dma_semaphore, #tpu.memory_space<semaphore_mem>>)
        %dma_wait3A = arith.constant 0 : i32
        %dma_wait3A_80 = tpu.memref_slice %arg3[%add3A_70, %dma_wait3A] : memref<2560x128xi32, #tpu.memory_space<hbm>> -> memref<16x128xi32, #tpu.memory_space<hbm>>
        %dma_wait3A_81 = arith.constant 0 : i32
        %dma_wait3A_82 = tpu.memref_slice %arg3[%add3A_70, %dma_wait3A_81] : memref<2560x128xi32, #tpu.memory_space<hbm>> -> memref<16x128xi32, #tpu.memory_space<hbm>>
        tpu.wait_dma2 semaphore(%run_scoped3A_76 : memref<!tpu.dma_semaphore, #tpu.memory_space<semaphore_mem>>) src(%dma_wait3A_82 : memref<16x128xi32, #tpu.memory_space<hbm>>) dst(%arg6 : memref<16x128xi32, #tpu.memory_space<vmem>>)
        tpu.yield
      }) : () -> ()
      "tpu.region"() ({
        %run_scoped3A_76 = tpu.sem_alloc : memref<!tpu.dma_semaphore, #tpu.memory_space<semaphore_mem>>
        %dma_start3A = arith.constant 0 : i32
        %dma_start3A_77 = tpu.memref_slice %arg4[%add3A_70, %dma_start3A] : memref<2560x128xi32, #tpu.memory_space<hbm>> -> memref<16x128xi32, #tpu.memory_space<hbm>>
        %dma_start3A_78 = arith.constant 0 : i32
        %dma_start3A_79 = tpu.memref_slice %arg4[%add3A_70, %dma_start3A_78] : memref<2560x128xi32, #tpu.memory_space<hbm>> -> memref<16x128xi32, #tpu.memory_space<hbm>>
        tpu.enqueue_dma source(%dma_start3A_79 : memref<16x128xi32, #tpu.memory_space<hbm>>) target(%arg7 : memref<16x128xi32, #tpu.memory_space<vmem>>) target_semaphore(%run_scoped3A_76 : memref<!tpu.dma_semaphore, #tpu.memory_space<semaphore_mem>>)
        %dma_wait3A = arith.constant 0 : i32
        %dma_wait3A_80 = tpu.memref_slice %arg4[%add3A_70, %dma_wait3A] : memref<2560x128xi32, #tpu.memory_space<hbm>> -> memref<16x128xi32, #tpu.memory_space<hbm>>
        %dma_wait3A_81 = arith.constant 0 : i32
        %dma_wait3A_82 = tpu.memref_slice %arg4[%add3A_70, %dma_wait3A_81] : memref<2560x128xi32, #tpu.memory_space<hbm>> -> memref<16x128xi32, #tpu.memory_space<hbm>>
        tpu.wait_dma2 semaphore(%run_scoped3A_76 : memref<!tpu.dma_semaphore, #tpu.memory_space<semaphore_mem>>) src(%dma_wait3A_82 : memref<16x128xi32, #tpu.memory_space<hbm>>) dst(%arg7 : memref<16x128xi32, #tpu.memory_space<vmem>>)
        tpu.yield
      }) : () -> ()
      %scan3A_71 = arith.constant 0 : i32
      %scan3A_72 = arith.constant 8 : i32
      %scan3A_73 = arith.addi %scan3A_71, %scan3A_72 : i32
      %scan3A_74 = arith.constant 1 : i32
      scf.for %scan3A_76 = %scan3A_71 to %scan3A_73 step %scan3A_74  : i32 {
        %mul3A_77 = arith.constant 1 : i32
        %mul3A_78 = arith.muli %scan3A_76, %mul3A_77 : i32
        %add3A_79 = arith.constant 0 : i32
        %add3A_80 = arith.addi %add3A_79, %mul3A_78 : i32
        %mul3A_81 = arith.constant 2 : i32
        %mul3A_82 = arith.muli %mul3A_81, %add3A_80 : i32
        %dma_start3A = arith.constant 0 : i32
        %dma_start3A_83 = arith.constant 0 : i32
        %dma_start3A_84 = arith.constant 0 : i32
        %dma_start3A_85 = tpu.memref_slice %arg8[%dma_start3A, %dma_start3A_83, %dma_start3A_84] : memref<2x128x128xf32, #tpu.memory_space<vmem>> -> memref<1x128x128xf32, #tpu.memory_space<vmem>>
        %dma_start3A_86 = tpu.memref_squeeze %dma_start3A_85 : memref<1x128x128xf32, #tpu.memory_space<vmem>> -> memref<128x128xf32, #tpu.memory_space<vmem>>
        %dma_start3A_87 = arith.constant 0 : i32
        %dma_start3A_88 = tpu.memref_slice %arg6[%mul3A_82, %dma_start3A_87] : memref<16x128xi32, #tpu.memory_space<vmem>> -> memref<1x128xi32, #tpu.memory_space<vmem>>
        %dma_start3A_89 = tpu.memref_squeeze %dma_start3A_88 : memref<1x128xi32, #tpu.memory_space<vmem>> -> memref<128xi32, #tpu.memory_space<vmem>>
        %dma_start3A_90 = arith.constant 0 : i32
        %dma_start3A_91 = arith.constant 0 : i32
        %dma_start3A_92 = tpu.memref_slice %arg2[%dma_start3A_90, %dma_start3A_91] : memref<10000x128xf32, #tpu.memory_space<hbm>> -> memref<10000x128xf32, #tpu.memory_space<hbm>>
        tpu.enqueue_indirect_dma source(%dma_start3A_92 : memref<10000x128xf32, #tpu.memory_space<hbm>>) target(%dma_start3A_86 : memref<128x128xf32, #tpu.memory_space<vmem>>) offsets(%dma_start3A_89 : memref<128xi32, #tpu.memory_space<vmem>>) semaphore(%arg10 : memref<!tpu.dma_semaphore, #tpu.memory_space<semaphore_mem>>)
        %add3A_93 = arith.constant 1 : i32
        %add3A_94 = arith.addi %mul3A_82, %add3A_93 : i32
        %dma_start3A_95 = arith.constant 1 : i32
        %dma_start3A_96 = arith.constant 0 : i32
        %dma_start3A_97 = arith.constant 0 : i32
        %dma_start3A_98 = tpu.memref_slice %arg8[%dma_start3A_95, %dma_start3A_96, %dma_start3A_97] : memref<2x128x128xf32, #tpu.memory_space<vmem>> -> memref<1x128x128xf32, #tpu.memory_space<vmem>>
        %dma_start3A_99 = tpu.memref_squeeze %dma_start3A_98 : memref<1x128x128xf32, #tpu.memory_space<vmem>> -> memref<128x128xf32, #tpu.memory_space<vmem>>
        %dma_start3A_100 = arith.constant 0 : i32
        %dma_start3A_101 = tpu.memref_slice %arg6[%add3A_94, %dma_start3A_100] : memref<16x128xi32, #tpu.memory_space<vmem>> -> memref<1x128xi32, #tpu.memory_space<vmem>>
        %dma_start3A_102 = tpu.memref_squeeze %dma_start3A_101 : memref<1x128xi32, #tpu.memory_space<vmem>> -> memref<128xi32, #tpu.memory_space<vmem>>
        %dma_start3A_103 = arith.constant 0 : i32
        %dma_start3A_104 = arith.constant 0 : i32
        %dma_start3A_105 = tpu.memref_slice %arg2[%dma_start3A_103, %dma_start3A_104] : memref<10000x128xf32, #tpu.memory_space<hbm>> -> memref<10000x128xf32, #tpu.memory_space<hbm>>
        tpu.enqueue_indirect_dma source(%dma_start3A_105 : memref<10000x128xf32, #tpu.memory_space<hbm>>) target(%dma_start3A_99 : memref<128x128xf32, #tpu.memory_space<vmem>>) offsets(%dma_start3A_102 : memref<128xi32, #tpu.memory_space<vmem>>) semaphore(%arg10 : memref<!tpu.dma_semaphore, #tpu.memory_space<semaphore_mem>>)
        %dma_wait3A = arith.constant 0 : i32
        %dma_wait3A_106 = arith.constant 0 : i32
        %dma_wait3A_107 = arith.constant 0 : i32
        %dma_wait3A_108 = tpu.memref_slice %arg8[%dma_wait3A, %dma_wait3A_106, %dma_wait3A_107] : memref<2x128x128xf32, #tpu.memory_space<vmem>> -> memref<1x128x128xf32, #tpu.memory_space<vmem>>
        %dma_wait3A_109 = tpu.memref_squeeze %dma_wait3A_108 : memref<1x128x128xf32, #tpu.memory_space<vmem>> -> memref<128x128xf32, #tpu.memory_space<vmem>>
        %dma_wait3A_110 = arith.constant 0 : i32
        %dma_wait3A_111 = tpu.memref_slice %arg6[%mul3A_82, %dma_wait3A_110] : memref<16x128xi32, #tpu.memory_space<vmem>> -> memref<1x128xi32, #tpu.memory_space<vmem>>
        %dma_wait3A_112 = tpu.memref_squeeze %dma_wait3A_111 : memref<1x128xi32, #tpu.memory_space<vmem>> -> memref<128xi32, #tpu.memory_space<vmem>>
        %dma_wait3A_113 = arith.constant 0 : i32
        %dma_wait3A_114 = arith.constant 0 : i32
        %dma_wait3A_115 = tpu.memref_slice %arg2[%dma_wait3A_113, %dma_wait3A_114] : memref<10000x128xf32, #tpu.memory_space<hbm>> -> memref<10000x128xf32, #tpu.memory_space<hbm>>
        tpu.wait_indirect_dma semaphore(%arg10 : memref<!tpu.dma_semaphore, #tpu.memory_space<semaphore_mem>>) src(%dma_wait3A_115 : memref<10000x128xf32, #tpu.memory_space<hbm>>) dst(%dma_wait3A_109 : memref<128x128xf32, #tpu.memory_space<vmem>>)
        %dma_start3A_116 = arith.constant 0 : i32
        %dma_start3A_117 = arith.constant 0 : i32
        %dma_start3A_118 = arith.constant 0 : i32
        %dma_start3A_119 = tpu.memref_slice %arg8[%dma_start3A_116, %dma_start3A_117, %dma_start3A_118] : memref<2x128x128xf32, #tpu.memory_space<vmem>> -> memref<1x128x128xf32, #tpu.memory_space<vmem>>
        %dma_start3A_120 = tpu.memref_squeeze %dma_start3A_119 : memref<1x128x128xf32, #tpu.memory_space<vmem>> -> memref<128x128xf32, #tpu.memory_space<vmem>>
        %dma_start3A_121 = arith.constant 0 : i32
        %dma_start3A_122 = tpu.memref_slice %arg7[%mul3A_82, %dma_start3A_121] : memref<16x128xi32, #tpu.memory_space<vmem>> -> memref<1x128xi32, #tpu.memory_space<vmem>>
        %dma_start3A_123 = tpu.memref_squeeze %dma_start3A_122 : memref<1x128xi32, #tpu.memory_space<vmem>> -> memref<128xi32, #tpu.memory_space<vmem>>
        %dma_start3A_124 = arith.constant 0 : i32
        %dma_start3A_125 = arith.constant 0 : i32
        %dma_start3A_126 = tpu.memref_slice %arg9[%dma_start3A_124, %dma_start3A_125] : memref<10240x128xf32, #tpu.memory_space<vmem_shared>> -> memref<10240x128xf32, #tpu.memory_space<vmem_shared>>
        tpu.enqueue_indirect_dma source(%dma_start3A_120 : memref<128x128xf32, #tpu.memory_space<vmem>>) target(%dma_start3A_126 : memref<10240x128xf32, #tpu.memory_space<vmem_shared>>) offsets(%dma_start3A_123 : memref<128xi32, #tpu.memory_space<vmem>>) semaphore(%arg11 : memref<!tpu.dma_semaphore, #tpu.memory_space<semaphore_mem>>) {add = true}
        %add3A_127 = arith.constant 1 : i32
        %add3A_128 = arith.addi %mul3A_82, %add3A_127 : i32
        %dma_wait3A_129 = arith.constant 1 : i32
        %dma_wait3A_130 = arith.constant 0 : i32
        %dma_wait3A_131 = arith.constant 0 : i32
        %dma_wait3A_132 = tpu.memref_slice %arg8[%dma_wait3A_129, %dma_wait3A_130, %dma_wait3A_131] : memref<2x128x128xf32, #tpu.memory_space<vmem>> -> memref<1x128x128xf32, #tpu.memory_space<vmem>>
        %dma_wait3A_133 = tpu.memref_squeeze %dma_wait3A_132 : memref<1x128x128xf32, #tpu.memory_space<vmem>> -> memref<128x128xf32, #tpu.memory_space<vmem>>
        %dma_wait3A_134 = arith.constant 0 : i32
        %dma_wait3A_135 = tpu.memref_slice %arg6[%add3A_128, %dma_wait3A_134] : memref<16x128xi32, #tpu.memory_space<vmem>> -> memref<1x128xi32, #tpu.memory_space<vmem>>
        %dma_wait3A_136 = tpu.memref_squeeze %dma_wait3A_135 : memref<1x128xi32, #tpu.memory_space<vmem>> -> memref<128xi32, #tpu.memory_space<vmem>>
        %dma_wait3A_137 = arith.constant 0 : i32
        %dma_wait3A_138 = arith.constant 0 : i32
        %dma_wait3A_139 = tpu.memref_slice %arg2[%dma_wait3A_137, %dma_wait3A_138] : memref<10000x128xf32, #tpu.memory_space<hbm>> -> memref<10000x128xf32, #tpu.memory_space<hbm>>
        tpu.wait_indirect_dma semaphore(%arg10 : memref<!tpu.dma_semaphore, #tpu.memory_space<semaphore_mem>>) src(%dma_wait3A_139 : memref<10000x128xf32, #tpu.memory_space<hbm>>) dst(%dma_wait3A_133 : memref<128x128xf32, #tpu.memory_space<vmem>>)
        %add3A_140 = arith.constant 1 : i32
        %add3A_141 = arith.addi %mul3A_82, %add3A_140 : i32
        %dma_start3A_142 = arith.constant 1 : i32
        %dma_start3A_143 = arith.constant 0 : i32
        %dma_start3A_144 = arith.constant 0 : i32
        %dma_start3A_145 = tpu.memref_slice %arg8[%dma_start3A_142, %dma_start3A_143, %dma_start3A_144] : memref<2x128x128xf32, #tpu.memory_space<vmem>> -> memref<1x128x128xf32, #tpu.memory_space<vmem>>
        %dma_start3A_146 = tpu.memref_squeeze %dma_start3A_145 : memref<1x128x128xf32, #tpu.memory_space<vmem>> -> memref<128x128xf32, #tpu.memory_space<vmem>>
        %dma_start3A_147 = arith.constant 0 : i32
        %dma_start3A_148 = tpu.memref_slice %arg7[%add3A_141, %dma_start3A_147] : memref<16x128xi32, #tpu.memory_space<vmem>> -> memref<1x128xi32, #tpu.memory_space<vmem>>
        %dma_start3A_149 = tpu.memref_squeeze %dma_start3A_148 : memref<1x128xi32, #tpu.memory_space<vmem>> -> memref<128xi32, #tpu.memory_space<vmem>>
        %dma_start3A_150 = arith.constant 0 : i32
        %dma_start3A_151 = arith.constant 0 : i32
        %dma_start3A_152 = tpu.memref_slice %arg9[%dma_start3A_150, %dma_start3A_151] : memref<10240x128xf32, #tpu.memory_space<vmem_shared>> -> memref<10240x128xf32, #tpu.memory_space<vmem_shared>>
        tpu.enqueue_indirect_dma source(%dma_start3A_146 : memref<128x128xf32, #tpu.memory_space<vmem>>) target(%dma_start3A_152 : memref<10240x128xf32, #tpu.memory_space<vmem_shared>>) offsets(%dma_start3A_149 : memref<128xi32, #tpu.memory_space<vmem>>) semaphore(%arg11 : memref<!tpu.dma_semaphore, #tpu.memory_space<semaphore_mem>>) {add = true}
        %dma_wait3A_153 = arith.constant 0 : i32
        %dma_wait3A_154 = arith.constant 0 : i32
        %dma_wait3A_155 = arith.constant 0 : i32
        %dma_wait3A_156 = tpu.memref_slice %arg8[%dma_wait3A_153, %dma_wait3A_154, %dma_wait3A_155] : memref<2x128x128xf32, #tpu.memory_space<vmem>> -> memref<1x128x128xf32, #tpu.memory_space<vmem>>
        %dma_wait3A_157 = tpu.memref_squeeze %dma_wait3A_156 : memref<1x128x128xf32, #tpu.memory_space<vmem>> -> memref<128x128xf32, #tpu.memory_space<vmem>>
        %dma_wait3A_158 = arith.constant 0 : i32
        %dma_wait3A_159 = tpu.memref_slice %arg7[%mul3A_82, %dma_wait3A_158] : memref<16x128xi32, #tpu.memory_space<vmem>> -> memref<1x128xi32, #tpu.memory_space<vmem>>
        %dma_wait3A_160 = tpu.memref_squeeze %dma_wait3A_159 : memref<1x128xi32, #tpu.memory_space<vmem>> -> memref<128xi32, #tpu.memory_space<vmem>>
        %dma_wait3A_161 = arith.constant 0 : i32
        %dma_wait3A_162 = arith.constant 0 : i32
        %dma_wait3A_163 = tpu.memref_slice %arg9[%dma_wait3A_161, %dma_wait3A_162] : memref<10240x128xf32, #tpu.memory_space<vmem_shared>> -> memref<10240x128xf32, #tpu.memory_space<vmem_shared>>
        tpu.wait_indirect_dma semaphore(%arg11 : memref<!tpu.dma_semaphore, #tpu.memory_space<semaphore_mem>>) src(%dma_wait3A_157 : memref<128x128xf32, #tpu.memory_space<vmem>>) dst(%dma_wait3A_163 : memref<10240x128xf32, #tpu.memory_space<vmem_shared>>)
        %add3A_164 = arith.constant 1 : i32
        %add3A_165 = arith.addi %mul3A_82, %add3A_164 : i32
        %dma_wait3A_166 = arith.constant 1 : i32
        %dma_wait3A_167 = arith.constant 0 : i32
        %dma_wait3A_168 = arith.constant 0 : i32
        %dma_wait3A_169 = tpu.memref_slice %arg8[%dma_wait3A_166, %dma_wait3A_167, %dma_wait3A_168] : memref<2x128x128xf32, #tpu.memory_space<vmem>> -> memref<1x128x128xf32, #tpu.memory_space<vmem>>
        %dma_wait3A_170 = tpu.memref_squeeze %dma_wait3A_169 : memref<1x128x128xf32, #tpu.memory_space<vmem>> -> memref<128x128xf32, #tpu.memory_space<vmem>>
        %dma_wait3A_171 = arith.constant 0 : i32
        %dma_wait3A_172 = tpu.memref_slice %arg7[%add3A_165, %dma_wait3A_171] : memref<16x128xi32, #tpu.memory_space<vmem>> -> memref<1x128xi32, #tpu.memory_space<vmem>>
        %dma_wait3A_173 = tpu.memref_squeeze %dma_wait3A_172 : memref<1x128xi32, #tpu.memory_space<vmem>> -> memref<128xi32, #tpu.memory_space<vmem>>
        %dma_wait3A_174 = arith.constant 0 : i32
        %dma_wait3A_175 = arith.constant 0 : i32
        %dma_wait3A_176 = tpu.memref_slice %arg9[%dma_wait3A_174, %dma_wait3A_175] : memref<10240x128xf32, #tpu.memory_space<vmem_shared>> -> memref<10240x128xf32, #tpu.memory_space<vmem_shared>>
        tpu.wait_indirect_dma semaphore(%arg11 : memref<!tpu.dma_semaphore, #tpu.memory_space<semaphore_mem>>) src(%dma_wait3A_170 : memref<128x128xf32, #tpu.memory_space<vmem>>) dst(%dma_wait3A_176 : memref<10240x128xf32, #tpu.memory_space<vmem_shared>>)
      }
      %scan3A_75 = arith.constant 8 : i32
    } else {
    }
    %barrier3A_34 = arith.constant 0 : index
    tpu.barrier barrier_id(%barrier3A_34)
    %mul3A_35 = arith.constant 640 : i32
    %mul3A_36 = arith.muli %arg1, %mul3A_35 : i32
    %add3A_37 = arith.constant 0 : i32
    %add3A_38 = arith.addi %mul3A_36, %add3A_37 : i32
    %run_scoped3A_39 = arith.constant 0 : i32
    "tpu.region"() ({
      %run_scoped3A_65 = tpu.sem_alloc : memref<!tpu.dma_semaphore, #tpu.memory_space<semaphore_mem>>
      %dma_start3A = arith.constant 0 : i32
      %dma_start3A_66 = arith.constant 0 : i32
      %dma_start3A_67 = tpu.memref_slice %arg8[%run_scoped3A_39, %dma_start3A, %dma_start3A_66] : memref<2x128x128xf32, #tpu.memory_space<vmem>> -> memref<1x128x128xf32, #tpu.memory_space<vmem>>
      %dma_start3A_68 = tpu.memref_squeeze %dma_start3A_67 : memref<1x128x128xf32, #tpu.memory_space<vmem>> -> memref<128x128xf32, #tpu.memory_space<vmem>>
      %dma_start3A_69 = arith.constant 0 : i32
      %dma_start3A_70 = tpu.memref_slice %arg9[%add3A_38, %dma_start3A_69] : memref<10240x128xf32, #tpu.memory_space<vmem_shared>> -> memref<128x128xf32, #tpu.memory_space<vmem_shared>>
      %dma_start3A_71 = arith.constant 0 : i32
      %dma_start3A_72 = arith.constant 0 : i32
      %dma_start3A_73 = tpu.memref_slice %arg8[%run_scoped3A_39, %dma_start3A_71, %dma_start3A_72] : memref<2x128x128xf32, #tpu.memory_space<vmem>> -> memref<1x128x128xf32, #tpu.memory_space<vmem>>
      %dma_start3A_74 = tpu.memref_squeeze %dma_start3A_73 : memref<1x128x128xf32, #tpu.memory_space<vmem>> -> memref<128x128xf32, #tpu.memory_space<vmem>>
      %dma_start3A_75 = arith.constant 0 : i32
      %dma_start3A_76 = tpu.memref_slice %arg9[%add3A_38, %dma_start3A_75] : memref<10240x128xf32, #tpu.memory_space<vmem_shared>> -> memref<128x128xf32, #tpu.memory_space<vmem_shared>>
      tpu.enqueue_dma source(%dma_start3A_76 : memref<128x128xf32, #tpu.memory_space<vmem_shared>>) target(%dma_start3A_74 : memref<128x128xf32, #tpu.memory_space<vmem>>) target_semaphore(%run_scoped3A_65 : memref<!tpu.dma_semaphore, #tpu.memory_space<semaphore_mem>>)
      %dma_wait3A = arith.constant 0 : i32
      %dma_wait3A_77 = arith.constant 0 : i32
      %dma_wait3A_78 = tpu.memref_slice %arg8[%run_scoped3A_39, %dma_wait3A, %dma_wait3A_77] : memref<2x128x128xf32, #tpu.memory_space<vmem>> -> memref<1x128x128xf32, #tpu.memory_space<vmem>>
      %dma_wait3A_79 = tpu.memref_squeeze %dma_wait3A_78 : memref<1x128x128xf32, #tpu.memory_space<vmem>> -> memref<128x128xf32, #tpu.memory_space<vmem>>
      %dma_wait3A_80 = arith.constant 0 : i32
      %dma_wait3A_81 = tpu.memref_slice %arg9[%add3A_38, %dma_wait3A_80] : memref<10240x128xf32, #tpu.memory_space<vmem_shared>> -> memref<128x128xf32, #tpu.memory_space<vmem_shared>>
      %dma_wait3A_82 = arith.constant 0 : i32
      %dma_wait3A_83 = arith.constant 0 : i32
      %dma_wait3A_84 = tpu.memref_slice %arg8[%run_scoped3A_39, %dma_wait3A_82, %dma_wait3A_83] : memref<2x128x128xf32, #tpu.memory_space<vmem>> -> memref<1x128x128xf32, #tpu.memory_space<vmem>>
      %dma_wait3A_85 = tpu.memref_squeeze %dma_wait3A_84 : memref<1x128x128xf32, #tpu.memory_space<vmem>> -> memref<128x128xf32, #tpu.memory_space<vmem>>
      %dma_wait3A_86 = arith.constant 0 : i32
      %dma_wait3A_87 = tpu.memref_slice %arg9[%add3A_38, %dma_wait3A_86] : memref<10240x128xf32, #tpu.memory_space<vmem_shared>> -> memref<128x128xf32, #tpu.memory_space<vmem_shared>>
      tpu.wait_dma2 semaphore(%run_scoped3A_65 : memref<!tpu.dma_semaphore, #tpu.memory_space<semaphore_mem>>) src(%dma_wait3A_87 : memref<128x128xf32, #tpu.memory_space<vmem_shared>>) dst(%dma_wait3A_85 : memref<128x128xf32, #tpu.memory_space<vmem>>)
      tpu.yield
    }) : () -> ()
    %run_scoped3A_40 = arith.constant 0 : i32
    "tpu.region"() ({
      %run_scoped3A_65 = tpu.sem_alloc : memref<!tpu.dma_semaphore, #tpu.memory_space<semaphore_mem>>
      %dma_start3A = arith.constant 0 : i32
      %dma_start3A_66 = arith.constant 0 : i32
      %dma_start3A_67 = tpu.memref_slice %arg8[%run_scoped3A_40, %dma_start3A, %dma_start3A_66] : memref<2x128x128xf32, #tpu.memory_space<vmem>> -> memref<1x128x128xf32, #tpu.memory_space<vmem>>
      %dma_start3A_68 = tpu.memref_squeeze %dma_start3A_67 : memref<1x128x128xf32, #tpu.memory_space<vmem>> -> memref<128x128xf32, #tpu.memory_space<vmem>>
      %dma_start3A_69 = arith.constant 0 : i32
      %dma_start3A_70 = tpu.memref_slice %arg5[%arg0, %add3A_38, %dma_start3A_69] : memref<2x10240x128xf32, #tpu.memory_space<hbm>> -> memref<1x128x128xf32, #tpu.memory_space<hbm>>
      %dma_start3A_71 = tpu.memref_squeeze %dma_start3A_70 : memref<1x128x128xf32, #tpu.memory_space<hbm>> -> memref<128x128xf32, #tpu.memory_space<hbm>>
      %dma_start3A_72 = arith.constant 0 : i32
      %dma_start3A_73 = tpu.memref_slice %arg5[%arg0, %add3A_38, %dma_start3A_72] : memref<2x10240x128xf32, #tpu.memory_space<hbm>> -> memref<1x128x128xf32, #tpu.memory_space<hbm>>
      %dma_start3A_74 = tpu.memref_squeeze %dma_start3A_73 : memref<1x128x128xf32, #tpu.memory_space<hbm>> -> memref<128x128xf32, #tpu.memory_space<hbm>>
      %dma_start3A_75 = arith.constant 0 : i32
      %dma_start3A_76 = arith.constant 0 : i32
      %dma_start3A_77 = tpu.memref_slice %arg8[%run_scoped3A_40, %dma_start3A_75, %dma_start3A_76] : memref<2x128x128xf32, #tpu.memory_space<vmem>> -> memref<1x128x128xf32, #tpu.memory_space<vmem>>
      %dma_start3A_78 = tpu.memref_squeeze %dma_start3A_77 : memref<1x128x128xf32, #tpu.memory_space<vmem>> -> memref<128x128xf32, #tpu.memory_space<vmem>>
      tpu.enqueue_dma source(%dma_start3A_78 : memref<128x128xf32, #tpu.memory_space<vmem>>) target(%dma_start3A_74 : memref<128x128xf32, #tpu.memory_space<hbm>>) target_semaphore(%run_scoped3A_65 : memref<!tpu.dma_semaphore, #tpu.memory_space<semaphore_mem>>)
      %dma_wait3A = arith.constant 0 : i32
      %dma_wait3A_79 = arith.constant 0 : i32
      %dma_wait3A_80 = tpu.memref_slice %arg8[%run_scoped3A_40, %dma_wait3A, %dma_wait3A_79] : memref<2x128x128xf32, #tpu.memory_space<vmem>> -> memref<1x128x128xf32, #tpu.memory_space<vmem>>
      %dma_wait3A_81 = tpu.memref_squeeze %dma_wait3A_80 : memref<1x128x128xf32, #tpu.memory_space<vmem>> -> memref<128x128xf32, #tpu.memory_space<vmem>>
      %dma_wait3A_82 = arith.constant 0 : i32
      %dma_wait3A_83 = tpu.memref_slice %arg5[%arg0, %add3A_38, %dma_wait3A_82] : memref<2x10240x128xf32, #tpu.memory_space<hbm>> -> memref<1x128x128xf32, #tpu.memory_space<hbm>>
      %dma_wait3A_84 = tpu.memref_squeeze %dma_wait3A_83 : memref<1x128x128xf32, #tpu.memory_space<hbm>> -> memref<128x128xf32, #tpu.memory_space<hbm>>
      %dma_wait3A_85 = arith.constant 0 : i32
      %dma_wait3A_86 = tpu.memref_slice %arg5[%arg0, %add3A_38, %dma_wait3A_85] : memref<2x10240x128xf32, #tpu.memory_space<hbm>> -> memref<1x128x128xf32, #tpu.memory_space<hbm>>
      %dma_wait3A_87 = tpu.memref_squeeze %dma_wait3A_86 : memref<1x128x128xf32, #tpu.memory_space<hbm>> -> memref<128x128xf32, #tpu.memory_space<hbm>>
      %dma_wait3A_88 = arith.constant 0 : i32
      %dma_wait3A_89 = arith.constant 0 : i32
      %dma_wait3A_90 = tpu.memref_slice %arg8[%run_scoped3A_40, %dma_wait3A_88, %dma_wait3A_89] : memref<2x128x128xf32, #tpu.memory_space<vmem>> -> memref<1x128x128xf32, #tpu.memory_space<vmem>>
      %dma_wait3A_91 = tpu.memref_squeeze %dma_wait3A_90 : memref<1x128x128xf32, #tpu.memory_space<vmem>> -> memref<128x128xf32, #tpu.memory_space<vmem>>
      tpu.wait_dma2 semaphore(%run_scoped3A_65 : memref<!tpu.dma_semaphore, #tpu.memory_space<semaphore_mem>>) src(%dma_wait3A_91 : memref<128x128xf32, #tpu.memory_space<vmem>>) dst(%dma_wait3A_87 : memref<128x128xf32, #tpu.memory_space<hbm>>)
      tpu.yield
    }) : () -> ()
    %mul3A_41 = arith.constant 640 : i32
    %mul3A_42 = arith.muli %arg1, %mul3A_41 : i32
    %add3A_43 = arith.constant 128 : i32
    %add3A_44 = arith.addi %mul3A_42, %add3A_43 : i32
    %run_scoped3A_45 = arith.constant 0 : i32
    "tpu.region"() ({
      %run_scoped3A_65 = tpu.sem_alloc : memref<!tpu.dma_semaphore, #tpu.memory_space<semaphore_mem>>
      %dma_start3A = arith.constant 0 : i32
      %dma_start3A_66 = arith.constant 0 : i32
      %dma_start3A_67 = tpu.memref_slice %arg8[%run_scoped3A_45, %dma_start3A, %dma_start3A_66] : memref<2x128x128xf32, #tpu.memory_space<vmem>> -> memref<1x128x128xf32, #tpu.memory_space<vmem>>
      %dma_start3A_68 = tpu.memref_squeeze %dma_start3A_67 : memref<1x128x128xf32, #tpu.memory_space<vmem>> -> memref<128x128xf32, #tpu.memory_space<vmem>>
      %dma_start3A_69 = arith.constant 0 : i32
      %dma_start3A_70 = tpu.memref_slice %arg9[%add3A_44, %dma_start3A_69] : memref<10240x128xf32, #tpu.memory_space<vmem_shared>> -> memref<128x128xf32, #tpu.memory_space<vmem_shared>>
      %dma_start3A_71 = arith.constant 0 : i32
      %dma_start3A_72 = arith.constant 0 : i32
      %dma_start3A_73 = tpu.memref_slice %arg8[%run_scoped3A_45, %dma_start3A_71, %dma_start3A_72] : memref<2x128x128xf32, #tpu.memory_space<vmem>> -> memref<1x128x128xf32, #tpu.memory_space<vmem>>
      %dma_start3A_74 = tpu.memref_squeeze %dma_start3A_73 : memref<1x128x128xf32, #tpu.memory_space<vmem>> -> memref<128x128xf32, #tpu.memory_space<vmem>>
      %dma_start3A_75 = arith.constant 0 : i32
      %dma_start3A_76 = tpu.memref_slice %arg9[%add3A_44, %dma_start3A_75] : memref<10240x128xf32, #tpu.memory_space<vmem_shared>> -> memref<128x128xf32, #tpu.memory_space<vmem_shared>>
      tpu.enqueue_dma source(%dma_start3A_76 : memref<128x128xf32, #tpu.memory_space<vmem_shared>>) target(%dma_start3A_74 : memref<128x128xf32, #tpu.memory_space<vmem>>) target_semaphore(%run_scoped3A_65 : memref<!tpu.dma_semaphore, #tpu.memory_space<semaphore_mem>>)
      %dma_wait3A = arith.constant 0 : i32
      %dma_wait3A_77 = arith.constant 0 : i32
      %dma_wait3A_78 = tpu.memref_slice %arg8[%run_scoped3A_45, %dma_wait3A, %dma_wait3A_77] : memref<2x128x128xf32, #tpu.memory_space<vmem>> -> memref<1x128x128xf32, #tpu.memory_space<vmem>>
      %dma_wait3A_79 = tpu.memref_squeeze %dma_wait3A_78 : memref<1x128x128xf32, #tpu.memory_space<vmem>> -> memref<128x128xf32, #tpu.memory_space<vmem>>
      %dma_wait3A_80 = arith.constant 0 : i32
      %dma_wait3A_81 = tpu.memref_slice %arg9[%add3A_44, %dma_wait3A_80] : memref<10240x128xf32, #tpu.memory_space<vmem_shared>> -> memref<128x128xf32, #tpu.memory_space<vmem_shared>>
      %dma_wait3A_82 = arith.constant 0 : i32
      %dma_wait3A_83 = arith.constant 0 : i32
      %dma_wait3A_84 = tpu.memref_slice %arg8[%run_scoped3A_45, %dma_wait3A_82, %dma_wait3A_83] : memref<2x128x128xf32, #tpu.memory_space<vmem>> -> memref<1x128x128xf32, #tpu.memory_space<vmem>>
      %dma_wait3A_85 = tpu.memref_squeeze %dma_wait3A_84 : memref<1x128x128xf32, #tpu.memory_space<vmem>> -> memref<128x128xf32, #tpu.memory_space<vmem>>
      %dma_wait3A_86 = arith.constant 0 : i32
      %dma_wait3A_87 = tpu.memref_slice %arg9[%add3A_44, %dma_wait3A_86] : memref<10240x128xf32, #tpu.memory_space<vmem_shared>> -> memref<128x128xf32, #tpu.memory_space<vmem_shared>>
      tpu.wait_dma2 semaphore(%run_scoped3A_65 : memref<!tpu.dma_semaphore, #tpu.memory_space<semaphore_mem>>) src(%dma_wait3A_87 : memref<128x128xf32, #tpu.memory_space<vmem_shared>>) dst(%dma_wait3A_85 : memref<128x128xf32, #tpu.memory_space<vmem>>)
      tpu.yield
    }) : () -> ()
    %run_scoped3A_46 = arith.constant 0 : i32
    "tpu.region"() ({
      %run_scoped3A_65 = tpu.sem_alloc : memref<!tpu.dma_semaphore, #tpu.memory_space<semaphore_mem>>
      %dma_start3A = arith.constant 0 : i32
      %dma_start3A_66 = arith.constant 0 : i32
      %dma_start3A_67 = tpu.memref_slice %arg8[%run_scoped3A_46, %dma_start3A, %dma_start3A_66] : memref<2x128x128xf32, #tpu.memory_space<vmem>> -> memref<1x128x128xf32, #tpu.memory_space<vmem>>
      %dma_start3A_68 = tpu.memref_squeeze %dma_start3A_67 : memref<1x128x128xf32, #tpu.memory_space<vmem>> -> memref<128x128xf32, #tpu.memory_space<vmem>>
      %dma_start3A_69 = arith.constant 0 : i32
      %dma_start3A_70 = tpu.memref_slice %arg5[%arg0, %add3A_44, %dma_start3A_69] : memref<2x10240x128xf32, #tpu.memory_space<hbm>> -> memref<1x128x128xf32, #tpu.memory_space<hbm>>
      %dma_start3A_71 = tpu.memref_squeeze %dma_start3A_70 : memref<1x128x128xf32, #tpu.memory_space<hbm>> -> memref<128x128xf32, #tpu.memory_space<hbm>>
      %dma_start3A_72 = arith.constant 0 : i32
      %dma_start3A_73 = tpu.memref_slice %arg5[%arg0, %add3A_44, %dma_start3A_72] : memref<2x10240x128xf32, #tpu.memory_space<hbm>> -> memref<1x128x128xf32, #tpu.memory_space<hbm>>
      %dma_start3A_74 = tpu.memref_squeeze %dma_start3A_73 : memref<1x128x128xf32, #tpu.memory_space<hbm>> -> memref<128x128xf32, #tpu.memory_space<hbm>>
      %dma_start3A_75 = arith.constant 0 : i32
      %dma_start3A_76 = arith.constant 0 : i32
      %dma_start3A_77 = tpu.memref_slice %arg8[%run_scoped3A_46, %dma_start3A_75, %dma_start3A_76] : memref<2x128x128xf32, #tpu.memory_space<vmem>> -> memref<1x128x128xf32, #tpu.memory_space<vmem>>
      %dma_start3A_78 = tpu.memref_squeeze %dma_start3A_77 : memref<1x128x128xf32, #tpu.memory_space<vmem>> -> memref<128x128xf32, #tpu.memory_space<vmem>>
      tpu.enqueue_dma source(%dma_start3A_78 : memref<128x128xf32, #tpu.memory_space<vmem>>) target(%dma_start3A_74 : memref<128x128xf32, #tpu.memory_space<hbm>>) target_semaphore(%run_scoped3A_65 : memref<!tpu.dma_semaphore, #tpu.memory_space<semaphore_mem>>)
      %dma_wait3A = arith.constant 0 : i32
      %dma_wait3A_79 = arith.constant 0 : i32
      %dma_wait3A_80 = tpu.memref_slice %arg8[%run_scoped3A_46, %dma_wait3A, %dma_wait3A_79] : memref<2x128x128xf32, #tpu.memory_space<vmem>> -> memref<1x128x128xf32, #tpu.memory_space<vmem>>
      %dma_wait3A_81 = tpu.memref_squeeze %dma_wait3A_80 : memref<1x128x128xf32, #tpu.memory_space<vmem>> -> memref<128x128xf32, #tpu.memory_space<vmem>>
      %dma_wait3A_82 = arith.constant 0 : i32
      %dma_wait3A_83 = tpu.memref_slice %arg5[%arg0, %add3A_44, %dma_wait3A_82] : memref<2x10240x128xf32, #tpu.memory_space<hbm>> -> memref<1x128x128xf32, #tpu.memory_space<hbm>>
      %dma_wait3A_84 = tpu.memref_squeeze %dma_wait3A_83 : memref<1x128x128xf32, #tpu.memory_space<hbm>> -> memref<128x128xf32, #tpu.memory_space<hbm>>
      %dma_wait3A_85 = arith.constant 0 : i32
      %dma_wait3A_86 = tpu.memref_slice %arg5[%arg0, %add3A_44, %dma_wait3A_85] : memref<2x10240x128xf32, #tpu.memory_space<hbm>> -> memref<1x128x128xf32, #tpu.memory_space<hbm>>
      %dma_wait3A_87 = tpu.memref_squeeze %dma_wait3A_86 : memref<1x128x128xf32, #tpu.memory_space<hbm>> -> memref<128x128xf32, #tpu.memory_space<hbm>>
      %dma_wait3A_88 = arith.constant 0 : i32
      %dma_wait3A_89 = arith.constant 0 : i32
      %dma_wait3A_90 = tpu.memref_slice %arg8[%run_scoped3A_46, %dma_wait3A_88, %dma_wait3A_89] : memref<2x128x128xf32, #tpu.memory_space<vmem>> -> memref<1x128x128xf32, #tpu.memory_space<vmem>>
      %dma_wait3A_91 = tpu.memref_squeeze %dma_wait3A_90 : memref<1x128x128xf32, #tpu.memory_space<vmem>> -> memref<128x128xf32, #tpu.memory_space<vmem>>
      tpu.wait_dma2 semaphore(%run_scoped3A_65 : memref<!tpu.dma_semaphore, #tpu.memory_space<semaphore_mem>>) src(%dma_wait3A_91 : memref<128x128xf32, #tpu.memory_space<vmem>>) dst(%dma_wait3A_87 : memref<128x128xf32, #tpu.memory_space<hbm>>)
      tpu.yield
    }) : () -> ()
    %mul3A_47 = arith.constant 640 : i32
    %mul3A_48 = arith.muli %arg1, %mul3A_47 : i32
    %add3A_49 = arith.constant 256 : i32
    %add3A_50 = arith.addi %mul3A_48, %add3A_49 : i32
    %run_scoped3A_51 = arith.constant 0 : i32
    "tpu.region"() ({
      %run_scoped3A_65 = tpu.sem_alloc : memref<!tpu.dma_semaphore, #tpu.memory_space<semaphore_mem>>
      %dma_start3A = arith.constant 0 : i32
      %dma_start3A_66 = arith.constant 0 : i32
      %dma_start3A_67 = tpu.memref_slice %arg8[%run_scoped3A_51, %dma_start3A, %dma_start3A_66] : memref<2x128x128xf32, #tpu.memory_space<vmem>> -> memref<1x128x128xf32, #tpu.memory_space<vmem>>
      %dma_start3A_68 = tpu.memref_squeeze %dma_start3A_67 : memref<1x128x128xf32, #tpu.memory_space<vmem>> -> memref<128x128xf32, #tpu.memory_space<vmem>>
      %dma_start3A_69 = arith.constant 0 : i32
      %dma_start3A_70 = tpu.memref_slice %arg9[%add3A_50, %dma_start3A_69] : memref<10240x128xf32, #tpu.memory_space<vmem_shared>> -> memref<128x128xf32, #tpu.memory_space<vmem_shared>>
      %dma_start3A_71 = arith.constant 0 : i32
      %dma_start3A_72 = arith.constant 0 : i32
      %dma_start3A_73 = tpu.memref_slice %arg8[%run_scoped3A_51, %dma_start3A_71, %dma_start3A_72] : memref<2x128x128xf32, #tpu.memory_space<vmem>> -> memref<1x128x128xf32, #tpu.memory_space<vmem>>
      %dma_start3A_74 = tpu.memref_squeeze %dma_start3A_73 : memref<1x128x128xf32, #tpu.memory_space<vmem>> -> memref<128x128xf32, #tpu.memory_space<vmem>>
      %dma_start3A_75 = arith.constant 0 : i32
      %dma_start3A_76 = tpu.memref_slice %arg9[%add3A_50, %dma_start3A_75] : memref<10240x128xf32, #tpu.memory_space<vmem_shared>> -> memref<128x128xf32, #tpu.memory_space<vmem_shared>>
      tpu.enqueue_dma source(%dma_start3A_76 : memref<128x128xf32, #tpu.memory_space<vmem_shared>>) target(%dma_start3A_74 : memref<128x128xf32, #tpu.memory_space<vmem>>) target_semaphore(%run_scoped3A_65 : memref<!tpu.dma_semaphore, #tpu.memory_space<semaphore_mem>>)
      %dma_wait3A = arith.constant 0 : i32
      %dma_wait3A_77 = arith.constant 0 : i32
      %dma_wait3A_78 = tpu.memref_slice %arg8[%run_scoped3A_51, %dma_wait3A, %dma_wait3A_77] : memref<2x128x128xf32, #tpu.memory_space<vmem>> -> memref<1x128x128xf32, #tpu.memory_space<vmem>>
      %dma_wait3A_79 = tpu.memref_squeeze %dma_wait3A_78 : memref<1x128x128xf32, #tpu.memory_space<vmem>> -> memref<128x128xf32, #tpu.memory_space<vmem>>
      %dma_wait3A_80 = arith.constant 0 : i32
      %dma_wait3A_81 = tpu.memref_slice %arg9[%add3A_50, %dma_wait3A_80] : memref<10240x128xf32, #tpu.memory_space<vmem_shared>> -> memref<128x128xf32, #tpu.memory_space<vmem_shared>>
      %dma_wait3A_82 = arith.constant 0 : i32
      %dma_wait3A_83 = arith.constant 0 : i32
      %dma_wait3A_84 = tpu.memref_slice %arg8[%run_scoped3A_51, %dma_wait3A_82, %dma_wait3A_83] : memref<2x128x128xf32, #tpu.memory_space<vmem>> -> memref<1x128x128xf32, #tpu.memory_space<vmem>>
      %dma_wait3A_85 = tpu.memref_squeeze %dma_wait3A_84 : memref<1x128x128xf32, #tpu.memory_space<vmem>> -> memref<128x128xf32, #tpu.memory_space<vmem>>
      %dma_wait3A_86 = arith.constant 0 : i32
      %dma_wait3A_87 = tpu.memref_slice %arg9[%add3A_50, %dma_wait3A_86] : memref<10240x128xf32, #tpu.memory_space<vmem_shared>> -> memref<128x128xf32, #tpu.memory_space<vmem_shared>>
      tpu.wait_dma2 semaphore(%run_scoped3A_65 : memref<!tpu.dma_semaphore, #tpu.memory_space<semaphore_mem>>) src(%dma_wait3A_87 : memref<128x128xf32, #tpu.memory_space<vmem_shared>>) dst(%dma_wait3A_85 : memref<128x128xf32, #tpu.memory_space<vmem>>)
      tpu.yield
    }) : () -> ()
    %run_scoped3A_52 = arith.constant 0 : i32
    "tpu.region"() ({
      %run_scoped3A_65 = tpu.sem_alloc : memref<!tpu.dma_semaphore, #tpu.memory_space<semaphore_mem>>
      %dma_start3A = arith.constant 0 : i32
      %dma_start3A_66 = arith.constant 0 : i32
      %dma_start3A_67 = tpu.memref_slice %arg8[%run_scoped3A_52, %dma_start3A, %dma_start3A_66] : memref<2x128x128xf32, #tpu.memory_space<vmem>> -> memref<1x128x128xf32, #tpu.memory_space<vmem>>
      %dma_start3A_68 = tpu.memref_squeeze %dma_start3A_67 : memref<1x128x128xf32, #tpu.memory_space<vmem>> -> memref<128x128xf32, #tpu.memory_space<vmem>>
      %dma_start3A_69 = arith.constant 0 : i32
      %dma_start3A_70 = tpu.memref_slice %arg5[%arg0, %add3A_50, %dma_start3A_69] : memref<2x10240x128xf32, #tpu.memory_space<hbm>> -> memref<1x128x128xf32, #tpu.memory_space<hbm>>
      %dma_start3A_71 = tpu.memref_squeeze %dma_start3A_70 : memref<1x128x128xf32, #tpu.memory_space<hbm>> -> memref<128x128xf32, #tpu.memory_space<hbm>>
      %dma_start3A_72 = arith.constant 0 : i32
      %dma_start3A_73 = tpu.memref_slice %arg5[%arg0, %add3A_50, %dma_start3A_72] : memref<2x10240x128xf32, #tpu.memory_space<hbm>> -> memref<1x128x128xf32, #tpu.memory_space<hbm>>
      %dma_start3A_74 = tpu.memref_squeeze %dma_start3A_73 : memref<1x128x128xf32, #tpu.memory_space<hbm>> -> memref<128x128xf32, #tpu.memory_space<hbm>>
      %dma_start3A_75 = arith.constant 0 : i32
      %dma_start3A_76 = arith.constant 0 : i32
      %dma_start3A_77 = tpu.memref_slice %arg8[%run_scoped3A_52, %dma_start3A_75, %dma_start3A_76] : memref<2x128x128xf32, #tpu.memory_space<vmem>> -> memref<1x128x128xf32, #tpu.memory_space<vmem>>
      %dma_start3A_78 = tpu.memref_squeeze %dma_start3A_77 : memref<1x128x128xf32, #tpu.memory_space<vmem>> -> memref<128x128xf32, #tpu.memory_space<vmem>>
      tpu.enqueue_dma source(%dma_start3A_78 : memref<128x128xf32, #tpu.memory_space<vmem>>) target(%dma_start3A_74 : memref<128x128xf32, #tpu.memory_space<hbm>>) target_semaphore(%run_scoped3A_65 : memref<!tpu.dma_semaphore, #tpu.memory_space<semaphore_mem>>)
      %dma_wait3A = arith.constant 0 : i32
      %dma_wait3A_79 = arith.constant 0 : i32
      %dma_wait3A_80 = tpu.memref_slice %arg8[%run_scoped3A_52, %dma_wait3A, %dma_wait3A_79] : memref<2x128x128xf32, #tpu.memory_space<vmem>> -> memref<1x128x128xf32, #tpu.memory_space<vmem>>
      %dma_wait3A_81 = tpu.memref_squeeze %dma_wait3A_80 : memref<1x128x128xf32, #tpu.memory_space<vmem>> -> memref<128x128xf32, #tpu.memory_space<vmem>>
      %dma_wait3A_82 = arith.constant 0 : i32
      %dma_wait3A_83 = tpu.memref_slice %arg5[%arg0, %add3A_50, %dma_wait3A_82] : memref<2x10240x128xf32, #tpu.memory_space<hbm>> -> memref<1x128x128xf32, #tpu.memory_space<hbm>>
      %dma_wait3A_84 = tpu.memref_squeeze %dma_wait3A_83 : memref<1x128x128xf32, #tpu.memory_space<hbm>> -> memref<128x128xf32, #tpu.memory_space<hbm>>
      %dma_wait3A_85 = arith.constant 0 : i32
      %dma_wait3A_86 = tpu.memref_slice %arg5[%arg0, %add3A_50, %dma_wait3A_85] : memref<2x10240x128xf32, #tpu.memory_space<hbm>> -> memref<1x128x128xf32, #tpu.memory_space<hbm>>
      %dma_wait3A_87 = tpu.memref_squeeze %dma_wait3A_86 : memref<1x128x128xf32, #tpu.memory_space<hbm>> -> memref<128x128xf32, #tpu.memory_space<hbm>>
      %dma_wait3A_88 = arith.constant 0 : i32
      %dma_wait3A_89 = arith.constant 0 : i32
      %dma_wait3A_90 = tpu.memref_slice %arg8[%run_scoped3A_52, %dma_wait3A_88, %dma_wait3A_89] : memref<2x128x128xf32, #tpu.memory_space<vmem>> -> memref<1x128x128xf32, #tpu.memory_space<vmem>>
      %dma_wait3A_91 = tpu.memref_squeeze %dma_wait3A_90 : memref<1x128x128xf32, #tpu.memory_space<vmem>> -> memref<128x128xf32, #tpu.memory_space<vmem>>
      tpu.wait_dma2 semaphore(%run_scoped3A_65 : memref<!tpu.dma_semaphore, #tpu.memory_space<semaphore_mem>>) src(%dma_wait3A_91 : memref<128x128xf32, #tpu.memory_space<vmem>>) dst(%dma_wait3A_87 : memref<128x128xf32, #tpu.memory_space<hbm>>)
      tpu.yield
    }) : () -> ()
    %mul3A_53 = arith.constant 640 : i32
    %mul3A_54 = arith.muli %arg1, %mul3A_53 : i32
    %add3A_55 = arith.constant 384 : i32
    %add3A_56 = arith.addi %mul3A_54, %add3A_55 : i32
    %run_scoped3A_57 = arith.constant 0 : i32
    "tpu.region"() ({
      %run_scoped3A_65 = tpu.sem_alloc : memref<!tpu.dma_semaphore, #tpu.memory_space<semaphore_mem>>
      %dma_start3A = arith.constant 0 : i32
      %dma_start3A_66 = arith.constant 0 : i32
      %dma_start3A_67 = tpu.memref_slice %arg8[%run_scoped3A_57, %dma_start3A, %dma_start3A_66] : memref<2x128x128xf32, #tpu.memory_space<vmem>> -> memref<1x128x128xf32, #tpu.memory_space<vmem>>
      %dma_start3A_68 = tpu.memref_squeeze %dma_start3A_67 : memref<1x128x128xf32, #tpu.memory_space<vmem>> -> memref<128x128xf32, #tpu.memory_space<vmem>>
      %dma_start3A_69 = arith.constant 0 : i32
      %dma_start3A_70 = tpu.memref_slice %arg9[%add3A_56, %dma_start3A_69] : memref<10240x128xf32, #tpu.memory_space<vmem_shared>> -> memref<128x128xf32, #tpu.memory_space<vmem_shared>>
      %dma_start3A_71 = arith.constant 0 : i32
      %dma_start3A_72 = arith.constant 0 : i32
      %dma_start3A_73 = tpu.memref_slice %arg8[%run_scoped3A_57, %dma_start3A_71, %dma_start3A_72] : memref<2x128x128xf32, #tpu.memory_space<vmem>> -> memref<1x128x128xf32, #tpu.memory_space<vmem>>
      %dma_start3A_74 = tpu.memref_squeeze %dma_start3A_73 : memref<1x128x128xf32, #tpu.memory_space<vmem>> -> memref<128x128xf32, #tpu.memory_space<vmem>>
      %dma_start3A_75 = arith.constant 0 : i32
      %dma_start3A_76 = tpu.memref_slice %arg9[%add3A_56, %dma_start3A_75] : memref<10240x128xf32, #tpu.memory_space<vmem_shared>> -> memref<128x128xf32, #tpu.memory_space<vmem_shared>>
      tpu.enqueue_dma source(%dma_start3A_76 : memref<128x128xf32, #tpu.memory_space<vmem_shared>>) target(%dma_start3A_74 : memref<128x128xf32, #tpu.memory_space<vmem>>) target_semaphore(%run_scoped3A_65 : memref<!tpu.dma_semaphore, #tpu.memory_space<semaphore_mem>>)
      %dma_wait3A = arith.constant 0 : i32
      %dma_wait3A_77 = arith.constant 0 : i32
      %dma_wait3A_78 = tpu.memref_slice %arg8[%run_scoped3A_57, %dma_wait3A, %dma_wait3A_77] : memref<2x128x128xf32, #tpu.memory_space<vmem>> -> memref<1x128x128xf32, #tpu.memory_space<vmem>>
      %dma_wait3A_79 = tpu.memref_squeeze %dma_wait3A_78 : memref<1x128x128xf32, #tpu.memory_space<vmem>> -> memref<128x128xf32, #tpu.memory_space<vmem>>
      %dma_wait3A_80 = arith.constant 0 : i32
      %dma_wait3A_81 = tpu.memref_slice %arg9[%add3A_56, %dma_wait3A_80] : memref<10240x128xf32, #tpu.memory_space<vmem_shared>> -> memref<128x128xf32, #tpu.memory_space<vmem_shared>>
      %dma_wait3A_82 = arith.constant 0 : i32
      %dma_wait3A_83 = arith.constant 0 : i32
      %dma_wait3A_84 = tpu.memref_slice %arg8[%run_scoped3A_57, %dma_wait3A_82, %dma_wait3A_83] : memref<2x128x128xf32, #tpu.memory_space<vmem>> -> memref<1x128x128xf32, #tpu.memory_space<vmem>>
      %dma_wait3A_85 = tpu.memref_squeeze %dma_wait3A_84 : memref<1x128x128xf32, #tpu.memory_space<vmem>> -> memref<128x128xf32, #tpu.memory_space<vmem>>
      %dma_wait3A_86 = arith.constant 0 : i32
      %dma_wait3A_87 = tpu.memref_slice %arg9[%add3A_56, %dma_wait3A_86] : memref<10240x128xf32, #tpu.memory_space<vmem_shared>> -> memref<128x128xf32, #tpu.memory_space<vmem_shared>>
      tpu.wait_dma2 semaphore(%run_scoped3A_65 : memref<!tpu.dma_semaphore, #tpu.memory_space<semaphore_mem>>) src(%dma_wait3A_87 : memref<128x128xf32, #tpu.memory_space<vmem_shared>>) dst(%dma_wait3A_85 : memref<128x128xf32, #tpu.memory_space<vmem>>)
      tpu.yield
    }) : () -> ()
    %run_scoped3A_58 = arith.constant 0 : i32
    "tpu.region"() ({
      %run_scoped3A_65 = tpu.sem_alloc : memref<!tpu.dma_semaphore, #tpu.memory_space<semaphore_mem>>
      %dma_start3A = arith.constant 0 : i32
      %dma_start3A_66 = arith.constant 0 : i32
      %dma_start3A_67 = tpu.memref_slice %arg8[%run_scoped3A_58, %dma_start3A, %dma_start3A_66] : memref<2x128x128xf32, #tpu.memory_space<vmem>> -> memref<1x128x128xf32, #tpu.memory_space<vmem>>
      %dma_start3A_68 = tpu.memref_squeeze %dma_start3A_67 : memref<1x128x128xf32, #tpu.memory_space<vmem>> -> memref<128x128xf32, #tpu.memory_space<vmem>>
      %dma_start3A_69 = arith.constant 0 : i32
      %dma_start3A_70 = tpu.memref_slice %arg5[%arg0, %add3A_56, %dma_start3A_69] : memref<2x10240x128xf32, #tpu.memory_space<hbm>> -> memref<1x128x128xf32, #tpu.memory_space<hbm>>
      %dma_start3A_71 = tpu.memref_squeeze %dma_start3A_70 : memref<1x128x128xf32, #tpu.memory_space<hbm>> -> memref<128x128xf32, #tpu.memory_space<hbm>>
      %dma_start3A_72 = arith.constant 0 : i32
      %dma_start3A_73 = tpu.memref_slice %arg5[%arg0, %add3A_56, %dma_start3A_72] : memref<2x10240x128xf32, #tpu.memory_space<hbm>> -> memref<1x128x128xf32, #tpu.memory_space<hbm>>
      %dma_start3A_74 = tpu.memref_squeeze %dma_start3A_73 : memref<1x128x128xf32, #tpu.memory_space<hbm>> -> memref<128x128xf32, #tpu.memory_space<hbm>>
      %dma_start3A_75 = arith.constant 0 : i32
      %dma_start3A_76 = arith.constant 0 : i32
      %dma_start3A_77 = tpu.memref_slice %arg8[%run_scoped3A_58, %dma_start3A_75, %dma_start3A_76] : memref<2x128x128xf32, #tpu.memory_space<vmem>> -> memref<1x128x128xf32, #tpu.memory_space<vmem>>
      %dma_start3A_78 = tpu.memref_squeeze %dma_start3A_77 : memref<1x128x128xf32, #tpu.memory_space<vmem>> -> memref<128x128xf32, #tpu.memory_space<vmem>>
      tpu.enqueue_dma source(%dma_start3A_78 : memref<128x128xf32, #tpu.memory_space<vmem>>) target(%dma_start3A_74 : memref<128x128xf32, #tpu.memory_space<hbm>>) target_semaphore(%run_scoped3A_65 : memref<!tpu.dma_semaphore, #tpu.memory_space<semaphore_mem>>)
      %dma_wait3A = arith.constant 0 : i32
      %dma_wait3A_79 = arith.constant 0 : i32
      %dma_wait3A_80 = tpu.memref_slice %arg8[%run_scoped3A_58, %dma_wait3A, %dma_wait3A_79] : memref<2x128x128xf32, #tpu.memory_space<vmem>> -> memref<1x128x128xf32, #tpu.memory_space<vmem>>
      %dma_wait3A_81 = tpu.memref_squeeze %dma_wait3A_80 : memref<1x128x128xf32, #tpu.memory_space<vmem>> -> memref<128x128xf32, #tpu.memory_space<vmem>>
      %dma_wait3A_82 = arith.constant 0 : i32
      %dma_wait3A_83 = tpu.memref_slice %arg5[%arg0, %add3A_56, %dma_wait3A_82] : memref<2x10240x128xf32, #tpu.memory_space<hbm>> -> memref<1x128x128xf32, #tpu.memory_space<hbm>>
      %dma_wait3A_84 = tpu.memref_squeeze %dma_wait3A_83 : memref<1x128x128xf32, #tpu.memory_space<hbm>> -> memref<128x128xf32, #tpu.memory_space<hbm>>
      %dma_wait3A_85 = arith.constant 0 : i32
      %dma_wait3A_86 = tpu.memref_slice %arg5[%arg0, %add3A_56, %dma_wait3A_85] : memref<2x10240x128xf32, #tpu.memory_space<hbm>> -> memref<1x128x128xf32, #tpu.memory_space<hbm>>
      %dma_wait3A_87 = tpu.memref_squeeze %dma_wait3A_86 : memref<1x128x128xf32, #tpu.memory_space<hbm>> -> memref<128x128xf32, #tpu.memory_space<hbm>>
      %dma_wait3A_88 = arith.constant 0 : i32
      %dma_wait3A_89 = arith.constant 0 : i32
      %dma_wait3A_90 = tpu.memref_slice %arg8[%run_scoped3A_58, %dma_wait3A_88, %dma_wait3A_89] : memref<2x128x128xf32, #tpu.memory_space<vmem>> -> memref<1x128x128xf32, #tpu.memory_space<vmem>>
      %dma_wait3A_91 = tpu.memref_squeeze %dma_wait3A_90 : memref<1x128x128xf32, #tpu.memory_space<vmem>> -> memref<128x128xf32, #tpu.memory_space<vmem>>
      tpu.wait_dma2 semaphore(%run_scoped3A_65 : memref<!tpu.dma_semaphore, #tpu.memory_space<semaphore_mem>>) src(%dma_wait3A_91 : memref<128x128xf32, #tpu.memory_space<vmem>>) dst(%dma_wait3A_87 : memref<128x128xf32, #tpu.memory_space<hbm>>)
      tpu.yield
    }) : () -> ()
    %mul3A_59 = arith.constant 640 : i32
    %mul3A_60 = arith.muli %arg1, %mul3A_59 : i32
    %add3A_61 = arith.constant 512 : i32
    %add3A_62 = arith.addi %mul3A_60, %add3A_61 : i32
    %run_scoped3A_63 = arith.constant 0 : i32
    "tpu.region"() ({
      %run_scoped3A_65 = tpu.sem_alloc : memref<!tpu.dma_semaphore, #tpu.memory_space<semaphore_mem>>
      %dma_start3A = arith.constant 0 : i32
      %dma_start3A_66 = arith.constant 0 : i32
      %dma_start3A_67 = tpu.memref_slice %arg8[%run_scoped3A_63, %dma_start3A, %dma_start3A_66] : memref<2x128x128xf32, #tpu.memory_space<vmem>> -> memref<1x128x128xf32, #tpu.memory_space<vmem>>
      %dma_start3A_68 = tpu.memref_squeeze %dma_start3A_67 : memref<1x128x128xf32, #tpu.memory_space<vmem>> -> memref<128x128xf32, #tpu.memory_space<vmem>>
      %dma_start3A_69 = arith.constant 0 : i32
      %dma_start3A_70 = tpu.memref_slice %arg9[%add3A_62, %dma_start3A_69] : memref<10240x128xf32, #tpu.memory_space<vmem_shared>> -> memref<128x128xf32, #tpu.memory_space<vmem_shared>>
      %dma_start3A_71 = arith.constant 0 : i32
      %dma_start3A_72 = arith.constant 0 : i32
      %dma_start3A_73 = tpu.memref_slice %arg8[%run_scoped3A_63, %dma_start3A_71, %dma_start3A_72] : memref<2x128x128xf32, #tpu.memory_space<vmem>> -> memref<1x128x128xf32, #tpu.memory_space<vmem>>
      %dma_start3A_74 = tpu.memref_squeeze %dma_start3A_73 : memref<1x128x128xf32, #tpu.memory_space<vmem>> -> memref<128x128xf32, #tpu.memory_space<vmem>>
      %dma_start3A_75 = arith.constant 0 : i32
      %dma_start3A_76 = tpu.memref_slice %arg9[%add3A_62, %dma_start3A_75] : memref<10240x128xf32, #tpu.memory_space<vmem_shared>> -> memref<128x128xf32, #tpu.memory_space<vmem_shared>>
      tpu.enqueue_dma source(%dma_start3A_76 : memref<128x128xf32, #tpu.memory_space<vmem_shared>>) target(%dma_start3A_74 : memref<128x128xf32, #tpu.memory_space<vmem>>) target_semaphore(%run_scoped3A_65 : memref<!tpu.dma_semaphore, #tpu.memory_space<semaphore_mem>>)
      %dma_wait3A = arith.constant 0 : i32
      %dma_wait3A_77 = arith.constant 0 : i32
      %dma_wait3A_78 = tpu.memref_slice %arg8[%run_scoped3A_63, %dma_wait3A, %dma_wait3A_77] : memref<2x128x128xf32, #tpu.memory_space<vmem>> -> memref<1x128x128xf32, #tpu.memory_space<vmem>>
      %dma_wait3A_79 = tpu.memref_squeeze %dma_wait3A_78 : memref<1x128x128xf32, #tpu.memory_space<vmem>> -> memref<128x128xf32, #tpu.memory_space<vmem>>
      %dma_wait3A_80 = arith.constant 0 : i32
      %dma_wait3A_81 = tpu.memref_slice %arg9[%add3A_62, %dma_wait3A_80] : memref<10240x128xf32, #tpu.memory_space<vmem_shared>> -> memref<128x128xf32, #tpu.memory_space<vmem_shared>>
      %dma_wait3A_82 = arith.constant 0 : i32
      %dma_wait3A_83 = arith.constant 0 : i32
      %dma_wait3A_84 = tpu.memref_slice %arg8[%run_scoped3A_63, %dma_wait3A_82, %dma_wait3A_83] : memref<2x128x128xf32, #tpu.memory_space<vmem>> -> memref<1x128x128xf32, #tpu.memory_space<vmem>>
      %dma_wait3A_85 = tpu.memref_squeeze %dma_wait3A_84 : memref<1x128x128xf32, #tpu.memory_space<vmem>> -> memref<128x128xf32, #tpu.memory_space<vmem>>
      %dma_wait3A_86 = arith.constant 0 : i32
      %dma_wait3A_87 = tpu.memref_slice %arg9[%add3A_62, %dma_wait3A_86] : memref<10240x128xf32, #tpu.memory_space<vmem_shared>> -> memref<128x128xf32, #tpu.memory_space<vmem_shared>>
      tpu.wait_dma2 semaphore(%run_scoped3A_65 : memref<!tpu.dma_semaphore, #tpu.memory_space<semaphore_mem>>) src(%dma_wait3A_87 : memref<128x128xf32, #tpu.memory_space<vmem_shared>>) dst(%dma_wait3A_85 : memref<128x128xf32, #tpu.memory_space<vmem>>)
      tpu.yield
    }) : () -> ()
    %run_scoped3A_64 = arith.constant 0 : i32
    "tpu.region"() ({
      %run_scoped3A_65 = tpu.sem_alloc : memref<!tpu.dma_semaphore, #tpu.memory_space<semaphore_mem>>
      %dma_start3A = arith.constant 0 : i32
      %dma_start3A_66 = arith.constant 0 : i32
      %dma_start3A_67 = tpu.memref_slice %arg8[%run_scoped3A_64, %dma_start3A, %dma_start3A_66] : memref<2x128x128xf32, #tpu.memory_space<vmem>> -> memref<1x128x128xf32, #tpu.memory_space<vmem>>
      %dma_start3A_68 = tpu.memref_squeeze %dma_start3A_67 : memref<1x128x128xf32, #tpu.memory_space<vmem>> -> memref<128x128xf32, #tpu.memory_space<vmem>>
      %dma_start3A_69 = arith.constant 0 : i32
      %dma_start3A_70 = tpu.memref_slice %arg5[%arg0, %add3A_62, %dma_start3A_69] : memref<2x10240x128xf32, #tpu.memory_space<hbm>> -> memref<1x128x128xf32, #tpu.memory_space<hbm>>
      %dma_start3A_71 = tpu.memref_squeeze %dma_start3A_70 : memref<1x128x128xf32, #tpu.memory_space<hbm>> -> memref<128x128xf32, #tpu.memory_space<hbm>>
      %dma_start3A_72 = arith.constant 0 : i32
      %dma_start3A_73 = tpu.memref_slice %arg5[%arg0, %add3A_62, %dma_start3A_72] : memref<2x10240x128xf32, #tpu.memory_space<hbm>> -> memref<1x128x128xf32, #tpu.memory_space<hbm>>
      %dma_start3A_74 = tpu.memref_squeeze %dma_start3A_73 : memref<1x128x128xf32, #tpu.memory_space<hbm>> -> memref<128x128xf32, #tpu.memory_space<hbm>>
      %dma_start3A_75 = arith.constant 0 : i32
      %dma_start3A_76 = arith.constant 0 : i32
      %dma_start3A_77 = tpu.memref_slice %arg8[%run_scoped3A_64, %dma_start3A_75, %dma_start3A_76] : memref<2x128x128xf32, #tpu.memory_space<vmem>> -> memref<1x128x128xf32, #tpu.memory_space<vmem>>
      %dma_start3A_78 = tpu.memref_squeeze %dma_start3A_77 : memref<1x128x128xf32, #tpu.memory_space<vmem>> -> memref<128x128xf32, #tpu.memory_space<vmem>>
      tpu.enqueue_dma source(%dma_start3A_78 : memref<128x128xf32, #tpu.memory_space<vmem>>) target(%dma_start3A_74 : memref<128x128xf32, #tpu.memory_space<hbm>>) target_semaphore(%run_scoped3A_65 : memref<!tpu.dma_semaphore, #tpu.memory_space<semaphore_mem>>)
      %dma_wait3A = arith.constant 0 : i32
      %dma_wait3A_79 = arith.constant 0 : i32
      %dma_wait3A_80 = tpu.memref_slice %arg8[%run_scoped3A_64, %dma_wait3A, %dma_wait3A_79] : memref<2x128x128xf32, #tpu.memory_space<vmem>> -> memref<1x128x128xf32, #tpu.memory_space<vmem>>
      %dma_wait3A_81 = tpu.memref_squeeze %dma_wait3A_80 : memref<1x128x128xf32, #tpu.memory_space<vmem>> -> memref<128x128xf32, #tpu.memory_space<vmem>>
      %dma_wait3A_82 = arith.constant 0 : i32
      %dma_wait3A_83 = tpu.memref_slice %arg5[%arg0, %add3A_62, %dma_wait3A_82] : memref<2x10240x128xf32, #tpu.memory_space<hbm>> -> memref<1x128x128xf32, #tpu.memory_space<hbm>>
      %dma_wait3A_84 = tpu.memref_squeeze %dma_wait3A_83 : memref<1x128x128xf32, #tpu.memory_space<hbm>> -> memref<128x128xf32, #tpu.memory_space<hbm>>
      %dma_wait3A_85 = arith.constant 0 : i32
      %dma_wait3A_86 = tpu.memref_slice %arg5[%arg0, %add3A_62, %dma_wait3A_85] : memref<2x10240x128xf32, #tpu.memory_space<hbm>> -> memref<1x128x128xf32, #tpu.memory_space<hbm>>
      %dma_wait3A_87 = tpu.memref_squeeze %dma_wait3A_86 : memref<1x128x128xf32, #tpu.memory_space<hbm>> -> memref<128x128xf32, #tpu.memory_space<hbm>>
      %dma_wait3A_88 = arith.constant 0 : i32
      %dma_wait3A_89 = arith.constant 0 : i32
      %dma_wait3A_90 = tpu.memref_slice %arg8[%run_scoped3A_64, %dma_wait3A_88, %dma_wait3A_89] : memref<2x128x128xf32, #tpu.memory_space<vmem>> -> memref<1x128x128xf32, #tpu.memory_space<vmem>>
      %dma_wait3A_91 = tpu.memref_squeeze %dma_wait3A_90 : memref<1x128x128xf32, #tpu.memory_space<vmem>> -> memref<128x128xf32, #tpu.memory_space<vmem>>
      tpu.wait_dma2 semaphore(%run_scoped3A_65 : memref<!tpu.dma_semaphore, #tpu.memory_space<semaphore_mem>>) src(%dma_wait3A_91 : memref<128x128xf32, #tpu.memory_space<vmem>>) dst(%dma_wait3A_87 : memref<128x128xf32, #tpu.memory_space<hbm>>)
      tpu.yield
    }) : () -> ()
    return
  }
}

module attributes {stable_mosaic.version = 14 : i64} {
  func.func @_pre_body(%arg0: i32, %arg1: memref<1000x128xf32, #tpu.memory_space<vmem>>, %arg2: memref<128x128xf32, #tpu.memory_space<vmem>>, %arg3: memref<1x128xf32, #tpu.memory_space<vmem>>, %arg4: memref<1000x128xf32, #tpu.memory_space<vmem>>) attributes {dimension_semantics = [#tpu.dimension_semantics<arbitrary>], iteration_bounds = array<i64: 10>, scalar_prefetch = 0 : i64, scratch_operands = 0 : i64, tpu.core_type = #tpu.core_type<tc>, window_params = [{transform_indices = @transform_0, window_bounds = array<i64: 1000, 128>}, {pipeline_mode = #tpu.pipeline_mode<synchronous>, transform_indices = @transform_1, window_bounds = array<i64: 128, 128>}, {pipeline_mode = #tpu.pipeline_mode<synchronous>, transform_indices = @transform_2, window_bounds = array<i64: 1, 128>}, {transform_indices = @transform_3, window_bounds = array<i64: 1000, 128>}]} {
    %get3A = arith.constant 0 : index
    %get3A_0 = arith.constant 0 : index
    %get3A_1 = vector.load %arg1[%get3A, %get3A_0] : memref<1000x128xf32, #tpu.memory_space<vmem>>, vector<1000x128xf32>
    %get3A_2 = arith.constant 0 : index
    %get3A_3 = arith.constant 0 : index
    %get3A_4 = vector.load %arg2[%get3A_2, %get3A_3] : memref<128x128xf32, #tpu.memory_space<vmem>>, vector<128x128xf32>
    %dot_general3A = arith.constant dense<0.000000e+00> : vector<1000x128xf32>
    %dot_general3A_5 = tpu.matmul %get3A_1, %get3A_4, %dot_general3A {dimension_numbers = #tpu.dot_dimension_numbers<[1], [0], [0], [1], [0, 0, 1, 1], [], []>, transpose_lhs_hint = false} : vector<1000x128xf32>, vector<128x128xf32>, vector<1000x128xf32> -> vector<1000x128xf32>
    %get3A_6 = arith.constant 0 : index
    %get3A_7 = arith.constant 0 : index
    %get3A_8 = vector.load %arg3[%get3A_6, %get3A_7] : memref<1x128xf32, #tpu.memory_space<vmem>>, vector<1x128xf32>
    %add3A = vector.broadcast %get3A_8 : vector<1x128xf32> to vector<1000x128xf32>
    %add3A_9 = arith.addf %dot_general3A_5, %add3A : vector<1000x128xf32>
    %swap3A = arith.constant 0 : index
    %swap3A_10 = arith.constant 0 : index
    %swap3A_11 = vector.load %arg4[%swap3A, %swap3A_10] : memref<1000x128xf32, #tpu.memory_space<vmem>>, vector<1000x128xf32>
    tpu.vector_store %arg4[%swap3A, %swap3A_10], %add3A_9 {strides = array<i32>} : memref<1000x128xf32, #tpu.memory_space<vmem>>, vector<1000x128xf32>,
    return
  }
  func.func @transform_0(%arg0: i32) -> (i32, i32) {
    %c0_i32 = arith.constant 0 : i32
    %c0_i32_0 = arith.constant 0 : i32
    return %arg0, %c0_i32 : i32, i32
  }
  func.func @transform_1(%arg0: i32) -> (i32, i32) {
    %c0_i32 = arith.constant 0 : i32
    %c0_i32_0 = arith.constant 0 : i32
    %c0_i32_1 = arith.constant 0 : i32
    return %c0_i32, %c0_i32_0 : i32, i32
  }
  func.func @transform_2(%arg0: i32) -> (i32, i32) {
    %c0_i32 = arith.constant 0 : i32
    %c0_i32_0 = arith.constant 0 : i32
    %c0_i32_1 = arith.constant 0 : i32
    return %c0_i32, %c0_i32_0 : i32, i32
  }
  func.func @transform_3(%arg0: i32) -> (i32, i32) {
    %c0_i32 = arith.constant 0 : i32
    %c0_i32_0 = arith.constant 0 : i32
    return %arg0, %c0_i32 : i32, i32
  }
}

module attributes {stable_mosaic.version = 14 : i64} {
  func.func @_mlp_body(%arg0: i32, %arg1: memref<1000x128xf32, #tpu.memory_space<vmem>>, %arg2: memref<1000x128xf32, #tpu.memory_space<vmem>>, %arg3: memref<1000x128xf32, #tpu.memory_space<vmem>>, %arg4: memref<128x128xf32, #tpu.memory_space<vmem>>, %arg5: memref<1x128xf32, #tpu.memory_space<vmem>>, %arg6: memref<128x128xf32, #tpu.memory_space<vmem>>, %arg7: memref<1x128xf32, #tpu.memory_space<vmem>>, %arg8: memref<1x128xf32, #tpu.memory_space<vmem>>, %arg9: memref<1x128xf32, #tpu.memory_space<vmem>>, %arg10: memref<1000x128xf32, #tpu.memory_space<vmem>>) attributes {dimension_semantics = [#tpu.dimension_semantics<arbitrary>], iteration_bounds = array<i64: 10>, scalar_prefetch = 0 : i64, scratch_operands = 0 : i64, tpu.core_type = #tpu.core_type<tc>, window_params = [{transform_indices = @transform_0, window_bounds = array<i64: 1000, 128>}, {transform_indices = @transform_1, window_bounds = array<i64: 1000, 128>}, {transform_indices = @transform_2, window_bounds = array<i64: 1000, 128>}, {pipeline_mode = #tpu.pipeline_mode<synchronous>, transform_indices = @transform_3, window_bounds = array<i64: 128, 128>}, {pipeline_mode = #tpu.pipeline_mode<synchronous>, transform_indices = @transform_4, window_bounds = array<i64: 1, 128>}, {pipeline_mode = #tpu.pipeline_mode<synchronous>, transform_indices = @transform_5, window_bounds = array<i64: 128, 128>}, {pipeline_mode = #tpu.pipeline_mode<synchronous>, transform_indices = @transform_6, window_bounds = array<i64: 1, 128>}, {pipeline_mode = #tpu.pipeline_mode<synchronous>, transform_indices = @transform_7, window_bounds = array<i64: 1, 128>}, {pipeline_mode = #tpu.pipeline_mode<synchronous>, transform_indices = @transform_8, window_bounds = array<i64: 1, 128>}, {transform_indices = @transform_9, window_bounds = array<i64: 1000, 128>}]} {
    %get3A = arith.constant 0 : index
    %get3A_0 = arith.constant 0 : index
    %get3A_1 = vector.load %arg2[%get3A, %get3A_0] : memref<1000x128xf32, #tpu.memory_space<vmem>>, vector<1000x128xf32>
    %get3A_2 = arith.constant 0 : index
    %get3A_3 = arith.constant 0 : index
    %get3A_4 = vector.load %arg3[%get3A_2, %get3A_3] : memref<1000x128xf32, #tpu.memory_space<vmem>>, vector<1000x128xf32>
    %add3A = arith.addf %get3A_1, %get3A_4 : vector<1000x128xf32>
    %get3A_5 = arith.constant 0 : index
    %get3A_6 = arith.constant 0 : index
    %get3A_7 = vector.load %arg4[%get3A_5, %get3A_6] : memref<128x128xf32, #tpu.memory_space<vmem>>, vector<128x128xf32>
    %dot_general3A = arith.constant dense<0.000000e+00> : vector<1000x128xf32>
    %dot_general3A_8 = tpu.matmul %add3A, %get3A_7, %dot_general3A {dimension_numbers = #tpu.dot_dimension_numbers<[1], [0], [0], [1], [0, 0, 1, 1], [], []>, transpose_lhs_hint = false} : vector<1000x128xf32>, vector<128x128xf32>, vector<1000x128xf32> -> vector<1000x128xf32>
    %get3A_9 = arith.constant 0 : index
    %get3A_10 = arith.constant 0 : index
    %get3A_11 = vector.load %arg5[%get3A_9, %get3A_10] : memref<1x128xf32, #tpu.memory_space<vmem>>, vector<1x128xf32>
    %add3A_12 = vector.broadcast %get3A_11 : vector<1x128xf32> to vector<1000x128xf32>
    %add3A_13 = arith.addf %dot_general3A_8, %add3A_12 : vector<1000x128xf32>
    %max3A = arith.constant 0.000000e+00 : f32
    %max3A_14 = vector.broadcast %max3A : f32 to vector<1000x128xf32>
    %max3A_15 = arith.maximumf %add3A_13, %max3A_14 : vector<1000x128xf32>
    %get3A_16 = arith.constant 0 : index
    %get3A_17 = arith.constant 0 : index
    %get3A_18 = vector.load %arg6[%get3A_16, %get3A_17] : memref<128x128xf32, #tpu.memory_space<vmem>>, vector<128x128xf32>
    %dot_general3A_19 = arith.constant dense<0.000000e+00> : vector<1000x128xf32>
    %dot_general3A_20 = tpu.matmul %max3A_15, %get3A_18, %dot_general3A_19 {dimension_numbers = #tpu.dot_dimension_numbers<[1], [0], [0], [1], [0, 0, 1, 1], [], []>, transpose_lhs_hint = false} : vector<1000x128xf32>, vector<128x128xf32>, vector<1000x128xf32> -> vector<1000x128xf32>
    %get3A_21 = arith.constant 0 : index
    %get3A_22 = arith.constant 0 : index
    %get3A_23 = vector.load %arg7[%get3A_21, %get3A_22] : memref<1x128xf32, #tpu.memory_space<vmem>>, vector<1x128xf32>
    %add3A_24 = vector.broadcast %get3A_23 : vector<1x128xf32> to vector<1000x128xf32>
    %add3A_25 = arith.addf %dot_general3A_20, %add3A_24 : vector<1000x128xf32>
    %max3A_26 = arith.constant 0.000000e+00 : f32
    %max3A_27 = vector.broadcast %max3A_26 : f32 to vector<1000x128xf32>
    %max3A_28 = arith.maximumf %add3A_25, %max3A_27 : vector<1000x128xf32>
    %get3A_29 = arith.constant 0 : index
    %get3A_30 = arith.constant 0 : index
    %get3A_31 = vector.load %arg1[%get3A_29, %get3A_30] : memref<1000x128xf32, #tpu.memory_space<vmem>>, vector<1000x128xf32>
    %add3A_32 = arith.addf %get3A_31, %max3A_28 : vector<1000x128xf32>
    %reduce_sum3A = arith.constant dense<0.000000e+00> : vector<1000xf32>
    %reduce_sum3A_33 = vector.multi_reduction <add>, %add3A_32, %reduce_sum3A [1] : vector<1000x128xf32> to vector<1000xf32>
    %broadcast_in_dim3A = vector.shape_cast %reduce_sum3A_33 : vector<1000xf32> to vector<1000x1xf32>
    %div3A = arith.constant 1.280000e+02 : f32
    %div3A_34 = vector.broadcast %div3A : f32 to vector<1000x1xf32>
    %div3A_35 = arith.divf %broadcast_in_dim3A, %div3A_34 : vector<1000x1xf32>
    %sub3A = vector.broadcast %div3A_35 : vector<1000x1xf32> to vector<1000x128xf32>
    %sub3A_36 = arith.subf %add3A_32, %sub3A : vector<1000x128xf32>
    %mul3A = arith.mulf %sub3A_36, %sub3A_36 : vector<1000x128xf32>
    %reduce_sum3A_37 = arith.constant dense<0.000000e+00> : vector<1000xf32>
    %reduce_sum3A_38 = vector.multi_reduction <add>, %mul3A, %reduce_sum3A_37 [1] : vector<1000x128xf32> to vector<1000xf32>
    %broadcast_in_dim3A_39 = vector.shape_cast %reduce_sum3A_38 : vector<1000xf32> to vector<1000x1xf32>
    %div3A_40 = arith.constant 1.280000e+02 : f32
    %div3A_41 = vector.broadcast %div3A_40 : f32 to vector<1000x1xf32>
    %div3A_42 = arith.divf %broadcast_in_dim3A_39, %div3A_41 : vector<1000x1xf32>
    %add3A_43 = arith.constant 9.99999974E-6 : f32
    %add3A_44 = vector.broadcast %add3A_43 : f32 to vector<1000x1xf32>
    %add3A_45 = arith.addf %div3A_42, %add3A_44 : vector<1000x1xf32>
    %rsqrt3A = math.rsqrt %add3A_45 : vector<1000x1xf32>
    %mul3A_46 = vector.broadcast %rsqrt3A : vector<1000x1xf32> to vector<1000x128xf32>
    %mul3A_47 = arith.mulf %sub3A_36, %mul3A_46 : vector<1000x128xf32>
    %get3A_48 = arith.constant 0 : index
    %get3A_49 = arith.constant 0 : index
    %get3A_50 = vector.load %arg8[%get3A_48, %get3A_49] : memref<1x128xf32, #tpu.memory_space<vmem>>, vector<1x128xf32>
    %mul3A_51 = vector.broadcast %get3A_50 : vector<1x128xf32> to vector<1000x128xf32>
    %mul3A_52 = arith.mulf %mul3A_47, %mul3A_51 : vector<1000x128xf32>
    %get3A_53 = arith.constant 0 : index
    %get3A_54 = arith.constant 0 : index
    %get3A_55 = vector.load %arg9[%get3A_53, %get3A_54] : memref<1x128xf32, #tpu.memory_space<vmem>>, vector<1x128xf32>
    %add3A_56 = vector.broadcast %get3A_55 : vector<1x128xf32> to vector<1000x128xf32>
    %add3A_57 = arith.addf %mul3A_52, %add3A_56 : vector<1000x128xf32>
    %swap3A = arith.constant 0 : index
    %swap3A_58 = arith.constant 0 : index
    %swap3A_59 = vector.load %arg10[%swap3A, %swap3A_58] : memref<1000x128xf32, #tpu.memory_space<vmem>>, vector<1000x128xf32>
    tpu.vector_store %arg10[%swap3A, %swap3A_58], %add3A_57 {strides = array<i32>} : memref<1000x128xf32, #tpu.memory_space<vmem>>, vector<1000x128xf32>,
    return
  }
  func.func @transform_0(%arg0: i32) -> (i32, i32) {
    %c0_i32 = arith.constant 0 : i32
    %c0_i32_0 = arith.constant 0 : i32
    return %arg0, %c0_i32 : i32, i32
  }
  func.func @transform_1(%arg0: i32) -> (i32, i32) {
    %c0_i32 = arith.constant 0 : i32
    %c0_i32_0 = arith.constant 0 : i32
    return %arg0, %c0_i32 : i32, i32
  }
  func.func @transform_2(%arg0: i32) -> (i32, i32) {
    %c0_i32 = arith.constant 0 : i32
    %c0_i32_0 = arith.constant 0 : i32
    return %arg0, %c0_i32 : i32, i32
  }
  func.func @transform_3(%arg0: i32) -> (i32, i32) {
    %c0_i32 = arith.constant 0 : i32
    %c0_i32_0 = arith.constant 0 : i32
    %c0_i32_1 = arith.constant 0 : i32
    return %c0_i32, %c0_i32_0 : i32, i32
  }
  func.func @transform_4(%arg0: i32) -> (i32, i32) {
    %c0_i32 = arith.constant 0 : i32
    %c0_i32_0 = arith.constant 0 : i32
    %c0_i32_1 = arith.constant 0 : i32
    return %c0_i32, %c0_i32_0 : i32, i32
  }
  func.func @transform_5(%arg0: i32) -> (i32, i32) {
    %c0_i32 = arith.constant 0 : i32
    %c0_i32_0 = arith.constant 0 : i32
    %c0_i32_1 = arith.constant 0 : i32
    return %c0_i32, %c0_i32_0 : i32, i32
  }
  func.func @transform_6(%arg0: i32) -> (i32, i32) {
    %c0_i32 = arith.constant 0 : i32
    %c0_i32_0 = arith.constant 0 : i32
    %c0_i32_1 = arith.constant 0 : i32
    return %c0_i32, %c0_i32_0 : i32, i32
  }
  func.func @transform_7(%arg0: i32) -> (i32, i32) {
    %c0_i32 = arith.constant 0 : i32
    %c0_i32_0 = arith.constant 0 : i32
    %c0_i32_1 = arith.constant 0 : i32
    return %c0_i32, %c0_i32_0 : i32, i32
  }
  func.func @transform_8(%arg0: i32) -> (i32, i32) {
    %c0_i32 = arith.constant 0 : i32
    %c0_i32_0 = arith.constant 0 : i32
    %c0_i32_1 = arith.constant 0 : i32
    return %c0_i32, %c0_i32_0 : i32, i32
  }
  func.func @transform_9(%arg0: i32) -> (i32, i32) {
    %c0_i32 = arith.constant 0 : i32
    %c0_i32_0 = arith.constant 0 : i32
    return %arg0, %c0_i32 : i32, i32
  }
}

</mosaic_0001>

<sc_bundles>
// kernel: kernel.5.cloned.1.call-start
scs
__scs_entry_jumppad:
0x0: {  	(pc) =	sbr.rel $0x88, $3  }
0x1: {  	(tag) =	ssettag $0x0;
	lr =	simm.s32 $0x1  }
0x2: {  	[smem:$0x3F97] =	sst lr;
	_ =	strace $0xD0000000  }
0x3: {  	_ = 	snop  }
0x4: {  	_ = 	snop  }
0x5: {  	_ = 	snop  }
0x6: {  	_ = 	snop  }
0x7: {  	_ = 	snop  }
__scs_overlays_trampoline_lowered:
0x8: {  	[smem:$0x3FA6] =	sst s0  }
0x9: {  	[smem:$0x3FA7] =	sst s1  }
0xa: {  	[smem:$0x3FA8] =	sst s2  }
0xb: {  	[smem:$0x3FA9] =	sst s3  }
0xc: {  	[smem:$0x3FAA] =	sst s4  }
0xd: {  	[smem:$0x3FAB] =	sst s5  }
0xe: {  	[smem:$0x3FAC] =	sst s6  }
0xf: {  	[smem:$0x3FAD] =	sst s7  }
0x10: {  	[smem:$0x3FAE] =	sst s8  }
0x11: {  	[smem:$0x3FAF] =	sst s9;
	s0 =	simm.s32 @!p0 $0x0  }
0x12: {  	s1 =	sld [smem:$0x3F95];
	s0 =	simm.s32 @p0 $0x1  }
0x13: {  	[smem:$0x3FB0] =	sst s0;
	s0 =	simm.s32 @!p1 $0x0  }
0x14: {  	s2 =	sld [smem:$0x3F94];
	s0 =	simm.s32 @p1 $0x1  }
0x15: {  	[smem:$0x3FB1] =	sst s0;
	s0 =	simm.s32 @!p2 $0x0  }
0x16: {  	s3 =	sld [smem:$0x3FDB];
	s0 =	simm.s32 @p2 $0x1  }
0x17: {  	s4 =	simm.s32 $0x1BF5;
	[smem:$0x3FB3] =	sst s0  }
0x18: {  	s0 =	sld [smem:$0x3F96];
	_ =	swait.ge [sflag:s4], $0x0  }
0x19: {  	s7 =	sld [smem:$0x3F97]  }
0x1a: {  	s8 =	sadd.s32 $0xFFFFE003, lr  }
0x1b: {  	s9 =	sadd.s32 $0xFFFFFEF7, lr;
	s5 =	simm.s32 $0xFFFFFFFF;
	p2 =	slt.u32 s8, $0xFFFFF086  }
0x1c: {  	p1 =	slt.u32 s9, $0xF7A;
	s5 =	simm.s32 @!p2 $0x0  }
0x1d: {  	s5 =	simm.s32 @p1 $0x1;
	p0 =	seq.s32 s7, s2  }
0x1e: {  	s7 =	smul.u32 @!p0 $0xF7A, s2;
	p2 =	seq.s32 @!p0 s5, $0x0  }
0x1f: {  	s9 =	smul.u32 $0xF7A, s1;
	s8 =	simm.s32 @!p0 $0x1BF5;
	p2 =	por !p2, p0  }
0x20: {  	[sflag:s8] =	ssyncset.s32 @!p0 $0xFFFFF086;
	s6 =	sadd.s32 @!p0 s3, s7;
	s7 =	simm.s32 @!p0 $0x108  }
0x21: {  	s3 =	sadd.s32 s3, s9;
	s6 =	sadd.s32 @!p0 $0x88, s6;
	s7 =	simm.s32 @p2 $0x1082  }
0x22: {  	[simem:s7], [sflag:s8] =	dma.local @!p0 [hbm:s6], $0xF7A  }
0x23: {  	s9 =	sor.u32 $0xD0000000, s2;
	s6 =	simm.s32 $0x108;
	_ =	swait.ge @!p0 [sflag:s8], $0x0  }
0x24: {  	s3 =	sadd.s32 $0x88, s3;
	s6 =	simm.s32 @!p1 $0x1082;
	[sflag:s4] =	ssyncset.s32 $0xFFFFF086  }
0x25: {  	[simem:s6], [sflag:s4] =	dma.local [hbm:s3], $0xF7A  }
0x26: {  	[smem:$0x3F97] =	sst s1;
	(tag) =	ssettag s2;
	_ =	strace s9  }
0x27: {  	s1 =	sld [smem:$0x3FA7]  }
0x28: {  	s2 =	sld [smem:$0x3FA8]  }
0x29: {  	s4 =	sld [smem:$0x3FAA]  }
0x2a: {  	p0 =	seq.s32 s5, $0x0;
	s5 =	sld [smem:$0x3FAB]  }
0x2b: {  	s6 =	sld [smem:$0x3FAC]  }
0x2c: {  	s7 =	sld [smem:$0x3FAD]  }
0x2d: {  	s3 =	simm.s32 $0x108;
	s8 =	sld [smem:$0x3FAE]  }
0x2e: {  	s3 =	simm.s32 @!p0 $0x1082;
	s9 =	sld [smem:$0x3FAF]  }
0x2f: {  	lr =	sadd.s32 s0, s3;
	s0 =	sld [smem:$0x3FA6]  }
0x30: {  	s3 =	sld [smem:$0x3FA9]  }
0x31: {  	[smem:$0x3FB2] =	sst s10  }
0x32: {  	s10 =	sld [smem:$0x3FB0];
	_ =	sdelay $0x3  }
0x33: {  	p0 =	seq.s32 s10, $0x1;
	s10 =	sld [smem:$0x3FB2];
	_ =	sdelay $0x3  }
0x34: {  	[smem:$0x3FB2] =	sst s10  }
0x35: {  	s10 =	sld [smem:$0x3FB1];
	_ =	sdelay $0x3  }
0x36: {  	p1 =	seq.s32 s10, $0x1;
	s10 =	sld [smem:$0x3FB2];
	_ =	sdelay $0x3  }
0x37: {  	[smem:$0x3FB2] =	sst s10  }
0x38: {  	s10 =	sld [smem:$0x3FB3]  }
0x39: {  	_ = 	snop;
	(pc) =	sbr.ind lr, $3  }
0x3a: {  	_ = 	snop  }
0x3b: {  	_ = 	snop  }
0x3c: {  	p2 =	seq.s32 s10, $0x1;
	s10 =	sld [smem:$0x3FB2]  }
0x3d: {  	_ =	shalt  }
0x3e: {  	_ =	shalt  }
0x3f: {  	_ =	shalt  }
0x40: {  	_ =	shalt  }
0x41: {  	_ =	shalt  }
0x42: {  	_ =	shalt  }
0x43: {  	_ =	shalt  }
0x44: {  	_ =	shalt  }
0x45: {  	_ =	shalt  }
0x46: {  	_ =	shalt  }
0x47: {  	_ =	shalt  }
0x48: {  	_ =	shalt  }
0x49: {  	_ =	shalt  }
0x4a: {  	_ =	shalt  }
0x4b: {  	_ =	shalt  }
0x4c: {  	_ =	shalt  }
0x4d: {  	_ =	shalt  }
0x4e: {  	_ =	shalt  }
0x4f: {  	_ =	shalt  }
0x50: {  	_ =	shalt  }
0x51: {  	_ =	shalt  }
0x52: {  	_ =	shalt  }
0x53: {  	_ =	shalt  }
0x54: {  	_ =	shalt  }
0x55: {  	_ =	shalt  }
0x56: {  	_ =	shalt  }
0x57: {  	_ =	shalt  }
0x58: {  	_ =	shalt  }
0x59: {  	_ =	shalt  }
0x5a: {  	_ =	shalt  }
0x5b: {  	_ =	shalt  }
0x5c: {  	_ =	shalt  }
0x5d: {  	_ =	shalt  }
0x5e: {  	_ =	shalt  }
0x5f: {  	_ =	shalt  }
0x60: {  	_ =	shalt  }
0x61: {  	_ =	shalt  }
0x62: {  	_ =	shalt  }
0x63: {  	_ =	shalt  }
0x64: {  	_ =	shalt  }
0x65: {  	_ =	shalt  }
0x66: {  	_ =	shalt  }
0x67: {  	_ =	shalt  }
0x68: {  	_ =	shalt  }
0x69: {  	_ =	shalt  }
0x6a: {  	_ =	shalt  }
0x6b: {  	_ =	shalt  }
0x6c: {  	_ =	shalt  }
0x6d: {  	_ =	shalt  }
0x6e: {  	_ =	shalt  }
0x6f: {  	_ =	shalt  }
0x70: {  	_ =	shalt  }
0x71: {  	_ =	shalt  }
0x72: {  	_ =	shalt  }
0x73: {  	_ =	shalt  }
0x74: {  	_ =	shalt  }
0x75: {  	_ =	shalt  }
0x76: {  	_ =	shalt  }
0x77: {  	_ =	shalt  }
0x78: {  	_ =	shalt  }
0x79: {  	_ =	shalt  }
0x7a: {  	_ =	shalt  }
0x7b: {  	_ =	shalt  }
0x7c: {  	_ =	shalt  }
0x7d: {  	_ =	shalt  }
0x7e: {  	_ =	shalt  }
0x7f: {  	_ =	shalt  }
0x80: {  	_ =	shalt  }
0x81: {  	_ =	shalt  }
0x82: {  	_ =	shalt  }
0x83: {  	_ =	shalt  }
0x84: {  	_ =	shalt  }
0x85: {  	_ =	shalt  }
0x86: {  	_ =	shalt  }
0x87: {  	_ =	shalt  }
.Lfunc_end0:
.L_simem_size_0:
called_computation_lowered:
.L_overlay_start_0:
0x88: {  	s2 =	sld [smem:$0x3FD9]  }
0x89: {  	s3 =	sld [smem:$0x3FFE];
	_ =	sdelay $0x1  }
0x8a: {  	s1 =	srdreg.scid  }
0x8b: {  	s0 =	sand.u32 $0x1, s1  }
0x8c: {  	s17 =	sshll.u32 s0, $0xA;
	s2 =	sadd.s32 s3, s2  }
0x8d: {  	s2 =	sadd.s32 s2, s17  }
0x8e: {  	[smem:$0x3FBE] =	sst s2  }
0x8f: {  	_ = 	snop  }
0x90: {  	s2 =	sld [smem:$0x3FD0];
	(tm) =	ssettm $0x1  }
0x91: {  	s18 =	sld [smem:$0x3FFB];
	_ =	sdelay $0x3  }
0x92: {  	_ =	strace s18  }
0x93: {  	s3 =	sld [smem:$0x3FFC];
	_ =	sdelay $0x3  }
0x94: {  	_ =	strace s3  }
0x95: {  	s3 =	sld [smem:$0x3FFD];
	_ =	sdelay $0x3  }
0x96: {  	_ =	strace s3  }
0x97: {  	_ =	strace $0x8FFFFFFF  }
0x98: {  	s19 =	sld [smem:$0x3FDB];
	_ =	sdelay $0x1  }
0x99: {  	s4 =	simm.s32 $_scs_section_size  }
0x9a: {  	s5 =	simm.s32 $_size__tile_overlayer_lowered;
	s6 =	simm.s32 $_tile_overlayer_lowered  }
0x9b: {  	s22 =	simm.s32 $0x1BFF;
	s21 =	sshll.u32 s6, $0x1;
	s3 =	sadd.s32 s4, s19  }
0x9c: {  	s7 =	simm.s32 $0x0;
	s20 =	sshll.u32 s5, $0x1;
	s5 =	sadd.s32 s21, s3  }
0x9d: {  	[timem:s7], [sflag:s22] =	dma.local [hbm:s5], s20  }
0x9e: {  	_ =	swait.ge [sflag:s22], s20  }
0x9f: {  	s4 =	ssub.s32 $0x0, s20;
	[sflag:s22] =	ssyncset.done $0x0  }
0xa0: {  	[sflag:s22] =	ssyncadd.s32 s4;
	_ =	sdelay $0x1  }
0xa1: {  	s23 =	simm.s32 $0x1B8B  }
0xa2: {  	_ =	swait.ge [sflag:s23], $0x1  }
0xa3: {  	[sflag:s23] =	ssyncset.done $0x0  }
0xa4: {  	s25 =	simm.s32 $0x1B8E;
	s24 =	sld [smem:$0x3FFE];
	[sflag:s23] =	ssyncadd.s32 $0xFFFFFFFF  }
0xa5: {  	s26 =	simm.s32 $execute0_lowered;
	[smem:$0x3FD2] =	sst s25  }
0xa6: {  	s5 =	sshll.u32 s26, $0x1;
	_ =	strace $0x80000046;
	[dreg:$0x1] =	wrdreg $0xFFFFFFFF  }
0xa7: {  	s28 =	simm.s32 $_size_execute0_lowered;
	s3 =	sadd.s32 s3, s5;
	[dreg:$0x0] =	wrdreg $0x0  }
0xa8: {  	s5 =	sshll.u32 s28, $0x1;
	[dreg:$0x2] =	wrdreg s3  }
0xa9: {  	[dreg:$0x3] =	wrdreg s5  }
0xaa: {  	[dreg:$0x4] =	wrdreg $0xC0  }
0xab: {  	_ =	task [dreg:s7], $0x5FFFF  }
0xac: {  	[dreg:$0x1] =	wrdreg $0xFFFFFFFF  }
0xad: {  	[dreg:$0x0] =	wrdreg $0x60  }
0xae: {  	[dreg:$0x2] =	wrdreg s2  }
0xaf: {  	[dreg:$0x3] =	wrdreg s24  }
0xb0: {  	[dreg:$0x4] =	wrdreg $0x90000  }
0xb1: {  	[dreg:$0x5] =	wrdreg $0x9  }
0xb2: {  	_ =	task.clear_ibuf [dreg:s7], $0x6FFFF;
	_ =	strace $0x90000046  }
0xb3: {  	s29 =	simm.s32 $0x9;
	_ =	strace $0x80000048  }
0xb4: {  	_ =	swait.ge [sflag:s29], $0x1  }
0xb5: {  	[sflag:s29] =	ssyncadd.s32 $0xFFFFFFFF  }
0xb6: {  	_ =	strace $0x90000048  }
0xb7: {  	_ =	sfence  }
0xb8: {  	s30 =	sld [smem:$0x0];
	_ =	sdelay $0x2  }
0xb9: {  	s31 =	sshll.u32 s1, $0xD;
	s1 =	sshrl.u32 s1, $0x2  }
0xba: {  	s3 =	sand.u32 $0x4000, s31;
	s1 =	sadd.s32 s1, s30  }
0xbb: {  	s0 =	sor.u32 s3, s0;
	s1 =	sshll.u32 s1, $0x11  }
0xbc: {  	s0 =	sor.u32 s1, s0  }
0xbd: {  	s0 =	sadd.s32 $0x8F2B, s0  }
0xbe: {  	[sflag:s0] =	ssyncadd.remote.s32 $0x1  }
0xbf: {  	_ =	sfence.sel $0xFFFF  }
0xc0: {  	[dreg:$0x0] =	wrdreg $0xFFFFFFFF;
	(pc) =	sbr.abs _section_cstart, $3  }
0xc1: {  	[dreg:$0x1] =	wrdreg $0xFFFFFFFF  }
0xc2: {  	_ =	task.clear_ibuf [dreg:s7], $0x2FFFF;
	_ =	strace $0x9FFFFFFF  }
0xc3: {  	(tm) =	ssettm $0x7FFFFFFF  }
tec
execute0_lowered:
.L_overlay_start_1:
0x0: {  	(tag) =	ssettag $0x1  }
0x1: {  	s1 =	rddreg [dreg:$0x0]  }
0x2: {  	s0 =	rddreg [dreg:$0x1]  }
0x3: {  	s3 =	rddreg [dreg:$0x2]  }
0x4: {  	s4 =	simm.s32 $0x0;
	s14 =	stileid.u32;
	s2 =	srdreg.scid  }
0x5: {  	s28 =	simm.s32 $0x2;
	s29 =	simm.s32 $0xB80;
	s31 =	simm.s32 $0x480  }
0x6: {  	s30 =	simm.s32 $0x700;
	[smem:$0x7FF] =	sst s4;
	s5 =	smul.u32 $0x50000, s14  }
0x7: {  	s15 =	sadd.s32 $0xBC00, s0;
	s2 =	sand.u32 $0x1, s2;
	s6 =	smul.u32 $0x14000, s14  }
0x8: {  	s16 =	sadd.s32 $0x1C00, s0;
	s0 =	sadd.s32 $0x15C00, s0;
	s10 =	smul.u32 $0x4800, s14  }
0x9: {  	s19 =	smul.u32 $0x900, s14;
	_ =	strace $0x80000047;
	s7 =	ssub.s32 $0x2, s2  }
0xa: {  	p0 =	seq.s32 s2, $0x1;
	s2 =	smul.u32 $0x140000, s2;
	[dreg:$0x4] =	wrdreg s15  }
0xb: {  	[dreg:$0x5] =	wrdreg s16;
	s8 =	sshrl.u32 s7, $0x1;
	s5 =	sshrl.u32 s5, $0x2  }
0xc: {  	s9 =	sadd.s32 $0x4000, s6;
	s25 =	sadd.s32 $0x8000, s6;
	s26 =	sadd.s32 $0xC000, s6  }
0xd: {  	s18 =	sadd.s32 $0x10000, s6;
	s10 =	sshrl.u32 s10, $0x3;
	s7 =	ssub.s32 s7, s8  }
0xe: {  	s5 =	sadd.s32 s5, s3;
	s24 =	sadd.s32 s9, s3;
	s11 =	sadd.s32 s25, s3  }
0xf: {  	s17 =	sadd.s32 s26, s3;
	s12 =	sadd.s32 s18, s3;
	[dreg:$0x6] =	wrdreg s5  }
0x10: {  	s13 =	sadd.s32 $0x100, s10;
	s6 =	sadd.s32 s6, s2;
	[dreg:$0x7] =	wrdreg s24  }
0x11: {  	s9 =	sadd.s32 s2, s9;
	s22 =	sadd.s32 $0x200, s10;
	[dreg:$0x8] =	wrdreg s11  }
0x12: {  	s8 =	sadd.s32 s2, s26;
	s23 =	sadd.s32 $0x300, s10;
	[dreg:$0x9] =	wrdreg s17  }
0x13: {  	[dreg:$0xa] =	wrdreg s12;
	s17 =	sadd.s32 s15, s19;
	s12 =	sadd.s32 s16, s19  }
0x14: {  	s20 =	sadd.s32 s15, s13;
	s21 =	sadd.s32 s16, s13;
	s6 =	sshrl.u32 s6, $0x3  }
0x15: {  	s9 =	sshrl.u32 s9, $0x3;
	s5 =	sadd.s32 s2, s25;
	[dreg:$0xb] =	wrdreg s17  }
0x16: {  	s2 =	sadd.s32 s2, s18;
	s25 =	sshrl.u32 s8, $0x3;
	[dreg:$0xc] =	wrdreg s12  }
0x17: {  	s8 =	sadd.s32 s15, s23;
	s11 =	sadd.s32 $0x400, s10;
	[dreg:$0xd] =	wrdreg s20  }
0x18: {  	s19 =	sadd.s32 $0x600, s10;
	[dreg:$0xe] =	wrdreg s21;
	s6 =	sadd.s32 s0, s6  }
0x19: {  	s24 =	sadd.s32 s0, s9;
	s5 =	sshrl.u32 s5, $0x3;
	[dreg:$0x16] =	wrdreg s8  }
0x1a: {  	s2 =	sshrl.u32 s2, $0x3;
	s26 =	sadd.s32 s0, s25;
	[dreg:$0xf] =	wrdreg s6  }
0x1b: {  	s9 =	sadd.s32 s16, s23;
	s12 =	sadd.s32 $0x500, s10;
	[dreg:$0x10] =	wrdreg s24  }
0x1c: {  	s13 =	sadd.s32 s15, s11;
	s20 =	sadd.s32 $0x700, s10;
	[dreg:$0x12] =	wrdreg s26  }
0x1d: {  	s21 =	sadd.s32 s15, s19;
	s25 =	sshll.u32 s14, $0x8;
	[dreg:$0x17] =	wrdreg s9  }
0x1e: {  	s14 =	simm.s32 $0x180;
	s8 =	simm.s32 $0x680;
	[dreg:$0x18] =	wrdreg s13  }
0x1f: {  	s5 =	sadd.s32 s0, s5;
	s0 =	sadd.s32 s0, s2;
	[dreg:$0x1c] =	wrdreg s21  }
0x20: {  	s6 =	sadd.s32 s16, s22;
	s17 =	sadd.s32 s15, s12;
	[dreg:$0x11] =	wrdreg s5  }
0x21: {  	s18 =	sadd.s32 s16, s12;
	s23 =	sadd.s32 s16, s20;
	[dreg:$0x13] =	wrdreg s0  }
0x22: {  	s24 =	sadd.s32 $0x800, s10;
	s26 =	smax.u32 s7, $0x1;
	[dreg:$0x15] =	wrdreg s6  }
0x23: {  	s21 =	simm.s32 $0x3;
	s7 =	simm.s32 $0x280;
	[dreg:$0x1a] =	wrdreg s17  }
0x24: {  	s9 =	simm.s32 $0xA80;
	s2 =	simm.s32 $0xC80;
	[dreg:$0x1b] =	wrdreg s18  }
0x25: {  	s13 =	simm.s32 $0xD80;
	s10 =	simm.s32 $0xE00;
	[dreg:$0x1f] =	wrdreg s23  }
0x26: {  	s12 =	simm.s32 $0xF00;
	s5 =	sadd.s32 s15, s22;
	[smem:$0x7FB] =	sst s24  }
0x27: {  	s0 =	sadd.s32 s16, s11;
	s22 =	sadd.s32 s15, s20;
	[smem:$0x7FD] =	sst s26  }
0x28: {  	s15 =	simm.s32 $0x1000;
	s23 =	simm.s32 $0x80;
	s24 =	simm.s32 $0x5000  }
0x29: {  	s11 =	simm.s32 $0x380;
	s20 =	simm.s32 $0xD00;
	s6 =	simm.s32 $0x600  }
.Ltmp0:
0x2a: {  	s26 =	simm.s32 $0xE80;
	[dreg:$0x14] =	wrdreg s5;
	(pc) =	sbr.rel .LBB2_1-.Ltmp0, $4  }
0x2b: {  	s17 =	simm.s32 $0x0;
	[dreg:$0x19] =	wrdreg s0;
	s0 =	sadd.s32 s16, s19  }
0x2c: {  	[dreg:$0x1e] =	wrdreg s22;
	s5 =	simm.s32 $0x980;
	s22 =	simm.s32 $0x580  }
0x2d: {  	s16 =	simm.s32 $0xF80;
	[dreg:$0x1d] =	wrdreg s0;
	s0 =	sor.u32 $0x9000, s25  }
0x2e: {  	v0 =	vimm.f32 $0.0e+00;
	s25 =	simm.s32 $0x1;
	[smem:$0x7FC] =	sst s0;
	s0 =	simm.s32 $0x780  }
.LBB2_5:
0x2f: {  	s19 =	rddreg [dreg:$0x4]  }
0x30: {  	s19 =	sadd.s32 s19, s18  }
0x31: {  	[tilespmem:s4], [sflag:$0x3] =	stream.linear.gather [hbm4b:s19+s4], $0x800, $0x38;
	[tilespmem:$0x1D000] =	vst v63  }
0x32: {  	_ =	swait.ge [sflag:s21], $0x800  }
0x33: {  	[sflag:s21] =	ssyncset.done $0x0;
	s19 =	rddreg [dreg:$0x5]  }
0x34: {  	s18 =	sadd.s32 s19, s18;
	[sflag:s21] =	ssyncadd.s32 $0xFFFFF800;
	s19 =	simm.s32 $0x800  }
0x35: {  	[tilespmem:s19], [sflag:$0x3] =	stream.linear.gather [hbm4b:s18+s4], $0x800, $0x38;
	[tilespmem:$0x1D000] =	vst v63  }
0x36: {  	_ =	swait.ge [sflag:s21], $0x800  }
0x37: {  	[sflag:s21] =	ssyncset.done $0x0  }
0x38: {  	[sflag:s21] =	ssyncadd.s32 $0xFFFFF800  }
0x39: {  	[tilespmem:s15], [sflag:$0x1] =	stream.indirect.gather [hbm4b:s1+s23], $0x80, s4, s23, $0xb8;
	[tilespmem:$0x1D000] =	vst v63  }
0x3a: {  	_ = 	snop  }
0x3b: {  	[tilespmem:s24], [sflag:$0x1] =	stream.indirect.gather [hbm4b:s1+s23], $0x80, s23, s23, $0xb8;
	[tilespmem:$0x1D000] =	vst v63  }
0x3c: {  	_ =	swait.ge [sflag:s25], $0x4000  }
0x3d: {  	[sflag:s25] =	ssyncset.done $0x0  }
0x3e: {  	[sflag:s25] =	ssyncadd.s32 $0xFFFFC000  }
0x3f: {  	[spmem:s3] =	stream.indirect.scatter.add.f32 [tilespmem:s15], [sflag:$0x2], $0x80, s19, s23, $0xb8;
	[tilespmem:$0x1D000] =	vst v63  }
0x40: {  	_ =	swait.ge [sflag:s25], $0x4000  }
0x41: {  	[sflag:s25] =	ssyncset.done $0x0  }
0x42: {  	s19 =	simm.s32 $0x880;
	[sflag:s25] =	ssyncadd.s32 $0xFFFFC000  }
0x43: {  	[spmem:s3] =	stream.indirect.scatter.add.f32 [tilespmem:s24], [sflag:$0x2], $0x80, s19, s23, $0xb8;
	[tilespmem:$0x1D000] =	vst v63  }
0x44: {  	_ =	swait.ge [sflag:s28], $0x4000  }
0x45: {  	[sflag:s28] =	ssyncset.done $0x0  }
0x46: {  	[sflag:s28] =	ssyncadd.s32 $0xFFFFC000  }
0x47: {  	_ =	swait.ge [sflag:s28], $0x4000  }
0x48: {  	[sflag:s28] =	ssyncset.done $0x0  }
0x49: {  	s19 =	simm.s32 $0x100;
	[sflag:s28] =	ssyncadd.s32 $0xFFFFC000  }
0x4a: {  	[tilespmem:s15], [sflag:$0x1] =	stream.indirect.gather [hbm4b:s1+s23], $0x80, s19, s23, $0xb8;
	[tilespmem:$0x1D000] =	vst v63  }
0x4b: {  	_ = 	snop  }
0x4c: {  	[tilespmem:s24], [sflag:$0x1] =	stream.indirect.gather [hbm4b:s1+s23], $0x80, s14, s23, $0xb8;
	[tilespmem:$0x1D000] =	vst v63  }
0x4d: {  	_ =	swait.ge [sflag:s25], $0x4000  }
0x4e: {  	[sflag:s25] =	ssyncset.done $0x0  }
0x4f: {  	s19 =	simm.s32 $0x900;
	[sflag:s25] =	ssyncadd.s32 $0xFFFFC000  }
0x50: {  	[spmem:s3] =	stream.indirect.scatter.add.f32 [tilespmem:s15], [sflag:$0x2], $0x80, s19, s23, $0xb8;
	[tilespmem:$0x1D000] =	vst v63  }
0x51: {  	_ =	swait.ge [sflag:s25], $0x4000  }
0x52: {  	[sflag:s25] =	ssyncset.done $0x0  }
0x53: {  	[sflag:s25] =	ssyncadd.s32 $0xFFFFC000  }
0x54: {  	[spmem:s3] =	stream.indirect.scatter.add.f32 [tilespmem:s24], [sflag:$0x2], $0x80, s5, s23, $0xb8;
	[tilespmem:$0x1D000] =	vst v63  }
0x55: {  	_ =	swait.ge [sflag:s28], $0x4000  }
0x56: {  	[sflag:s28] =	ssyncset.done $0x0  }
0x57: {  	[sflag:s28] =	ssyncadd.s32 $0xFFFFC000  }
0x58: {  	_ =	swait.ge [sflag:s28], $0x4000  }
0x59: {  	[sflag:s28] =	ssyncset.done $0x0  }
0x5a: {  	s19 =	simm.s32 $0x200;
	[sflag:s28] =	ssyncadd.s32 $0xFFFFC000  }
0x5b: {  	[tilespmem:s15], [sflag:$0x1] =	stream.indirect.gather [hbm4b:s1+s23], $0x80, s19, s23, $0xb8;
	[tilespmem:$0x1D000] =	vst v63  }
0x5c: {  	_ = 	snop  }
0x5d: {  	[tilespmem:s24], [sflag:$0x1] =	stream.indirect.gather [hbm4b:s1+s23], $0x80, s7, s23, $0xb8;
	[tilespmem:$0x1D000] =	vst v63  }
0x5e: {  	_ =	swait.ge [sflag:s25], $0x4000  }
0x5f: {  	[sflag:s25] =	ssyncset.done $0x0  }
0x60: {  	s19 =	simm.s32 $0xA00;
	[sflag:s25] =	ssyncadd.s32 $0xFFFFC000  }
0x61: {  	[spmem:s3] =	stream.indirect.scatter.add.f32 [tilespmem:s15], [sflag:$0x2], $0x80, s19, s23, $0xb8;
	[tilespmem:$0x1D000] =	vst v63  }
0x62: {  	_ =	swait.ge [sflag:s25], $0x4000  }
0x63: {  	[sflag:s25] =	ssyncset.done $0x0  }
0x64: {  	[sflag:s25] =	ssyncadd.s32 $0xFFFFC000  }
0x65: {  	[spmem:s3] =	stream.indirect.scatter.add.f32 [tilespmem:s24], [sflag:$0x2], $0x80, s9, s23, $0xb8;
	[tilespmem:$0x1D000] =	vst v63  }
0x66: {  	_ =	swait.ge [sflag:s28], $0x4000  }
0x67: {  	[sflag:s28] =	ssyncset.done $0x0  }
0x68: {  	[sflag:s28] =	ssyncadd.s32 $0xFFFFC000  }
0x69: {  	_ =	swait.ge [sflag:s28], $0x4000  }
0x6a: {  	[sflag:s28] =	ssyncset.done $0x0  }
0x6b: {  	s19 =	simm.s32 $0x300;
	[sflag:s28] =	ssyncadd.s32 $0xFFFFC000  }
0x6c: {  	[tilespmem:s15], [sflag:$0x1] =	stream.indirect.gather [hbm4b:s1+s23], $0x80, s19, s23, $0xb8;
	[tilespmem:$0x1D000] =	vst v63  }
0x6d: {  	_ = 	snop  }
0x6e: {  	[tilespmem:s24], [sflag:$0x1] =	stream.indirect.gather [hbm4b:s1+s23], $0x80, s11, s23, $0xb8;
	[tilespmem:$0x1D000] =	vst v63  }
0x6f: {  	_ =	swait.ge [sflag:s25], $0x4000  }
0x70: {  	[sflag:s25] =	ssyncset.done $0x0  }
0x71: {  	s19 =	simm.s32 $0xB00;
	[sflag:s25] =	ssyncadd.s32 $0xFFFFC000  }
0x72: {  	[spmem:s3] =	stream.indirect.scatter.add.f32 [tilespmem:s15], [sflag:$0x2], $0x80, s19, s23, $0xb8;
	[tilespmem:$0x1D000] =	vst v63  }
0x73: {  	_ =	swait.ge [sflag:s25], $0x4000  }
0x74: {  	[sflag:s25] =	ssyncset.done $0x0  }
0x75: {  	[sflag:s25] =	ssyncadd.s32 $0xFFFFC000  }
0x76: {  	[spmem:s3] =	stream.indirect.scatter.add.f32 [tilespmem:s24], [sflag:$0x2], $0x80, s29, s23, $0xb8;
	[tilespmem:$0x1D000] =	vst v63  }
0x77: {  	_ =	swait.ge [sflag:s28], $0x4000  }
0x78: {  	[sflag:s28] =	ssyncset.done $0x0  }
0x79: {  	[sflag:s28] =	ssyncadd.s32 $0xFFFFC000  }
0x7a: {  	_ =	swait.ge [sflag:s28], $0x4000  }
0x7b: {  	[sflag:s28] =	ssyncset.done $0x0  }
0x7c: {  	s19 =	simm.s32 $0x400;
	[sflag:s28] =	ssyncadd.s32 $0xFFFFC000  }
0x7d: {  	[tilespmem:s15], [sflag:$0x1] =	stream.indirect.gather [hbm4b:s1+s23], $0x80, s19, s23, $0xb8;
	[tilespmem:$0x1D000] =	vst v63  }
0x7e: {  	_ = 	snop  }
0x7f: {  	[tilespmem:s24], [sflag:$0x1] =	stream.indirect.gather [hbm4b:s1+s23], $0x80, s31, s23, $0xb8;
	[tilespmem:$0x1D000] =	vst v63  }
0x80: {  	_ =	swait.ge [sflag:s25], $0x4000  }
0x81: {  	[sflag:s25] =	ssyncset.done $0x0  }
0x82: {  	s19 =	simm.s32 $0xC00;
	[sflag:s25] =	ssyncadd.s32 $0xFFFFC000  }
0x83: {  	[spmem:s3] =	stream.indirect.scatter.add.f32 [tilespmem:s15], [sflag:$0x2], $0x80, s19, s23, $0xb8;
	[tilespmem:$0x1D000] =	vst v63  }
0x84: {  	_ =	swait.ge [sflag:s25], $0x4000  }
0x85: {  	[sflag:s25] =	ssyncset.done $0x0  }
0x86: {  	[sflag:s25] =	ssyncadd.s32 $0xFFFFC000  }
0x87: {  	[spmem:s3] =	stream.indirect.scatter.add.f32 [tilespmem:s24], [sflag:$0x2], $0x80, s2, s23, $0xb8;
	[tilespmem:$0x1D000] =	vst v63  }
0x88: {  	_ =	swait.ge [sflag:s28], $0x4000  }
0x89: {  	[sflag:s28] =	ssyncset.done $0x0  }
0x8a: {  	[sflag:s28] =	ssyncadd.s32 $0xFFFFC000  }
0x8b: {  	_ =	swait.ge [sflag:s28], $0x4000  }
0x8c: {  	[sflag:s28] =	ssyncset.done $0x0  }
0x8d: {  	s19 =	simm.s32 $0x500;
	[sflag:s28] =	ssyncadd.s32 $0xFFFFC000  }
0x8e: {  	[tilespmem:s15], [sflag:$0x1] =	stream.indirect.gather [hbm4b:s1+s23], $0x80, s19, s23, $0xb8;
	[tilespmem:$0x1D000] =	vst v63  }
0x8f: {  	_ = 	snop  }
0x90: {  	[tilespmem:s24], [sflag:$0x1] =	stream.indirect.gather [hbm4b:s1+s23], $0x80, s22, s23, $0xb8;
	[tilespmem:$0x1D000] =	vst v63  }
0x91: {  	_ =	swait.ge [sflag:s25], $0x4000  }
0x92: {  	[sflag:s25] =	ssyncset.done $0x0  }
0x93: {  	[sflag:s25] =	ssyncadd.s32 $0xFFFFC000  }
0x94: {  	[spmem:s3] =	stream.indirect.scatter.add.f32 [tilespmem:s15], [sflag:$0x2], $0x80, s20, s23, $0xb8;
	[tilespmem:$0x1D000] =	vst v63  }
0x95: {  	_ =	swait.ge [sflag:s25], $0x4000  }
0x96: {  	[sflag:s25] =	ssyncset.done $0x0  }
0x97: {  	[sflag:s25] =	ssyncadd.s32 $0xFFFFC000  }
0x98: {  	[spmem:s3] =	stream.indirect.scatter.add.f32 [tilespmem:s24], [sflag:$0x2], $0x80, s13, s23, $0xb8;
	[tilespmem:$0x1D000] =	vst v63  }
0x99: {  	_ =	swait.ge [sflag:s28], $0x4000  }
0x9a: {  	[sflag:s28] =	ssyncset.done $0x0  }
0x9b: {  	[sflag:s28] =	ssyncadd.s32 $0xFFFFC000  }
0x9c: {  	_ =	swait.ge [sflag:s28], $0x4000  }
0x9d: {  	[sflag:s28] =	ssyncset.done $0x0  }
0x9e: {  	[sflag:s28] =	ssyncadd.s32 $0xFFFFC000  }
0x9f: {  	[tilespmem:s15], [sflag:$0x1] =	stream.indirect.gather [hbm4b:s1+s23], $0x80, s6, s23, $0xb8;
	[tilespmem:$0x1D000] =	vst v63  }
0xa0: {  	_ = 	snop  }
0xa1: {  	[tilespmem:s24], [sflag:$0x1] =	stream.indirect.gather [hbm4b:s1+s23], $0x80, s8, s23, $0xb8;
	[tilespmem:$0x1D000] =	vst v63  }
0xa2: {  	_ =	swait.ge [sflag:s25], $0x4000  }
0xa3: {  	[sflag:s25] =	ssyncset.done $0x0  }
0xa4: {  	[sflag:s25] =	ssyncadd.s32 $0xFFFFC000  }
0xa5: {  	[spmem:s3] =	stream.indirect.scatter.add.f32 [tilespmem:s15], [sflag:$0x2], $0x80, s10, s23, $0xb8;
	[tilespmem:$0x1D000] =	vst v63  }
0xa6: {  	_ =	swait.ge [sflag:s25], $0x4000  }
0xa7: {  	[sflag:s25] =	ssyncset.done $0x0  }
0xa8: {  	[sflag:s25] =	ssyncadd.s32 $0xFFFFC000  }
0xa9: {  	[spmem:s3] =	stream.indirect.scatter.add.f32 [tilespmem:s24], [sflag:$0x2], $0x80, s26, s23, $0xb8;
	[tilespmem:$0x1D000] =	vst v63  }
0xaa: {  	_ =	swait.ge [sflag:s28], $0x4000  }
0xab: {  	[sflag:s28] =	ssyncset.done $0x0  }
0xac: {  	[sflag:s28] =	ssyncadd.s32 $0xFFFFC000  }
0xad: {  	_ =	swait.ge [sflag:s28], $0x4000  }
0xae: {  	[sflag:s28] =	ssyncset.done $0x0  }
0xaf: {  	[sflag:s28] =	ssyncadd.s32 $0xFFFFC000  }
0xb0: {  	[tilespmem:s15], [sflag:$0x1] =	stream.indirect.gather [hbm4b:s1+s23], $0x80, s30, s23, $0xb8;
	[tilespmem:$0x1D000] =	vst v63  }
0xb1: {  	_ = 	snop  }
0xb2: {  	[tilespmem:s24], [sflag:$0x1] =	stream.indirect.gather [hbm4b:s1+s23], $0x80, s0, s23, $0xb8;
	[tilespmem:$0x1D000] =	vst v63  }
0xb3: {  	_ =	swait.ge [sflag:s25], $0x4000  }
0xb4: {  	[sflag:s25] =	ssyncset.done $0x0  }
0xb5: {  	[sflag:s25] =	ssyncadd.s32 $0xFFFFC000  }
0xb6: {  	[spmem:s3] =	stream.indirect.scatter.add.f32 [tilespmem:s15], [sflag:$0x2], $0x80, s12, s23, $0xb8;
	[tilespmem:$0x1D000] =	vst v63  }
0xb7: {  	_ =	swait.ge [sflag:s25], $0x4000  }
0xb8: {  	[sflag:s25] =	ssyncset.done $0x0  }
0xb9: {  	[sflag:s25] =	ssyncadd.s32 $0xFFFFC000  }
0xba: {  	[spmem:s3] =	stream.indirect.scatter.add.f32 [tilespmem:s24], [sflag:$0x2], $0x80, s16, s23, $0xb8;
	[tilespmem:$0x1D000] =	vst v63  }
0xbb: {  	_ =	swait.ge [sflag:s28], $0x4000  }
0xbc: {  	[sflag:s28] =	ssyncset.done $0x0  }
0xbd: {  	[sflag:s28] =	ssyncadd.s32 $0xFFFFC000  }
0xbe: {  	_ =	swait.ge [sflag:s28], $0x4000  }
0xbf: {  	[sflag:s28] =	ssyncset.done $0x0  }
0xc0: {  	[sflag:s28] =	ssyncadd.s32 $0xFFFFC000  }
0xc1: {  	[bflag:$0x0] =	sbarrier.arrive $0xFFFF  }
0xc2: {  	s19 =	rddreg [dreg:$0x6]  }
0xc3: {  	[tilespmem:s15], [sflag:$0x3] =	stream.linear.gather [spmem:s19], $0x4000, $0x38;
	[tilespmem:$0x1D000] =	vst v63  }
0xc4: {  	_ =	swait.ge [sflag:s21], $0x4000  }
0xc5: {  	[sflag:s21] =	ssyncset.done $0x0  }
0xc6: {  	s19 =	rddreg [dreg:$0xf];
	[sflag:s21] =	ssyncadd.s32 $0xFFFFC000  }
0xc7: {  	[hbm4b:s19+s4] =	stream.linear.scatter [tilespmem:s15], [sflag:$0x3], $0x4000, $0x38;
	[tilespmem:$0x1D000] =	vst v63  }
0xc8: {  	_ =	swait.ge [sflag:s21], $0x4000  }
0xc9: {  	[sflag:s21] =	ssyncset.done $0x0  }
0xca: {  	s19 =	rddreg [dreg:$0x7];
	[sflag:s21] =	ssyncadd.s32 $0xFFFFC000  }
0xcb: {  	[tilespmem:s15], [sflag:$0x3] =	stream.linear.gather [spmem:s19], $0x4000, $0x38;
	[tilespmem:$0x1D000] =	vst v63  }
0xcc: {  	_ =	swait.ge [sflag:s21], $0x4000  }
0xcd: {  	[sflag:s21] =	ssyncset.done $0x0  }
0xce: {  	s19 =	rddreg [dreg:$0x10];
	[sflag:s21] =	ssyncadd.s32 $0xFFFFC000  }
0xcf: {  	[hbm4b:s19+s4] =	stream.linear.scatter [tilespmem:s15], [sflag:$0x3], $0x4000, $0x38;
	[tilespmem:$0x1D000] =	vst v63  }
0xd0: {  	_ =	swait.ge [sflag:s21], $0x4000  }
0xd1: {  	[sflag:s21] =	ssyncset.done $0x0  }
0xd2: {  	s19 =	rddreg [dreg:$0x8];
	[sflag:s21] =	ssyncadd.s32 $0xFFFFC000  }
0xd3: {  	[tilespmem:s15], [sflag:$0x3] =	stream.linear.gather [spmem:s19], $0x4000, $0x38;
	[tilespmem:$0x1D000] =	vst v63  }
0xd4: {  	_ =	swait.ge [sflag:s21], $0x4000  }
0xd5: {  	[sflag:s21] =	ssyncset.done $0x0  }
0xd6: {  	s19 =	rddreg [dreg:$0x11];
	[sflag:s21] =	ssyncadd.s32 $0xFFFFC000  }
0xd7: {  	[hbm4b:s19+s4] =	stream.linear.scatter [tilespmem:s15], [sflag:$0x3], $0x4000, $0x38;
	[tilespmem:$0x1D000] =	vst v63  }
0xd8: {  	_ =	swait.ge [sflag:s21], $0x4000  }
0xd9: {  	[sflag:s21] =	ssyncset.done $0x0  }
0xda: {  	s19 =	rddreg [dreg:$0x9];
	[sflag:s21] =	ssyncadd.s32 $0xFFFFC000  }
0xdb: {  	[tilespmem:s15], [sflag:$0x3] =	stream.linear.gather [spmem:s19], $0x4000, $0x38;
	[tilespmem:$0x1D000] =	vst v63  }
0xdc: {  	_ =	swait.ge [sflag:s21], $0x4000  }
0xdd: {  	[sflag:s21] =	ssyncset.done $0x0  }
0xde: {  	s19 =	rddreg [dreg:$0x12];
	[sflag:s21] =	ssyncadd.s32 $0xFFFFC000  }
0xdf: {  	[hbm4b:s19+s4] =	stream.linear.scatter [tilespmem:s15], [sflag:$0x3], $0x4000, $0x38;
	[tilespmem:$0x1D000] =	vst v63  }
0xe0: {  	_ =	swait.ge [sflag:s21], $0x4000  }
0xe1: {  	[sflag:s21] =	ssyncset.done $0x0  }
0xe2: {  	s19 =	rddreg [dreg:$0xa];
	[sflag:s21] =	ssyncadd.s32 $0xFFFFC000  }
0xe3: {  	[tilespmem:s15], [sflag:$0x3] =	stream.linear.gather [spmem:s19], $0x4000, $0x38;
	[tilespmem:$0x1D000] =	vst v63  }
0xe4: {  	_ =	swait.ge [sflag:s21], $0x4000  }
0xe5: {  	[sflag:s21] =	ssyncset.done $0x0  }
0xe6: {  	s19 =	rddreg [dreg:$0x13];
	[sflag:s21] =	ssyncadd.s32 $0xFFFFC000  }
0xe7: {  	[hbm4b:s19+s4] =	stream.linear.scatter [tilespmem:s15], [sflag:$0x3], $0x4000, $0x38;
	[tilespmem:$0x1D000] =	vst v63  }
0xe8: {  	_ =	swait.ge [sflag:s21], $0x4000  }
0xe9: {  	s19 =	sld [smem:$0x7FD];
	_ =	sdelay $0x1  }
0xea: {  	s17 =	sadd.s32 $0x1, s17  }
0xeb: {  	p1 =	sne.s32 s17, s19  }
.Ltmp1:
0xec: {  	_ = 	snop;
	(pc) =	sbr.rel @!p1 .LBB2_6-.Ltmp1, $3  }
0xed: {  	_ =	sdelay $0x1  }
0xee: {  	[sflag:s21] =	ssyncset.done $0x0  }
0xef: {  	[sflag:s21] =	ssyncadd.s32 $0xFFFFC000  }
.LBB2_1:
0xf0: {  	s18 =	simm.s32 $0x0;
	s19 =	simm.s32 $0x200  }
.LBB2_2:
0xf1: {  	p1 =	sne.s32 s19, $0xFE00;
	[tilespmem:s18+$0x1070] =	vst v0  }
0xf2: {  	[tilespmem:s18+$0x1000] =	vst v0  }
0xf3: {  	[tilespmem:s18+$0x1010] =	vst v0  }
.Ltmp2:
0xf4: {  	[tilespmem:s18+$0x1020] =	vst v0;
	(pc) =	sbr.rel @p1 .LBB2_2-.Ltmp2, $4  }
0xf5: {  	[tilespmem:s18+$0x1030] =	vst v0  }
0xf6: {  	[tilespmem:s18+$0x1040] =	vst v0  }
0xf7: {  	[tilespmem:s18+$0x1050] =	vst v0  }
0xf8: {  	[tilespmem:s18+$0x1060] =	vst v0;
	s18 =	sshra.s32 s19, $0x2;
	s19 =	sadd.s32 $0x200, s19  }
0xf9: {  	[tilespmem:s18+$0x1070] =	vst v0  }
0xfa: {  	[tilespmem:s18+$0x1000] =	vst v0  }
0xfb: {  	[tilespmem:s18+$0x1010] =	vst v0  }
0xfc: {  	[tilespmem:s18+$0x1020] =	vst v0  }
0xfd: {  	[tilespmem:s18+$0x1030] =	vst v0  }
0xfe: {  	[tilespmem:s18+$0x1040] =	vst v0  }
0xff: {  	[tilespmem:s18+$0x1050] =	vst v0  }
0x100: {  	[tilespmem:s18+$0x1060] =	vst v0;
	s19 =	rddreg [dreg:$0x6]  }
0x101: {  	[spmem:s19] =	stream.linear.scatter [tilespmem:s15], [sflag:$0x3], $0x4000, $0x38;
	[tilespmem:$0x1D000] =	vst v63  }
0x102: {  	_ =	swait.ge [sflag:s21], $0x4000  }
0x103: {  	[sflag:s21] =	ssyncset.done $0x0  }
0x104: {  	s19 =	rddreg [dreg:$0x7];
	[sflag:s21] =	ssyncadd.s32 $0xFFFFC000  }
0x105: {  	[spmem:s19] =	stream.linear.scatter [tilespmem:s15], [sflag:$0x3], $0x4000, $0x38;
	[tilespmem:$0x1D000] =	vst v63  }
0x106: {  	_ =	swait.ge [sflag:s21], $0x4000  }
0x107: {  	[sflag:s21] =	ssyncset.done $0x0  }
0x108: {  	s19 =	rddreg [dreg:$0x8];
	[sflag:s21] =	ssyncadd.s32 $0xFFFFC000  }
0x109: {  	[spmem:s19] =	stream.linear.scatter [tilespmem:s15], [sflag:$0x3], $0x4000, $0x38;
	[tilespmem:$0x1D000] =	vst v63  }
0x10a: {  	_ =	swait.ge [sflag:s21], $0x4000  }
0x10b: {  	[sflag:s21] =	ssyncset.done $0x0  }
0x10c: {  	s19 =	rddreg [dreg:$0x9];
	[sflag:s21] =	ssyncadd.s32 $0xFFFFC000  }
0x10d: {  	[spmem:s19] =	stream.linear.scatter [tilespmem:s15], [sflag:$0x3], $0x4000, $0x38;
	[tilespmem:$0x1D000] =	vst v63  }
0x10e: {  	_ =	swait.ge [sflag:s21], $0x4000  }
0x10f: {  	[sflag:s21] =	ssyncset.done $0x0  }
0x110: {  	s19 =	rddreg [dreg:$0xa];
	[sflag:s21] =	ssyncadd.s32 $0xFFFFC000  }
0x111: {  	[spmem:s19] =	stream.linear.scatter [tilespmem:s15], [sflag:$0x3], $0x4000, $0x38;
	[tilespmem:$0x1D000] =	vst v63  }
0x112: {  	_ =	swait.ge [sflag:s21], $0x4000  }
.Ltmp3:
0x113: {  	[sflag:s21] =	ssyncset.done $0x0;
	(pc) =	sbr.rel @p0 .LBB2_5-.Ltmp3, $3  }
0x114: {  	[sflag:s21] =	ssyncadd.s32 $0xFFFFC000  }
0x115: {  	[bflag:$0x0] =	sbarrier.arrive $0xFFFF  }
0x116: {  	s18 =	sld [smem:$0x7FC];
	_ =	sdelay $0x1  }
0x117: {  	s18 =	rddreg [dreg:$0xb]  }
0x118: {  	[tilespmem:s4], [sflag:$0x3] =	stream.linear.gather [hbm4b:s18+s4], $0x800, $0x38;
	[tilespmem:$0x1D000] =	vst v63  }
0x119: {  	_ =	swait.ge [sflag:s21], $0x800  }
0x11a: {  	[sflag:s21] =	ssyncset.done $0x0  }
0x11b: {  	s16 =	simm.s32 $0x800;
	s10 =	rddreg [dreg:$0xc];
	[sflag:s21] =	ssyncadd.s32 $0xFFFFF800  }
0x11c: {  	[tilespmem:s16], [sflag:$0x3] =	stream.linear.gather [hbm4b:s10+s4], $0x800, $0x38;
	[tilespmem:$0x1D000] =	vst v63  }
0x11d: {  	_ =	swait.ge [sflag:s21], $0x800  }
0x11e: {  	[sflag:s21] =	ssyncset.done $0x0  }
0x11f: {  	[sflag:s21] =	ssyncadd.s32 $0xFFFFF800  }
0x120: {  	[tilespmem:s15], [sflag:$0x1] =	stream.indirect.gather [hbm4b:s1+s23], $0x80, s4, s23, $0xb8;
	[tilespmem:$0x1D000] =	vst v63  }
0x121: {  	_ = 	snop  }
0x122: {  	[tilespmem:s24], [sflag:$0x1] =	stream.indirect.gather [hbm4b:s1+s23], $0x80, s23, s23, $0xb8;
	[tilespmem:$0x1D000] =	vst v63  }
0x123: {  	_ =	swait.ge [sflag:s25], $0x4000  }
0x124: {  	[sflag:s25] =	ssyncset.done $0x0  }
0x125: {  	[sflag:s25] =	ssyncadd.s32 $0xFFFFC000  }
0x126: {  	[spmem:s3] =	stream.indirect.scatter.add.f32 [tilespmem:s15], [sflag:$0x2], $0x80, s16, s23, $0xb8;
	[tilespmem:$0x1D000] =	vst v63  }
0x127: {  	_ =	swait.ge [sflag:s25], $0x4000  }
0x128: {  	[sflag:s25] =	ssyncset.done $0x0  }
0x129: {  	s0 =	simm.s32 $0x880;
	[sflag:s25] =	ssyncadd.s32 $0xFFFFC000  }
0x12a: {  	[spmem:s3] =	stream.indirect.scatter.add.f32 [tilespmem:s24], [sflag:$0x2], $0x80, s0, s23, $0xb8;
	[tilespmem:$0x1D000] =	vst v63  }
0x12b: {  	_ =	swait.ge [sflag:s28], $0x4000  }
0x12c: {  	[sflag:s28] =	ssyncset.done $0x0  }
0x12d: {  	[sflag:s28] =	ssyncadd.s32 $0xFFFFC000  }
0x12e: {  	_ =	swait.ge [sflag:s28], $0x4000  }
0x12f: {  	[sflag:s28] =	ssyncset.done $0x0  }
0x130: {  	s11 =	simm.s32 $0x100;
	[sflag:s28] =	ssyncadd.s32 $0xFFFFC000  }
0x131: {  	[tilespmem:s15], [sflag:$0x1] =	stream.indirect.gather [hbm4b:s1+s23], $0x80, s11, s23, $0xb8;
	[tilespmem:$0x1D000] =	vst v63  }
0x132: {  	s12 =	simm.s32 $0x180  }
0x133: {  	[tilespmem:s24], [sflag:$0x1] =	stream.indirect.gather [hbm4b:s1+s23], $0x80, s12, s23, $0xb8;
	[tilespmem:$0x1D000] =	vst v63  }
0x134: {  	_ =	swait.ge [sflag:s25], $0x4000  }
0x135: {  	[sflag:s25] =	ssyncset.done $0x0  }
0x136: {  	s13 =	simm.s32 $0x900;
	[sflag:s25] =	ssyncadd.s32 $0xFFFFC000  }
0x137: {  	[spmem:s3] =	stream.indirect.scatter.add.f32 [tilespmem:s15], [sflag:$0x2], $0x80, s13, s23, $0xb8;
	[tilespmem:$0x1D000] =	vst v63  }
0x138: {  	_ =	swait.ge [sflag:s25], $0x4000  }
0x139: {  	[sflag:s25] =	ssyncset.done $0x0  }
0x13a: {  	s14 =	simm.s32 $0x980;
	[sflag:s25] =	ssyncadd.s32 $0xFFFFC000  }
0x13b: {  	[spmem:s3] =	stream.indirect.scatter.add.f32 [tilespmem:s24], [sflag:$0x2], $0x80, s14, s23, $0xb8;
	[tilespmem:$0x1D000] =	vst v63  }
0x13c: {  	_ =	swait.ge [sflag:s28], $0x4000  }
0x13d: {  	[sflag:s28] =	ssyncset.done $0x0  }
0x13e: {  	[sflag:s28] =	ssyncadd.s32 $0xFFFFC000  }
0x13f: {  	_ =	swait.ge [sflag:s28], $0x4000  }
0x140: {  	[sflag:s28] =	ssyncset.done $0x0  }
0x141: {  	s18 =	simm.s32 $0x200;
	[sflag:s28] =	ssyncadd.s32 $0xFFFFC000  }
0x142: {  	[tilespmem:s15], [sflag:$0x1] =	stream.indirect.gather [hbm4b:s1+s23], $0x80, s18, s23, $0xb8;
	[tilespmem:$0x1D000] =	vst v63  }
0x143: {  	s19 =	simm.s32 $0x280  }
0x144: {  	[tilespmem:s24], [sflag:$0x1] =	stream.indirect.gather [hbm4b:s1+s23], $0x80, s19, s23, $0xb8;
	[tilespmem:$0x1D000] =	vst v63  }
0x145: {  	_ =	swait.ge [sflag:s25], $0x4000  }
0x146: {  	[sflag:s25] =	ssyncset.done $0x0  }
0x147: {  	s26 =	simm.s32 $0xA00;
	[sflag:s25] =	ssyncadd.s32 $0xFFFFC000  }
0x148: {  	[spmem:s3] =	stream.indirect.scatter.add.f32 [tilespmem:s15], [sflag:$0x2], $0x80, s26, s23, $0xb8;
	[tilespmem:$0x1D000] =	vst v63  }
0x149: {  	_ =	swait.ge [sflag:s25], $0x4000  }
0x14a: {  	[sflag:s25] =	ssyncset.done $0x0  }
0x14b: {  	s2 =	simm.s32 $0xA80;
	[sflag:s25] =	ssyncadd.s32 $0xFFFFC000  }
0x14c: {  	[spmem:s3] =	stream.indirect.scatter.add.f32 [tilespmem:s24], [sflag:$0x2], $0x80, s2, s23, $0xb8;
	[tilespmem:$0x1D000] =	vst v63  }
0x14d: {  	_ =	swait.ge [sflag:s28], $0x4000  }
0x14e: {  	[sflag:s28] =	ssyncset.done $0x0  }
0x14f: {  	[sflag:s28] =	ssyncadd.s32 $0xFFFFC000  }
0x150: {  	_ =	swait.ge [sflag:s28], $0x4000  }
0x151: {  	[sflag:s28] =	ssyncset.done $0x0  }
0x152: {  	s5 =	simm.s32 $0x300;
	[sflag:s28] =	ssyncadd.s32 $0xFFFFC000  }
0x153: {  	[tilespmem:s15], [sflag:$0x1] =	stream.indirect.gather [hbm4b:s1+s23], $0x80, s5, s23, $0xb8;
	[tilespmem:$0x1D000] =	vst v63  }
0x154: {  	s6 =	simm.s32 $0x380  }
0x155: {  	[tilespmem:s24], [sflag:$0x1] =	stream.indirect.gather [hbm4b:s1+s23], $0x80, s6, s23, $0xb8;
	[tilespmem:$0x1D000] =	vst v63  }
0x156: {  	_ =	swait.ge [sflag:s25], $0x4000  }
0x157: {  	[sflag:s25] =	ssyncset.done $0x0  }
0x158: {  	s7 =	simm.s32 $0xB00;
	[sflag:s25] =	ssyncadd.s32 $0xFFFFC000  }
0x159: {  	[spmem:s3] =	stream.indirect.scatter.add.f32 [tilespmem:s15], [sflag:$0x2], $0x80, s7, s23, $0xb8;
	[tilespmem:$0x1D000] =	vst v63  }
0x15a: {  	_ =	swait.ge [sflag:s25], $0x4000  }
0x15b: {  	[sflag:s25] =	ssyncset.done $0x0  }
0x15c: {  	s8 =	simm.s32 $0xB80;
	[sflag:s25] =	ssyncadd.s32 $0xFFFFC000  }
0x15d: {  	[spmem:s3] =	stream.indirect.scatter.add.f32 [tilespmem:s24], [sflag:$0x2], $0x80, s8, s23, $0xb8;
	[tilespmem:$0x1D000] =	vst v63  }
0x15e: {  	_ =	swait.ge [sflag:s28], $0x4000  }
0x15f: {  	[sflag:s28] =	ssyncset.done $0x0  }
0x160: {  	[sflag:s28] =	ssyncadd.s32 $0xFFFFC000  }
0x161: {  	_ =	swait.ge [sflag:s28], $0x4000  }
0x162: {  	[sflag:s28] =	ssyncset.done $0x0  }
0x163: {  	s9 =	simm.s32 $0x400;
	[sflag:s28] =	ssyncadd.s32 $0xFFFFC000  }
0x164: {  	[tilespmem:s15], [sflag:$0x1] =	stream.indirect.gather [hbm4b:s1+s23], $0x80, s9, s23, $0xb8;
	[tilespmem:$0x1D000] =	vst v63  }
0x165: {  	s10 =	simm.s32 $0x480  }
0x166: {  	[tilespmem:s24], [sflag:$0x1] =	stream.indirect.gather [hbm4b:s1+s23], $0x80, s10, s23, $0xb8;
	[tilespmem:$0x1D000] =	vst v63  }
0x167: {  	_ =	swait.ge [sflag:s25], $0x4000  }
0x168: {  	[sflag:s25] =	ssyncset.done $0x0  }
0x169: {  	s11 =	simm.s32 $0xC00;
	[sflag:s25] =	ssyncadd.s32 $0xFFFFC000  }
0x16a: {  	[spmem:s3] =	stream.indirect.scatter.add.f32 [tilespmem:s15], [sflag:$0x2], $0x80, s11, s23, $0xb8;
	[tilespmem:$0x1D000] =	vst v63  }
0x16b: {  	_ =	swait.ge [sflag:s25], $0x4000  }
0x16c: {  	[sflag:s25] =	ssyncset.done $0x0  }
0x16d: {  	s12 =	simm.s32 $0xC80;
	[sflag:s25] =	ssyncadd.s32 $0xFFFFC000  }
0x16e: {  	[spmem:s3] =	stream.indirect.scatter.add.f32 [tilespmem:s24], [sflag:$0x2], $0x80, s12, s23, $0xb8;
	[tilespmem:$0x1D000] =	vst v63  }
0x16f: {  	_ =	swait.ge [sflag:s28], $0x4000  }
0x170: {  	[sflag:s28] =	ssyncset.done $0x0  }
0x171: {  	[sflag:s28] =	ssyncadd.s32 $0xFFFFC000  }
0x172: {  	_ =	swait.ge [sflag:s28], $0x4000  }
0x173: {  	[sflag:s28] =	ssyncset.done $0x0  }
0x174: {  	s18 =	simm.s32 $0x500;
	[sflag:s28] =	ssyncadd.s32 $0xFFFFC000  }
0x175: {  	[tilespmem:s15], [sflag:$0x1] =	stream.indirect.gather [hbm4b:s1+s23], $0x80, s18, s23, $0xb8;
	[tilespmem:$0x1D000] =	vst v63  }
0x176: {  	s2 =	simm.s32 $0x580  }
0x177: {  	[tilespmem:s24], [sflag:$0x1] =	stream.indirect.gather [hbm4b:s1+s23], $0x80, s2, s23, $0xb8;
	[tilespmem:$0x1D000] =	vst v63  }
0x178: {  	_ =	swait.ge [sflag:s25], $0x4000  }
0x179: {  	[sflag:s25] =	ssyncset.done $0x0  }
0x17a: {  	s5 =	simm.s32 $0xD00;
	[sflag:s25] =	ssyncadd.s32 $0xFFFFC000  }
0x17b: {  	[spmem:s3] =	stream.indirect.scatter.add.f32 [tilespmem:s15], [sflag:$0x2], $0x80, s5, s23, $0xb8;
	[tilespmem:$0x1D000] =	vst v63  }
0x17c: {  	_ =	swait.ge [sflag:s25], $0x4000  }
0x17d: {  	[sflag:s25] =	ssyncset.done $0x0  }
0x17e: {  	s6 =	simm.s32 $0xD80;
	[sflag:s25] =	ssyncadd.s32 $0xFFFFC000  }
0x17f: {  	[spmem:s3] =	stream.indirect.scatter.add.f32 [tilespmem:s24], [sflag:$0x2], $0x80, s6, s23, $0xb8;
	[tilespmem:$0x1D000] =	vst v63  }
0x180: {  	_ =	swait.ge [sflag:s28], $0x4000  }
0x181: {  	[sflag:s28] =	ssyncset.done $0x0  }
0x182: {  	[sflag:s28] =	ssyncadd.s32 $0xFFFFC000  }
0x183: {  	_ =	swait.ge [sflag:s28], $0x4000  }
0x184: {  	[sflag:s28] =	ssyncset.done $0x0  }
0x185: {  	s7 =	simm.s32 $0x600;
	[sflag:s28] =	ssyncadd.s32 $0xFFFFC000  }
0x186: {  	[tilespmem:s15], [sflag:$0x1] =	stream.indirect.gather [hbm4b:s1+s23], $0x80, s7, s23, $0xb8;
	[tilespmem:$0x1D000] =	vst v63  }
0x187: {  	s8 =	simm.s32 $0x680  }
0x188: {  	[tilespmem:s24], [sflag:$0x1] =	stream.indirect.gather [hbm4b:s1+s23], $0x80, s8, s23, $0xb8;
	[tilespmem:$0x1D000] =	vst v63  }
0x189: {  	_ =	swait.ge [sflag:s25], $0x4000  }
0x18a: {  	[sflag:s25] =	ssyncset.done $0x0  }
0x18b: {  	s9 =	simm.s32 $0xE00;
	[sflag:s25] =	ssyncadd.s32 $0xFFFFC000  }
0x18c: {  	[spmem:s3] =	stream.indirect.scatter.add.f32 [tilespmem:s15], [sflag:$0x2], $0x80, s9, s23, $0xb8;
	[tilespmem:$0x1D000] =	vst v63  }
0x18d: {  	_ =	swait.ge [sflag:s25], $0x4000  }
0x18e: {  	[sflag:s25] =	ssyncset.done $0x0  }
0x18f: {  	s10 =	simm.s32 $0xE80;
	[sflag:s25] =	ssyncadd.s32 $0xFFFFC000  }
0x190: {  	[spmem:s3] =	stream.indirect.scatter.add.f32 [tilespmem:s24], [sflag:$0x2], $0x80, s10, s23, $0xb8;
	[tilespmem:$0x1D000] =	vst v63  }
0x191: {  	_ =	swait.ge [sflag:s28], $0x4000  }
0x192: {  	[sflag:s28] =	ssyncset.done $0x0  }
0x193: {  	[sflag:s28] =	ssyncadd.s32 $0xFFFFC000  }
0x194: {  	_ =	swait.ge [sflag:s28], $0x4000  }
0x195: {  	[sflag:s28] =	ssyncset.done $0x0  }
0x196: {  	s0 =	simm.s32 $0x700;
	[sflag:s28] =	ssyncadd.s32 $0xFFFFC000  }
0x197: {  	[tilespmem:s15], [sflag:$0x1] =	stream.indirect.gather [hbm4b:s1+s23], $0x80, s0, s23, $0xb8;
	[tilespmem:$0x1D000] =	vst v63  }
0x198: {  	s8 =	simm.s32 $0x780  }
0x199: {  	[tilespmem:s24], [sflag:$0x1] =	stream.indirect.gather [hbm4b:s1+s23], $0x80, s8, s23, $0xb8;
	[tilespmem:$0x1D000] =	vst v63  }
0x19a: {  	_ =	swait.ge [sflag:s25], $0x4000  }
0x19b: {  	[sflag:s25] =	ssyncset.done $0x0  }
0x19c: {  	s9 =	simm.s32 $0xF00;
	[sflag:s25] =	ssyncadd.s32 $0xFFFFC000  }
0x19d: {  	[spmem:s3] =	stream.indirect.scatter.add.f32 [tilespmem:s15], [sflag:$0x2], $0x80, s9, s23, $0xb8;
	[tilespmem:$0x1D000] =	vst v63  }
0x19e: {  	_ =	swait.ge [sflag:s25], $0x4000  }
0x19f: {  	[sflag:s25] =	ssyncset.done $0x0  }
0x1a0: {  	s10 =	simm.s32 $0xF80;
	[sflag:s25] =	ssyncadd.s32 $0xFFFFC000  }
0x1a1: {  	[spmem:s3] =	stream.indirect.scatter.add.f32 [tilespmem:s24], [sflag:$0x2], $0x80, s10, s23, $0xb8;
	[tilespmem:$0x1D000] =	vst v63  }
0x1a2: {  	_ =	swait.ge [sflag:s28], $0x4000  }
0x1a3: {  	[sflag:s28] =	ssyncset.done $0x0  }
0x1a4: {  	[sflag:s28] =	ssyncadd.s32 $0xFFFFC000  }
0x1a5: {  	_ =	swait.ge [sflag:s28], $0x4000  }
0x1a6: {  	[sflag:s28] =	ssyncset.done $0x0  }
0x1a7: {  	s0 =	rddreg [dreg:$0xd];
	[sflag:s28] =	ssyncadd.s32 $0xFFFFC000  }
0x1a8: {  	[tilespmem:s4], [sflag:$0x3] =	stream.linear.gather [hbm4b:s0+s4], $0x800, $0x38;
	[tilespmem:$0x1D000] =	vst v63  }
0x1a9: {  	_ =	swait.ge [sflag:s21], $0x800  }
0x1aa: {  	[sflag:s21] =	ssyncset.done $0x0  }
0x1ab: {  	s0 =	rddreg [dreg:$0xe];
	[sflag:s21] =	ssyncadd.s32 $0xFFFFF800  }
0x1ac: {  	[tilespmem:s16], [sflag:$0x3] =	stream.linear.gather [hbm4b:s0+s4], $0x800, $0x38;
	[tilespmem:$0x1D000] =	vst v63  }
0x1ad: {  	_ =	swait.ge [sflag:s21], $0x800  }
0x1ae: {  	[sflag:s21] =	ssyncset.done $0x0  }
0x1af: {  	[sflag:s21] =	ssyncadd.s32 $0xFFFFF800  }
0x1b0: {  	[tilespmem:s15], [sflag:$0x1] =	stream.indirect.gather [hbm4b:s1+s23], $0x80, s4, s23, $0xb8;
	[tilespmem:$0x1D000] =	vst v63  }
0x1b1: {  	_ = 	snop  }
0x1b2: {  	[tilespmem:s24], [sflag:$0x1] =	stream.indirect.gather [hbm4b:s1+s23], $0x80, s23, s23, $0xb8;
	[tilespmem:$0x1D000] =	vst v63  }
0x1b3: {  	_ =	swait.ge [sflag:s25], $0x4000  }
0x1b4: {  	[sflag:s25] =	ssyncset.done $0x0  }
0x1b5: {  	[sflag:s25] =	ssyncadd.s32 $0xFFFFC000  }
0x1b6: {  	[spmem:s3] =	stream.indirect.scatter.add.f32 [tilespmem:s15], [sflag:$0x2], $0x80, s16, s23, $0xb8;
	[tilespmem:$0x1D000] =	vst v63  }
0x1b7: {  	_ =	swait.ge [sflag:s25], $0x4000  }
0x1b8: {  	[sflag:s25] =	ssyncset.done $0x0  }
0x1b9: {  	s20 =	simm.s32 $0x880;
	[sflag:s25] =	ssyncadd.s32 $0xFFFFC000  }
0x1ba: {  	[spmem:s3] =	stream.indirect.scatter.add.f32 [tilespmem:s24], [sflag:$0x2], $0x80, s20, s23, $0xb8;
	[tilespmem:$0x1D000] =	vst v63  }
0x1bb: {  	_ =	swait.ge [sflag:s28], $0x4000  }
0x1bc: {  	[sflag:s28] =	ssyncset.done $0x0  }
0x1bd: {  	[sflag:s28] =	ssyncadd.s32 $0xFFFFC000  }
0x1be: {  	_ =	swait.ge [sflag:s28], $0x4000  }
0x1bf: {  	[sflag:s28] =	ssyncset.done $0x0  }
0x1c0: {  	s30 =	simm.s32 $0x100;
	[sflag:s28] =	ssyncadd.s32 $0xFFFFC000  }
0x1c1: {  	[tilespmem:s15], [sflag:$0x1] =	stream.indirect.gather [hbm4b:s1+s23], $0x80, s30, s23, $0xb8;
	[tilespmem:$0x1D000] =	vst v63  }
0x1c2: {  	s18 =	simm.s32 $0x180  }
0x1c3: {  	[tilespmem:s24], [sflag:$0x1] =	stream.indirect.gather [hbm4b:s1+s23], $0x80, s18, s23, $0xb8;
	[tilespmem:$0x1D000] =	vst v63  }
0x1c4: {  	_ =	swait.ge [sflag:s25], $0x4000  }
0x1c5: {  	[sflag:s25] =	ssyncset.done $0x0  }
0x1c6: {  	s13 =	simm.s32 $0x900;
	[sflag:s25] =	ssyncadd.s32 $0xFFFFC000  }
0x1c7: {  	[spmem:s3] =	stream.indirect.scatter.add.f32 [tilespmem:s15], [sflag:$0x2], $0x80, s13, s23, $0xb8;
	[tilespmem:$0x1D000] =	vst v63  }
0x1c8: {  	_ =	swait.ge [sflag:s25], $0x4000  }
0x1c9: {  	[sflag:s25] =	ssyncset.done $0x0  }
0x1ca: {  	s18 =	simm.s32 $0x980;
	[sflag:s25] =	ssyncadd.s32 $0xFFFFC000  }
0x1cb: {  	[spmem:s3] =	stream.indirect.scatter.add.f32 [tilespmem:s24], [sflag:$0x2], $0x80, s18, s23, $0xb8;
	[tilespmem:$0x1D000] =	vst v63  }
0x1cc: {  	_ =	swait.ge [sflag:s28], $0x4000  }
0x1cd: {  	[sflag:s28] =	ssyncset.done $0x0  }
0x1ce: {  	[sflag:s28] =	ssyncadd.s32 $0xFFFFC000  }
0x1cf: {  	_ =	swait.ge [sflag:s28], $0x4000  }
0x1d0: {  	[sflag:s28] =	ssyncset.done $0x0  }
0x1d1: {  	s22 =	simm.s32 $0x200;
	[sflag:s28] =	ssyncadd.s32 $0xFFFFC000  }
0x1d2: {  	[tilespmem:s15], [sflag:$0x1] =	stream.indirect.gather [hbm4b:s1+s23], $0x80, s22, s23, $0xb8;
	[tilespmem:$0x1D000] =	vst v63  }
0x1d3: {  	s22 =	simm.s32 $0x280  }
0x1d4: {  	[tilespmem:s24], [sflag:$0x1] =	stream.indirect.gather [hbm4b:s1+s23], $0x80, s22, s23, $0xb8;
	[tilespmem:$0x1D000] =	vst v63  }
0x1d5: {  	_ =	swait.ge [sflag:s25], $0x4000  }
0x1d6: {  	[sflag:s25] =	ssyncset.done $0x0  }
0x1d7: {  	s19 =	simm.s32 $0xA00;
	[sflag:s25] =	ssyncadd.s32 $0xFFFFC000  }
0x1d8: {  	[spmem:s3] =	stream.indirect.scatter.add.f32 [tilespmem:s15], [sflag:$0x2], $0x80, s19, s23, $0xb8;
	[tilespmem:$0x1D000] =	vst v63  }
0x1d9: {  	_ =	swait.ge [sflag:s25], $0x4000  }
0x1da: {  	[sflag:s25] =	ssyncset.done $0x0  }
0x1db: {  	s18 =	simm.s32 $0xA80;
	[sflag:s25] =	ssyncadd.s32 $0xFFFFC000  }
0x1dc: {  	[spmem:s3] =	stream.indirect.scatter.add.f32 [tilespmem:s24], [sflag:$0x2], $0x80, s18, s23, $0xb8;
	[tilespmem:$0x1D000] =	vst v63  }
0x1dd: {  	_ =	swait.ge [sflag:s28], $0x4000  }
0x1de: {  	[sflag:s28] =	ssyncset.done $0x0  }
0x1df: {  	[sflag:s28] =	ssyncadd.s32 $0xFFFFC000  }
0x1e0: {  	_ =	swait.ge [sflag:s28], $0x4000  }
0x1e1: {  	[sflag:s28] =	ssyncset.done $0x0  }
0x1e2: {  	s29 =	simm.s32 $0x300;
	[sflag:s28] =	ssyncadd.s32 $0xFFFFC000  }
0x1e3: {  	[tilespmem:s15], [sflag:$0x1] =	stream.indirect.gather [hbm4b:s1+s23], $0x80, s29, s23, $0xb8;
	[tilespmem:$0x1D000] =	vst v63  }
0x1e4: {  	s22 =	simm.s32 $0x380  }
0x1e5: {  	[tilespmem:s24], [sflag:$0x1] =	stream.indirect.gather [hbm4b:s1+s23], $0x80, s22, s23, $0xb8;
	[tilespmem:$0x1D000] =	vst v63  }
0x1e6: {  	_ =	swait.ge [sflag:s25], $0x4000  }
0x1e7: {  	[sflag:s25] =	ssyncset.done $0x0  }
0x1e8: {  	s14 =	simm.s32 $0xB00;
	[sflag:s25] =	ssyncadd.s32 $0xFFFFC000  }
0x1e9: {  	[spmem:s3] =	stream.indirect.scatter.add.f32 [tilespmem:s15], [sflag:$0x2], $0x80, s14, s23, $0xb8;
	[tilespmem:$0x1D000] =	vst v63  }
0x1ea: {  	_ =	swait.ge [sflag:s25], $0x4000  }
0x1eb: {  	[sflag:s25] =	ssyncset.done $0x0  }
0x1ec: {  	s14 =	simm.s32 $0xB80;
	[sflag:s25] =	ssyncadd.s32 $0xFFFFC000  }
0x1ed: {  	[spmem:s3] =	stream.indirect.scatter.add.f32 [tilespmem:s24], [sflag:$0x2], $0x80, s14, s23, $0xb8;
	[tilespmem:$0x1D000] =	vst v63  }
0x1ee: {  	_ =	swait.ge [sflag:s28], $0x4000  }
0x1ef: {  	[sflag:s28] =	ssyncset.done $0x0  }
0x1f0: {  	[sflag:s28] =	ssyncadd.s32 $0xFFFFC000  }
0x1f1: {  	_ =	swait.ge [sflag:s28], $0x4000  }
0x1f2: {  	[sflag:s28] =	ssyncset.done $0x0  }
0x1f3: {  	s26 =	simm.s32 $0x400;
	[sflag:s28] =	ssyncadd.s32 $0xFFFFC000  }
0x1f4: {  	[tilespmem:s15], [sflag:$0x1] =	stream.indirect.gather [hbm4b:s1+s23], $0x80, s26, s23, $0xb8;
	[tilespmem:$0x1D000] =	vst v63  }
0x1f5: {  	s18 =	simm.s32 $0x480  }
0x1f6: {  	[tilespmem:s24], [sflag:$0x1] =	stream.indirect.gather [hbm4b:s1+s23], $0x80, s18, s23, $0xb8;
	[tilespmem:$0x1D000] =	vst v63  }
0x1f7: {  	_ =	swait.ge [sflag:s25], $0x4000  }
0x1f8: {  	[sflag:s25] =	ssyncset.done $0x0  }
0x1f9: {  	s0 =	simm.s32 $0xC00;
	[sflag:s25] =	ssyncadd.s32 $0xFFFFC000  }
0x1fa: {  	[spmem:s3] =	stream.indirect.scatter.add.f32 [tilespmem:s15], [sflag:$0x2], $0x80, s0, s23, $0xb8;
	[tilespmem:$0x1D000] =	vst v63  }
0x1fb: {  	_ =	swait.ge [sflag:s25], $0x4000  }
0x1fc: {  	[sflag:s25] =	ssyncset.done $0x0  }
0x1fd: {  	s14 =	simm.s32 $0xC80;
	[sflag:s25] =	ssyncadd.s32 $0xFFFFC000  }
0x1fe: {  	[spmem:s3] =	stream.indirect.scatter.add.f32 [tilespmem:s24], [sflag:$0x2], $0x80, s14, s23, $0xb8;
	[tilespmem:$0x1D000] =	vst v63  }
0x1ff: {  	_ =	swait.ge [sflag:s28], $0x4000  }
0x200: {  	[sflag:s28] =	ssyncset.done $0x0  }
0x201: {  	[sflag:s28] =	ssyncadd.s32 $0xFFFFC000  }
0x202: {  	_ =	swait.ge [sflag:s28], $0x4000  }
0x203: {  	[sflag:s28] =	ssyncset.done $0x0  }
0x204: {  	s18 =	simm.s32 $0x500;
	[sflag:s28] =	ssyncadd.s32 $0xFFFFC000  }
0x205: {  	[tilespmem:s15], [sflag:$0x1] =	stream.indirect.gather [hbm4b:s1+s23], $0x80, s18, s23, $0xb8;
	[tilespmem:$0x1D000] =	vst v63  }
0x206: {  	s12 =	simm.s32 $0x580  }
0x207: {  	[tilespmem:s24], [sflag:$0x1] =	stream.indirect.gather [hbm4b:s1+s23], $0x80, s12, s23, $0xb8;
	[tilespmem:$0x1D000] =	vst v63  }
0x208: {  	_ =	swait.ge [sflag:s25], $0x4000  }
0x209: {  	[sflag:s25] =	ssyncset.done $0x0  }
0x20a: {  	s11 =	simm.s32 $0xD00;
	[sflag:s25] =	ssyncadd.s32 $0xFFFFC000  }
0x20b: {  	[spmem:s3] =	stream.indirect.scatter.add.f32 [tilespmem:s15], [sflag:$0x2], $0x80, s11, s23, $0xb8;
	[tilespmem:$0x1D000] =	vst v63  }
0x20c: {  	_ =	swait.ge [sflag:s25], $0x4000  }
0x20d: {  	[sflag:s25] =	ssyncset.done $0x0  }
0x20e: {  	s2 =	simm.s32 $0xD80;
	[sflag:s25] =	ssyncadd.s32 $0xFFFFC000  }
0x20f: {  	[spmem:s3] =	stream.indirect.scatter.add.f32 [tilespmem:s24], [sflag:$0x2], $0x80, s2, s23, $0xb8;
	[tilespmem:$0x1D000] =	vst v63  }
0x210: {  	_ =	swait.ge [sflag:s28], $0x4000  }
0x211: {  	[sflag:s28] =	ssyncset.done $0x0  }
0x212: {  	[sflag:s28] =	ssyncadd.s32 $0xFFFFC000  }
0x213: {  	_ =	swait.ge [sflag:s28], $0x4000  }
0x214: {  	[sflag:s28] =	ssyncset.done $0x0  }
0x215: {  	s11 =	simm.s32 $0x600;
	[sflag:s28] =	ssyncadd.s32 $0xFFFFC000  }
0x216: {  	[tilespmem:s15], [sflag:$0x1] =	stream.indirect.gather [hbm4b:s1+s23], $0x80, s11, s23, $0xb8;
	[tilespmem:$0x1D000] =	vst v63  }
0x217: {  	s5 =	simm.s32 $0x680  }
0x218: {  	[tilespmem:s24], [sflag:$0x1] =	stream.indirect.gather [hbm4b:s1+s23], $0x80, s5, s23, $0xb8;
	[tilespmem:$0x1D000] =	vst v63  }
0x219: {  	_ =	swait.ge [sflag:s25], $0x4000  }
0x21a: {  	[sflag:s25] =	ssyncset.done $0x0  }
0x21b: {  	s6 =	simm.s32 $0xE00;
	[sflag:s25] =	ssyncadd.s32 $0xFFFFC000  }
0x21c: {  	[spmem:s3] =	stream.indirect.scatter.add.f32 [tilespmem:s15], [sflag:$0x2], $0x80, s6, s23, $0xb8;
	[tilespmem:$0x1D000] =	vst v63  }
0x21d: {  	_ =	swait.ge [sflag:s25], $0x4000  }
0x21e: {  	[sflag:s25] =	ssyncset.done $0x0  }
0x21f: {  	s7 =	simm.s32 $0xE80;
	[sflag:s25] =	ssyncadd.s32 $0xFFFFC000  }
0x220: {  	[spmem:s3] =	stream.indirect.scatter.add.f32 [tilespmem:s24], [sflag:$0x2], $0x80, s7, s23, $0xb8;
	[tilespmem:$0x1D000] =	vst v63  }
0x221: {  	_ =	swait.ge [sflag:s28], $0x4000  }
0x222: {  	[sflag:s28] =	ssyncset.done $0x0  }
0x223: {  	[sflag:s28] =	ssyncadd.s32 $0xFFFFC000  }
0x224: {  	_ =	swait.ge [sflag:s28], $0x4000  }
0x225: {  	[sflag:s28] =	ssyncset.done $0x0  }
0x226: {  	s31 =	simm.s32 $0x700;
	[sflag:s28] =	ssyncadd.s32 $0xFFFFC000  }
0x227: {  	[tilespmem:s15], [sflag:$0x1] =	stream.indirect.gather [hbm4b:s1+s23], $0x80, s31, s23, $0xb8;
	[tilespmem:$0x1D000] =	vst v63  }
0x228: {  	s8 =	simm.s32 $0x780  }
0x229: {  	[tilespmem:s24], [sflag:$0x1] =	stream.indirect.gather [hbm4b:s1+s23], $0x80, s8, s23, $0xb8;
	[tilespmem:$0x1D000] =	vst v63  }
0x22a: {  	_ =	swait.ge [sflag:s25], $0x4000  }
0x22b: {  	[sflag:s25] =	ssyncset.done $0x0  }
0x22c: {  	s9 =	simm.s32 $0xF00;
	[sflag:s25] =	ssyncadd.s32 $0xFFFFC000  }
0x22d: {  	[spmem:s3] =	stream.indirect.scatter.add.f32 [tilespmem:s15], [sflag:$0x2], $0x80, s9, s23, $0xb8;
	[tilespmem:$0x1D000] =	vst v63  }
0x22e: {  	_ =	swait.ge [sflag:s25], $0x4000  }
0x22f: {  	[sflag:s25] =	ssyncset.done $0x0  }
0x230: {  	s10 =	simm.s32 $0xF80;
	[sflag:s25] =	ssyncadd.s32 $0xFFFFC000  }
0x231: {  	[spmem:s3] =	stream.indirect.scatter.add.f32 [tilespmem:s24], [sflag:$0x2], $0x80, s10, s23, $0xb8;
	[tilespmem:$0x1D000] =	vst v63  }
0x232: {  	_ =	swait.ge [sflag:s28], $0x4000  }
0x233: {  	[sflag:s28] =	ssyncset.done $0x0  }
0x234: {  	[sflag:s28] =	ssyncadd.s32 $0xFFFFC000  }
0x235: {  	_ =	swait.ge [sflag:s28], $0x4000  }
0x236: {  	[sflag:s28] =	ssyncset.done $0x0  }
0x237: {  	s12 =	rddreg [dreg:$0x14];
	[sflag:s28] =	ssyncadd.s32 $0xFFFFC000  }
0x238: {  	[tilespmem:s4], [sflag:$0x3] =	stream.linear.gather [hbm4b:s12+s4], $0x800, $0x38;
	[tilespmem:$0x1D000] =	vst v63  }
0x239: {  	_ =	swait.ge [sflag:s21], $0x800  }
0x23a: {  	[sflag:s21] =	ssyncset.done $0x0  }
0x23b: {  	s2 =	rddreg [dreg:$0x15];
	[sflag:s21] =	ssyncadd.s32 $0xFFFFF800  }
0x23c: {  	[tilespmem:s16], [sflag:$0x3] =	stream.linear.gather [hbm4b:s2+s4], $0x800, $0x38;
	[tilespmem:$0x1D000] =	vst v63  }
0x23d: {  	_ =	swait.ge [sflag:s21], $0x800  }
0x23e: {  	[sflag:s21] =	ssyncset.done $0x0  }
0x23f: {  	[sflag:s21] =	ssyncadd.s32 $0xFFFFF800  }
0x240: {  	[tilespmem:s15], [sflag:$0x1] =	stream.indirect.gather [hbm4b:s1+s23], $0x80, s4, s23, $0xb8;
	[tilespmem:$0x1D000] =	vst v63  }
0x241: {  	_ = 	snop  }
0x242: {  	[tilespmem:s24], [sflag:$0x1] =	stream.indirect.gather [hbm4b:s1+s23], $0x80, s23, s23, $0xb8;
	[tilespmem:$0x1D000] =	vst v63  }
0x243: {  	_ =	swait.ge [sflag:s25], $0x4000  }
0x244: {  	[sflag:s25] =	ssyncset.done $0x0  }
0x245: {  	[sflag:s25] =	ssyncadd.s32 $0xFFFFC000  }
0x246: {  	[spmem:s3] =	stream.indirect.scatter.add.f32 [tilespmem:s15], [sflag:$0x2], $0x80, s16, s23, $0xb8;
	[tilespmem:$0x1D000] =	vst v63  }
0x247: {  	_ =	swait.ge [sflag:s25], $0x4000  }
0x248: {  	[sflag:s25] =	ssyncset.done $0x0  }
0x249: {  	s20 =	simm.s32 $0x880;
	[sflag:s25] =	ssyncadd.s32 $0xFFFFC000  }
0x24a: {  	[spmem:s3] =	stream.indirect.scatter.add.f32 [tilespmem:s24], [sflag:$0x2], $0x80, s20, s23, $0xb8;
	[tilespmem:$0x1D000] =	vst v63  }
0x24b: {  	_ =	swait.ge [sflag:s28], $0x4000  }
0x24c: {  	[sflag:s28] =	ssyncset.done $0x0  }
0x24d: {  	[sflag:s28] =	ssyncadd.s32 $0xFFFFC000  }
0x24e: {  	_ =	swait.ge [sflag:s28], $0x4000  }
0x24f: {  	[sflag:s28] =	ssyncset.done $0x0  }
0x250: {  	s30 =	simm.s32 $0x100;
	[sflag:s28] =	ssyncadd.s32 $0xFFFFC000  }
0x251: {  	[tilespmem:s15], [sflag:$0x1] =	stream.indirect.gather [hbm4b:s1+s23], $0x80, s30, s23, $0xb8;
	[tilespmem:$0x1D000] =	vst v63  }
0x252: {  	s9 =	simm.s32 $0x180  }
0x253: {  	[tilespmem:s24], [sflag:$0x1] =	stream.indirect.gather [hbm4b:s1+s23], $0x80, s9, s23, $0xb8;
	[tilespmem:$0x1D000] =	vst v63  }
0x254: {  	_ =	swait.ge [sflag:s25], $0x4000  }
0x255: {  	[sflag:s25] =	ssyncset.done $0x0  }
0x256: {  	s13 =	simm.s32 $0x900;
	[sflag:s25] =	ssyncadd.s32 $0xFFFFC000  }
0x257: {  	[spmem:s3] =	stream.indirect.scatter.add.f32 [tilespmem:s15], [sflag:$0x2], $0x80, s13, s23, $0xb8;
	[tilespmem:$0x1D000] =	vst v63  }
0x258: {  	_ =	swait.ge [sflag:s25], $0x4000  }
0x259: {  	[sflag:s25] =	ssyncset.done $0x0  }
0x25a: {  	s10 =	simm.s32 $0x980;
	[sflag:s25] =	ssyncadd.s32 $0xFFFFC000  }
0x25b: {  	[spmem:s3] =	stream.indirect.scatter.add.f32 [tilespmem:s24], [sflag:$0x2], $0x80, s10, s23, $0xb8;
	[tilespmem:$0x1D000] =	vst v63  }
0x25c: {  	_ =	swait.ge [sflag:s28], $0x4000  }
0x25d: {  	[sflag:s28] =	ssyncset.done $0x0  }
0x25e: {  	[sflag:s28] =	ssyncadd.s32 $0xFFFFC000  }
0x25f: {  	_ =	swait.ge [sflag:s28], $0x4000  }
0x260: {  	[sflag:s28] =	ssyncset.done $0x0  }
0x261: {  	s11 =	simm.s32 $0x200;
	[sflag:s28] =	ssyncadd.s32 $0xFFFFC000  }
0x262: {  	[tilespmem:s15], [sflag:$0x1] =	stream.indirect.gather [hbm4b:s1+s23], $0x80, s11, s23, $0xb8;
	[tilespmem:$0x1D000] =	vst v63  }
0x263: {  	s12 =	simm.s32 $0x280  }
0x264: {  	[tilespmem:s24], [sflag:$0x1] =	stream.indirect.gather [hbm4b:s1+s23], $0x80, s12, s23, $0xb8;
	[tilespmem:$0x1D000] =	vst v63  }
0x265: {  	_ =	swait.ge [sflag:s25], $0x4000  }
0x266: {  	[sflag:s25] =	ssyncset.done $0x0  }
0x267: {  	s19 =	simm.s32 $0xA00;
	[sflag:s25] =	ssyncadd.s32 $0xFFFFC000  }
0x268: {  	[spmem:s3] =	stream.indirect.scatter.add.f32 [tilespmem:s15], [sflag:$0x2], $0x80, s19, s23, $0xb8;
	[tilespmem:$0x1D000] =	vst v63  }
0x269: {  	_ =	swait.ge [sflag:s25], $0x4000  }
0x26a: {  	[sflag:s25] =	ssyncset.done $0x0  }
0x26b: {  	s13 =	simm.s32 $0xA80;
	[sflag:s25] =	ssyncadd.s32 $0xFFFFC000  }
0x26c: {  	[spmem:s3] =	stream.indirect.scatter.add.f32 [tilespmem:s24], [sflag:$0x2], $0x80, s13, s23, $0xb8;
	[tilespmem:$0x1D000] =	vst v63  }
0x26d: {  	_ =	swait.ge [sflag:s28], $0x4000  }
0x26e: {  	[sflag:s28] =	ssyncset.done $0x0  }
0x26f: {  	[sflag:s28] =	ssyncadd.s32 $0xFFFFC000  }
0x270: {  	_ =	swait.ge [sflag:s28], $0x4000  }
0x271: {  	[sflag:s28] =	ssyncset.done $0x0  }
0x272: {  	s29 =	simm.s32 $0x300;
	[sflag:s28] =	ssyncadd.s32 $0xFFFFC000  }
0x273: {  	[tilespmem:s15], [sflag:$0x1] =	stream.indirect.gather [hbm4b:s1+s23], $0x80, s29, s23, $0xb8;
	[tilespmem:$0x1D000] =	vst v63  }
0x274: {  	s18 =	simm.s32 $0x380  }
0x275: {  	[tilespmem:s24], [sflag:$0x1] =	stream.indirect.gather [hbm4b:s1+s23], $0x80, s18, s23, $0xb8;
	[tilespmem:$0x1D000] =	vst v63  }
0x276: {  	_ =	swait.ge [sflag:s25], $0x4000  }
0x277: {  	[sflag:s25] =	ssyncset.done $0x0  }
0x278: {  	s22 =	simm.s32 $0xB00;
	[sflag:s25] =	ssyncadd.s32 $0xFFFFC000  }
0x279: {  	[spmem:s3] =	stream.indirect.scatter.add.f32 [tilespmem:s15], [sflag:$0x2], $0x80, s22, s23, $0xb8;
	[tilespmem:$0x1D000] =	vst v63  }
0x27a: {  	_ =	swait.ge [sflag:s25], $0x4000  }
0x27b: {  	[sflag:s25] =	ssyncset.done $0x0  }
0x27c: {  	s19 =	simm.s32 $0xB80;
	[sflag:s25] =	ssyncadd.s32 $0xFFFFC000  }
0x27d: {  	[spmem:s3] =	stream.indirect.scatter.add.f32 [tilespmem:s24], [sflag:$0x2], $0x80, s19, s23, $0xb8;
	[tilespmem:$0x1D000] =	vst v63  }
0x27e: {  	_ =	swait.ge [sflag:s28], $0x4000  }
0x27f: {  	[sflag:s28] =	ssyncset.done $0x0  }
0x280: {  	[sflag:s28] =	ssyncadd.s32 $0xFFFFC000  }
0x281: {  	_ =	swait.ge [sflag:s28], $0x4000  }
0x282: {  	[sflag:s28] =	ssyncset.done $0x0  }
0x283: {  	s26 =	simm.s32 $0x400;
	[sflag:s28] =	ssyncadd.s32 $0xFFFFC000  }
0x284: {  	[tilespmem:s15], [sflag:$0x1] =	stream.indirect.gather [hbm4b:s1+s23], $0x80, s26, s23, $0xb8;
	[tilespmem:$0x1D000] =	vst v63  }
0x285: {  	s20 =	simm.s32 $0x480  }
0x286: {  	[tilespmem:s24], [sflag:$0x1] =	stream.indirect.gather [hbm4b:s1+s23], $0x80, s20, s23, $0xb8;
	[tilespmem:$0x1D000] =	vst v63  }
0x287: {  	_ =	swait.ge [sflag:s25], $0x4000  }
0x288: {  	[sflag:s25] =	ssyncset.done $0x0  }
0x289: {  	[sflag:s25] =	ssyncadd.s32 $0xFFFFC000  }
0x28a: {  	[spmem:s3] =	stream.indirect.scatter.add.f32 [tilespmem:s15], [sflag:$0x2], $0x80, s0, s23, $0xb8;
	[tilespmem:$0x1D000] =	vst v63  }
0x28b: {  	_ =	swait.ge [sflag:s25], $0x4000  }
0x28c: {  	[sflag:s25] =	ssyncset.done $0x0  }
0x28d: {  	s22 =	simm.s32 $0xC80;
	[sflag:s25] =	ssyncadd.s32 $0xFFFFC000  }
0x28e: {  	[spmem:s3] =	stream.indirect.scatter.add.f32 [tilespmem:s24], [sflag:$0x2], $0x80, s22, s23, $0xb8;
	[tilespmem:$0x1D000] =	vst v63  }
0x28f: {  	_ =	swait.ge [sflag:s28], $0x4000  }
0x290: {  	[sflag:s28] =	ssyncset.done $0x0  }
0x291: {  	[sflag:s28] =	ssyncadd.s32 $0xFFFFC000  }
0x292: {  	_ =	swait.ge [sflag:s28], $0x4000  }
0x293: {  	[sflag:s28] =	ssyncset.done $0x0  }
0x294: {  	s14 =	simm.s32 $0x500;
	[sflag:s28] =	ssyncadd.s32 $0xFFFFC000  }
0x295: {  	[tilespmem:s15], [sflag:$0x1] =	stream.indirect.gather [hbm4b:s1+s23], $0x80, s14, s23, $0xb8;
	[tilespmem:$0x1D000] =	vst v63  }
0x296: {  	s11 =	simm.s32 $0x580  }
0x297: {  	[tilespmem:s24], [sflag:$0x1] =	stream.indirect.gather [hbm4b:s1+s23], $0x80, s11, s23, $0xb8;
	[tilespmem:$0x1D000] =	vst v63  }
0x298: {  	_ =	swait.ge [sflag:s25], $0x4000  }
0x299: {  	[sflag:s25] =	ssyncset.done $0x0  }
0x29a: {  	s19 =	simm.s32 $0xD00;
	[sflag:s25] =	ssyncadd.s32 $0xFFFFC000  }
0x29b: {  	[spmem:s3] =	stream.indirect.scatter.add.f32 [tilespmem:s15], [sflag:$0x2], $0x80, s19, s23, $0xb8;
	[tilespmem:$0x1D000] =	vst v63  }
0x29c: {  	_ =	swait.ge [sflag:s25], $0x4000  }
0x29d: {  	[sflag:s25] =	ssyncset.done $0x0  }
0x29e: {  	s12 =	simm.s32 $0xD80;
	[sflag:s25] =	ssyncadd.s32 $0xFFFFC000  }
0x29f: {  	[spmem:s3] =	stream.indirect.scatter.add.f32 [tilespmem:s24], [sflag:$0x2], $0x80, s12, s23, $0xb8;
	[tilespmem:$0x1D000] =	vst v63  }
0x2a0: {  	_ =	swait.ge [sflag:s28], $0x4000  }
0x2a1: {  	[sflag:s28] =	ssyncset.done $0x0  }
0x2a2: {  	[sflag:s28] =	ssyncadd.s32 $0xFFFFC000  }
0x2a3: {  	_ =	swait.ge [sflag:s28], $0x4000  }
0x2a4: {  	[sflag:s28] =	ssyncset.done $0x0  }
0x2a5: {  	s13 =	simm.s32 $0x600;
	[sflag:s28] =	ssyncadd.s32 $0xFFFFC000  }
0x2a6: {  	[tilespmem:s15], [sflag:$0x1] =	stream.indirect.gather [hbm4b:s1+s23], $0x80, s13, s23, $0xb8;
	[tilespmem:$0x1D000] =	vst v63  }
0x2a7: {  	s31 =	simm.s32 $0x680  }
0x2a8: {  	[tilespmem:s24], [sflag:$0x1] =	stream.indirect.gather [hbm4b:s1+s23], $0x80, s31, s23, $0xb8;
	[tilespmem:$0x1D000] =	vst v63  }
0x2a9: {  	_ =	swait.ge [sflag:s25], $0x4000  }
0x2aa: {  	[sflag:s25] =	ssyncset.done $0x0  }
0x2ab: {  	s2 =	simm.s32 $0xE00;
	[sflag:s25] =	ssyncadd.s32 $0xFFFFC000  }
0x2ac: {  	[spmem:s3] =	stream.indirect.scatter.add.f32 [tilespmem:s15], [sflag:$0x2], $0x80, s2, s23, $0xb8;
	[tilespmem:$0x1D000] =	vst v63  }
0x2ad: {  	_ =	swait.ge [sflag:s25], $0x4000  }
0x2ae: {  	[sflag:s25] =	ssyncset.done $0x0  }
0x2af: {  	s5 =	simm.s32 $0xE80;
	[sflag:s25] =	ssyncadd.s32 $0xFFFFC000  }
0x2b0: {  	[spmem:s3] =	stream.indirect.scatter.add.f32 [tilespmem:s24], [sflag:$0x2], $0x80, s5, s23, $0xb8;
	[tilespmem:$0x1D000] =	vst v63  }
0x2b1: {  	_ =	swait.ge [sflag:s28], $0x4000  }
0x2b2: {  	[sflag:s28] =	ssyncset.done $0x0  }
0x2b3: {  	[sflag:s28] =	ssyncadd.s32 $0xFFFFC000  }
0x2b4: {  	_ =	swait.ge [sflag:s28], $0x4000  }
0x2b5: {  	[sflag:s28] =	ssyncset.done $0x0  }
0x2b6: {  	s29 =	simm.s32 $0x700;
	[sflag:s28] =	ssyncadd.s32 $0xFFFFC000  }
0x2b7: {  	[tilespmem:s15], [sflag:$0x1] =	stream.indirect.gather [hbm4b:s1+s23], $0x80, s29, s23, $0xb8;
	[tilespmem:$0x1D000] =	vst v63  }
0x2b8: {  	s6 =	simm.s32 $0x780  }
0x2b9: {  	[tilespmem:s24], [sflag:$0x1] =	stream.indirect.gather [hbm4b:s1+s23], $0x80, s6, s23, $0xb8;
	[tilespmem:$0x1D000] =	vst v63  }
0x2ba: {  	_ =	swait.ge [sflag:s25], $0x4000  }
0x2bb: {  	[sflag:s25] =	ssyncset.done $0x0  }
0x2bc: {  	s7 =	simm.s32 $0xF00;
	[sflag:s25] =	ssyncadd.s32 $0xFFFFC000  }
0x2bd: {  	[spmem:s3] =	stream.indirect.scatter.add.f32 [tilespmem:s15], [sflag:$0x2], $0x80, s7, s23, $0xb8;
	[tilespmem:$0x1D000] =	vst v63  }
0x2be: {  	_ =	swait.ge [sflag:s25], $0x4000  }
0x2bf: {  	[sflag:s25] =	ssyncset.done $0x0  }
0x2c0: {  	s8 =	simm.s32 $0xF80;
	[sflag:s25] =	ssyncadd.s32 $0xFFFFC000  }
0x2c1: {  	[spmem:s3] =	stream.indirect.scatter.add.f32 [tilespmem:s24], [sflag:$0x2], $0x80, s8, s23, $0xb8;
	[tilespmem:$0x1D000] =	vst v63  }
0x2c2: {  	_ =	swait.ge [sflag:s28], $0x4000  }
0x2c3: {  	[sflag:s28] =	ssyncset.done $0x0  }
0x2c4: {  	[sflag:s28] =	ssyncadd.s32 $0xFFFFC000  }
0x2c5: {  	_ =	swait.ge [sflag:s28], $0x4000  }
0x2c6: {  	[sflag:s28] =	ssyncset.done $0x0  }
0x2c7: {  	s0 =	rddreg [dreg:$0x16];
	[sflag:s28] =	ssyncadd.s32 $0xFFFFC000  }
0x2c8: {  	[tilespmem:s4], [sflag:$0x3] =	stream.linear.gather [hbm4b:s0+s4], $0x800, $0x38;
	[tilespmem:$0x1D000] =	vst v63  }
0x2c9: {  	_ =	swait.ge [sflag:s21], $0x800  }
0x2ca: {  	[sflag:s21] =	ssyncset.done $0x0  }
0x2cb: {  	s5 =	rddreg [dreg:$0x17];
	[sflag:s21] =	ssyncadd.s32 $0xFFFFF800  }
0x2cc: {  	[tilespmem:s16], [sflag:$0x3] =	stream.linear.gather [hbm4b:s5+s4], $0x800, $0x38;
	[tilespmem:$0x1D000] =	vst v63  }
0x2cd: {  	_ =	swait.ge [sflag:s21], $0x800  }
0x2ce: {  	[sflag:s21] =	ssyncset.done $0x0  }
0x2cf: {  	[sflag:s21] =	ssyncadd.s32 $0xFFFFF800  }
0x2d0: {  	[tilespmem:s15], [sflag:$0x1] =	stream.indirect.gather [hbm4b:s1+s23], $0x80, s4, s23, $0xb8;
	[tilespmem:$0x1D000] =	vst v63  }
0x2d1: {  	_ = 	snop  }
0x2d2: {  	[tilespmem:s24], [sflag:$0x1] =	stream.indirect.gather [hbm4b:s1+s23], $0x80, s23, s23, $0xb8;
	[tilespmem:$0x1D000] =	vst v63  }
0x2d3: {  	_ =	swait.ge [sflag:s25], $0x4000  }
0x2d4: {  	[sflag:s25] =	ssyncset.done $0x0  }
0x2d5: {  	[sflag:s25] =	ssyncadd.s32 $0xFFFFC000  }
0x2d6: {  	[spmem:s3] =	stream.indirect.scatter.add.f32 [tilespmem:s15], [sflag:$0x2], $0x80, s16, s23, $0xb8;
	[tilespmem:$0x1D000] =	vst v63  }
0x2d7: {  	_ =	swait.ge [sflag:s25], $0x4000  }
0x2d8: {  	[sflag:s25] =	ssyncset.done $0x0  }
0x2d9: {  	s10 =	simm.s32 $0x880;
	[sflag:s25] =	ssyncadd.s32 $0xFFFFC000  }
0x2da: {  	[spmem:s3] =	stream.indirect.scatter.add.f32 [tilespmem:s24], [sflag:$0x2], $0x80, s10, s23, $0xb8;
	[tilespmem:$0x1D000] =	vst v63  }
0x2db: {  	_ =	swait.ge [sflag:s28], $0x4000  }
0x2dc: {  	[sflag:s28] =	ssyncset.done $0x0  }
0x2dd: {  	[sflag:s28] =	ssyncadd.s32 $0xFFFFC000  }
0x2de: {  	_ =	swait.ge [sflag:s28], $0x4000  }
0x2df: {  	[sflag:s28] =	ssyncset.done $0x0  }
0x2e0: {  	s8 =	simm.s32 $0x100;
	[sflag:s28] =	ssyncadd.s32 $0xFFFFC000  }
0x2e1: {  	[tilespmem:s15], [sflag:$0x1] =	stream.indirect.gather [hbm4b:s1+s23], $0x80, s8, s23, $0xb8;
	[tilespmem:$0x1D000] =	vst v63  }
0x2e2: {  	s6 =	simm.s32 $0x180  }
0x2e3: {  	[tilespmem:s24], [sflag:$0x1] =	stream.indirect.gather [hbm4b:s1+s23], $0x80, s6, s23, $0xb8;
	[tilespmem:$0x1D000] =	vst v63  }
0x2e4: {  	_ =	swait.ge [sflag:s25], $0x4000  }
0x2e5: {  	[sflag:s25] =	ssyncset.done $0x0  }
0x2e6: {  	s5 =	simm.s32 $0x900;
	[sflag:s25] =	ssyncadd.s32 $0xFFFFC000  }
0x2e7: {  	[spmem:s3] =	stream.indirect.scatter.add.f32 [tilespmem:s15], [sflag:$0x2], $0x80, s5, s23, $0xb8;
	[tilespmem:$0x1D000] =	vst v63  }
0x2e8: {  	_ =	swait.ge [sflag:s25], $0x4000  }
0x2e9: {  	[sflag:s25] =	ssyncset.done $0x0  }
0x2ea: {  	s7 =	simm.s32 $0x980;
	[sflag:s25] =	ssyncadd.s32 $0xFFFFC000  }
0x2eb: {  	[spmem:s3] =	stream.indirect.scatter.add.f32 [tilespmem:s24], [sflag:$0x2], $0x80, s7, s23, $0xb8;
	[tilespmem:$0x1D000] =	vst v63  }
0x2ec: {  	_ =	swait.ge [sflag:s28], $0x4000  }
0x2ed: {  	[sflag:s28] =	ssyncset.done $0x0  }
0x2ee: {  	[sflag:s28] =	ssyncadd.s32 $0xFFFFC000  }
0x2ef: {  	_ =	swait.ge [sflag:s28], $0x4000  }
0x2f0: {  	[sflag:s28] =	ssyncset.done $0x0  }
0x2f1: {  	s6 =	simm.s32 $0x200;
	[sflag:s28] =	ssyncadd.s32 $0xFFFFC000  }
0x2f2: {  	[tilespmem:s15], [sflag:$0x1] =	stream.indirect.gather [hbm4b:s1+s23], $0x80, s6, s23, $0xb8;
	[tilespmem:$0x1D000] =	vst v63  }
0x2f3: {  	s9 =	simm.s32 $0x280  }
0x2f4: {  	[tilespmem:s24], [sflag:$0x1] =	stream.indirect.gather [hbm4b:s1+s23], $0x80, s9, s23, $0xb8;
	[tilespmem:$0x1D000] =	vst v63  }
0x2f5: {  	_ =	swait.ge [sflag:s25], $0x4000  }
0x2f6: {  	[sflag:s25] =	ssyncset.done $0x0  }
0x2f7: {  	s7 =	simm.s32 $0xA00;
	[sflag:s25] =	ssyncadd.s32 $0xFFFFC000  }
0x2f8: {  	[spmem:s3] =	stream.indirect.scatter.add.f32 [tilespmem:s15], [sflag:$0x2], $0x80, s7, s23, $0xb8;
	[tilespmem:$0x1D000] =	vst v63  }
0x2f9: {  	_ =	swait.ge [sflag:s25], $0x4000  }
0x2fa: {  	[sflag:s25] =	ssyncset.done $0x0  }
0x2fb: {  	s14 =	simm.s32 $0xA80;
	[sflag:s25] =	ssyncadd.s32 $0xFFFFC000  }
0x2fc: {  	[spmem:s3] =	stream.indirect.scatter.add.f32 [tilespmem:s24], [sflag:$0x2], $0x80, s14, s23, $0xb8;
	[tilespmem:$0x1D000] =	vst v63  }
0x2fd: {  	_ =	swait.ge [sflag:s28], $0x4000  }
0x2fe: {  	[sflag:s28] =	ssyncset.done $0x0  }
0x2ff: {  	[sflag:s28] =	ssyncadd.s32 $0xFFFFC000  }
0x300: {  	_ =	swait.ge [sflag:s28], $0x4000  }
0x301: {  	[sflag:s28] =	ssyncset.done $0x0  }
0x302: {  	s9 =	simm.s32 $0x300;
	[sflag:s28] =	ssyncadd.s32 $0xFFFFC000  }
0x303: {  	[tilespmem:s15], [sflag:$0x1] =	stream.indirect.gather [hbm4b:s1+s23], $0x80, s9, s23, $0xb8;
	[tilespmem:$0x1D000] =	vst v63  }
0x304: {  	s18 =	simm.s32 $0x380  }
0x305: {  	[tilespmem:s24], [sflag:$0x1] =	stream.indirect.gather [hbm4b:s1+s23], $0x80, s18, s23, $0xb8;
	[tilespmem:$0x1D000] =	vst v63  }
0x306: {  	_ =	swait.ge [sflag:s25], $0x4000  }
0x307: {  	[sflag:s25] =	ssyncset.done $0x0  }
0x308: {  	s14 =	simm.s32 $0xB00;
	[sflag:s25] =	ssyncadd.s32 $0xFFFFC000  }
0x309: {  	[spmem:s3] =	stream.indirect.scatter.add.f32 [tilespmem:s15], [sflag:$0x2], $0x80, s14, s23, $0xb8;
	[tilespmem:$0x1D000] =	vst v63  }
0x30a: {  	_ =	swait.ge [sflag:s25], $0x4000  }
0x30b: {  	[sflag:s25] =	ssyncset.done $0x0  }
0x30c: {  	s22 =	simm.s32 $0xB80;
	[sflag:s25] =	ssyncadd.s32 $0xFFFFC000  }
0x30d: {  	[spmem:s3] =	stream.indirect.scatter.add.f32 [tilespmem:s24], [sflag:$0x2], $0x80, s22, s23, $0xb8;
	[tilespmem:$0x1D000] =	vst v63  }
0x30e: {  	_ =	swait.ge [sflag:s28], $0x4000  }
0x30f: {  	[sflag:s28] =	ssyncset.done $0x0  }
0x310: {  	[sflag:s28] =	ssyncadd.s32 $0xFFFFC000  }
0x311: {  	_ =	swait.ge [sflag:s28], $0x4000  }
0x312: {  	[sflag:s28] =	ssyncset.done $0x0  }
0x313: {  	s22 =	simm.s32 $0x400;
	[sflag:s28] =	ssyncadd.s32 $0xFFFFC000  }
0x314: {  	[tilespmem:s15], [sflag:$0x1] =	stream.indirect.gather [hbm4b:s1+s23], $0x80, s22, s23, $0xb8;
	[tilespmem:$0x1D000] =	vst v63  }
0x315: {  	s18 =	simm.s32 $0x480  }
0x316: {  	[tilespmem:s24], [sflag:$0x1] =	stream.indirect.gather [hbm4b:s1+s23], $0x80, s18, s23, $0xb8;
	[tilespmem:$0x1D000] =	vst v63  }
0x317: {  	_ =	swait.ge [sflag:s25], $0x4000  }
0x318: {  	[sflag:s25] =	ssyncset.done $0x0  }
0x319: {  	s26 =	simm.s32 $0xC00;
	[sflag:s25] =	ssyncadd.s32 $0xFFFFC000  }
0x31a: {  	[spmem:s3] =	stream.indirect.scatter.add.f32 [tilespmem:s15], [sflag:$0x2], $0x80, s26, s23, $0xb8;
	[tilespmem:$0x1D000] =	vst v63  }
0x31b: {  	_ =	swait.ge [sflag:s25], $0x4000  }
0x31c: {  	[sflag:s25] =	ssyncset.done $0x0  }
0x31d: {  	s18 =	simm.s32 $0xC80;
	[sflag:s25] =	ssyncadd.s32 $0xFFFFC000  }
0x31e: {  	[spmem:s3] =	stream.indirect.scatter.add.f32 [tilespmem:s24], [sflag:$0x2], $0x80, s18, s23, $0xb8;
	[tilespmem:$0x1D000] =	vst v63  }
0x31f: {  	_ =	swait.ge [sflag:s28], $0x4000  }
0x320: {  	[sflag:s28] =	ssyncset.done $0x0  }
0x321: {  	[sflag:s28] =	ssyncadd.s32 $0xFFFFC000  }
0x322: {  	_ =	swait.ge [sflag:s28], $0x4000  }
0x323: {  	[sflag:s28] =	ssyncset.done $0x0  }
0x324: {  	s26 =	simm.s32 $0x500;
	[sflag:s28] =	ssyncadd.s32 $0xFFFFC000  }
0x325: {  	[tilespmem:s15], [sflag:$0x1] =	stream.indirect.gather [hbm4b:s1+s23], $0x80, s26, s23, $0xb8;
	[tilespmem:$0x1D000] =	vst v63  }
0x326: {  	_ = 	snop  }
0x327: {  	[tilespmem:s24], [sflag:$0x1] =	stream.indirect.gather [hbm4b:s1+s23], $0x80, s11, s23, $0xb8;
	[tilespmem:$0x1D000] =	vst v63  }
0x328: {  	_ =	swait.ge [sflag:s25], $0x4000  }
0x329: {  	[sflag:s25] =	ssyncset.done $0x0  }
0x32a: {  	[sflag:s25] =	ssyncadd.s32 $0xFFFFC000  }
0x32b: {  	[spmem:s3] =	stream.indirect.scatter.add.f32 [tilespmem:s15], [sflag:$0x2], $0x80, s19, s23, $0xb8;
	[tilespmem:$0x1D000] =	vst v63  }
0x32c: {  	_ =	swait.ge [sflag:s25], $0x4000  }
0x32d: {  	[sflag:s25] =	ssyncset.done $0x0  }
0x32e: {  	[sflag:s25] =	ssyncadd.s32 $0xFFFFC000  }
0x32f: {  	[spmem:s3] =	stream.indirect.scatter.add.f32 [tilespmem:s24], [sflag:$0x2], $0x80, s12, s23, $0xb8;
	[tilespmem:$0x1D000] =	vst v63  }
0x330: {  	_ =	swait.ge [sflag:s28], $0x4000  }
0x331: {  	[sflag:s28] =	ssyncset.done $0x0  }
0x332: {  	[sflag:s28] =	ssyncadd.s32 $0xFFFFC000  }
0x333: {  	_ =	swait.ge [sflag:s28], $0x4000  }
0x334: {  	[sflag:s28] =	ssyncset.done $0x0  }
0x335: {  	[sflag:s28] =	ssyncadd.s32 $0xFFFFC000  }
0x336: {  	[tilespmem:s15], [sflag:$0x1] =	stream.indirect.gather [hbm4b:s1+s23], $0x80, s13, s23, $0xb8;
	[tilespmem:$0x1D000] =	vst v63  }
0x337: {  	_ = 	snop  }
0x338: {  	[tilespmem:s24], [sflag:$0x1] =	stream.indirect.gather [hbm4b:s1+s23], $0x80, s31, s23, $0xb8;
	[tilespmem:$0x1D000] =	vst v63  }
0x339: {  	_ =	swait.ge [sflag:s25], $0x4000  }
0x33a: {  	[sflag:s25] =	ssyncset.done $0x0  }
0x33b: {  	[sflag:s25] =	ssyncadd.s32 $0xFFFFC000  }
0x33c: {  	[spmem:s3] =	stream.indirect.scatter.add.f32 [tilespmem:s15], [sflag:$0x2], $0x80, s2, s23, $0xb8;
	[tilespmem:$0x1D000] =	vst v63  }
0x33d: {  	_ =	swait.ge [sflag:s25], $0x4000  }
0x33e: {  	[sflag:s25] =	ssyncset.done $0x0  }
0x33f: {  	s18 =	simm.s32 $0xE80;
	[sflag:s25] =	ssyncadd.s32 $0xFFFFC000  }
0x340: {  	[spmem:s3] =	stream.indirect.scatter.add.f32 [tilespmem:s24], [sflag:$0x2], $0x80, s18, s23, $0xb8;
	[tilespmem:$0x1D000] =	vst v63  }
0x341: {  	_ =	swait.ge [sflag:s28], $0x4000  }
0x342: {  	[sflag:s28] =	ssyncset.done $0x0  }
0x343: {  	[sflag:s28] =	ssyncadd.s32 $0xFFFFC000  }
0x344: {  	_ =	swait.ge [sflag:s28], $0x4000  }
0x345: {  	[sflag:s28] =	ssyncset.done $0x0  }
0x346: {  	[sflag:s28] =	ssyncadd.s32 $0xFFFFC000  }
0x347: {  	[tilespmem:s15], [sflag:$0x1] =	stream.indirect.gather [hbm4b:s1+s23], $0x80, s29, s23, $0xb8;
	[tilespmem:$0x1D000] =	vst v63  }
0x348: {  	s20 =	simm.s32 $0x780  }
0x349: {  	[tilespmem:s24], [sflag:$0x1] =	stream.indirect.gather [hbm4b:s1+s23], $0x80, s20, s23, $0xb8;
	[tilespmem:$0x1D000] =	vst v63  }
0x34a: {  	_ =	swait.ge [sflag:s25], $0x4000  }
0x34b: {  	[sflag:s25] =	ssyncset.done $0x0  }
0x34c: {  	s30 =	simm.s32 $0xF00;
	[sflag:s25] =	ssyncadd.s32 $0xFFFFC000  }
0x34d: {  	[spmem:s3] =	stream.indirect.scatter.add.f32 [tilespmem:s15], [sflag:$0x2], $0x80, s30, s23, $0xb8;
	[tilespmem:$0x1D000] =	vst v63  }
0x34e: {  	_ =	swait.ge [sflag:s25], $0x4000  }
0x34f: {  	[sflag:s25] =	ssyncset.done $0x0  }
0x350: {  	s18 =	simm.s32 $0xF80;
	[sflag:s25] =	ssyncadd.s32 $0xFFFFC000  }
0x351: {  	[spmem:s3] =	stream.indirect.scatter.add.f32 [tilespmem:s24], [sflag:$0x2], $0x80, s18, s23, $0xb8;
	[tilespmem:$0x1D000] =	vst v63  }
0x352: {  	_ =	swait.ge [sflag:s28], $0x4000  }
0x353: {  	[sflag:s28] =	ssyncset.done $0x0  }
0x354: {  	[sflag:s28] =	ssyncadd.s32 $0xFFFFC000  }
0x355: {  	_ =	swait.ge [sflag:s28], $0x4000  }
0x356: {  	[sflag:s28] =	ssyncset.done $0x0  }
0x357: {  	s0 =	rddreg [dreg:$0x18];
	[sflag:s28] =	ssyncadd.s32 $0xFFFFC000  }
0x358: {  	[tilespmem:s4], [sflag:$0x3] =	stream.linear.gather [hbm4b:s0+s4], $0x800, $0x38;
	[tilespmem:$0x1D000] =	vst v63  }
0x359: {  	_ =	swait.ge [sflag:s21], $0x800  }
0x35a: {  	[sflag:s21] =	ssyncset.done $0x0  }
0x35b: {  	s0 =	rddreg [dreg:$0x19];
	[sflag:s21] =	ssyncadd.s32 $0xFFFFF800  }
0x35c: {  	[tilespmem:s16], [sflag:$0x3] =	stream.linear.gather [hbm4b:s0+s4], $0x800, $0x38;
	[tilespmem:$0x1D000] =	vst v63  }
0x35d: {  	_ =	swait.ge [sflag:s21], $0x800  }
0x35e: {  	[sflag:s21] =	ssyncset.done $0x0  }
0x35f: {  	[sflag:s21] =	ssyncadd.s32 $0xFFFFF800  }
0x360: {  	[tilespmem:s15], [sflag:$0x1] =	stream.indirect.gather [hbm4b:s1+s23], $0x80, s4, s23, $0xb8;
	[tilespmem:$0x1D000] =	vst v63  }
0x361: {  	_ = 	snop  }
0x362: {  	[tilespmem:s24], [sflag:$0x1] =	stream.indirect.gather [hbm4b:s1+s23], $0x80, s23, s23, $0xb8;
	[tilespmem:$0x1D000] =	vst v63  }
0x363: {  	_ =	swait.ge [sflag:s25], $0x4000  }
0x364: {  	[sflag:s25] =	ssyncset.done $0x0  }
0x365: {  	[sflag:s25] =	ssyncadd.s32 $0xFFFFC000  }
0x366: {  	[spmem:s3] =	stream.indirect.scatter.add.f32 [tilespmem:s15], [sflag:$0x2], $0x80, s16, s23, $0xb8;
	[tilespmem:$0x1D000] =	vst v63  }
0x367: {  	_ =	swait.ge [sflag:s25], $0x4000  }
0x368: {  	[sflag:s25] =	ssyncset.done $0x0  }
0x369: {  	[sflag:s25] =	ssyncadd.s32 $0xFFFFC000  }
0x36a: {  	[spmem:s3] =	stream.indirect.scatter.add.f32 [tilespmem:s24], [sflag:$0x2], $0x80, s10, s23, $0xb8;
	[tilespmem:$0x1D000] =	vst v63  }
0x36b: {  	_ =	swait.ge [sflag:s28], $0x4000  }
0x36c: {  	[sflag:s28] =	ssyncset.done $0x0  }
0x36d: {  	[sflag:s28] =	ssyncadd.s32 $0xFFFFC000  }
0x36e: {  	_ =	swait.ge [sflag:s28], $0x4000  }
0x36f: {  	[sflag:s28] =	ssyncset.done $0x0  }
0x370: {  	[sflag:s28] =	ssyncadd.s32 $0xFFFFC000  }
0x371: {  	[tilespmem:s15], [sflag:$0x1] =	stream.indirect.gather [hbm4b:s1+s23], $0x80, s8, s23, $0xb8;
	[tilespmem:$0x1D000] =	vst v63  }
0x372: {  	s18 =	simm.s32 $0x180  }
0x373: {  	[tilespmem:s24], [sflag:$0x1] =	stream.indirect.gather [hbm4b:s1+s23], $0x80, s18, s23, $0xb8;
	[tilespmem:$0x1D000] =	vst v63  }
0x374: {  	_ =	swait.ge [sflag:s25], $0x4000  }
0x375: {  	[sflag:s25] =	ssyncset.done $0x0  }
0x376: {  	[sflag:s25] =	ssyncadd.s32 $0xFFFFC000  }
0x377: {  	[spmem:s3] =	stream.indirect.scatter.add.f32 [tilespmem:s15], [sflag:$0x2], $0x80, s5, s23, $0xb8;
	[tilespmem:$0x1D000] =	vst v63  }
0x378: {  	_ =	swait.ge [sflag:s25], $0x4000  }
0x379: {  	[sflag:s25] =	ssyncset.done $0x0  }
0x37a: {  	s5 =	simm.s32 $0x980;
	[sflag:s25] =	ssyncadd.s32 $0xFFFFC000  }
0x37b: {  	[spmem:s3] =	stream.indirect.scatter.add.f32 [tilespmem:s24], [sflag:$0x2], $0x80, s5, s23, $0xb8;
	[tilespmem:$0x1D000] =	vst v63  }
0x37c: {  	_ =	swait.ge [sflag:s28], $0x4000  }
0x37d: {  	[sflag:s28] =	ssyncset.done $0x0  }
0x37e: {  	[sflag:s28] =	ssyncadd.s32 $0xFFFFC000  }
0x37f: {  	_ =	swait.ge [sflag:s28], $0x4000  }
0x380: {  	[sflag:s28] =	ssyncset.done $0x0  }
0x381: {  	[sflag:s28] =	ssyncadd.s32 $0xFFFFC000  }
0x382: {  	[tilespmem:s15], [sflag:$0x1] =	stream.indirect.gather [hbm4b:s1+s23], $0x80, s6, s23, $0xb8;
	[tilespmem:$0x1D000] =	vst v63  }
0x383: {  	s6 =	simm.s32 $0x280  }
0x384: {  	[tilespmem:s24], [sflag:$0x1] =	stream.indirect.gather [hbm4b:s1+s23], $0x80, s6, s23, $0xb8;
	[tilespmem:$0x1D000] =	vst v63  }
0x385: {  	_ =	swait.ge [sflag:s25], $0x4000  }
0x386: {  	[sflag:s25] =	ssyncset.done $0x0  }
0x387: {  	[sflag:s25] =	ssyncadd.s32 $0xFFFFC000  }
0x388: {  	[spmem:s3] =	stream.indirect.scatter.add.f32 [tilespmem:s15], [sflag:$0x2], $0x80, s7, s23, $0xb8;
	[tilespmem:$0x1D000] =	vst v63  }
0x389: {  	_ =	swait.ge [sflag:s25], $0x4000  }
0x38a: {  	[sflag:s25] =	ssyncset.done $0x0  }
0x38b: {  	s7 =	simm.s32 $0xA80;
	[sflag:s25] =	ssyncadd.s32 $0xFFFFC000  }
0x38c: {  	[spmem:s3] =	stream.indirect.scatter.add.f32 [tilespmem:s24], [sflag:$0x2], $0x80, s7, s23, $0xb8;
	[tilespmem:$0x1D000] =	vst v63  }
0x38d: {  	_ =	swait.ge [sflag:s28], $0x4000  }
0x38e: {  	[sflag:s28] =	ssyncset.done $0x0  }
0x38f: {  	[sflag:s28] =	ssyncadd.s32 $0xFFFFC000  }
0x390: {  	_ =	swait.ge [sflag:s28], $0x4000  }
0x391: {  	[sflag:s28] =	ssyncset.done $0x0  }
0x392: {  	[sflag:s28] =	ssyncadd.s32 $0xFFFFC000  }
0x393: {  	[tilespmem:s15], [sflag:$0x1] =	stream.indirect.gather [hbm4b:s1+s23], $0x80, s9, s23, $0xb8;
	[tilespmem:$0x1D000] =	vst v63  }
0x394: {  	s9 =	simm.s32 $0x380  }
0x395: {  	[tilespmem:s24], [sflag:$0x1] =	stream.indirect.gather [hbm4b:s1+s23], $0x80, s9, s23, $0xb8;
	[tilespmem:$0x1D000] =	vst v63  }
0x396: {  	_ =	swait.ge [sflag:s25], $0x4000  }
0x397: {  	[sflag:s25] =	ssyncset.done $0x0  }
0x398: {  	[sflag:s25] =	ssyncadd.s32 $0xFFFFC000  }
0x399: {  	[spmem:s3] =	stream.indirect.scatter.add.f32 [tilespmem:s15], [sflag:$0x2], $0x80, s14, s23, $0xb8;
	[tilespmem:$0x1D000] =	vst v63  }
0x39a: {  	_ =	swait.ge [sflag:s25], $0x4000  }
0x39b: {  	[sflag:s25] =	ssyncset.done $0x0  }
0x39c: {  	s18 =	simm.s32 $0xB80;
	[sflag:s25] =	ssyncadd.s32 $0xFFFFC000  }
0x39d: {  	[spmem:s3] =	stream.indirect.scatter.add.f32 [tilespmem:s24], [sflag:$0x2], $0x80, s18, s23, $0xb8;
	[tilespmem:$0x1D000] =	vst v63  }
0x39e: {  	_ =	swait.ge [sflag:s28], $0x4000  }
0x39f: {  	[sflag:s28] =	ssyncset.done $0x0  }
0x3a0: {  	[sflag:s28] =	ssyncadd.s32 $0xFFFFC000  }
0x3a1: {  	_ =	swait.ge [sflag:s28], $0x4000  }
0x3a2: {  	[sflag:s28] =	ssyncset.done $0x0  }
0x3a3: {  	[sflag:s28] =	ssyncadd.s32 $0xFFFFC000  }
0x3a4: {  	[tilespmem:s15], [sflag:$0x1] =	stream.indirect.gather [hbm4b:s1+s23], $0x80, s22, s23, $0xb8;
	[tilespmem:$0x1D000] =	vst v63  }
0x3a5: {  	s22 =	simm.s32 $0x480  }
0x3a6: {  	[tilespmem:s24], [sflag:$0x1] =	stream.indirect.gather [hbm4b:s1+s23], $0x80, s22, s23, $0xb8;
	[tilespmem:$0x1D000] =	vst v63  }
0x3a7: {  	_ =	swait.ge [sflag:s25], $0x4000  }
0x3a8: {  	[sflag:s25] =	ssyncset.done $0x0  }
0x3a9: {  	s7 =	simm.s32 $0xC00;
	[sflag:s25] =	ssyncadd.s32 $0xFFFFC000  }
0x3aa: {  	[spmem:s3] =	stream.indirect.scatter.add.f32 [tilespmem:s15], [sflag:$0x2], $0x80, s7, s23, $0xb8;
	[tilespmem:$0x1D000] =	vst v63  }
0x3ab: {  	_ =	swait.ge [sflag:s25], $0x4000  }
0x3ac: {  	[sflag:s25] =	ssyncset.done $0x0  }
0x3ad: {  	s14 =	simm.s32 $0xC80;
	[sflag:s25] =	ssyncadd.s32 $0xFFFFC000  }
0x3ae: {  	[spmem:s3] =	stream.indirect.scatter.add.f32 [tilespmem:s24], [sflag:$0x2], $0x80, s14, s23, $0xb8;
	[tilespmem:$0x1D000] =	vst v63  }
0x3af: {  	_ =	swait.ge [sflag:s28], $0x4000  }
0x3b0: {  	[sflag:s28] =	ssyncset.done $0x0  }
0x3b1: {  	[sflag:s28] =	ssyncadd.s32 $0xFFFFC000  }
0x3b2: {  	_ =	swait.ge [sflag:s28], $0x4000  }
0x3b3: {  	[sflag:s28] =	ssyncset.done $0x0  }
0x3b4: {  	s18 =	simm.s32 $0x500;
	[sflag:s28] =	ssyncadd.s32 $0xFFFFC000  }
0x3b5: {  	[tilespmem:s15], [sflag:$0x1] =	stream.indirect.gather [hbm4b:s1+s23], $0x80, s18, s23, $0xb8;
	[tilespmem:$0x1D000] =	vst v63  }
0x3b6: {  	s11 =	simm.s32 $0x580  }
0x3b7: {  	[tilespmem:s24], [sflag:$0x1] =	stream.indirect.gather [hbm4b:s1+s23], $0x80, s11, s23, $0xb8;
	[tilespmem:$0x1D000] =	vst v63  }
0x3b8: {  	_ =	swait.ge [sflag:s25], $0x4000  }
0x3b9: {  	[sflag:s25] =	ssyncset.done $0x0  }
0x3ba: {  	s19 =	simm.s32 $0xD00;
	[sflag:s25] =	ssyncadd.s32 $0xFFFFC000  }
0x3bb: {  	[spmem:s3] =	stream.indirect.scatter.add.f32 [tilespmem:s15], [sflag:$0x2], $0x80, s19, s23, $0xb8;
	[tilespmem:$0x1D000] =	vst v63  }
0x3bc: {  	_ =	swait.ge [sflag:s25], $0x4000  }
0x3bd: {  	[sflag:s25] =	ssyncset.done $0x0  }
0x3be: {  	s26 =	simm.s32 $0xD80;
	[sflag:s25] =	ssyncadd.s32 $0xFFFFC000  }
0x3bf: {  	[spmem:s3] =	stream.indirect.scatter.add.f32 [tilespmem:s24], [sflag:$0x2], $0x80, s26, s23, $0xb8;
	[tilespmem:$0x1D000] =	vst v63  }
0x3c0: {  	_ =	swait.ge [sflag:s28], $0x4000  }
0x3c1: {  	[sflag:s28] =	ssyncset.done $0x0  }
0x3c2: {  	[sflag:s28] =	ssyncadd.s32 $0xFFFFC000  }
0x3c3: {  	_ =	swait.ge [sflag:s28], $0x4000  }
0x3c4: {  	[sflag:s28] =	ssyncset.done $0x0  }
0x3c5: {  	s13 =	simm.s32 $0x600;
	[sflag:s28] =	ssyncadd.s32 $0xFFFFC000  }
0x3c6: {  	[tilespmem:s15], [sflag:$0x1] =	stream.indirect.gather [hbm4b:s1+s23], $0x80, s13, s23, $0xb8;
	[tilespmem:$0x1D000] =	vst v63  }
0x3c7: {  	s12 =	simm.s32 $0x680  }
0x3c8: {  	[tilespmem:s24], [sflag:$0x1] =	stream.indirect.gather [hbm4b:s1+s23], $0x80, s12, s23, $0xb8;
	[tilespmem:$0x1D000] =	vst v63  }
0x3c9: {  	_ =	swait.ge [sflag:s25], $0x4000  }
0x3ca: {  	[sflag:s25] =	ssyncset.done $0x0  }
0x3cb: {  	s2 =	simm.s32 $0xE00;
	[sflag:s25] =	ssyncadd.s32 $0xFFFFC000  }
0x3cc: {  	[spmem:s3] =	stream.indirect.scatter.add.f32 [tilespmem:s15], [sflag:$0x2], $0x80, s2, s23, $0xb8;
	[tilespmem:$0x1D000] =	vst v63  }
0x3cd: {  	_ =	swait.ge [sflag:s25], $0x4000  }
0x3ce: {  	[sflag:s25] =	ssyncset.done $0x0  }
0x3cf: {  	s19 =	simm.s32 $0xE80;
	[sflag:s25] =	ssyncadd.s32 $0xFFFFC000  }
0x3d0: {  	[spmem:s3] =	stream.indirect.scatter.add.f32 [tilespmem:s24], [sflag:$0x2], $0x80, s19, s23, $0xb8;
	[tilespmem:$0x1D000] =	vst v63  }
0x3d1: {  	_ =	swait.ge [sflag:s28], $0x4000  }
0x3d2: {  	[sflag:s28] =	ssyncset.done $0x0  }
0x3d3: {  	[sflag:s28] =	ssyncadd.s32 $0xFFFFC000  }
0x3d4: {  	_ =	swait.ge [sflag:s28], $0x4000  }
0x3d5: {  	[sflag:s28] =	ssyncset.done $0x0  }
0x3d6: {  	s31 =	simm.s32 $0x700;
	[sflag:s28] =	ssyncadd.s32 $0xFFFFC000  }
0x3d7: {  	[tilespmem:s15], [sflag:$0x1] =	stream.indirect.gather [hbm4b:s1+s23], $0x80, s31, s23, $0xb8;
	[tilespmem:$0x1D000] =	vst v63  }
0x3d8: {  	s20 =	simm.s32 $0x780  }
0x3d9: {  	[tilespmem:s24], [sflag:$0x1] =	stream.indirect.gather [hbm4b:s1+s23], $0x80, s20, s23, $0xb8;
	[tilespmem:$0x1D000] =	vst v63  }
0x3da: {  	_ =	swait.ge [sflag:s25], $0x4000  }
0x3db: {  	[sflag:s25] =	ssyncset.done $0x0  }
0x3dc: {  	s29 =	simm.s32 $0xF00;
	[sflag:s25] =	ssyncadd.s32 $0xFFFFC000  }
0x3dd: {  	[spmem:s3] =	stream.indirect.scatter.add.f32 [tilespmem:s15], [sflag:$0x2], $0x80, s29, s23, $0xb8;
	[tilespmem:$0x1D000] =	vst v63  }
0x3de: {  	_ =	swait.ge [sflag:s25], $0x4000  }
0x3df: {  	[sflag:s25] =	ssyncset.done $0x0  }
0x3e0: {  	s30 =	simm.s32 $0xF80;
	[sflag:s25] =	ssyncadd.s32 $0xFFFFC000  }
0x3e1: {  	[spmem:s3] =	stream.indirect.scatter.add.f32 [tilespmem:s24], [sflag:$0x2], $0x80, s30, s23, $0xb8;
	[tilespmem:$0x1D000] =	vst v63  }
0x3e2: {  	_ =	swait.ge [sflag:s28], $0x4000  }
0x3e3: {  	[sflag:s28] =	ssyncset.done $0x0  }
0x3e4: {  	[sflag:s28] =	ssyncadd.s32 $0xFFFFC000  }
0x3e5: {  	_ =	swait.ge [sflag:s28], $0x4000  }
0x3e6: {  	[sflag:s28] =	ssyncset.done $0x0  }
0x3e7: {  	s0 =	rddreg [dreg:$0x1a];
	[sflag:s28] =	ssyncadd.s32 $0xFFFFC000  }
0x3e8: {  	[tilespmem:s4], [sflag:$0x3] =	stream.linear.gather [hbm4b:s0+s4], $0x800, $0x38;
	[tilespmem:$0x1D000] =	vst v63  }
0x3e9: {  	_ =	swait.ge [sflag:s21], $0x800  }
0x3ea: {  	[sflag:s21] =	ssyncset.done $0x0  }
0x3eb: {  	s0 =	rddreg [dreg:$0x1b];
	[sflag:s21] =	ssyncadd.s32 $0xFFFFF800  }
0x3ec: {  	[tilespmem:s16], [sflag:$0x3] =	stream.linear.gather [hbm4b:s0+s4], $0x800, $0x38;
	[tilespmem:$0x1D000] =	vst v63  }
0x3ed: {  	_ =	swait.ge [sflag:s21], $0x800  }
0x3ee: {  	[sflag:s21] =	ssyncset.done $0x0  }
0x3ef: {  	[sflag:s21] =	ssyncadd.s32 $0xFFFFF800  }
0x3f0: {  	[tilespmem:s15], [sflag:$0x1] =	stream.indirect.gather [hbm4b:s1+s23], $0x80, s4, s23, $0xb8;
	[tilespmem:$0x1D000] =	vst v63  }
0x3f1: {  	_ = 	snop  }
0x3f2: {  	[tilespmem:s24], [sflag:$0x1] =	stream.indirect.gather [hbm4b:s1+s23], $0x80, s23, s23, $0xb8;
	[tilespmem:$0x1D000] =	vst v63  }
0x3f3: {  	_ =	swait.ge [sflag:s25], $0x4000  }
0x3f4: {  	[sflag:s25] =	ssyncset.done $0x0  }
0x3f5: {  	[sflag:s25] =	ssyncadd.s32 $0xFFFFC000  }
0x3f6: {  	[spmem:s3] =	stream.indirect.scatter.add.f32 [tilespmem:s15], [sflag:$0x2], $0x80, s16, s23, $0xb8;
	[tilespmem:$0x1D000] =	vst v63  }
0x3f7: {  	_ =	swait.ge [sflag:s25], $0x4000  }
0x3f8: {  	[sflag:s25] =	ssyncset.done $0x0  }
0x3f9: {  	s18 =	simm.s32 $0x880;
	[sflag:s25] =	ssyncadd.s32 $0xFFFFC000  }
0x3fa: {  	[spmem:s3] =	stream.indirect.scatter.add.f32 [tilespmem:s24], [sflag:$0x2], $0x80, s18, s23, $0xb8;
	[tilespmem:$0x1D000] =	vst v63  }
0x3fb: {  	_ =	swait.ge [sflag:s28], $0x4000  }
0x3fc: {  	[sflag:s28] =	ssyncset.done $0x0  }
0x3fd: {  	[sflag:s28] =	ssyncadd.s32 $0xFFFFC000  }
0x3fe: {  	_ =	swait.ge [sflag:s28], $0x4000  }
0x3ff: {  	[sflag:s28] =	ssyncset.done $0x0  }
0x400: {  	s8 =	simm.s32 $0x100;
	[sflag:s28] =	ssyncadd.s32 $0xFFFFC000  }
0x401: {  	[tilespmem:s15], [sflag:$0x1] =	stream.indirect.gather [hbm4b:s1+s23], $0x80, s8, s23, $0xb8;
	[tilespmem:$0x1D000] =	vst v63  }
0x402: {  	s8 =	simm.s32 $0x180  }
0x403: {  	[tilespmem:s24], [sflag:$0x1] =	stream.indirect.gather [hbm4b:s1+s23], $0x80, s8, s23, $0xb8;
	[tilespmem:$0x1D000] =	vst v63  }
0x404: {  	_ =	swait.ge [sflag:s25], $0x4000  }
0x405: {  	[sflag:s25] =	ssyncset.done $0x0  }
0x406: {  	s10 =	simm.s32 $0x900;
	[sflag:s25] =	ssyncadd.s32 $0xFFFFC000  }
0x407: {  	[spmem:s3] =	stream.indirect.scatter.add.f32 [tilespmem:s15], [sflag:$0x2], $0x80, s10, s23, $0xb8;
	[tilespmem:$0x1D000] =	vst v63  }
0x408: {  	_ =	swait.ge [sflag:s25], $0x4000  }
0x409: {  	[sflag:s25] =	ssyncset.done $0x0  }
0x40a: {  	s18 =	simm.s32 $0x980;
	[sflag:s25] =	ssyncadd.s32 $0xFFFFC000  }
0x40b: {  	[spmem:s3] =	stream.indirect.scatter.add.f32 [tilespmem:s24], [sflag:$0x2], $0x80, s18, s23, $0xb8;
	[tilespmem:$0x1D000] =	vst v63  }
0x40c: {  	_ =	swait.ge [sflag:s28], $0x4000  }
0x40d: {  	[sflag:s28] =	ssyncset.done $0x0  }
0x40e: {  	[sflag:s28] =	ssyncadd.s32 $0xFFFFC000  }
0x40f: {  	_ =	swait.ge [sflag:s28], $0x4000  }
0x410: {  	[sflag:s28] =	ssyncset.done $0x0  }
0x411: {  	s10 =	simm.s32 $0x200;
	[sflag:s28] =	ssyncadd.s32 $0xFFFFC000  }
0x412: {  	[tilespmem:s15], [sflag:$0x1] =	stream.indirect.gather [hbm4b:s1+s23], $0x80, s10, s23, $0xb8;
	[tilespmem:$0x1D000] =	vst v63  }
0x413: {  	s18 =	simm.s32 $0x280  }
0x414: {  	[tilespmem:s24], [sflag:$0x1] =	stream.indirect.gather [hbm4b:s1+s23], $0x80, s18, s23, $0xb8;
	[tilespmem:$0x1D000] =	vst v63  }
0x415: {  	_ =	swait.ge [sflag:s25], $0x4000  }
0x416: {  	[sflag:s25] =	ssyncset.done $0x0  }
0x417: {  	s5 =	simm.s32 $0xA00;
	[sflag:s25] =	ssyncadd.s32 $0xFFFFC000  }
0x418: {  	[spmem:s3] =	stream.indirect.scatter.add.f32 [tilespmem:s15], [sflag:$0x2], $0x80, s5, s23, $0xb8;
	[tilespmem:$0x1D000] =	vst v63  }
0x419: {  	_ =	swait.ge [sflag:s25], $0x4000  }
0x41a: {  	[sflag:s25] =	ssyncset.done $0x0  }
0x41b: {  	s18 =	simm.s32 $0xA80;
	[sflag:s25] =	ssyncadd.s32 $0xFFFFC000  }
0x41c: {  	[spmem:s3] =	stream.indirect.scatter.add.f32 [tilespmem:s24], [sflag:$0x2], $0x80, s18, s23, $0xb8;
	[tilespmem:$0x1D000] =	vst v63  }
0x41d: {  	_ =	swait.ge [sflag:s28], $0x4000  }
0x41e: {  	[sflag:s28] =	ssyncset.done $0x0  }
0x41f: {  	[sflag:s28] =	ssyncadd.s32 $0xFFFFC000  }
0x420: {  	_ =	swait.ge [sflag:s28], $0x4000  }
0x421: {  	[sflag:s28] =	ssyncset.done $0x0  }
0x422: {  	s6 =	simm.s32 $0x300;
	[sflag:s28] =	ssyncadd.s32 $0xFFFFC000  }
0x423: {  	[tilespmem:s15], [sflag:$0x1] =	stream.indirect.gather [hbm4b:s1+s23], $0x80, s6, s23, $0xb8;
	[tilespmem:$0x1D000] =	vst v63  }
0x424: {  	s6 =	simm.s32 $0x380  }
0x425: {  	[tilespmem:s24], [sflag:$0x1] =	stream.indirect.gather [hbm4b:s1+s23], $0x80, s6, s23, $0xb8;
	[tilespmem:$0x1D000] =	vst v63  }
0x426: {  	_ =	swait.ge [sflag:s25], $0x4000  }
0x427: {  	[sflag:s25] =	ssyncset.done $0x0  }
0x428: {  	s9 =	simm.s32 $0xB00;
	[sflag:s25] =	ssyncadd.s32 $0xFFFFC000  }
0x429: {  	[spmem:s3] =	stream.indirect.scatter.add.f32 [tilespmem:s15], [sflag:$0x2], $0x80, s9, s23, $0xb8;
	[tilespmem:$0x1D000] =	vst v63  }
0x42a: {  	_ =	swait.ge [sflag:s25], $0x4000  }
0x42b: {  	[sflag:s25] =	ssyncset.done $0x0  }
0x42c: {  	s9 =	simm.s32 $0xB80;
	[sflag:s25] =	ssyncadd.s32 $0xFFFFC000  }
0x42d: {  	[spmem:s3] =	stream.indirect.scatter.add.f32 [tilespmem:s24], [sflag:$0x2], $0x80, s9, s23, $0xb8;
	[tilespmem:$0x1D000] =	vst v63  }
0x42e: {  	_ =	swait.ge [sflag:s28], $0x4000  }
0x42f: {  	[sflag:s28] =	ssyncset.done $0x0  }
0x430: {  	[sflag:s28] =	ssyncadd.s32 $0xFFFFC000  }
0x431: {  	_ =	swait.ge [sflag:s28], $0x4000  }
0x432: {  	[sflag:s28] =	ssyncset.done $0x0  }
0x433: {  	s18 =	simm.s32 $0x400;
	[sflag:s28] =	ssyncadd.s32 $0xFFFFC000  }
0x434: {  	[tilespmem:s15], [sflag:$0x1] =	stream.indirect.gather [hbm4b:s1+s23], $0x80, s18, s23, $0xb8;
	[tilespmem:$0x1D000] =	vst v63  }
0x435: {  	s9 =	simm.s32 $0x480  }
0x436: {  	[tilespmem:s24], [sflag:$0x1] =	stream.indirect.gather [hbm4b:s1+s23], $0x80, s9, s23, $0xb8;
	[tilespmem:$0x1D000] =	vst v63  }
0x437: {  	_ =	swait.ge [sflag:s25], $0x4000  }
0x438: {  	[sflag:s25] =	ssyncset.done $0x0  }
0x439: {  	s18 =	simm.s32 $0xC00;
	[sflag:s25] =	ssyncadd.s32 $0xFFFFC000  }
0x43a: {  	[spmem:s3] =	stream.indirect.scatter.add.f32 [tilespmem:s15], [sflag:$0x2], $0x80, s18, s23, $0xb8;
	[tilespmem:$0x1D000] =	vst v63  }
0x43b: {  	_ =	swait.ge [sflag:s25], $0x4000  }
0x43c: {  	[sflag:s25] =	ssyncset.done $0x0  }
0x43d: {  	s9 =	simm.s32 $0xC80;
	[sflag:s25] =	ssyncadd.s32 $0xFFFFC000  }
0x43e: {  	[spmem:s3] =	stream.indirect.scatter.add.f32 [tilespmem:s24], [sflag:$0x2], $0x80, s9, s23, $0xb8;
	[tilespmem:$0x1D000] =	vst v63  }
0x43f: {  	_ =	swait.ge [sflag:s28], $0x4000  }
0x440: {  	[sflag:s28] =	ssyncset.done $0x0  }
0x441: {  	[sflag:s28] =	ssyncadd.s32 $0xFFFFC000  }
0x442: {  	_ =	swait.ge [sflag:s28], $0x4000  }
0x443: {  	[sflag:s28] =	ssyncset.done $0x0  }
0x444: {  	s22 =	simm.s32 $0x500;
	[sflag:s28] =	ssyncadd.s32 $0xFFFFC000  }
0x445: {  	[tilespmem:s15], [sflag:$0x1] =	stream.indirect.gather [hbm4b:s1+s23], $0x80, s22, s23, $0xb8;
	[tilespmem:$0x1D000] =	vst v63  }
0x446: {  	s11 =	simm.s32 $0x580  }
0x447: {  	[tilespmem:s24], [sflag:$0x1] =	stream.indirect.gather [hbm4b:s1+s23], $0x80, s11, s23, $0xb8;
	[tilespmem:$0x1D000] =	vst v63  }
0x448: {  	_ =	swait.ge [sflag:s25], $0x4000  }
0x449: {  	[sflag:s25] =	ssyncset.done $0x0  }
0x44a: {  	s7 =	simm.s32 $0xD00;
	[sflag:s25] =	ssyncadd.s32 $0xFFFFC000  }
0x44b: {  	[spmem:s3] =	stream.indirect.scatter.add.f32 [tilespmem:s15], [sflag:$0x2], $0x80, s7, s23, $0xb8;
	[tilespmem:$0x1D000] =	vst v63  }
0x44c: {  	_ =	swait.ge [sflag:s25], $0x4000  }
0x44d: {  	[sflag:s25] =	ssyncset.done $0x0  }
0x44e: {  	s14 =	simm.s32 $0xD80;
	[sflag:s25] =	ssyncadd.s32 $0xFFFFC000  }
0x44f: {  	[spmem:s3] =	stream.indirect.scatter.add.f32 [tilespmem:s24], [sflag:$0x2], $0x80, s14, s23, $0xb8;
	[tilespmem:$0x1D000] =	vst v63  }
0x450: {  	_ =	swait.ge [sflag:s28], $0x4000  }
0x451: {  	[sflag:s28] =	ssyncset.done $0x0  }
0x452: {  	[sflag:s28] =	ssyncadd.s32 $0xFFFFC000  }
0x453: {  	_ =	swait.ge [sflag:s28], $0x4000  }
0x454: {  	[sflag:s28] =	ssyncset.done $0x0  }
0x455: {  	s26 =	simm.s32 $0x600;
	[sflag:s28] =	ssyncadd.s32 $0xFFFFC000  }
0x456: {  	[tilespmem:s15], [sflag:$0x1] =	stream.indirect.gather [hbm4b:s1+s23], $0x80, s26, s23, $0xb8;
	[tilespmem:$0x1D000] =	vst v63  }
0x457: {  	s12 =	simm.s32 $0x680  }
0x458: {  	[tilespmem:s24], [sflag:$0x1] =	stream.indirect.gather [hbm4b:s1+s23], $0x80, s12, s23, $0xb8;
	[tilespmem:$0x1D000] =	vst v63  }
0x459: {  	_ =	swait.ge [sflag:s25], $0x4000  }
0x45a: {  	[sflag:s25] =	ssyncset.done $0x0  }
0x45b: {  	s2 =	simm.s32 $0xE00;
	[sflag:s25] =	ssyncadd.s32 $0xFFFFC000  }
0x45c: {  	[spmem:s3] =	stream.indirect.scatter.add.f32 [tilespmem:s15], [sflag:$0x2], $0x80, s2, s23, $0xb8;
	[tilespmem:$0x1D000] =	vst v63  }
0x45d: {  	_ =	swait.ge [sflag:s25], $0x4000  }
0x45e: {  	[sflag:s25] =	ssyncset.done $0x0  }
0x45f: {  	s18 =	simm.s32 $0xE80;
	[sflag:s25] =	ssyncadd.s32 $0xFFFFC000  }
0x460: {  	[spmem:s3] =	stream.indirect.scatter.add.f32 [tilespmem:s24], [sflag:$0x2], $0x80, s18, s23, $0xb8;
	[tilespmem:$0x1D000] =	vst v63  }
0x461: {  	_ =	swait.ge [sflag:s28], $0x4000  }
0x462: {  	[sflag:s28] =	ssyncset.done $0x0  }
0x463: {  	[sflag:s28] =	ssyncadd.s32 $0xFFFFC000  }
0x464: {  	_ =	swait.ge [sflag:s28], $0x4000  }
0x465: {  	[sflag:s28] =	ssyncset.done $0x0  }
0x466: {  	s19 =	simm.s32 $0x700;
	[sflag:s28] =	ssyncadd.s32 $0xFFFFC000  }
0x467: {  	[tilespmem:s15], [sflag:$0x1] =	stream.indirect.gather [hbm4b:s1+s23], $0x80, s19, s23, $0xb8;
	[tilespmem:$0x1D000] =	vst v63  }
0x468: {  	s13 =	simm.s32 $0x780  }
0x469: {  	[tilespmem:s24], [sflag:$0x1] =	stream.indirect.gather [hbm4b:s1+s23], $0x80, s13, s23, $0xb8;
	[tilespmem:$0x1D000] =	vst v63  }
0x46a: {  	_ =	swait.ge [sflag:s25], $0x4000  }
0x46b: {  	[sflag:s25] =	ssyncset.done $0x0  }
0x46c: {  	s20 =	simm.s32 $0xF00;
	[sflag:s25] =	ssyncadd.s32 $0xFFFFC000  }
0x46d: {  	[spmem:s3] =	stream.indirect.scatter.add.f32 [tilespmem:s15], [sflag:$0x2], $0x80, s20, s23, $0xb8;
	[tilespmem:$0x1D000] =	vst v63  }
0x46e: {  	_ =	swait.ge [sflag:s25], $0x4000  }
0x46f: {  	[sflag:s25] =	ssyncset.done $0x0  }
0x470: {  	s29 =	simm.s32 $0xF80;
	[sflag:s25] =	ssyncadd.s32 $0xFFFFC000  }
0x471: {  	[spmem:s3] =	stream.indirect.scatter.add.f32 [tilespmem:s24], [sflag:$0x2], $0x80, s29, s23, $0xb8;
	[tilespmem:$0x1D000] =	vst v63  }
0x472: {  	_ =	swait.ge [sflag:s28], $0x4000  }
0x473: {  	[sflag:s28] =	ssyncset.done $0x0  }
0x474: {  	[sflag:s28] =	ssyncadd.s32 $0xFFFFC000  }
0x475: {  	_ =	swait.ge [sflag:s28], $0x4000  }
0x476: {  	[sflag:s28] =	ssyncset.done $0x0  }
0x477: {  	s20 =	rddreg [dreg:$0x1c];
	[sflag:s28] =	ssyncadd.s32 $0xFFFFC000  }
0x478: {  	[tilespmem:s4], [sflag:$0x3] =	stream.linear.gather [hbm4b:s20+s4], $0x800, $0x38;
	[tilespmem:$0x1D000] =	vst v63  }
0x479: {  	_ =	swait.ge [sflag:s21], $0x800  }
0x47a: {  	[sflag:s21] =	ssyncset.done $0x0  }
0x47b: {  	s0 =	rddreg [dreg:$0x1d];
	[sflag:s21] =	ssyncadd.s32 $0xFFFFF800  }
0x47c: {  	[tilespmem:s16], [sflag:$0x3] =	stream.linear.gather [hbm4b:s0+s4], $0x800, $0x38;
	[tilespmem:$0x1D000] =	vst v63  }
0x47d: {  	_ =	swait.ge [sflag:s21], $0x800  }
0x47e: {  	[sflag:s21] =	ssyncset.done $0x0  }
0x47f: {  	[sflag:s21] =	ssyncadd.s32 $0xFFFFF800  }
0x480: {  	[tilespmem:s15], [sflag:$0x1] =	stream.indirect.gather [hbm4b:s1+s23], $0x80, s4, s23, $0xb8;
	[tilespmem:$0x1D000] =	vst v63  }
0x481: {  	_ = 	snop  }
0x482: {  	[tilespmem:s24], [sflag:$0x1] =	stream.indirect.gather [hbm4b:s1+s23], $0x80, s23, s23, $0xb8;
	[tilespmem:$0x1D000] =	vst v63  }
0x483: {  	_ =	swait.ge [sflag:s25], $0x4000  }
0x484: {  	[sflag:s25] =	ssyncset.done $0x0  }
0x485: {  	[sflag:s25] =	ssyncadd.s32 $0xFFFFC000  }
0x486: {  	[spmem:s3] =	stream.indirect.scatter.add.f32 [tilespmem:s15], [sflag:$0x2], $0x80, s16, s23, $0xb8;
	[tilespmem:$0x1D000] =	vst v63  }
0x487: {  	_ =	swait.ge [sflag:s25], $0x4000  }
0x488: {  	[sflag:s25] =	ssyncset.done $0x0  }
0x489: {  	s30 =	simm.s32 $0x880;
	[sflag:s25] =	ssyncadd.s32 $0xFFFFC000  }
0x48a: {  	[spmem:s3] =	stream.indirect.scatter.add.f32 [tilespmem:s24], [sflag:$0x2], $0x80, s30, s23, $0xb8;
	[tilespmem:$0x1D000] =	vst v63  }
0x48b: {  	_ =	swait.ge [sflag:s28], $0x4000  }
0x48c: {  	[sflag:s28] =	ssyncset.done $0x0  }
0x48d: {  	[sflag:s28] =	ssyncadd.s32 $0xFFFFC000  }
0x48e: {  	_ =	swait.ge [sflag:s28], $0x4000  }
0x48f: {  	[sflag:s28] =	ssyncset.done $0x0  }
0x490: {  	s2 =	simm.s32 $0x100;
	[sflag:s28] =	ssyncadd.s32 $0xFFFFC000  }
0x491: {  	[tilespmem:s15], [sflag:$0x1] =	stream.indirect.gather [hbm4b:s1+s23], $0x80, s2, s23, $0xb8;
	[tilespmem:$0x1D000] =	vst v63  }
0x492: {  	s11 =	simm.s32 $0x180  }
0x493: {  	[tilespmem:s24], [sflag:$0x1] =	stream.indirect.gather [hbm4b:s1+s23], $0x80, s11, s23, $0xb8;
	[tilespmem:$0x1D000] =	vst v63  }
0x494: {  	_ =	swait.ge [sflag:s25], $0x4000  }
0x495: {  	[sflag:s25] =	ssyncset.done $0x0  }
0x496: {  	s8 =	simm.s32 $0x900;
	[sflag:s25] =	ssyncadd.s32 $0xFFFFC000  }
0x497: {  	[spmem:s3] =	stream.indirect.scatter.add.f32 [tilespmem:s15], [sflag:$0x2], $0x80, s8, s23, $0xb8;
	[tilespmem:$0x1D000] =	vst v63  }
0x498: {  	_ =	swait.ge [sflag:s25], $0x4000  }
0x499: {  	[sflag:s25] =	ssyncset.done $0x0  }
0x49a: {  	s18 =	simm.s32 $0x980;
	[sflag:s25] =	ssyncadd.s32 $0xFFFFC000  }
0x49b: {  	[spmem:s3] =	stream.indirect.scatter.add.f32 [tilespmem:s24], [sflag:$0x2], $0x80, s18, s23, $0xb8;
	[tilespmem:$0x1D000] =	vst v63  }
0x49c: {  	_ =	swait.ge [sflag:s28], $0x4000  }
0x49d: {  	[sflag:s28] =	ssyncset.done $0x0  }
0x49e: {  	[sflag:s28] =	ssyncadd.s32 $0xFFFFC000  }
0x49f: {  	_ =	swait.ge [sflag:s28], $0x4000  }
0x4a0: {  	[sflag:s28] =	ssyncset.done $0x0  }
0x4a1: {  	s10 =	simm.s32 $0x200;
	[sflag:s28] =	ssyncadd.s32 $0xFFFFC000  }
0x4a2: {  	[tilespmem:s15], [sflag:$0x1] =	stream.indirect.gather [hbm4b:s1+s23], $0x80, s10, s23, $0xb8;
	[tilespmem:$0x1D000] =	vst v63  }
0x4a3: {  	s20 =	simm.s32 $0x280  }
0x4a4: {  	[tilespmem:s24], [sflag:$0x1] =	stream.indirect.gather [hbm4b:s1+s23], $0x80, s20, s23, $0xb8;
	[tilespmem:$0x1D000] =	vst v63  }
0x4a5: {  	_ =	swait.ge [sflag:s25], $0x4000  }
0x4a6: {  	[sflag:s25] =	ssyncset.done $0x0  }
0x4a7: {  	s5 =	simm.s32 $0xA00;
	[sflag:s25] =	ssyncadd.s32 $0xFFFFC000  }
0x4a8: {  	[spmem:s3] =	stream.indirect.scatter.add.f32 [tilespmem:s15], [sflag:$0x2], $0x80, s5, s23, $0xb8;
	[tilespmem:$0x1D000] =	vst v63  }
0x4a9: {  	_ =	swait.ge [sflag:s25], $0x4000  }
0x4aa: {  	[sflag:s25] =	ssyncset.done $0x0  }
0x4ab: {  	s2 =	simm.s32 $0xA80;
	[sflag:s25] =	ssyncadd.s32 $0xFFFFC000  }
0x4ac: {  	[spmem:s3] =	stream.indirect.scatter.add.f32 [tilespmem:s24], [sflag:$0x2], $0x80, s2, s23, $0xb8;
	[tilespmem:$0x1D000] =	vst v63  }
0x4ad: {  	_ =	swait.ge [sflag:s28], $0x4000  }
0x4ae: {  	[sflag:s28] =	ssyncset.done $0x0  }
0x4af: {  	[sflag:s28] =	ssyncadd.s32 $0xFFFFC000  }
0x4b0: {  	_ =	swait.ge [sflag:s28], $0x4000  }
0x4b1: {  	[sflag:s28] =	ssyncset.done $0x0  }
0x4b2: {  	s5 =	simm.s32 $0x300;
	[sflag:s28] =	ssyncadd.s32 $0xFFFFC000  }
0x4b3: {  	[tilespmem:s15], [sflag:$0x1] =	stream.indirect.gather [hbm4b:s1+s23], $0x80, s5, s23, $0xb8;
	[tilespmem:$0x1D000] =	vst v63  }
0x4b4: {  	s8 =	simm.s32 $0x380  }
0x4b5: {  	[tilespmem:s24], [sflag:$0x1] =	stream.indirect.gather [hbm4b:s1+s23], $0x80, s8, s23, $0xb8;
	[tilespmem:$0x1D000] =	vst v63  }
0x4b6: {  	_ =	swait.ge [sflag:s25], $0x4000  }
0x4b7: {  	[sflag:s25] =	ssyncset.done $0x0  }
0x4b8: {  	s6 =	simm.s32 $0xB00;
	[sflag:s25] =	ssyncadd.s32 $0xFFFFC000  }
0x4b9: {  	[spmem:s3] =	stream.indirect.scatter.add.f32 [tilespmem:s15], [sflag:$0x2], $0x80, s6, s23, $0xb8;
	[tilespmem:$0x1D000] =	vst v63  }
0x4ba: {  	_ =	swait.ge [sflag:s25], $0x4000  }
0x4bb: {  	[sflag:s25] =	ssyncset.done $0x0  }
0x4bc: {  	s18 =	simm.s32 $0xB80;
	[sflag:s25] =	ssyncadd.s32 $0xFFFFC000  }
0x4bd: {  	[spmem:s3] =	stream.indirect.scatter.add.f32 [tilespmem:s24], [sflag:$0x2], $0x80, s18, s23, $0xb8;
	[tilespmem:$0x1D000] =	vst v63  }
0x4be: {  	_ =	swait.ge [sflag:s28], $0x4000  }
0x4bf: {  	[sflag:s28] =	ssyncset.done $0x0  }
0x4c0: {  	[sflag:s28] =	ssyncadd.s32 $0xFFFFC000  }
0x4c1: {  	_ =	swait.ge [sflag:s28], $0x4000  }
0x4c2: {  	[sflag:s28] =	ssyncset.done $0x0  }
0x4c3: {  	s20 =	simm.s32 $0x400;
	[sflag:s28] =	ssyncadd.s32 $0xFFFFC000  }
0x4c4: {  	[tilespmem:s15], [sflag:$0x1] =	stream.indirect.gather [hbm4b:s1+s23], $0x80, s20, s23, $0xb8;
	[tilespmem:$0x1D000] =	vst v63  }
0x4c5: {  	s2 =	simm.s32 $0x480  }
0x4c6: {  	[tilespmem:s24], [sflag:$0x1] =	stream.indirect.gather [hbm4b:s1+s23], $0x80, s2, s23, $0xb8;
	[tilespmem:$0x1D000] =	vst v63  }
0x4c7: {  	_ =	swait.ge [sflag:s25], $0x4000  }
0x4c8: {  	[sflag:s25] =	ssyncset.done $0x0  }
0x4c9: {  	s5 =	simm.s32 $0xC00;
	[sflag:s25] =	ssyncadd.s32 $0xFFFFC000  }
0x4ca: {  	[spmem:s3] =	stream.indirect.scatter.add.f32 [tilespmem:s15], [sflag:$0x2], $0x80, s5, s23, $0xb8;
	[tilespmem:$0x1D000] =	vst v63  }
0x4cb: {  	_ =	swait.ge [sflag:s25], $0x4000  }
0x4cc: {  	[sflag:s25] =	ssyncset.done $0x0  }
0x4cd: {  	s8 =	simm.s32 $0xC80;
	[sflag:s25] =	ssyncadd.s32 $0xFFFFC000  }
0x4ce: {  	[spmem:s3] =	stream.indirect.scatter.add.f32 [tilespmem:s24], [sflag:$0x2], $0x80, s8, s23, $0xb8;
	[tilespmem:$0x1D000] =	vst v63  }
0x4cf: {  	_ =	swait.ge [sflag:s28], $0x4000  }
0x4d0: {  	[sflag:s28] =	ssyncset.done $0x0  }
0x4d1: {  	[sflag:s28] =	ssyncadd.s32 $0xFFFFC000  }
0x4d2: {  	_ =	swait.ge [sflag:s28], $0x4000  }
0x4d3: {  	[sflag:s28] =	ssyncset.done $0x0  }
0x4d4: {  	s31 =	simm.s32 $0x500;
	[sflag:s28] =	ssyncadd.s32 $0xFFFFC000  }
0x4d5: {  	[tilespmem:s15], [sflag:$0x1] =	stream.indirect.gather [hbm4b:s1+s23], $0x80, s31, s23, $0xb8;
	[tilespmem:$0x1D000] =	vst v63  }
0x4d6: {  	s9 =	simm.s32 $0x580  }
0x4d7: {  	[tilespmem:s24], [sflag:$0x1] =	stream.indirect.gather [hbm4b:s1+s23], $0x80, s9, s23, $0xb8;
	[tilespmem:$0x1D000] =	vst v63  }
0x4d8: {  	_ =	swait.ge [sflag:s25], $0x4000  }
0x4d9: {  	[sflag:s25] =	ssyncset.done $0x0  }
0x4da: {  	s7 =	simm.s32 $0xD00;
	[sflag:s25] =	ssyncadd.s32 $0xFFFFC000  }
0x4db: {  	[spmem:s3] =	stream.indirect.scatter.add.f32 [tilespmem:s15], [sflag:$0x2], $0x80, s7, s23, $0xb8;
	[tilespmem:$0x1D000] =	vst v63  }
0x4dc: {  	_ =	swait.ge [sflag:s25], $0x4000  }
0x4dd: {  	[sflag:s25] =	ssyncset.done $0x0  }
0x4de: {  	s14 =	simm.s32 $0xD80;
	[sflag:s25] =	ssyncadd.s32 $0xFFFFC000  }
0x4df: {  	[spmem:s3] =	stream.indirect.scatter.add.f32 [tilespmem:s24], [sflag:$0x2], $0x80, s14, s23, $0xb8;
	[tilespmem:$0x1D000] =	vst v63  }
0x4e0: {  	_ =	swait.ge [sflag:s28], $0x4000  }
0x4e1: {  	[sflag:s28] =	ssyncset.done $0x0  }
0x4e2: {  	[sflag:s28] =	ssyncadd.s32 $0xFFFFC000  }
0x4e3: {  	_ =	swait.ge [sflag:s28], $0x4000  }
0x4e4: {  	[sflag:s28] =	ssyncset.done $0x0  }
0x4e5: {  	s22 =	simm.s32 $0x600;
	[sflag:s28] =	ssyncadd.s32 $0xFFFFC000  }
0x4e6: {  	[tilespmem:s15], [sflag:$0x1] =	stream.indirect.gather [hbm4b:s1+s23], $0x80, s22, s23, $0xb8;
	[tilespmem:$0x1D000] =	vst v63  }
0x4e7: {  	s12 =	simm.s32 $0x680  }
0x4e8: {  	[tilespmem:s24], [sflag:$0x1] =	stream.indirect.gather [hbm4b:s1+s23], $0x80, s12, s23, $0xb8;
	[tilespmem:$0x1D000] =	vst v63  }
0x4e9: {  	_ =	swait.ge [sflag:s25], $0x4000  }
0x4ea: {  	[sflag:s25] =	ssyncset.done $0x0  }
0x4eb: {  	s26 =	simm.s32 $0xE00;
	[sflag:s25] =	ssyncadd.s32 $0xFFFFC000  }
0x4ec: {  	[spmem:s3] =	stream.indirect.scatter.add.f32 [tilespmem:s15], [sflag:$0x2], $0x80, s26, s23, $0xb8;
	[tilespmem:$0x1D000] =	vst v63  }
0x4ed: {  	_ =	swait.ge [sflag:s25], $0x4000  }
0x4ee: {  	[sflag:s25] =	ssyncset.done $0x0  }
0x4ef: {  	s0 =	simm.s32 $0xE80;
	[sflag:s25] =	ssyncadd.s32 $0xFFFFC000  }
0x4f0: {  	[spmem:s3] =	stream.indirect.scatter.add.f32 [tilespmem:s24], [sflag:$0x2], $0x80, s0, s23, $0xb8;
	[tilespmem:$0x1D000] =	vst v63  }
0x4f1: {  	_ =	swait.ge [sflag:s28], $0x4000  }
0x4f2: {  	[sflag:s28] =	ssyncset.done $0x0  }
0x4f3: {  	[sflag:s28] =	ssyncadd.s32 $0xFFFFC000  }
0x4f4: {  	_ =	swait.ge [sflag:s28], $0x4000  }
0x4f5: {  	[sflag:s28] =	ssyncset.done $0x0  }
0x4f6: {  	s19 =	simm.s32 $0x700;
	[sflag:s28] =	ssyncadd.s32 $0xFFFFC000  }
0x4f7: {  	[tilespmem:s15], [sflag:$0x1] =	stream.indirect.gather [hbm4b:s1+s23], $0x80, s19, s23, $0xb8;
	[tilespmem:$0x1D000] =	vst v63  }
0x4f8: {  	s18 =	simm.s32 $0x780  }
0x4f9: {  	[tilespmem:s24], [sflag:$0x1] =	stream.indirect.gather [hbm4b:s1+s23], $0x80, s18, s23, $0xb8;
	[tilespmem:$0x1D000] =	vst v63  }
0x4fa: {  	_ =	swait.ge [sflag:s25], $0x4000  }
0x4fb: {  	[sflag:s25] =	ssyncset.done $0x0  }
0x4fc: {  	s22 =	simm.s32 $0xF00;
	[sflag:s25] =	ssyncadd.s32 $0xFFFFC000  }
0x4fd: {  	[spmem:s3] =	stream.indirect.scatter.add.f32 [tilespmem:s15], [sflag:$0x2], $0x80, s22, s23, $0xb8;
	[tilespmem:$0x1D000] =	vst v63  }
0x4fe: {  	_ =	swait.ge [sflag:s25], $0x4000  }
0x4ff: {  	[sflag:s25] =	ssyncset.done $0x0  }
0x500: {  	s29 =	simm.s32 $0xF80;
	[sflag:s25] =	ssyncadd.s32 $0xFFFFC000  }
0x501: {  	[spmem:s3] =	stream.indirect.scatter.add.f32 [tilespmem:s24], [sflag:$0x2], $0x80, s29, s23, $0xb8;
	[tilespmem:$0x1D000] =	vst v63  }
0x502: {  	_ =	swait.ge [sflag:s28], $0x4000  }
0x503: {  	[sflag:s28] =	ssyncset.done $0x0  }
0x504: {  	[sflag:s28] =	ssyncadd.s32 $0xFFFFC000  }
0x505: {  	_ =	swait.ge [sflag:s28], $0x4000  }
0x506: {  	[sflag:s28] =	ssyncset.done $0x0  }
0x507: {  	s5 =	rddreg [dreg:$0x1e];
	[sflag:s28] =	ssyncadd.s32 $0xFFFFC000  }
0x508: {  	[tilespmem:s4], [sflag:$0x3] =	stream.linear.gather [hbm4b:s5+s4], $0x800, $0x38;
	[tilespmem:$0x1D000] =	vst v63  }
0x509: {  	_ =	swait.ge [sflag:s21], $0x800  }
0x50a: {  	[sflag:s21] =	ssyncset.done $0x0  }
0x50b: {  	s7 =	rddreg [dreg:$0x1f];
	[sflag:s21] =	ssyncadd.s32 $0xFFFFF800  }
0x50c: {  	[tilespmem:s16], [sflag:$0x3] =	stream.linear.gather [hbm4b:s7+s4], $0x800, $0x38;
	[tilespmem:$0x1D000] =	vst v63  }
0x50d: {  	_ =	swait.ge [sflag:s21], $0x800  }
0x50e: {  	[sflag:s21] =	ssyncset.done $0x0  }
0x50f: {  	[sflag:s21] =	ssyncadd.s32 $0xFFFFF800  }
0x510: {  	[tilespmem:s15], [sflag:$0x1] =	stream.indirect.gather [hbm4b:s1+s23], $0x80, s4, s23, $0xb8;
	[tilespmem:$0x1D000] =	vst v63  }
0x511: {  	_ = 	snop  }
0x512: {  	[tilespmem:s24], [sflag:$0x1] =	stream.indirect.gather [hbm4b:s1+s23], $0x80, s23, s23, $0xb8;
	[tilespmem:$0x1D000] =	vst v63  }
0x513: {  	_ =	swait.ge [sflag:s25], $0x4000  }
0x514: {  	[sflag:s25] =	ssyncset.done $0x0  }
0x515: {  	[sflag:s25] =	ssyncadd.s32 $0xFFFFC000  }
0x516: {  	[spmem:s3] =	stream.indirect.scatter.add.f32 [tilespmem:s15], [sflag:$0x2], $0x80, s16, s23, $0xb8;
	[tilespmem:$0x1D000] =	vst v63  }
0x517: {  	_ =	swait.ge [sflag:s25], $0x4000  }
0x518: {  	[sflag:s25] =	ssyncset.done $0x0  }
0x519: {  	s13 =	simm.s32 $0x880;
	[sflag:s25] =	ssyncadd.s32 $0xFFFFC000  }
0x51a: {  	[spmem:s3] =	stream.indirect.scatter.add.f32 [tilespmem:s24], [sflag:$0x2], $0x80, s13, s23, $0xb8;
	[tilespmem:$0x1D000] =	vst v63  }
0x51b: {  	_ =	swait.ge [sflag:s28], $0x4000  }
0x51c: {  	[sflag:s28] =	ssyncset.done $0x0  }
0x51d: {  	[sflag:s28] =	ssyncadd.s32 $0xFFFFC000  }
0x51e: {  	_ =	swait.ge [sflag:s28], $0x4000  }
0x51f: {  	[sflag:s28] =	ssyncset.done $0x0  }
0x520: {  	s9 =	simm.s32 $0x100;
	[sflag:s28] =	ssyncadd.s32 $0xFFFFC000  }
0x521: {  	[tilespmem:s15], [sflag:$0x1] =	stream.indirect.gather [hbm4b:s1+s23], $0x80, s9, s23, $0xb8;
	[tilespmem:$0x1D000] =	vst v63  }
0x522: {  	s14 =	simm.s32 $0x180  }
0x523: {  	[tilespmem:s24], [sflag:$0x1] =	stream.indirect.gather [hbm4b:s1+s23], $0x80, s14, s23, $0xb8;
	[tilespmem:$0x1D000] =	vst v63  }
0x524: {  	_ =	swait.ge [sflag:s25], $0x4000  }
0x525: {  	[sflag:s25] =	ssyncset.done $0x0  }
0x526: {  	s11 =	simm.s32 $0x900;
	[sflag:s25] =	ssyncadd.s32 $0xFFFFC000  }
0x527: {  	[spmem:s3] =	stream.indirect.scatter.add.f32 [tilespmem:s15], [sflag:$0x2], $0x80, s11, s23, $0xb8;
	[tilespmem:$0x1D000] =	vst v63  }
0x528: {  	_ =	swait.ge [sflag:s25], $0x4000  }
0x529: {  	[sflag:s25] =	ssyncset.done $0x0  }
0x52a: {  	s5 =	simm.s32 $0x980;
	[sflag:s25] =	ssyncadd.s32 $0xFFFFC000  }
0x52b: {  	[spmem:s3] =	stream.indirect.scatter.add.f32 [tilespmem:s24], [sflag:$0x2], $0x80, s5, s23, $0xb8;
	[tilespmem:$0x1D000] =	vst v63  }
0x52c: {  	_ =	swait.ge [sflag:s28], $0x4000  }
0x52d: {  	[sflag:s28] =	ssyncset.done $0x0  }
0x52e: {  	[sflag:s28] =	ssyncadd.s32 $0xFFFFC000  }
0x52f: {  	_ =	swait.ge [sflag:s28], $0x4000  }
0x530: {  	[sflag:s28] =	ssyncset.done $0x0  }
0x531: {  	s13 =	simm.s32 $0x200;
	[sflag:s28] =	ssyncadd.s32 $0xFFFFC000  }
0x532: {  	[tilespmem:s15], [sflag:$0x1] =	stream.indirect.gather [hbm4b:s1+s23], $0x80, s13, s23, $0xb8;
	[tilespmem:$0x1D000] =	vst v63  }
0x533: {  	s7 =	simm.s32 $0x280  }
0x534: {  	[tilespmem:s24], [sflag:$0x1] =	stream.indirect.gather [hbm4b:s1+s23], $0x80, s7, s23, $0xb8;
	[tilespmem:$0x1D000] =	vst v63  }
0x535: {  	_ =	swait.ge [sflag:s25], $0x4000  }
0x536: {  	[sflag:s25] =	ssyncset.done $0x0  }
0x537: {  	s10 =	simm.s32 $0xA00;
	[sflag:s25] =	ssyncadd.s32 $0xFFFFC000  }
0x538: {  	[spmem:s3] =	stream.indirect.scatter.add.f32 [tilespmem:s15], [sflag:$0x2], $0x80, s10, s23, $0xb8;
	[tilespmem:$0x1D000] =	vst v63  }
0x539: {  	_ =	swait.ge [sflag:s25], $0x4000  }
0x53a: {  	[sflag:s25] =	ssyncset.done $0x0  }
0x53b: {  	s9 =	simm.s32 $0xA80;
	[sflag:s25] =	ssyncadd.s32 $0xFFFFC000  }
0x53c: {  	[spmem:s3] =	stream.indirect.scatter.add.f32 [tilespmem:s24], [sflag:$0x2], $0x80, s9, s23, $0xb8;
	[tilespmem:$0x1D000] =	vst v63  }
0x53d: {  	_ =	swait.ge [sflag:s28], $0x4000  }
0x53e: {  	[sflag:s28] =	ssyncset.done $0x0  }
0x53f: {  	[sflag:s28] =	ssyncadd.s32 $0xFFFFC000  }
0x540: {  	_ =	swait.ge [sflag:s28], $0x4000  }
0x541: {  	[sflag:s28] =	ssyncset.done $0x0  }
0x542: {  	s16 =	simm.s32 $0x300;
	[sflag:s28] =	ssyncadd.s32 $0xFFFFC000  }
0x543: {  	[tilespmem:s15], [sflag:$0x1] =	stream.indirect.gather [hbm4b:s1+s23], $0x80, s16, s23, $0xb8;
	[tilespmem:$0x1D000] =	vst v63  }
0x544: {  	s11 =	simm.s32 $0x380  }
0x545: {  	[tilespmem:s24], [sflag:$0x1] =	stream.indirect.gather [hbm4b:s1+s23], $0x80, s11, s23, $0xb8;
	[tilespmem:$0x1D000] =	vst v63  }
0x546: {  	_ =	swait.ge [sflag:s25], $0x4000  }
0x547: {  	[sflag:s25] =	ssyncset.done $0x0  }
0x548: {  	s6 =	simm.s32 $0xB00;
	[sflag:s25] =	ssyncadd.s32 $0xFFFFC000  }
0x549: {  	[spmem:s3] =	stream.indirect.scatter.add.f32 [tilespmem:s15], [sflag:$0x2], $0x80, s6, s23, $0xb8;
	[tilespmem:$0x1D000] =	vst v63  }
0x54a: {  	_ =	swait.ge [sflag:s25], $0x4000  }
0x54b: {  	[sflag:s25] =	ssyncset.done $0x0  }
0x54c: {  	s29 =	simm.s32 $0xB80;
	[sflag:s25] =	ssyncadd.s32 $0xFFFFC000  }
0x54d: {  	[spmem:s3] =	stream.indirect.scatter.add.f32 [tilespmem:s24], [sflag:$0x2], $0x80, s29, s23, $0xb8;
	[tilespmem:$0x1D000] =	vst v63  }
0x54e: {  	_ =	swait.ge [sflag:s28], $0x4000  }
0x54f: {  	[sflag:s28] =	ssyncset.done $0x0  }
0x550: {  	[sflag:s28] =	ssyncadd.s32 $0xFFFFC000  }
0x551: {  	_ =	swait.ge [sflag:s28], $0x4000  }
0x552: {  	[sflag:s28] =	ssyncset.done $0x0  }
0x553: {  	s18 =	simm.s32 $0x400;
	[sflag:s28] =	ssyncadd.s32 $0xFFFFC000  }
0x554: {  	[tilespmem:s15], [sflag:$0x1] =	stream.indirect.gather [hbm4b:s1+s23], $0x80, s18, s23, $0xb8;
	[tilespmem:$0x1D000] =	vst v63  }
0x555: {  	s31 =	simm.s32 $0x480  }
0x556: {  	[tilespmem:s24], [sflag:$0x1] =	stream.indirect.gather [hbm4b:s1+s23], $0x80, s31, s23, $0xb8;
	[tilespmem:$0x1D000] =	vst v63  }
0x557: {  	_ =	swait.ge [sflag:s25], $0x4000  }
0x558: {  	[sflag:s25] =	ssyncset.done $0x0  }
0x559: {  	s2 =	simm.s32 $0xC00;
	[sflag:s25] =	ssyncadd.s32 $0xFFFFC000  }
0x55a: {  	[spmem:s3] =	stream.indirect.scatter.add.f32 [tilespmem:s15], [sflag:$0x2], $0x80, s2, s23, $0xb8;
	[tilespmem:$0x1D000] =	vst v63  }
0x55b: {  	_ =	swait.ge [sflag:s25], $0x4000  }
0x55c: {  	[sflag:s25] =	ssyncset.done $0x0  }
0x55d: {  	s2 =	simm.s32 $0xC80;
	[sflag:s25] =	ssyncadd.s32 $0xFFFFC000  }
0x55e: {  	[spmem:s3] =	stream.indirect.scatter.add.f32 [tilespmem:s24], [sflag:$0x2], $0x80, s2, s23, $0xb8;
	[tilespmem:$0x1D000] =	vst v63  }
0x55f: {  	_ =	swait.ge [sflag:s28], $0x4000  }
0x560: {  	[sflag:s28] =	ssyncset.done $0x0  }
0x561: {  	[sflag:s28] =	ssyncadd.s32 $0xFFFFC000  }
0x562: {  	_ =	swait.ge [sflag:s28], $0x4000  }
0x563: {  	[sflag:s28] =	ssyncset.done $0x0  }
0x564: {  	s22 =	simm.s32 $0x500;
	[sflag:s28] =	ssyncadd.s32 $0xFFFFC000  }
0x565: {  	[tilespmem:s15], [sflag:$0x1] =	stream.indirect.gather [hbm4b:s1+s23], $0x80, s22, s23, $0xb8;
	[tilespmem:$0x1D000] =	vst v63  }
0x566: {  	s20 =	simm.s32 $0x580  }
0x567: {  	[tilespmem:s24], [sflag:$0x1] =	stream.indirect.gather [hbm4b:s1+s23], $0x80, s20, s23, $0xb8;
	[tilespmem:$0x1D000] =	vst v63  }
0x568: {  	_ =	swait.ge [sflag:s25], $0x4000  }
0x569: {  	[sflag:s25] =	ssyncset.done $0x0  }
0x56a: {  	s30 =	simm.s32 $0xD00;
	[sflag:s25] =	ssyncadd.s32 $0xFFFFC000  }
0x56b: {  	[spmem:s3] =	stream.indirect.scatter.add.f32 [tilespmem:s15], [sflag:$0x2], $0x80, s30, s23, $0xb8;
	[tilespmem:$0x1D000] =	vst v63  }
0x56c: {  	_ =	swait.ge [sflag:s25], $0x4000  }
0x56d: {  	[sflag:s25] =	ssyncset.done $0x0  }
0x56e: {  	s8 =	simm.s32 $0xD80;
	[sflag:s25] =	ssyncadd.s32 $0xFFFFC000  }
0x56f: {  	[spmem:s3] =	stream.indirect.scatter.add.f32 [tilespmem:s24], [sflag:$0x2], $0x80, s8, s23, $0xb8;
	[tilespmem:$0x1D000] =	vst v63  }
0x570: {  	_ =	swait.ge [sflag:s28], $0x4000  }
0x571: {  	[sflag:s28] =	ssyncset.done $0x0  }
0x572: {  	[sflag:s28] =	ssyncadd.s32 $0xFFFFC000  }
0x573: {  	_ =	swait.ge [sflag:s28], $0x4000  }
0x574: {  	[sflag:s28] =	ssyncset.done $0x0  }
0x575: {  	s10 =	simm.s32 $0x600;
	[sflag:s28] =	ssyncadd.s32 $0xFFFFC000  }
0x576: {  	[tilespmem:s15], [sflag:$0x1] =	stream.indirect.gather [hbm4b:s1+s23], $0x80, s10, s23, $0xb8;
	[tilespmem:$0x1D000] =	vst v63  }
0x577: {  	s12 =	simm.s32 $0x680  }
0x578: {  	[tilespmem:s24], [sflag:$0x1] =	stream.indirect.gather [hbm4b:s1+s23], $0x80, s12, s23, $0xb8;
	[tilespmem:$0x1D000] =	vst v63  }
0x579: {  	_ =	swait.ge [sflag:s25], $0x4000  }
0x57a: {  	[sflag:s25] =	ssyncset.done $0x0  }
0x57b: {  	s26 =	simm.s32 $0xE00;
	[sflag:s25] =	ssyncadd.s32 $0xFFFFC000  }
0x57c: {  	[spmem:s3] =	stream.indirect.scatter.add.f32 [tilespmem:s15], [sflag:$0x2], $0x80, s26, s23, $0xb8;
	[tilespmem:$0x1D000] =	vst v63  }
0x57d: {  	_ =	swait.ge [sflag:s25], $0x4000  }
0x57e: {  	[sflag:s25] =	ssyncset.done $0x0  }
0x57f: {  	[sflag:s25] =	ssyncadd.s32 $0xFFFFC000  }
0x580: {  	[spmem:s3] =	stream.indirect.scatter.add.f32 [tilespmem:s24], [sflag:$0x2], $0x80, s0, s23, $0xb8;
	[tilespmem:$0x1D000] =	vst v63  }
0x581: {  	_ =	swait.ge [sflag:s28], $0x4000  }
0x582: {  	[sflag:s28] =	ssyncset.done $0x0  }
0x583: {  	[sflag:s28] =	ssyncadd.s32 $0xFFFFC000  }
0x584: {  	_ =	swait.ge [sflag:s28], $0x4000  }
0x585: {  	[sflag:s28] =	ssyncset.done $0x0  }
0x586: {  	s19 =	simm.s32 $0x700;
	[sflag:s28] =	ssyncadd.s32 $0xFFFFC000  }
0x587: {  	[tilespmem:s15], [sflag:$0x1] =	stream.indirect.gather [hbm4b:s1+s23], $0x80, s19, s23, $0xb8;
	[tilespmem:$0x1D000] =	vst v63  }
0x588: {  	s16 =	simm.s32 $0x780  }
0x589: {  	[tilespmem:s24], [sflag:$0x1] =	stream.indirect.gather [hbm4b:s1+s23], $0x80, s16, s23, $0xb8;
	[tilespmem:$0x1D000] =	vst v63  }
0x58a: {  	_ =	swait.ge [sflag:s25], $0x4000  }
0x58b: {  	[sflag:s25] =	ssyncset.done $0x0  }
0x58c: {  	s18 =	simm.s32 $0xF00;
	[sflag:s25] =	ssyncadd.s32 $0xFFFFC000  }
0x58d: {  	[spmem:s3] =	stream.indirect.scatter.add.f32 [tilespmem:s15], [sflag:$0x2], $0x80, s18, s23, $0xb8;
	[tilespmem:$0x1D000] =	vst v63  }
0x58e: {  	_ =	swait.ge [sflag:s25], $0x4000  }
0x58f: {  	[sflag:s25] =	ssyncset.done $0x0  }
0x590: {  	s13 =	simm.s32 $0xD80;
	s19 =	simm.s32 $0xF80;
	[sflag:s25] =	ssyncadd.s32 $0xFFFFC000  }
0x591: {  	[spmem:s3] =	stream.indirect.scatter.add.f32 [tilespmem:s24], [sflag:$0x2], $0x80, s19, s23, $0xb8;
	[tilespmem:$0x1D000] =	vst v63  }
0x592: {  	s6 =	simm.s32 $0x600;
	s22 =	simm.s32 $0x580;
	_ =	swait.ge [sflag:s28], $0x4000  }
.Ltmp4:
0x593: {  	s20 =	simm.s32 $0xD00;
	[sflag:s28] =	ssyncset.done $0x0;
	(pc) =	sbr.rel .LBB2_5-.Ltmp4, $4  }
0x594: {  	s30 =	simm.s32 $0x700;
	s8 =	simm.s32 $0x680;
	[sflag:s28] =	ssyncadd.s32 $0xFFFFC000  }
0x595: {  	s10 =	simm.s32 $0xE00;
	s12 =	simm.s32 $0xF00;
	_ =	swait.ge [sflag:s28], $0x4000  }
0x596: {  	s26 =	simm.s32 $0xE80;
	[sflag:s28] =	ssyncset.done $0x0;
	s18 =	sld [smem:$0x7FB]  }
0x597: {  	s0 =	simm.s32 $0x780;
	s16 =	simm.s32 $0xF80;
	[sflag:s28] =	ssyncadd.s32 $0xFFFFC000  }
.LBB2_6:
0x598: {  	_ =	sfence.sel $0x180000  }
0x599: {  	[bflag:$0x0] =	sbarrier.arrive $0xFFFF  }
0x59a: {  	_ =	strace $0x90000047  }
0x59b: {  	s0 =	stileid.u32;
	[bflag:$0x2] =	sbarrier.arrive $0xFFFF  }
0x59c: {  	p0 =	sne.s32 s0, $0x0;
	s0 =	rddreg [dreg:$0x3]  }
0x59d: {  	s0 =	sadd.s32 @!p0 $0x100000, s0  }
0x59e: {  	[sflag:s0] =	ssyncadd.tile.s32 @!p0 $0x1;
	_ =	shalt  }
.Lfunc_end2:
_tile_overlayer_lowered:
.L_overlay_start_2:
0x59f: {  	(tag) =	ssettag $0x2  }
0x5a0: {  	s0 =	rddreg [dreg:$0x0];
	s2 =	stileid.u32  }
0x5a1: {  	s1 =	rddreg [dreg:$0x1];
	p0 =	sne.s32 s2, $0x0  }
0x5a2: {  	s3 =	rddreg [dreg:$0x2];
	[bflag:$0x3] =	sbarrier.arrive $0xFFFF;
	s2 =	simm.s32 @!p0 $0x1C03  }
0x5a3: {  	[timem:s3], [sflag:s2] =	dma.local @!p0 [hbm:s0], s1  }
0x5a4: {  	s0 =	simm.s32 @!p0 $0x3  }
0x5a5: {  	_ =	swait.ge @!p0 [sflag:s0], s1  }
0x5a6: {  	s1 =	ssub.s32 @!p0 $0x0, s1;
	[sflag:s0] =	ssyncset.done @!p0 $0x0  }
0x5a7: {  	[sflag:s0] =	ssyncadd.s32 @!p0 s1  }
0x5a8: {  	[bflag:$0x3] =	sbarrier.arrive $0xFFFF  }
0x5a9: {  	_ =	shalt  }

</sc_bundles>
